<compile_context>
chip_gen: v7x
topology: tpu7x:2x2x1
jax: 0.10.2.dev20260603
libtpu: 0.0.44.dev20260713+nightly
codegen_flags: <defaults>
</compile_context>

<pallas_src>
import functools

import jax
import jax.numpy as jnp
from jax import lax
from jax.experimental import pallas as pl
from jax.experimental.pallas import tpu as pltpu
from jax.experimental.pallas import tpu_sc as plsc

N_ATOMS = 2_000_000
N_SPECIES = 119
LANES = 16
UNROLL = 4
NC, NS = 2, 16
NW = NC * NS

K_SLICES = 4
N_SLICE = N_ATOMS // K_SLICES
CHUNK = 4000


@functools.cache
def _make_sc_kernel(offset, n_slice, chunk):
    n_chunks = n_slice // chunk
    assert n_chunks * chunk == n_slice
    rounds = -(-n_chunks // NW)
    rem = n_chunks - (rounds - 1) * NW
    mesh = plsc.VectorSubcoreMesh(
        core_axis_name="c", subcore_axis_name="s", num_cores=NC)

    @functools.partial(
        pl.kernel,
        mesh=mesh,
        out_type=jax.ShapeDtypeStruct((1, n_slice), jnp.float32),
        compiler_params=pltpu.CompilerParams(
            needs_layout_passes=False, disable_bounds_checks=True,
            use_tc_tiling_on_sc=False),
        scratch_types=[
            pltpu.VMEM((N_SPECIES,), jnp.float32),
            pltpu.VMEM((N_SPECIES,), jnp.float32),
            pltpu.VMEM((chunk,), jnp.float32),
            pltpu.VMEM((chunk,), jnp.float32),
            pltpu.VMEM((chunk,), jnp.int32),
            pltpu.VMEM((chunk,), jnp.int32),
            pltpu.VMEM((chunk,), jnp.float32),
            pltpu.VMEM((chunk,), jnp.float32),
            pltpu.SemaphoreType.DMA,
            pltpu.SemaphoreType.DMA,
            pltpu.SemaphoreType.DMA,
            pltpu.SemaphoreType.DMA,
        ],
    )
    def sc_kernel(x_hbm, z_hbm, scale_hbm, shift_hbm, out_hbm,
                  sc_v, sh_v, x_v0, x_v1, z_v0, z_v1, o_v0, o_v1,
                  sem_in0, sem_in1, sem_out0, sem_out1):
        x_v = (x_v0, x_v1)
        z_v = (z_v0, z_v1)
        o_v = (o_v0, o_v1)
        sem_in = (sem_in0, sem_in1)
        sem_out = (sem_out0, sem_out1)
        wid = lax.axis_index("s") * NC + lax.axis_index("c")

        def issue_in(j, slot):
            base = (wid + j * NW) * chunk
            pltpu.async_copy(
                z_hbm.at[pl.ds(offset + base, chunk)], z_v[slot],
                sem_in[slot])
            pltpu.async_copy(
                x_hbm.at[0, pl.ds(base, chunk)], x_v[slot], sem_in[slot])

        def wait_in(slot):
            pltpu.make_async_copy(
                z_hbm.at[pl.ds(0, chunk)], z_v[slot], sem_in[slot]).wait()
            pltpu.make_async_copy(
                x_hbm.at[0, pl.ds(0, chunk)], x_v[slot], sem_in[slot]).wait()

        def issue_out(j, slot):
            base = (wid + j * NW) * chunk
            pltpu.async_copy(
                o_v[slot], out_hbm.at[0, pl.ds(base, chunk)], sem_out[slot])

        def wait_out(slot):
            pltpu.make_async_copy(
                o_v[slot], out_hbm.at[0, pl.ds(0, chunk)],
                sem_out[slot]).wait()

        def compute(slot):
            @plsc.parallel_loop(0, chunk, step=LANES, unroll=UNROLL)
            def body(i):
                sl = pl.ds(i, LANES)
                zv = z_v[slot][sl]
                xv = x_v[slot][sl]
                sv = plsc.load_gather(sc_v, [zv])
                bv = plsc.load_gather(sh_v, [zv])
                o_v[slot][sl] = sv * xv + bv

        pltpu.sync_copy(scale_hbm.at[0], sc_v)
        pltpu.sync_copy(shift_hbm.at[0], sh_v)

        issue_in(0, 0)
        for j in range(rounds):
            slot = j & 1
            nxt = j + 1
            if nxt < rounds:
                if nxt == rounds - 1 and rem < NW:
                    @pl.when(wid < rem)
                    def _():
                        issue_in(nxt, nxt & 1)
                else:
                    issue_in(nxt, nxt & 1)

            def step(j=j, slot=slot):
                wait_in(slot)
                if j >= 2:
                    wait_out(slot)
                compute(slot)
                issue_out(j, slot)

            if j == rounds - 1 and rem < NW:
                pl.when(wid < rem)(step)
            else:
                step()

        wait_out(0)
        wait_out(1)

    return sc_kernel


@jax.jit
def kernel(x, Z, scale, shift):
    zi = Z.astype(jnp.int32)
    sc1 = scale.T
    sh1 = shift.T
    outs = []
    for k in range(K_SLICES):
        xk = lax.slice_in_dim(x, k * N_SLICE, (k + 1) * N_SLICE, axis=0).T
        outs.append(
            _make_sc_kernel(k * N_SLICE, N_SLICE, CHUNK)(xk, zi, sc1, sh1))
    return jnp.concatenate(outs, axis=1).T

# --- scband reference (transcript-rebuilt; emitter-appended) ---
"""Pipeline reference for scband-per-element-scale-shift-83837761618357 (READ-ONLY COPY).

The authoritative reference and input builder live on the scoring server;
editing this copy changes nothing except your own understanding.
"""

import jax, jax.numpy as jnp
import numpy as np

N_SPECIES = 119
N_ATOMS = 2000000


def setup_inputs(seed: int = 0) -> dict:
    key = jax.random.key(seed)
    k_x, k_z = jax.random.split(key)
    x = jax.random.normal(k_x, (N_ATOMS, 1), dtype=jnp.float32)
    Z = jax.random.randint(k_z, (N_ATOMS,), 0, N_SPECIES, dtype=jnp.int64)
    # learned parameters per init_kwargs: scale initialized to constant 1.0,
    # shift initialized to constant 0.0, both of shape (n_species, 1)
    scale = jnp.full((N_SPECIES, 1), 1.0, dtype=jnp.float32)
    shift = jnp.full((N_SPECIES, 1), 0.0, dtype=jnp.float32)
    return {"x": x, "Z": Z, "scale": scale, "shift": shift}


def reference(x, Z, scale, shift):
    # out = scale[Z] * x + shift[Z]
    # gather rows of the per-species tables by atomic number, then fused scale-shift
    out = jnp.take(scale, Z, axis=0) * x + jnp.take(shift, Z, axis=0)
    return out

if __name__ == "__main__":
    import jax
    _d = setup_inputs()
    print(jax.jit(kernel)(*tuple(_d.values())))

</pallas_src>

<mosaic_0001>
#map = affine_map<(d0, d1) -> (0, 0)>
#map1 = affine_map<(d0, d1) -> (0)>
module attributes {stable_mosaic.version = 14 : i64} {
  func.func @sc_kernel(%arg0: i32, %arg1: i32, %arg2: memref<1x500000xf32, #tpu.memory_space<hbm>>, %arg3: memref<2000000xi32, #tpu.memory_space<hbm>>, %arg4: memref<1x119xf32, #tpu.memory_space<hbm>>, %arg5: memref<1x119xf32, #tpu.memory_space<hbm>>, %arg6: memref<1x500000xf32, #tpu.memory_space<hbm>>, %arg7: memref<119xf32, #tpu.memory_space<vmem>>, %arg8: memref<119xf32, #tpu.memory_space<vmem>>, %arg9: memref<4000xf32, #tpu.memory_space<vmem>>, %arg10: memref<4000xf32, #tpu.memory_space<vmem>>, %arg11: memref<4000xi32, #tpu.memory_space<vmem>>, %arg12: memref<4000xi32, #tpu.memory_space<vmem>>, %arg13: memref<4000xf32, #tpu.memory_space<vmem>>, %arg14: memref<4000xf32, #tpu.memory_space<vmem>>, %arg15: memref<!tpu.dma_semaphore, #tpu.memory_space<semaphore_mem>>, %arg16: memref<!tpu.dma_semaphore, #tpu.memory_space<semaphore_mem>>, %arg17: memref<!tpu.dma_semaphore, #tpu.memory_space<semaphore_mem>>, %arg18: memref<!tpu.dma_semaphore, #tpu.memory_space<semaphore_mem>>) attributes {dimension_semantics = [#tpu.dimension_semantics<core_parallel>, #tpu.dimension_semantics<subcore_parallel>], iteration_bounds = array<i64: 2, 16>, scalar_prefetch = 0 : i64, scratch_operands = 12 : i64, tpu.core_type = #tpu.core_type<sc_vector_subcore>, window_params = [{transform_indices = #map}, {transform_indices = #map1}, {transform_indices = #map}, {transform_indices = #map}, {transform_indices = #map}]} {
    %mul3A = arith.constant 2 : i32
    %mul3A_0 = arith.muli %arg1, %mul3A : i32
    %add3A = arith.addi %mul3A_0, %arg0 : i32
    %run_scoped3A = arith.constant 0 : i32
    "tpu.region"() ({
      %run_scoped3A_135 = tpu.sem_alloc : memref<!tpu.dma_semaphore, #tpu.memory_space<semaphore_mem>>
      %dma_start3A_136 = arith.constant 0 : i32
      %dma_start3A_137 = tpu.memref_slice %arg4[%run_scoped3A, %dma_start3A_136] : memref<1x119xf32, #tpu.memory_space<hbm>> -> memref<1x119xf32, #tpu.memory_space<hbm>>
      %dma_start3A_138 = tpu.memref_squeeze %dma_start3A_137 : memref<1x119xf32, #tpu.memory_space<hbm>> -> memref<119xf32, #tpu.memory_space<hbm>>
      %dma_start3A_139 = arith.constant 0 : i32
      %dma_start3A_140 = tpu.memref_slice %arg4[%run_scoped3A, %dma_start3A_139] : memref<1x119xf32, #tpu.memory_space<hbm>> -> memref<1x119xf32, #tpu.memory_space<hbm>>
      %dma_start3A_141 = tpu.memref_squeeze %dma_start3A_140 : memref<1x119xf32, #tpu.memory_space<hbm>> -> memref<119xf32, #tpu.memory_space<hbm>>
      tpu.enqueue_dma source(%dma_start3A_141 : memref<119xf32, #tpu.memory_space<hbm>>) target(%arg7 : memref<119xf32, #tpu.memory_space<vmem>>) target_semaphore(%run_scoped3A_135 : memref<!tpu.dma_semaphore, #tpu.memory_space<semaphore_mem>>)
      %dma_wait3A_142 = arith.constant 0 : i32
      %dma_wait3A_143 = tpu.memref_slice %arg4[%run_scoped3A, %dma_wait3A_142] : memref<1x119xf32, #tpu.memory_space<hbm>> -> memref<1x119xf32, #tpu.memory_space<hbm>>
      %dma_wait3A_144 = tpu.memref_squeeze %dma_wait3A_143 : memref<1x119xf32, #tpu.memory_space<hbm>> -> memref<119xf32, #tpu.memory_space<hbm>>
      %dma_wait3A_145 = arith.constant 0 : i32
      %dma_wait3A_146 = tpu.memref_slice %arg4[%run_scoped3A, %dma_wait3A_145] : memref<1x119xf32, #tpu.memory_space<hbm>> -> memref<1x119xf32, #tpu.memory_space<hbm>>
      %dma_wait3A_147 = tpu.memref_squeeze %dma_wait3A_146 : memref<1x119xf32, #tpu.memory_space<hbm>> -> memref<119xf32, #tpu.memory_space<hbm>>
      tpu.wait_dma2 semaphore(%run_scoped3A_135 : memref<!tpu.dma_semaphore, #tpu.memory_space<semaphore_mem>>) src(%dma_wait3A_147 : memref<119xf32, #tpu.memory_space<hbm>>) dst(%arg7 : memref<119xf32, #tpu.memory_space<vmem>>)
      tpu.yield
    }) : () -> ()
    %run_scoped3A_1 = arith.constant 0 : i32
    "tpu.region"() ({
      %run_scoped3A_135 = tpu.sem_alloc : memref<!tpu.dma_semaphore, #tpu.memory_space<semaphore_mem>>
      %dma_start3A_136 = arith.constant 0 : i32
      %dma_start3A_137 = tpu.memref_slice %arg5[%run_scoped3A_1, %dma_start3A_136] : memref<1x119xf32, #tpu.memory_space<hbm>> -> memref<1x119xf32, #tpu.memory_space<hbm>>
      %dma_start3A_138 = tpu.memref_squeeze %dma_start3A_137 : memref<1x119xf32, #tpu.memory_space<hbm>> -> memref<119xf32, #tpu.memory_space<hbm>>
      %dma_start3A_139 = arith.constant 0 : i32
      %dma_start3A_140 = tpu.memref_slice %arg5[%run_scoped3A_1, %dma_start3A_139] : memref<1x119xf32, #tpu.memory_space<hbm>> -> memref<1x119xf32, #tpu.memory_space<hbm>>
      %dma_start3A_141 = tpu.memref_squeeze %dma_start3A_140 : memref<1x119xf32, #tpu.memory_space<hbm>> -> memref<119xf32, #tpu.memory_space<hbm>>
      tpu.enqueue_dma source(%dma_start3A_141 : memref<119xf32, #tpu.memory_space<hbm>>) target(%arg8 : memref<119xf32, #tpu.memory_space<vmem>>) target_semaphore(%run_scoped3A_135 : memref<!tpu.dma_semaphore, #tpu.memory_space<semaphore_mem>>)
      %dma_wait3A_142 = arith.constant 0 : i32
      %dma_wait3A_143 = tpu.memref_slice %arg5[%run_scoped3A_1, %dma_wait3A_142] : memref<1x119xf32, #tpu.memory_space<hbm>> -> memref<1x119xf32, #tpu.memory_space<hbm>>
      %dma_wait3A_144 = tpu.memref_squeeze %dma_wait3A_143 : memref<1x119xf32, #tpu.memory_space<hbm>> -> memref<119xf32, #tpu.memory_space<hbm>>
      %dma_wait3A_145 = arith.constant 0 : i32
      %dma_wait3A_146 = tpu.memref_slice %arg5[%run_scoped3A_1, %dma_wait3A_145] : memref<1x119xf32, #tpu.memory_space<hbm>> -> memref<1x119xf32, #tpu.memory_space<hbm>>
      %dma_wait3A_147 = tpu.memref_squeeze %dma_wait3A_146 : memref<1x119xf32, #tpu.memory_space<hbm>> -> memref<119xf32, #tpu.memory_space<hbm>>
      tpu.wait_dma2 semaphore(%run_scoped3A_135 : memref<!tpu.dma_semaphore, #tpu.memory_space<semaphore_mem>>) src(%dma_wait3A_147 : memref<119xf32, #tpu.memory_space<hbm>>) dst(%arg8 : memref<119xf32, #tpu.memory_space<vmem>>)
      tpu.yield
    }) : () -> ()
    %add3A_2 = arith.constant 0 : i32
    %add3A_3 = arith.addi %add3A, %add3A_2 : i32
    %mul3A_4 = arith.constant 4000 : i32
    %mul3A_5 = arith.muli %add3A_3, %mul3A_4 : i32
    %add3A_6 = arith.constant 0 : i32
    %add3A_7 = arith.addi %add3A_6, %mul3A_5 : i32
    %dma_start3A = tpu.memref_slice %arg3[%add3A_7] : memref<2000000xi32, #tpu.memory_space<hbm>> -> memref<4000xi32, #tpu.memory_space<hbm>>
    %dma_start3A_8 = tpu.memref_slice %arg3[%add3A_7] : memref<2000000xi32, #tpu.memory_space<hbm>> -> memref<4000xi32, #tpu.memory_space<hbm>>
    tpu.enqueue_dma source(%dma_start3A_8 : memref<4000xi32, #tpu.memory_space<hbm>>) target(%arg11 : memref<4000xi32, #tpu.memory_space<vmem>>) target_semaphore(%arg15 : memref<!tpu.dma_semaphore, #tpu.memory_space<semaphore_mem>>)
    %dma_start3A_9 = arith.constant 0 : i32
    %dma_start3A_10 = tpu.memref_slice %arg2[%dma_start3A_9, %mul3A_5] : memref<1x500000xf32, #tpu.memory_space<hbm>> -> memref<1x4000xf32, #tpu.memory_space<hbm>>
    %dma_start3A_11 = tpu.memref_squeeze %dma_start3A_10 : memref<1x4000xf32, #tpu.memory_space<hbm>> -> memref<4000xf32, #tpu.memory_space<hbm>>
    %dma_start3A_12 = tpu.memref_slice %arg2[%dma_start3A_9, %mul3A_5] : memref<1x500000xf32, #tpu.memory_space<hbm>> -> memref<1x4000xf32, #tpu.memory_space<hbm>>
    %dma_start3A_13 = tpu.memref_squeeze %dma_start3A_12 : memref<1x4000xf32, #tpu.memory_space<hbm>> -> memref<4000xf32, #tpu.memory_space<hbm>>
    tpu.enqueue_dma source(%dma_start3A_13 : memref<4000xf32, #tpu.memory_space<hbm>>) target(%arg9 : memref<4000xf32, #tpu.memory_space<vmem>>) target_semaphore(%arg15 : memref<!tpu.dma_semaphore, #tpu.memory_space<semaphore_mem>>)
    %add3A_14 = arith.constant 32 : i32
    %add3A_15 = arith.addi %add3A, %add3A_14 : i32
    %mul3A_16 = arith.constant 4000 : i32
    %mul3A_17 = arith.muli %add3A_15, %mul3A_16 : i32
    %add3A_18 = arith.constant 0 : i32
    %add3A_19 = arith.addi %add3A_18, %mul3A_17 : i32
    %dma_start3A_20 = tpu.memref_slice %arg3[%add3A_19] : memref<2000000xi32, #tpu.memory_space<hbm>> -> memref<4000xi32, #tpu.memory_space<hbm>>
    %dma_start3A_21 = tpu.memref_slice %arg3[%add3A_19] : memref<2000000xi32, #tpu.memory_space<hbm>> -> memref<4000xi32, #tpu.memory_space<hbm>>
    tpu.enqueue_dma source(%dma_start3A_21 : memref<4000xi32, #tpu.memory_space<hbm>>) target(%arg12 : memref<4000xi32, #tpu.memory_space<vmem>>) target_semaphore(%arg16 : memref<!tpu.dma_semaphore, #tpu.memory_space<semaphore_mem>>)
    %dma_start3A_22 = arith.constant 0 : i32
    %dma_start3A_23 = tpu.memref_slice %arg2[%dma_start3A_22, %mul3A_17] : memref<1x500000xf32, #tpu.memory_space<hbm>> -> memref<1x4000xf32, #tpu.memory_space<hbm>>
    %dma_start3A_24 = tpu.memref_squeeze %dma_start3A_23 : memref<1x4000xf32, #tpu.memory_space<hbm>> -> memref<4000xf32, #tpu.memory_space<hbm>>
    %dma_start3A_25 = tpu.memref_slice %arg2[%dma_start3A_22, %mul3A_17] : memref<1x500000xf32, #tpu.memory_space<hbm>> -> memref<1x4000xf32, #tpu.memory_space<hbm>>
    %dma_start3A_26 = tpu.memref_squeeze %dma_start3A_25 : memref<1x4000xf32, #tpu.memory_space<hbm>> -> memref<4000xf32, #tpu.memory_space<hbm>>
    tpu.enqueue_dma source(%dma_start3A_26 : memref<4000xf32, #tpu.memory_space<hbm>>) target(%arg10 : memref<4000xf32, #tpu.memory_space<vmem>>) target_semaphore(%arg16 : memref<!tpu.dma_semaphore, #tpu.memory_space<semaphore_mem>>)
    %dma_wait3A = arith.constant 0 : i32
    %dma_wait3A_27 = tpu.memref_slice %arg3[%dma_wait3A] : memref<2000000xi32, #tpu.memory_space<hbm>> -> memref<4000xi32, #tpu.memory_space<hbm>>
    %dma_wait3A_28 = arith.constant 0 : i32
    %dma_wait3A_29 = tpu.memref_slice %arg3[%dma_wait3A_28] : memref<2000000xi32, #tpu.memory_space<hbm>> -> memref<4000xi32, #tpu.memory_space<hbm>>
    tpu.wait_dma2 semaphore(%arg15 : memref<!tpu.dma_semaphore, #tpu.memory_space<semaphore_mem>>) src(%dma_wait3A_29 : memref<4000xi32, #tpu.memory_space<hbm>>) dst(%arg11 : memref<4000xi32, #tpu.memory_space<vmem>>)
    %dma_wait3A_30 = arith.constant 0 : i32
    %dma_wait3A_31 = arith.constant 0 : i32
    %dma_wait3A_32 = tpu.memref_slice %arg2[%dma_wait3A_30, %dma_wait3A_31] : memref<1x500000xf32, #tpu.memory_space<hbm>> -> memref<1x4000xf32, #tpu.memory_space<hbm>>
    %dma_wait3A_33 = tpu.memref_squeeze %dma_wait3A_32 : memref<1x4000xf32, #tpu.memory_space<hbm>> -> memref<4000xf32, #tpu.memory_space<hbm>>
    %dma_wait3A_34 = arith.constant 0 : i32
    %dma_wait3A_35 = tpu.memref_slice %arg2[%dma_wait3A_30, %dma_wait3A_34] : memref<1x500000xf32, #tpu.memory_space<hbm>> -> memref<1x4000xf32, #tpu.memory_space<hbm>>
    %dma_wait3A_36 = tpu.memref_squeeze %dma_wait3A_35 : memref<1x4000xf32, #tpu.memory_space<hbm>> -> memref<4000xf32, #tpu.memory_space<hbm>>
    tpu.wait_dma2 semaphore(%arg15 : memref<!tpu.dma_semaphore, #tpu.memory_space<semaphore_mem>>) src(%dma_wait3A_36 : memref<4000xf32, #tpu.memory_space<hbm>>) dst(%arg9 : memref<4000xf32, #tpu.memory_space<vmem>>)
    %parallel_loop3A = arith.constant 0 : i32
    %parallel_loop3A_37 = arith.constant 4000 : i32
    %parallel_loop3A_38 = arith.constant 16 : i32
    scf.for %parallel_loop3A_135 = %parallel_loop3A to %parallel_loop3A_37 step %parallel_loop3A_38  : i32 {
      %parallel_loop3A_136 = arith.index_cast %parallel_loop3A_135 : i32 to index
      %parallel_loop3A_137 = tpu.vector_load %arg11[%parallel_loop3A_136] {strides = array<i32>} : memref<4000xi32, #tpu.memory_space<vmem>>, vector<16xi32>,
      %parallel_loop3A_138 = arith.index_cast %parallel_loop3A_135 : i32 to index
      %parallel_loop3A_139 = tpu.vector_load %arg9[%parallel_loop3A_138] {strides = array<i32>} : memref<4000xf32, #tpu.memory_space<vmem>>, vector<16xf32>,
      %parallel_loop3A_140 = tpu.vector_load_idx %arg7[%parallel_loop3A_137] : memref<119xf32, #tpu.memory_space<vmem>>[vector<16xi32>], vector<16xf32>,
      %parallel_loop3A_141 = tpu.vector_load_idx %arg8[%parallel_loop3A_137] : memref<119xf32, #tpu.memory_space<vmem>>[vector<16xi32>], vector<16xf32>,
      %parallel_loop3A_142 = arith.mulf %parallel_loop3A_140, %parallel_loop3A_139 : vector<16xf32>
      %parallel_loop3A_143 = arith.addf %parallel_loop3A_142, %parallel_loop3A_141 : vector<16xf32>
      %parallel_loop3A_144 = arith.index_cast %parallel_loop3A_135 : i32 to index
      %parallel_loop3A_145 = tpu.vector_load %arg13[%parallel_loop3A_144] {strides = array<i32>} : memref<4000xf32, #tpu.memory_space<vmem>>, vector<16xf32>,
      tpu.vector_store %arg13[%parallel_loop3A_144], %parallel_loop3A_143 {strides = array<i32>} : memref<4000xf32, #tpu.memory_space<vmem>>, vector<16xf32>,
    } {sc.loop_unroll_factor = 4 : i64, sc.parallel_access}
    %add3A_39 = arith.constant 0 : i32
    %add3A_40 = arith.addi %add3A, %add3A_39 : i32
    %mul3A_41 = arith.constant 4000 : i32
    %mul3A_42 = arith.muli %add3A_40, %mul3A_41 : i32
    %dma_start3A_43 = arith.constant 0 : i32
    %dma_start3A_44 = tpu.memref_slice %arg6[%dma_start3A_43, %mul3A_42] : memref<1x500000xf32, #tpu.memory_space<hbm>> -> memref<1x4000xf32, #tpu.memory_space<hbm>>
    %dma_start3A_45 = tpu.memref_squeeze %dma_start3A_44 : memref<1x4000xf32, #tpu.memory_space<hbm>> -> memref<4000xf32, #tpu.memory_space<hbm>>
    %dma_start3A_46 = tpu.memref_slice %arg6[%dma_start3A_43, %mul3A_42] : memref<1x500000xf32, #tpu.memory_space<hbm>> -> memref<1x4000xf32, #tpu.memory_space<hbm>>
    %dma_start3A_47 = tpu.memref_squeeze %dma_start3A_46 : memref<1x4000xf32, #tpu.memory_space<hbm>> -> memref<4000xf32, #tpu.memory_space<hbm>>
    tpu.enqueue_dma source(%arg13 : memref<4000xf32, #tpu.memory_space<vmem>>) target(%dma_start3A_47 : memref<4000xf32, #tpu.memory_space<hbm>>) target_semaphore(%arg17 : memref<!tpu.dma_semaphore, #tpu.memory_space<semaphore_mem>>)
    %add3A_48 = arith.constant 64 : i32
    %add3A_49 = arith.addi %add3A, %add3A_48 : i32
    %mul3A_50 = arith.constant 4000 : i32
    %mul3A_51 = arith.muli %add3A_49, %mul3A_50 : i32
    %add3A_52 = arith.constant 0 : i32
    %add3A_53 = arith.addi %add3A_52, %mul3A_51 : i32
    %dma_start3A_54 = tpu.memref_slice %arg3[%add3A_53] : memref<2000000xi32, #tpu.memory_space<hbm>> -> memref<4000xi32, #tpu.memory_space<hbm>>
    %dma_start3A_55 = tpu.memref_slice %arg3[%add3A_53] : memref<2000000xi32, #tpu.memory_space<hbm>> -> memref<4000xi32, #tpu.memory_space<hbm>>
    tpu.enqueue_dma source(%dma_start3A_55 : memref<4000xi32, #tpu.memory_space<hbm>>) target(%arg11 : memref<4000xi32, #tpu.memory_space<vmem>>) target_semaphore(%arg15 : memref<!tpu.dma_semaphore, #tpu.memory_space<semaphore_mem>>)
    %dma_start3A_56 = arith.constant 0 : i32
    %dma_start3A_57 = tpu.memref_slice %arg2[%dma_start3A_56, %mul3A_51] : memref<1x500000xf32, #tpu.memory_space<hbm>> -> memref<1x4000xf32, #tpu.memory_space<hbm>>
    %dma_start3A_58 = tpu.memref_squeeze %dma_start3A_57 : memref<1x4000xf32, #tpu.memory_space<hbm>> -> memref<4000xf32, #tpu.memory_space<hbm>>
    %dma_start3A_59 = tpu.memref_slice %arg2[%dma_start3A_56, %mul3A_51] : memref<1x500000xf32, #tpu.memory_space<hbm>> -> memref<1x4000xf32, #tpu.memory_space<hbm>>
    %dma_start3A_60 = tpu.memref_squeeze %dma_start3A_59 : memref<1x4000xf32, #tpu.memory_space<hbm>> -> memref<4000xf32, #tpu.memory_space<hbm>>
    tpu.enqueue_dma source(%dma_start3A_60 : memref<4000xf32, #tpu.memory_space<hbm>>) target(%arg9 : memref<4000xf32, #tpu.memory_space<vmem>>) target_semaphore(%arg15 : memref<!tpu.dma_semaphore, #tpu.memory_space<semaphore_mem>>)
    %dma_wait3A_61 = arith.constant 0 : i32
    %dma_wait3A_62 = tpu.memref_slice %arg3[%dma_wait3A_61] : memref<2000000xi32, #tpu.memory_space<hbm>> -> memref<4000xi32, #tpu.memory_space<hbm>>
    %dma_wait3A_63 = arith.constant 0 : i32
    %dma_wait3A_64 = tpu.memref_slice %arg3[%dma_wait3A_63] : memref<2000000xi32, #tpu.memory_space<hbm>> -> memref<4000xi32, #tpu.memory_space<hbm>>
    tpu.wait_dma2 semaphore(%arg16 : memref<!tpu.dma_semaphore, #tpu.memory_space<semaphore_mem>>) src(%dma_wait3A_64 : memref<4000xi32, #tpu.memory_space<hbm>>) dst(%arg12 : memref<4000xi32, #tpu.memory_space<vmem>>)
    %dma_wait3A_65 = arith.constant 0 : i32
    %dma_wait3A_66 = arith.constant 0 : i32
    %dma_wait3A_67 = tpu.memref_slice %arg2[%dma_wait3A_65, %dma_wait3A_66] : memref<1x500000xf32, #tpu.memory_space<hbm>> -> memref<1x4000xf32, #tpu.memory_space<hbm>>
    %dma_wait3A_68 = tpu.memref_squeeze %dma_wait3A_67 : memref<1x4000xf32, #tpu.memory_space<hbm>> -> memref<4000xf32, #tpu.memory_space<hbm>>
    %dma_wait3A_69 = arith.constant 0 : i32
    %dma_wait3A_70 = tpu.memref_slice %arg2[%dma_wait3A_65, %dma_wait3A_69] : memref<1x500000xf32, #tpu.memory_space<hbm>> -> memref<1x4000xf32, #tpu.memory_space<hbm>>
    %dma_wait3A_71 = tpu.memref_squeeze %dma_wait3A_70 : memref<1x4000xf32, #tpu.memory_space<hbm>> -> memref<4000xf32, #tpu.memory_space<hbm>>
    tpu.wait_dma2 semaphore(%arg16 : memref<!tpu.dma_semaphore, #tpu.memory_space<semaphore_mem>>) src(%dma_wait3A_71 : memref<4000xf32, #tpu.memory_space<hbm>>) dst(%arg10 : memref<4000xf32, #tpu.memory_space<vmem>>)
    %parallel_loop3A_72 = arith.constant 0 : i32
    %parallel_loop3A_73 = arith.constant 4000 : i32
    %parallel_loop3A_74 = arith.constant 16 : i32
    scf.for %parallel_loop3A_135 = %parallel_loop3A_72 to %parallel_loop3A_73 step %parallel_loop3A_74  : i32 {
      %parallel_loop3A_136 = arith.index_cast %parallel_loop3A_135 : i32 to index
      %parallel_loop3A_137 = tpu.vector_load %arg12[%parallel_loop3A_136] {strides = array<i32>} : memref<4000xi32, #tpu.memory_space<vmem>>, vector<16xi32>,
      %parallel_loop3A_138 = arith.index_cast %parallel_loop3A_135 : i32 to index
      %parallel_loop3A_139 = tpu.vector_load %arg10[%parallel_loop3A_138] {strides = array<i32>} : memref<4000xf32, #tpu.memory_space<vmem>>, vector<16xf32>,
      %parallel_loop3A_140 = tpu.vector_load_idx %arg7[%parallel_loop3A_137] : memref<119xf32, #tpu.memory_space<vmem>>[vector<16xi32>], vector<16xf32>,
      %parallel_loop3A_141 = tpu.vector_load_idx %arg8[%parallel_loop3A_137] : memref<119xf32, #tpu.memory_space<vmem>>[vector<16xi32>], vector<16xf32>,
      %parallel_loop3A_142 = arith.mulf %parallel_loop3A_140, %parallel_loop3A_139 : vector<16xf32>
      %parallel_loop3A_143 = arith.addf %parallel_loop3A_142, %parallel_loop3A_141 : vector<16xf32>
      %parallel_loop3A_144 = arith.index_cast %parallel_loop3A_135 : i32 to index
      %parallel_loop3A_145 = tpu.vector_load %arg14[%parallel_loop3A_144] {strides = array<i32>} : memref<4000xf32, #tpu.memory_space<vmem>>, vector<16xf32>,
      tpu.vector_store %arg14[%parallel_loop3A_144], %parallel_loop3A_143 {strides = array<i32>} : memref<4000xf32, #tpu.memory_space<vmem>>, vector<16xf32>,
    } {sc.loop_unroll_factor = 4 : i64, sc.parallel_access}
    %add3A_75 = arith.constant 32 : i32
    %add3A_76 = arith.addi %add3A, %add3A_75 : i32
    %mul3A_77 = arith.constant 4000 : i32
    %mul3A_78 = arith.muli %add3A_76, %mul3A_77 : i32
    %dma_start3A_79 = arith.constant 0 : i32
    %dma_start3A_80 = tpu.memref_slice %arg6[%dma_start3A_79, %mul3A_78] : memref<1x500000xf32, #tpu.memory_space<hbm>> -> memref<1x4000xf32, #tpu.memory_space<hbm>>
    %dma_start3A_81 = tpu.memref_squeeze %dma_start3A_80 : memref<1x4000xf32, #tpu.memory_space<hbm>> -> memref<4000xf32, #tpu.memory_space<hbm>>
    %dma_start3A_82 = tpu.memref_slice %arg6[%dma_start3A_79, %mul3A_78] : memref<1x500000xf32, #tpu.memory_space<hbm>> -> memref<1x4000xf32, #tpu.memory_space<hbm>>
    %dma_start3A_83 = tpu.memref_squeeze %dma_start3A_82 : memref<1x4000xf32, #tpu.memory_space<hbm>> -> memref<4000xf32, #tpu.memory_space<hbm>>
    tpu.enqueue_dma source(%arg14 : memref<4000xf32, #tpu.memory_space<vmem>>) target(%dma_start3A_83 : memref<4000xf32, #tpu.memory_space<hbm>>) target_semaphore(%arg18 : memref<!tpu.dma_semaphore, #tpu.memory_space<semaphore_mem>>)
    %lt3A = arith.constant 29 : i32
    %lt3A_84 = arith.cmpi slt, %add3A, %lt3A : i32
    %convert_element_type3A = arith.extui %lt3A_84 : i1 to i32
    %cond3A = arith.constant 0 : i32
    %cond3A_85 = arith.cmpi ne, %convert_element_type3A, %cond3A : i32
    scf.if %cond3A_85 {
      %add3A_135 = arith.constant 96 : i32
      %add3A_136 = arith.addi %add3A, %add3A_135 : i32
      %mul3A_137 = arith.constant 4000 : i32
      %mul3A_138 = arith.muli %add3A_136, %mul3A_137 : i32
      %add3A_139 = arith.constant 0 : i32
      %add3A_140 = arith.addi %add3A_139, %mul3A_138 : i32
      %dma_start3A_141 = tpu.memref_slice %arg3[%add3A_140] : memref<2000000xi32, #tpu.memory_space<hbm>> -> memref<4000xi32, #tpu.memory_space<hbm>>
      %dma_start3A_142 = tpu.memref_slice %arg3[%add3A_140] : memref<2000000xi32, #tpu.memory_space<hbm>> -> memref<4000xi32, #tpu.memory_space<hbm>>
      tpu.enqueue_dma source(%dma_start3A_142 : memref<4000xi32, #tpu.memory_space<hbm>>) target(%arg12 : memref<4000xi32, #tpu.memory_space<vmem>>) target_semaphore(%arg16 : memref<!tpu.dma_semaphore, #tpu.memory_space<semaphore_mem>>)
      %dma_start3A_143 = arith.constant 0 : i32
      %dma_start3A_144 = tpu.memref_slice %arg2[%dma_start3A_143, %mul3A_138] : memref<1x500000xf32, #tpu.memory_space<hbm>> -> memref<1x4000xf32, #tpu.memory_space<hbm>>
      %dma_start3A_145 = tpu.memref_squeeze %dma_start3A_144 : memref<1x4000xf32, #tpu.memory_space<hbm>> -> memref<4000xf32, #tpu.memory_space<hbm>>
      %dma_start3A_146 = tpu.memref_slice %arg2[%dma_start3A_143, %mul3A_138] : memref<1x500000xf32, #tpu.memory_space<hbm>> -> memref<1x4000xf32, #tpu.memory_space<hbm>>
      %dma_start3A_147 = tpu.memref_squeeze %dma_start3A_146 : memref<1x4000xf32, #tpu.memory_space<hbm>> -> memref<4000xf32, #tpu.memory_space<hbm>>
      tpu.enqueue_dma source(%dma_start3A_147 : memref<4000xf32, #tpu.memory_space<hbm>>) target(%arg10 : memref<4000xf32, #tpu.memory_space<vmem>>) target_semaphore(%arg16 : memref<!tpu.dma_semaphore, #tpu.memory_space<semaphore_mem>>)
    } else {
    }
    %dma_wait3A_86 = arith.constant 0 : i32
    %dma_wait3A_87 = tpu.memref_slice %arg3[%dma_wait3A_86] : memref<2000000xi32, #tpu.memory_space<hbm>> -> memref<4000xi32, #tpu.memory_space<hbm>>
    %dma_wait3A_88 = arith.constant 0 : i32
    %dma_wait3A_89 = tpu.memref_slice %arg3[%dma_wait3A_88] : memref<2000000xi32, #tpu.memory_space<hbm>> -> memref<4000xi32, #tpu.memory_space<hbm>>
    tpu.wait_dma2 semaphore(%arg15 : memref<!tpu.dma_semaphore, #tpu.memory_space<semaphore_mem>>) src(%dma_wait3A_89 : memref<4000xi32, #tpu.memory_space<hbm>>) dst(%arg11 : memref<4000xi32, #tpu.memory_space<vmem>>)
    %dma_wait3A_90 = arith.constant 0 : i32
    %dma_wait3A_91 = arith.constant 0 : i32
    %dma_wait3A_92 = tpu.memref_slice %arg2[%dma_wait3A_90, %dma_wait3A_91] : memref<1x500000xf32, #tpu.memory_space<hbm>> -> memref<1x4000xf32, #tpu.memory_space<hbm>>
    %dma_wait3A_93 = tpu.memref_squeeze %dma_wait3A_92 : memref<1x4000xf32, #tpu.memory_space<hbm>> -> memref<4000xf32, #tpu.memory_space<hbm>>
    %dma_wait3A_94 = arith.constant 0 : i32
    %dma_wait3A_95 = tpu.memref_slice %arg2[%dma_wait3A_90, %dma_wait3A_94] : memref<1x500000xf32, #tpu.memory_space<hbm>> -> memref<1x4000xf32, #tpu.memory_space<hbm>>
    %dma_wait3A_96 = tpu.memref_squeeze %dma_wait3A_95 : memref<1x4000xf32, #tpu.memory_space<hbm>> -> memref<4000xf32, #tpu.memory_space<hbm>>
    tpu.wait_dma2 semaphore(%arg15 : memref<!tpu.dma_semaphore, #tpu.memory_space<semaphore_mem>>) src(%dma_wait3A_96 : memref<4000xf32, #tpu.memory_space<hbm>>) dst(%arg9 : memref<4000xf32, #tpu.memory_space<vmem>>)
    %dma_wait3A_97 = arith.constant 0 : i32
    %dma_wait3A_98 = arith.constant 0 : i32
    %dma_wait3A_99 = tpu.memref_slice %arg6[%dma_wait3A_97, %dma_wait3A_98] : memref<1x500000xf32, #tpu.memory_space<hbm>> -> memref<1x4000xf32, #tpu.memory_space<hbm>>
    %dma_wait3A_100 = tpu.memref_squeeze %dma_wait3A_99 : memref<1x4000xf32, #tpu.memory_space<hbm>> -> memref<4000xf32, #tpu.memory_space<hbm>>
    %dma_wait3A_101 = arith.constant 0 : i32
    %dma_wait3A_102 = tpu.memref_slice %arg6[%dma_wait3A_97, %dma_wait3A_101] : memref<1x500000xf32, #tpu.memory_space<hbm>> -> memref<1x4000xf32, #tpu.memory_space<hbm>>
    %dma_wait3A_103 = tpu.memref_squeeze %dma_wait3A_102 : memref<1x4000xf32, #tpu.memory_space<hbm>> -> memref<4000xf32, #tpu.memory_space<hbm>>
    tpu.wait_dma2 semaphore(%arg17 : memref<!tpu.dma_semaphore, #tpu.memory_space<semaphore_mem>>) src(%arg13 : memref<4000xf32, #tpu.memory_space<vmem>>) dst(%dma_wait3A_103 : memref<4000xf32, #tpu.memory_space<hbm>>)
    %parallel_loop3A_104 = arith.constant 0 : i32
    %parallel_loop3A_105 = arith.constant 4000 : i32
    %parallel_loop3A_106 = arith.constant 16 : i32
    scf.for %parallel_loop3A_135 = %parallel_loop3A_104 to %parallel_loop3A_105 step %parallel_loop3A_106  : i32 {
      %parallel_loop3A_136 = arith.index_cast %parallel_loop3A_135 : i32 to index
      %parallel_loop3A_137 = tpu.vector_load %arg11[%parallel_loop3A_136] {strides = array<i32>} : memref<4000xi32, #tpu.memory_space<vmem>>, vector<16xi32>,
      %parallel_loop3A_138 = arith.index_cast %parallel_loop3A_135 : i32 to index
      %parallel_loop3A_139 = tpu.vector_load %arg9[%parallel_loop3A_138] {strides = array<i32>} : memref<4000xf32, #tpu.memory_space<vmem>>, vector<16xf32>,
      %parallel_loop3A_140 = tpu.vector_load_idx %arg7[%parallel_loop3A_137] : memref<119xf32, #tpu.memory_space<vmem>>[vector<16xi32>], vector<16xf32>,
      %parallel_loop3A_141 = tpu.vector_load_idx %arg8[%parallel_loop3A_137] : memref<119xf32, #tpu.memory_space<vmem>>[vector<16xi32>], vector<16xf32>,
      %parallel_loop3A_142 = arith.mulf %parallel_loop3A_140, %parallel_loop3A_139 : vector<16xf32>
      %parallel_loop3A_143 = arith.addf %parallel_loop3A_142, %parallel_loop3A_141 : vector<16xf32>
      %parallel_loop3A_144 = arith.index_cast %parallel_loop3A_135 : i32 to index
      %parallel_loop3A_145 = tpu.vector_load %arg13[%parallel_loop3A_144] {strides = array<i32>} : memref<4000xf32, #tpu.memory_space<vmem>>, vector<16xf32>,
      tpu.vector_store %arg13[%parallel_loop3A_144], %parallel_loop3A_143 {strides = array<i32>} : memref<4000xf32, #tpu.memory_space<vmem>>, vector<16xf32>,
    } {sc.loop_unroll_factor = 4 : i64, sc.parallel_access}
    %add3A_107 = arith.constant 64 : i32
    %add3A_108 = arith.addi %add3A, %add3A_107 : i32
    %mul3A_109 = arith.constant 4000 : i32
    %mul3A_110 = arith.muli %add3A_108, %mul3A_109 : i32
    %dma_start3A_111 = arith.constant 0 : i32
    %dma_start3A_112 = tpu.memref_slice %arg6[%dma_start3A_111, %mul3A_110] : memref<1x500000xf32, #tpu.memory_space<hbm>> -> memref<1x4000xf32, #tpu.memory_space<hbm>>
    %dma_start3A_113 = tpu.memref_squeeze %dma_start3A_112 : memref<1x4000xf32, #tpu.memory_space<hbm>> -> memref<4000xf32, #tpu.memory_space<hbm>>
    %dma_start3A_114 = tpu.memref_slice %arg6[%dma_start3A_111, %mul3A_110] : memref<1x500000xf32, #tpu.memory_space<hbm>> -> memref<1x4000xf32, #tpu.memory_space<hbm>>
    %dma_start3A_115 = tpu.memref_squeeze %dma_start3A_114 : memref<1x4000xf32, #tpu.memory_space<hbm>> -> memref<4000xf32, #tpu.memory_space<hbm>>
    tpu.enqueue_dma source(%arg13 : memref<4000xf32, #tpu.memory_space<vmem>>) target(%dma_start3A_115 : memref<4000xf32, #tpu.memory_space<hbm>>) target_semaphore(%arg17 : memref<!tpu.dma_semaphore, #tpu.memory_space<semaphore_mem>>)
    %lt3A_116 = arith.constant 29 : i32
    %lt3A_117 = arith.cmpi slt, %add3A, %lt3A_116 : i32
    %convert_element_type3A_118 = arith.extui %lt3A_117 : i1 to i32
    %cond3A_119 = arith.constant 0 : i32
    %cond3A_120 = arith.cmpi ne, %convert_element_type3A_118, %cond3A_119 : i32
    scf.if %cond3A_120 {
      %dma_wait3A_135 = arith.constant 0 : i32
      %dma_wait3A_136 = tpu.memref_slice %arg3[%dma_wait3A_135] : memref<2000000xi32, #tpu.memory_space<hbm>> -> memref<4000xi32, #tpu.memory_space<hbm>>
      %dma_wait3A_137 = arith.constant 0 : i32
      %dma_wait3A_138 = tpu.memref_slice %arg3[%dma_wait3A_137] : memref<2000000xi32, #tpu.memory_space<hbm>> -> memref<4000xi32, #tpu.memory_space<hbm>>
      tpu.wait_dma2 semaphore(%arg16 : memref<!tpu.dma_semaphore, #tpu.memory_space<semaphore_mem>>) src(%dma_wait3A_138 : memref<4000xi32, #tpu.memory_space<hbm>>) dst(%arg12 : memref<4000xi32, #tpu.memory_space<vmem>>)
      %dma_wait3A_139 = arith.constant 0 : i32
      %dma_wait3A_140 = arith.constant 0 : i32
      %dma_wait3A_141 = tpu.memref_slice %arg2[%dma_wait3A_139, %dma_wait3A_140] : memref<1x500000xf32, #tpu.memory_space<hbm>> -> memref<1x4000xf32, #tpu.memory_space<hbm>>
      %dma_wait3A_142 = tpu.memref_squeeze %dma_wait3A_141 : memref<1x4000xf32, #tpu.memory_space<hbm>> -> memref<4000xf32, #tpu.memory_space<hbm>>
      %dma_wait3A_143 = arith.constant 0 : i32
      %dma_wait3A_144 = tpu.memref_slice %arg2[%dma_wait3A_139, %dma_wait3A_143] : memref<1x500000xf32, #tpu.memory_space<hbm>> -> memref<1x4000xf32, #tpu.memory_space<hbm>>
      %dma_wait3A_145 = tpu.memref_squeeze %dma_wait3A_144 : memref<1x4000xf32, #tpu.memory_space<hbm>> -> memref<4000xf32, #tpu.memory_space<hbm>>
      tpu.wait_dma2 semaphore(%arg16 : memref<!tpu.dma_semaphore, #tpu.memory_space<semaphore_mem>>) src(%dma_wait3A_145 : memref<4000xf32, #tpu.memory_space<hbm>>) dst(%arg10 : memref<4000xf32, #tpu.memory_space<vmem>>)
      %dma_wait3A_146 = arith.constant 0 : i32
      %dma_wait3A_147 = arith.constant 0 : i32
      %dma_wait3A_148 = tpu.memref_slice %arg6[%dma_wait3A_146, %dma_wait3A_147] : memref<1x500000xf32, #tpu.memory_space<hbm>> -> memref<1x4000xf32, #tpu.memory_space<hbm>>
      %dma_wait3A_149 = tpu.memref_squeeze %dma_wait3A_148 : memref<1x4000xf32, #tpu.memory_space<hbm>> -> memref<4000xf32, #tpu.memory_space<hbm>>
      %dma_wait3A_150 = arith.constant 0 : i32
      %dma_wait3A_151 = tpu.memref_slice %arg6[%dma_wait3A_146, %dma_wait3A_150] : memref<1x500000xf32, #tpu.memory_space<hbm>> -> memref<1x4000xf32, #tpu.memory_space<hbm>>
      %dma_wait3A_152 = tpu.memref_squeeze %dma_wait3A_151 : memref<1x4000xf32, #tpu.memory_space<hbm>> -> memref<4000xf32, #tpu.memory_space<hbm>>
      tpu.wait_dma2 semaphore(%arg18 : memref<!tpu.dma_semaphore, #tpu.memory_space<semaphore_mem>>) src(%arg14 : memref<4000xf32, #tpu.memory_space<vmem>>) dst(%dma_wait3A_152 : memref<4000xf32, #tpu.memory_space<hbm>>)
      %parallel_loop3A_153 = arith.constant 0 : i32
      %parallel_loop3A_154 = arith.constant 4000 : i32
      %parallel_loop3A_155 = arith.constant 16 : i32
      scf.for %parallel_loop3A_165 = %parallel_loop3A_153 to %parallel_loop3A_154 step %parallel_loop3A_155  : i32 {
        %parallel_loop3A_166 = arith.index_cast %parallel_loop3A_165 : i32 to index
        %parallel_loop3A_167 = tpu.vector_load %arg12[%parallel_loop3A_166] {strides = array<i32>} : memref<4000xi32, #tpu.memory_space<vmem>>, vector<16xi32>,
        %parallel_loop3A_168 = arith.index_cast %parallel_loop3A_165 : i32 to index
        %parallel_loop3A_169 = tpu.vector_load %arg10[%parallel_loop3A_168] {strides = array<i32>} : memref<4000xf32, #tpu.memory_space<vmem>>, vector<16xf32>,
        %parallel_loop3A_170 = tpu.vector_load_idx %arg7[%parallel_loop3A_167] : memref<119xf32, #tpu.memory_space<vmem>>[vector<16xi32>], vector<16xf32>,
        %parallel_loop3A_171 = tpu.vector_load_idx %arg8[%parallel_loop3A_167] : memref<119xf32, #tpu.memory_space<vmem>>[vector<16xi32>], vector<16xf32>,
        %parallel_loop3A_172 = arith.mulf %parallel_loop3A_170, %parallel_loop3A_169 : vector<16xf32>
        %parallel_loop3A_173 = arith.addf %parallel_loop3A_172, %parallel_loop3A_171 : vector<16xf32>
        %parallel_loop3A_174 = arith.index_cast %parallel_loop3A_165 : i32 to index
        %parallel_loop3A_175 = tpu.vector_load %arg14[%parallel_loop3A_174] {strides = array<i32>} : memref<4000xf32, #tpu.memory_space<vmem>>, vector<16xf32>,
        tpu.vector_store %arg14[%parallel_loop3A_174], %parallel_loop3A_173 {strides = array<i32>} : memref<4000xf32, #tpu.memory_space<vmem>>, vector<16xf32>,
      } {sc.loop_unroll_factor = 4 : i64, sc.parallel_access}
      %add3A_156 = arith.constant 96 : i32
      %add3A_157 = arith.addi %add3A, %add3A_156 : i32
      %mul3A_158 = arith.constant 4000 : i32
      %mul3A_159 = arith.muli %add3A_157, %mul3A_158 : i32
      %dma_start3A_160 = arith.constant 0 : i32
      %dma_start3A_161 = tpu.memref_slice %arg6[%dma_start3A_160, %mul3A_159] : memref<1x500000xf32, #tpu.memory_space<hbm>> -> memref<1x4000xf32, #tpu.memory_space<hbm>>
      %dma_start3A_162 = tpu.memref_squeeze %dma_start3A_161 : memref<1x4000xf32, #tpu.memory_space<hbm>> -> memref<4000xf32, #tpu.memory_space<hbm>>
      %dma_start3A_163 = tpu.memref_slice %arg6[%dma_start3A_160, %mul3A_159] : memref<1x500000xf32, #tpu.memory_space<hbm>> -> memref<1x4000xf32, #tpu.memory_space<hbm>>
      %dma_start3A_164 = tpu.memref_squeeze %dma_start3A_163 : memref<1x4000xf32, #tpu.memory_space<hbm>> -> memref<4000xf32, #tpu.memory_space<hbm>>
      tpu.enqueue_dma source(%arg14 : memref<4000xf32, #tpu.memory_space<vmem>>) target(%dma_start3A_164 : memref<4000xf32, #tpu.memory_space<hbm>>) target_semaphore(%arg18 : memref<!tpu.dma_semaphore, #tpu.memory_space<semaphore_mem>>)
    } else {
    }
    %dma_wait3A_121 = arith.constant 0 : i32
    %dma_wait3A_122 = arith.constant 0 : i32
    %dma_wait3A_123 = tpu.memref_slice %arg6[%dma_wait3A_121, %dma_wait3A_122] : memref<1x500000xf32, #tpu.memory_space<hbm>> -> memref<1x4000xf32, #tpu.memory_space<hbm>>
    %dma_wait3A_124 = tpu.memref_squeeze %dma_wait3A_123 : memref<1x4000xf32, #tpu.memory_space<hbm>> -> memref<4000xf32, #tpu.memory_space<hbm>>
    %dma_wait3A_125 = arith.constant 0 : i32
    %dma_wait3A_126 = tpu.memref_slice %arg6[%dma_wait3A_121, %dma_wait3A_125] : memref<1x500000xf32, #tpu.memory_space<hbm>> -> memref<1x4000xf32, #tpu.memory_space<hbm>>
    %dma_wait3A_127 = tpu.memref_squeeze %dma_wait3A_126 : memref<1x4000xf32, #tpu.memory_space<hbm>> -> memref<4000xf32, #tpu.memory_space<hbm>>
    tpu.wait_dma2 semaphore(%arg17 : memref<!tpu.dma_semaphore, #tpu.memory_space<semaphore_mem>>) src(%arg13 : memref<4000xf32, #tpu.memory_space<vmem>>) dst(%dma_wait3A_127 : memref<4000xf32, #tpu.memory_space<hbm>>)
    %dma_wait3A_128 = arith.constant 0 : i32
    %dma_wait3A_129 = arith.constant 0 : i32
    %dma_wait3A_130 = tpu.memref_slice %arg6[%dma_wait3A_128, %dma_wait3A_129] : memref<1x500000xf32, #tpu.memory_space<hbm>> -> memref<1x4000xf32, #tpu.memory_space<hbm>>
    %dma_wait3A_131 = tpu.memref_squeeze %dma_wait3A_130 : memref<1x4000xf32, #tpu.memory_space<hbm>> -> memref<4000xf32, #tpu.memory_space<hbm>>
    %dma_wait3A_132 = arith.constant 0 : i32
    %dma_wait3A_133 = tpu.memref_slice %arg6[%dma_wait3A_128, %dma_wait3A_132] : memref<1x500000xf32, #tpu.memory_space<hbm>> -> memref<1x4000xf32, #tpu.memory_space<hbm>>
    %dma_wait3A_134 = tpu.memref_squeeze %dma_wait3A_133 : memref<1x4000xf32, #tpu.memory_space<hbm>> -> memref<4000xf32, #tpu.memory_space<hbm>>
    tpu.wait_dma2 semaphore(%arg18 : memref<!tpu.dma_semaphore, #tpu.memory_space<semaphore_mem>>) src(%arg14 : memref<4000xf32, #tpu.memory_space<vmem>>) dst(%dma_wait3A_134 : memref<4000xf32, #tpu.memory_space<hbm>>)
    return
  }
}

#map = affine_map<(d0, d1) -> (0, 0)>
#map1 = affine_map<(d0, d1) -> (0)>
module attributes {stable_mosaic.version = 14 : i64} {
  func.func @sc_kernel(%arg0: i32, %arg1: i32, %arg2: memref<1x500000xf32, #tpu.memory_space<hbm>>, %arg3: memref<2000000xi32, #tpu.memory_space<hbm>>, %arg4: memref<1x119xf32, #tpu.memory_space<hbm>>, %arg5: memref<1x119xf32, #tpu.memory_space<hbm>>, %arg6: memref<1x500000xf32, #tpu.memory_space<hbm>>, %arg7: memref<119xf32, #tpu.memory_space<vmem>>, %arg8: memref<119xf32, #tpu.memory_space<vmem>>, %arg9: memref<4000xf32, #tpu.memory_space<vmem>>, %arg10: memref<4000xf32, #tpu.memory_space<vmem>>, %arg11: memref<4000xi32, #tpu.memory_space<vmem>>, %arg12: memref<4000xi32, #tpu.memory_space<vmem>>, %arg13: memref<4000xf32, #tpu.memory_space<vmem>>, %arg14: memref<4000xf32, #tpu.memory_space<vmem>>, %arg15: memref<!tpu.dma_semaphore, #tpu.memory_space<semaphore_mem>>, %arg16: memref<!tpu.dma_semaphore, #tpu.memory_space<semaphore_mem>>, %arg17: memref<!tpu.dma_semaphore, #tpu.memory_space<semaphore_mem>>, %arg18: memref<!tpu.dma_semaphore, #tpu.memory_space<semaphore_mem>>) attributes {dimension_semantics = [#tpu.dimension_semantics<core_parallel>, #tpu.dimension_semantics<subcore_parallel>], iteration_bounds = array<i64: 2, 16>, scalar_prefetch = 0 : i64, scratch_operands = 12 : i64, tpu.core_type = #tpu.core_type<sc_vector_subcore>, window_params = [{transform_indices = #map}, {transform_indices = #map1}, {transform_indices = #map}, {transform_indices = #map}, {transform_indices = #map}]} {
    %mul3A = arith.constant 2 : i32
    %mul3A_0 = arith.muli %arg1, %mul3A : i32
    %add3A = arith.addi %mul3A_0, %arg0 : i32
    %run_scoped3A = arith.constant 0 : i32
    "tpu.region"() ({
      %run_scoped3A_135 = tpu.sem_alloc : memref<!tpu.dma_semaphore, #tpu.memory_space<semaphore_mem>>
      %dma_start3A_136 = arith.constant 0 : i32
      %dma_start3A_137 = tpu.memref_slice %arg4[%run_scoped3A, %dma_start3A_136] : memref<1x119xf32, #tpu.memory_space<hbm>> -> memref<1x119xf32, #tpu.memory_space<hbm>>
      %dma_start3A_138 = tpu.memref_squeeze %dma_start3A_137 : memref<1x119xf32, #tpu.memory_space<hbm>> -> memref<119xf32, #tpu.memory_space<hbm>>
      %dma_start3A_139 = arith.constant 0 : i32
      %dma_start3A_140 = tpu.memref_slice %arg4[%run_scoped3A, %dma_start3A_139] : memref<1x119xf32, #tpu.memory_space<hbm>> -> memref<1x119xf32, #tpu.memory_space<hbm>>
      %dma_start3A_141 = tpu.memref_squeeze %dma_start3A_140 : memref<1x119xf32, #tpu.memory_space<hbm>> -> memref<119xf32, #tpu.memory_space<hbm>>
      tpu.enqueue_dma source(%dma_start3A_141 : memref<119xf32, #tpu.memory_space<hbm>>) target(%arg7 : memref<119xf32, #tpu.memory_space<vmem>>) target_semaphore(%run_scoped3A_135 : memref<!tpu.dma_semaphore, #tpu.memory_space<semaphore_mem>>)
      %dma_wait3A_142 = arith.constant 0 : i32
      %dma_wait3A_143 = tpu.memref_slice %arg4[%run_scoped3A, %dma_wait3A_142] : memref<1x119xf32, #tpu.memory_space<hbm>> -> memref<1x119xf32, #tpu.memory_space<hbm>>
      %dma_wait3A_144 = tpu.memref_squeeze %dma_wait3A_143 : memref<1x119xf32, #tpu.memory_space<hbm>> -> memref<119xf32, #tpu.memory_space<hbm>>
      %dma_wait3A_145 = arith.constant 0 : i32
      %dma_wait3A_146 = tpu.memref_slice %arg4[%run_scoped3A, %dma_wait3A_145] : memref<1x119xf32, #tpu.memory_space<hbm>> -> memref<1x119xf32, #tpu.memory_space<hbm>>
      %dma_wait3A_147 = tpu.memref_squeeze %dma_wait3A_146 : memref<1x119xf32, #tpu.memory_space<hbm>> -> memref<119xf32, #tpu.memory_space<hbm>>
      tpu.wait_dma2 semaphore(%run_scoped3A_135 : memref<!tpu.dma_semaphore, #tpu.memory_space<semaphore_mem>>) src(%dma_wait3A_147 : memref<119xf32, #tpu.memory_space<hbm>>) dst(%arg7 : memref<119xf32, #tpu.memory_space<vmem>>)
      tpu.yield
    }) : () -> ()
    %run_scoped3A_1 = arith.constant 0 : i32
    "tpu.region"() ({
      %run_scoped3A_135 = tpu.sem_alloc : memref<!tpu.dma_semaphore, #tpu.memory_space<semaphore_mem>>
      %dma_start3A_136 = arith.constant 0 : i32
      %dma_start3A_137 = tpu.memref_slice %arg5[%run_scoped3A_1, %dma_start3A_136] : memref<1x119xf32, #tpu.memory_space<hbm>> -> memref<1x119xf32, #tpu.memory_space<hbm>>
      %dma_start3A_138 = tpu.memref_squeeze %dma_start3A_137 : memref<1x119xf32, #tpu.memory_space<hbm>> -> memref<119xf32, #tpu.memory_space<hbm>>
      %dma_start3A_139 = arith.constant 0 : i32
      %dma_start3A_140 = tpu.memref_slice %arg5[%run_scoped3A_1, %dma_start3A_139] : memref<1x119xf32, #tpu.memory_space<hbm>> -> memref<1x119xf32, #tpu.memory_space<hbm>>
      %dma_start3A_141 = tpu.memref_squeeze %dma_start3A_140 : memref<1x119xf32, #tpu.memory_space<hbm>> -> memref<119xf32, #tpu.memory_space<hbm>>
      tpu.enqueue_dma source(%dma_start3A_141 : memref<119xf32, #tpu.memory_space<hbm>>) target(%arg8 : memref<119xf32, #tpu.memory_space<vmem>>) target_semaphore(%run_scoped3A_135 : memref<!tpu.dma_semaphore, #tpu.memory_space<semaphore_mem>>)
      %dma_wait3A_142 = arith.constant 0 : i32
      %dma_wait3A_143 = tpu.memref_slice %arg5[%run_scoped3A_1, %dma_wait3A_142] : memref<1x119xf32, #tpu.memory_space<hbm>> -> memref<1x119xf32, #tpu.memory_space<hbm>>
      %dma_wait3A_144 = tpu.memref_squeeze %dma_wait3A_143 : memref<1x119xf32, #tpu.memory_space<hbm>> -> memref<119xf32, #tpu.memory_space<hbm>>
      %dma_wait3A_145 = arith.constant 0 : i32
      %dma_wait3A_146 = tpu.memref_slice %arg5[%run_scoped3A_1, %dma_wait3A_145] : memref<1x119xf32, #tpu.memory_space<hbm>> -> memref<1x119xf32, #tpu.memory_space<hbm>>
      %dma_wait3A_147 = tpu.memref_squeeze %dma_wait3A_146 : memref<1x119xf32, #tpu.memory_space<hbm>> -> memref<119xf32, #tpu.memory_space<hbm>>
      tpu.wait_dma2 semaphore(%run_scoped3A_135 : memref<!tpu.dma_semaphore, #tpu.memory_space<semaphore_mem>>) src(%dma_wait3A_147 : memref<119xf32, #tpu.memory_space<hbm>>) dst(%arg8 : memref<119xf32, #tpu.memory_space<vmem>>)
      tpu.yield
    }) : () -> ()
    %add3A_2 = arith.constant 0 : i32
    %add3A_3 = arith.addi %add3A, %add3A_2 : i32
    %mul3A_4 = arith.constant 4000 : i32
    %mul3A_5 = arith.muli %add3A_3, %mul3A_4 : i32
    %add3A_6 = arith.constant 1000000 : i32
    %add3A_7 = arith.addi %add3A_6, %mul3A_5 : i32
    %dma_start3A = tpu.memref_slice %arg3[%add3A_7] : memref<2000000xi32, #tpu.memory_space<hbm>> -> memref<4000xi32, #tpu.memory_space<hbm>>
    %dma_start3A_8 = tpu.memref_slice %arg3[%add3A_7] : memref<2000000xi32, #tpu.memory_space<hbm>> -> memref<4000xi32, #tpu.memory_space<hbm>>
    tpu.enqueue_dma source(%dma_start3A_8 : memref<4000xi32, #tpu.memory_space<hbm>>) target(%arg11 : memref<4000xi32, #tpu.memory_space<vmem>>) target_semaphore(%arg15 : memref<!tpu.dma_semaphore, #tpu.memory_space<semaphore_mem>>)
    %dma_start3A_9 = arith.constant 0 : i32
    %dma_start3A_10 = tpu.memref_slice %arg2[%dma_start3A_9, %mul3A_5] : memref<1x500000xf32, #tpu.memory_space<hbm>> -> memref<1x4000xf32, #tpu.memory_space<hbm>>
    %dma_start3A_11 = tpu.memref_squeeze %dma_start3A_10 : memref<1x4000xf32, #tpu.memory_space<hbm>> -> memref<4000xf32, #tpu.memory_space<hbm>>
    %dma_start3A_12 = tpu.memref_slice %arg2[%dma_start3A_9, %mul3A_5] : memref<1x500000xf32, #tpu.memory_space<hbm>> -> memref<1x4000xf32, #tpu.memory_space<hbm>>
    %dma_start3A_13 = tpu.memref_squeeze %dma_start3A_12 : memref<1x4000xf32, #tpu.memory_space<hbm>> -> memref<4000xf32, #tpu.memory_space<hbm>>
    tpu.enqueue_dma source(%dma_start3A_13 : memref<4000xf32, #tpu.memory_space<hbm>>) target(%arg9 : memref<4000xf32, #tpu.memory_space<vmem>>) target_semaphore(%arg15 : memref<!tpu.dma_semaphore, #tpu.memory_space<semaphore_mem>>)
    %add3A_14 = arith.constant 32 : i32
    %add3A_15 = arith.addi %add3A, %add3A_14 : i32
    %mul3A_16 = arith.constant 4000 : i32
    %mul3A_17 = arith.muli %add3A_15, %mul3A_16 : i32
    %add3A_18 = arith.constant 1000000 : i32
    %add3A_19 = arith.addi %add3A_18, %mul3A_17 : i32
    %dma_start3A_20 = tpu.memref_slice %arg3[%add3A_19] : memref<2000000xi32, #tpu.memory_space<hbm>> -> memref<4000xi32, #tpu.memory_space<hbm>>
    %dma_start3A_21 = tpu.memref_slice %arg3[%add3A_19] : memref<2000000xi32, #tpu.memory_space<hbm>> -> memref<4000xi32, #tpu.memory_space<hbm>>
    tpu.enqueue_dma source(%dma_start3A_21 : memref<4000xi32, #tpu.memory_space<hbm>>) target(%arg12 : memref<4000xi32, #tpu.memory_space<vmem>>) target_semaphore(%arg16 : memref<!tpu.dma_semaphore, #tpu.memory_space<semaphore_mem>>)
    %dma_start3A_22 = arith.constant 0 : i32
    %dma_start3A_23 = tpu.memref_slice %arg2[%dma_start3A_22, %mul3A_17] : memref<1x500000xf32, #tpu.memory_space<hbm>> -> memref<1x4000xf32, #tpu.memory_space<hbm>>
    %dma_start3A_24 = tpu.memref_squeeze %dma_start3A_23 : memref<1x4000xf32, #tpu.memory_space<hbm>> -> memref<4000xf32, #tpu.memory_space<hbm>>
    %dma_start3A_25 = tpu.memref_slice %arg2[%dma_start3A_22, %mul3A_17] : memref<1x500000xf32, #tpu.memory_space<hbm>> -> memref<1x4000xf32, #tpu.memory_space<hbm>>
    %dma_start3A_26 = tpu.memref_squeeze %dma_start3A_25 : memref<1x4000xf32, #tpu.memory_space<hbm>> -> memref<4000xf32, #tpu.memory_space<hbm>>
    tpu.enqueue_dma source(%dma_start3A_26 : memref<4000xf32, #tpu.memory_space<hbm>>) target(%arg10 : memref<4000xf32, #tpu.memory_space<vmem>>) target_semaphore(%arg16 : memref<!tpu.dma_semaphore, #tpu.memory_space<semaphore_mem>>)
    %dma_wait3A = arith.constant 0 : i32
    %dma_wait3A_27 = tpu.memref_slice %arg3[%dma_wait3A] : memref<2000000xi32, #tpu.memory_space<hbm>> -> memref<4000xi32, #tpu.memory_space<hbm>>
    %dma_wait3A_28 = arith.constant 0 : i32
    %dma_wait3A_29 = tpu.memref_slice %arg3[%dma_wait3A_28] : memref<2000000xi32, #tpu.memory_space<hbm>> -> memref<4000xi32, #tpu.memory_space<hbm>>
    tpu.wait_dma2 semaphore(%arg15 : memref<!tpu.dma_semaphore, #tpu.memory_space<semaphore_mem>>) src(%dma_wait3A_29 : memref<4000xi32, #tpu.memory_space<hbm>>) dst(%arg11 : memref<4000xi32, #tpu.memory_space<vmem>>)
    %dma_wait3A_30 = arith.constant 0 : i32
    %dma_wait3A_31 = arith.constant 0 : i32
    %dma_wait3A_32 = tpu.memref_slice %arg2[%dma_wait3A_30, %dma_wait3A_31] : memref<1x500000xf32, #tpu.memory_space<hbm>> -> memref<1x4000xf32, #tpu.memory_space<hbm>>
    %dma_wait3A_33 = tpu.memref_squeeze %dma_wait3A_32 : memref<1x4000xf32, #tpu.memory_space<hbm>> -> memref<4000xf32, #tpu.memory_space<hbm>>
    %dma_wait3A_34 = arith.constant 0 : i32
    %dma_wait3A_35 = tpu.memref_slice %arg2[%dma_wait3A_30, %dma_wait3A_34] : memref<1x500000xf32, #tpu.memory_space<hbm>> -> memref<1x4000xf32, #tpu.memory_space<hbm>>
    %dma_wait3A_36 = tpu.memref_squeeze %dma_wait3A_35 : memref<1x4000xf32, #tpu.memory_space<hbm>> -> memref<4000xf32, #tpu.memory_space<hbm>>
    tpu.wait_dma2 semaphore(%arg15 : memref<!tpu.dma_semaphore, #tpu.memory_space<semaphore_mem>>) src(%dma_wait3A_36 : memref<4000xf32, #tpu.memory_space<hbm>>) dst(%arg9 : memref<4000xf32, #tpu.memory_space<vmem>>)
    %parallel_loop3A = arith.constant 0 : i32
    %parallel_loop3A_37 = arith.constant 4000 : i32
    %parallel_loop3A_38 = arith.constant 16 : i32
    scf.for %parallel_loop3A_135 = %parallel_loop3A to %parallel_loop3A_37 step %parallel_loop3A_38  : i32 {
      %parallel_loop3A_136 = arith.index_cast %parallel_loop3A_135 : i32 to index
      %parallel_loop3A_137 = tpu.vector_load %arg11[%parallel_loop3A_136] {strides = array<i32>} : memref<4000xi32, #tpu.memory_space<vmem>>, vector<16xi32>,
      %parallel_loop3A_138 = arith.index_cast %parallel_loop3A_135 : i32 to index
      %parallel_loop3A_139 = tpu.vector_load %arg9[%parallel_loop3A_138] {strides = array<i32>} : memref<4000xf32, #tpu.memory_space<vmem>>, vector<16xf32>,
      %parallel_loop3A_140 = tpu.vector_load_idx %arg7[%parallel_loop3A_137] : memref<119xf32, #tpu.memory_space<vmem>>[vector<16xi32>], vector<16xf32>,
      %parallel_loop3A_141 = tpu.vector_load_idx %arg8[%parallel_loop3A_137] : memref<119xf32, #tpu.memory_space<vmem>>[vector<16xi32>], vector<16xf32>,
      %parallel_loop3A_142 = arith.mulf %parallel_loop3A_140, %parallel_loop3A_139 : vector<16xf32>
      %parallel_loop3A_143 = arith.addf %parallel_loop3A_142, %parallel_loop3A_141 : vector<16xf32>
      %parallel_loop3A_144 = arith.index_cast %parallel_loop3A_135 : i32 to index
      %parallel_loop3A_145 = tpu.vector_load %arg13[%parallel_loop3A_144] {strides = array<i32>} : memref<4000xf32, #tpu.memory_space<vmem>>, vector<16xf32>,
      tpu.vector_store %arg13[%parallel_loop3A_144], %parallel_loop3A_143 {strides = array<i32>} : memref<4000xf32, #tpu.memory_space<vmem>>, vector<16xf32>,
    } {sc.loop_unroll_factor = 4 : i64, sc.parallel_access}
    %add3A_39 = arith.constant 0 : i32
    %add3A_40 = arith.addi %add3A, %add3A_39 : i32
    %mul3A_41 = arith.constant 4000 : i32
    %mul3A_42 = arith.muli %add3A_40, %mul3A_41 : i32
    %dma_start3A_43 = arith.constant 0 : i32
    %dma_start3A_44 = tpu.memref_slice %arg6[%dma_start3A_43, %mul3A_42] : memref<1x500000xf32, #tpu.memory_space<hbm>> -> memref<1x4000xf32, #tpu.memory_space<hbm>>
    %dma_start3A_45 = tpu.memref_squeeze %dma_start3A_44 : memref<1x4000xf32, #tpu.memory_space<hbm>> -> memref<4000xf32, #tpu.memory_space<hbm>>
    %dma_start3A_46 = tpu.memref_slice %arg6[%dma_start3A_43, %mul3A_42] : memref<1x500000xf32, #tpu.memory_space<hbm>> -> memref<1x4000xf32, #tpu.memory_space<hbm>>
    %dma_start3A_47 = tpu.memref_squeeze %dma_start3A_46 : memref<1x4000xf32, #tpu.memory_space<hbm>> -> memref<4000xf32, #tpu.memory_space<hbm>>
    tpu.enqueue_dma source(%arg13 : memref<4000xf32, #tpu.memory_space<vmem>>) target(%dma_start3A_47 : memref<4000xf32, #tpu.memory_space<hbm>>) target_semaphore(%arg17 : memref<!tpu.dma_semaphore, #tpu.memory_space<semaphore_mem>>)
    %add3A_48 = arith.constant 64 : i32
    %add3A_49 = arith.addi %add3A, %add3A_48 : i32
    %mul3A_50 = arith.constant 4000 : i32
    %mul3A_51 = arith.muli %add3A_49, %mul3A_50 : i32
    %add3A_52 = arith.constant 1000000 : i32
    %add3A_53 = arith.addi %add3A_52, %mul3A_51 : i32
    %dma_start3A_54 = tpu.memref_slice %arg3[%add3A_53] : memref<2000000xi32, #tpu.memory_space<hbm>> -> memref<4000xi32, #tpu.memory_space<hbm>>
    %dma_start3A_55 = tpu.memref_slice %arg3[%add3A_53] : memref<2000000xi32, #tpu.memory_space<hbm>> -> memref<4000xi32, #tpu.memory_space<hbm>>
    tpu.enqueue_dma source(%dma_start3A_55 : memref<4000xi32, #tpu.memory_space<hbm>>) target(%arg11 : memref<4000xi32, #tpu.memory_space<vmem>>) target_semaphore(%arg15 : memref<!tpu.dma_semaphore, #tpu.memory_space<semaphore_mem>>)
    %dma_start3A_56 = arith.constant 0 : i32
    %dma_start3A_57 = tpu.memref_slice %arg2[%dma_start3A_56, %mul3A_51] : memref<1x500000xf32, #tpu.memory_space<hbm>> -> memref<1x4000xf32, #tpu.memory_space<hbm>>
    %dma_start3A_58 = tpu.memref_squeeze %dma_start3A_57 : memref<1x4000xf32, #tpu.memory_space<hbm>> -> memref<4000xf32, #tpu.memory_space<hbm>>
    %dma_start3A_59 = tpu.memref_slice %arg2[%dma_start3A_56, %mul3A_51] : memref<1x500000xf32, #tpu.memory_space<hbm>> -> memref<1x4000xf32, #tpu.memory_space<hbm>>
    %dma_start3A_60 = tpu.memref_squeeze %dma_start3A_59 : memref<1x4000xf32, #tpu.memory_space<hbm>> -> memref<4000xf32, #tpu.memory_space<hbm>>
    tpu.enqueue_dma source(%dma_start3A_60 : memref<4000xf32, #tpu.memory_space<hbm>>) target(%arg9 : memref<4000xf32, #tpu.memory_space<vmem>>) target_semaphore(%arg15 : memref<!tpu.dma_semaphore, #tpu.memory_space<semaphore_mem>>)
    %dma_wait3A_61 = arith.constant 0 : i32
    %dma_wait3A_62 = tpu.memref_slice %arg3[%dma_wait3A_61] : memref<2000000xi32, #tpu.memory_space<hbm>> -> memref<4000xi32, #tpu.memory_space<hbm>>
    %dma_wait3A_63 = arith.constant 0 : i32
    %dma_wait3A_64 = tpu.memref_slice %arg3[%dma_wait3A_63] : memref<2000000xi32, #tpu.memory_space<hbm>> -> memref<4000xi32, #tpu.memory_space<hbm>>
    tpu.wait_dma2 semaphore(%arg16 : memref<!tpu.dma_semaphore, #tpu.memory_space<semaphore_mem>>) src(%dma_wait3A_64 : memref<4000xi32, #tpu.memory_space<hbm>>) dst(%arg12 : memref<4000xi32, #tpu.memory_space<vmem>>)
    %dma_wait3A_65 = arith.constant 0 : i32
    %dma_wait3A_66 = arith.constant 0 : i32
    %dma_wait3A_67 = tpu.memref_slice %arg2[%dma_wait3A_65, %dma_wait3A_66] : memref<1x500000xf32, #tpu.memory_space<hbm>> -> memref<1x4000xf32, #tpu.memory_space<hbm>>
    %dma_wait3A_68 = tpu.memref_squeeze %dma_wait3A_67 : memref<1x4000xf32, #tpu.memory_space<hbm>> -> memref<4000xf32, #tpu.memory_space<hbm>>
    %dma_wait3A_69 = arith.constant 0 : i32
    %dma_wait3A_70 = tpu.memref_slice %arg2[%dma_wait3A_65, %dma_wait3A_69] : memref<1x500000xf32, #tpu.memory_space<hbm>> -> memref<1x4000xf32, #tpu.memory_space<hbm>>
    %dma_wait3A_71 = tpu.memref_squeeze %dma_wait3A_70 : memref<1x4000xf32, #tpu.memory_space<hbm>> -> memref<4000xf32, #tpu.memory_space<hbm>>
    tpu.wait_dma2 semaphore(%arg16 : memref<!tpu.dma_semaphore, #tpu.memory_space<semaphore_mem>>) src(%dma_wait3A_71 : memref<4000xf32, #tpu.memory_space<hbm>>) dst(%arg10 : memref<4000xf32, #tpu.memory_space<vmem>>)
    %parallel_loop3A_72 = arith.constant 0 : i32
    %parallel_loop3A_73 = arith.constant 4000 : i32
    %parallel_loop3A_74 = arith.constant 16 : i32
    scf.for %parallel_loop3A_135 = %parallel_loop3A_72 to %parallel_loop3A_73 step %parallel_loop3A_74  : i32 {
      %parallel_loop3A_136 = arith.index_cast %parallel_loop3A_135 : i32 to index
      %parallel_loop3A_137 = tpu.vector_load %arg12[%parallel_loop3A_136] {strides = array<i32>} : memref<4000xi32, #tpu.memory_space<vmem>>, vector<16xi32>,
      %parallel_loop3A_138 = arith.index_cast %parallel_loop3A_135 : i32 to index
      %parallel_loop3A_139 = tpu.vector_load %arg10[%parallel_loop3A_138] {strides = array<i32>} : memref<4000xf32, #tpu.memory_space<vmem>>, vector<16xf32>,
      %parallel_loop3A_140 = tpu.vector_load_idx %arg7[%parallel_loop3A_137] : memref<119xf32, #tpu.memory_space<vmem>>[vector<16xi32>], vector<16xf32>,
      %parallel_loop3A_141 = tpu.vector_load_idx %arg8[%parallel_loop3A_137] : memref<119xf32, #tpu.memory_space<vmem>>[vector<16xi32>], vector<16xf32>,
      %parallel_loop3A_142 = arith.mulf %parallel_loop3A_140, %parallel_loop3A_139 : vector<16xf32>
      %parallel_loop3A_143 = arith.addf %parallel_loop3A_142, %parallel_loop3A_141 : vector<16xf32>
      %parallel_loop3A_144 = arith.index_cast %parallel_loop3A_135 : i32 to index
      %parallel_loop3A_145 = tpu.vector_load %arg14[%parallel_loop3A_144] {strides = array<i32>} : memref<4000xf32, #tpu.memory_space<vmem>>, vector<16xf32>,
      tpu.vector_store %arg14[%parallel_loop3A_144], %parallel_loop3A_143 {strides = array<i32>} : memref<4000xf32, #tpu.memory_space<vmem>>, vector<16xf32>,
    } {sc.loop_unroll_factor = 4 : i64, sc.parallel_access}
    %add3A_75 = arith.constant 32 : i32
    %add3A_76 = arith.addi %add3A, %add3A_75 : i32
    %mul3A_77 = arith.constant 4000 : i32
    %mul3A_78 = arith.muli %add3A_76, %mul3A_77 : i32
    %dma_start3A_79 = arith.constant 0 : i32
    %dma_start3A_80 = tpu.memref_slice %arg6[%dma_start3A_79, %mul3A_78] : memref<1x500000xf32, #tpu.memory_space<hbm>> -> memref<1x4000xf32, #tpu.memory_space<hbm>>
    %dma_start3A_81 = tpu.memref_squeeze %dma_start3A_80 : memref<1x4000xf32, #tpu.memory_space<hbm>> -> memref<4000xf32, #tpu.memory_space<hbm>>
    %dma_start3A_82 = tpu.memref_slice %arg6[%dma_start3A_79, %mul3A_78] : memref<1x500000xf32, #tpu.memory_space<hbm>> -> memref<1x4000xf32, #tpu.memory_space<hbm>>
    %dma_start3A_83 = tpu.memref_squeeze %dma_start3A_82 : memref<1x4000xf32, #tpu.memory_space<hbm>> -> memref<4000xf32, #tpu.memory_space<hbm>>
    tpu.enqueue_dma source(%arg14 : memref<4000xf32, #tpu.memory_space<vmem>>) target(%dma_start3A_83 : memref<4000xf32, #tpu.memory_space<hbm>>) target_semaphore(%arg18 : memref<!tpu.dma_semaphore, #tpu.memory_space<semaphore_mem>>)
    %lt3A = arith.constant 29 : i32
    %lt3A_84 = arith.cmpi slt, %add3A, %lt3A : i32
    %convert_element_type3A = arith.extui %lt3A_84 : i1 to i32
    %cond3A = arith.constant 0 : i32
    %cond3A_85 = arith.cmpi ne, %convert_element_type3A, %cond3A : i32
    scf.if %cond3A_85 {
      %add3A_135 = arith.constant 96 : i32
      %add3A_136 = arith.addi %add3A, %add3A_135 : i32
      %mul3A_137 = arith.constant 4000 : i32
      %mul3A_138 = arith.muli %add3A_136, %mul3A_137 : i32
      %add3A_139 = arith.constant 1000000 : i32
      %add3A_140 = arith.addi %add3A_139, %mul3A_138 : i32
      %dma_start3A_141 = tpu.memref_slice %arg3[%add3A_140] : memref<2000000xi32, #tpu.memory_space<hbm>> -> memref<4000xi32, #tpu.memory_space<hbm>>
      %dma_start3A_142 = tpu.memref_slice %arg3[%add3A_140] : memref<2000000xi32, #tpu.memory_space<hbm>> -> memref<4000xi32, #tpu.memory_space<hbm>>
      tpu.enqueue_dma source(%dma_start3A_142 : memref<4000xi32, #tpu.memory_space<hbm>>) target(%arg12 : memref<4000xi32, #tpu.memory_space<vmem>>) target_semaphore(%arg16 : memref<!tpu.dma_semaphore, #tpu.memory_space<semaphore_mem>>)
      %dma_start3A_143 = arith.constant 0 : i32
      %dma_start3A_144 = tpu.memref_slice %arg2[%dma_start3A_143, %mul3A_138] : memref<1x500000xf32, #tpu.memory_space<hbm>> -> memref<1x4000xf32, #tpu.memory_space<hbm>>
      %dma_start3A_145 = tpu.memref_squeeze %dma_start3A_144 : memref<1x4000xf32, #tpu.memory_space<hbm>> -> memref<4000xf32, #tpu.memory_space<hbm>>
      %dma_start3A_146 = tpu.memref_slice %arg2[%dma_start3A_143, %mul3A_138] : memref<1x500000xf32, #tpu.memory_space<hbm>> -> memref<1x4000xf32, #tpu.memory_space<hbm>>
      %dma_start3A_147 = tpu.memref_squeeze %dma_start3A_146 : memref<1x4000xf32, #tpu.memory_space<hbm>> -> memref<4000xf32, #tpu.memory_space<hbm>>
      tpu.enqueue_dma source(%dma_start3A_147 : memref<4000xf32, #tpu.memory_space<hbm>>) target(%arg10 : memref<4000xf32, #tpu.memory_space<vmem>>) target_semaphore(%arg16 : memref<!tpu.dma_semaphore, #tpu.memory_space<semaphore_mem>>)
    } else {
    }
    %dma_wait3A_86 = arith.constant 0 : i32
    %dma_wait3A_87 = tpu.memref_slice %arg3[%dma_wait3A_86] : memref<2000000xi32, #tpu.memory_space<hbm>> -> memref<4000xi32, #tpu.memory_space<hbm>>
    %dma_wait3A_88 = arith.constant 0 : i32
    %dma_wait3A_89 = tpu.memref_slice %arg3[%dma_wait3A_88] : memref<2000000xi32, #tpu.memory_space<hbm>> -> memref<4000xi32, #tpu.memory_space<hbm>>
    tpu.wait_dma2 semaphore(%arg15 : memref<!tpu.dma_semaphore, #tpu.memory_space<semaphore_mem>>) src(%dma_wait3A_89 : memref<4000xi32, #tpu.memory_space<hbm>>) dst(%arg11 : memref<4000xi32, #tpu.memory_space<vmem>>)
    %dma_wait3A_90 = arith.constant 0 : i32
    %dma_wait3A_91 = arith.constant 0 : i32
    %dma_wait3A_92 = tpu.memref_slice %arg2[%dma_wait3A_90, %dma_wait3A_91] : memref<1x500000xf32, #tpu.memory_space<hbm>> -> memref<1x4000xf32, #tpu.memory_space<hbm>>
    %dma_wait3A_93 = tpu.memref_squeeze %dma_wait3A_92 : memref<1x4000xf32, #tpu.memory_space<hbm>> -> memref<4000xf32, #tpu.memory_space<hbm>>
    %dma_wait3A_94 = arith.constant 0 : i32
    %dma_wait3A_95 = tpu.memref_slice %arg2[%dma_wait3A_90, %dma_wait3A_94] : memref<1x500000xf32, #tpu.memory_space<hbm>> -> memref<1x4000xf32, #tpu.memory_space<hbm>>
    %dma_wait3A_96 = tpu.memref_squeeze %dma_wait3A_95 : memref<1x4000xf32, #tpu.memory_space<hbm>> -> memref<4000xf32, #tpu.memory_space<hbm>>
    tpu.wait_dma2 semaphore(%arg15 : memref<!tpu.dma_semaphore, #tpu.memory_space<semaphore_mem>>) src(%dma_wait3A_96 : memref<4000xf32, #tpu.memory_space<hbm>>) dst(%arg9 : memref<4000xf32, #tpu.memory_space<vmem>>)
    %dma_wait3A_97 = arith.constant 0 : i32
    %dma_wait3A_98 = arith.constant 0 : i32
    %dma_wait3A_99 = tpu.memref_slice %arg6[%dma_wait3A_97, %dma_wait3A_98] : memref<1x500000xf32, #tpu.memory_space<hbm>> -> memref<1x4000xf32, #tpu.memory_space<hbm>>
    %dma_wait3A_100 = tpu.memref_squeeze %dma_wait3A_99 : memref<1x4000xf32, #tpu.memory_space<hbm>> -> memref<4000xf32, #tpu.memory_space<hbm>>
    %dma_wait3A_101 = arith.constant 0 : i32
    %dma_wait3A_102 = tpu.memref_slice %arg6[%dma_wait3A_97, %dma_wait3A_101] : memref<1x500000xf32, #tpu.memory_space<hbm>> -> memref<1x4000xf32, #tpu.memory_space<hbm>>
    %dma_wait3A_103 = tpu.memref_squeeze %dma_wait3A_102 : memref<1x4000xf32, #tpu.memory_space<hbm>> -> memref<4000xf32, #tpu.memory_space<hbm>>
    tpu.wait_dma2 semaphore(%arg17 : memref<!tpu.dma_semaphore, #tpu.memory_space<semaphore_mem>>) src(%arg13 : memref<4000xf32, #tpu.memory_space<vmem>>) dst(%dma_wait3A_103 : memref<4000xf32, #tpu.memory_space<hbm>>)
    %parallel_loop3A_104 = arith.constant 0 : i32
    %parallel_loop3A_105 = arith.constant 4000 : i32
    %parallel_loop3A_106 = arith.constant 16 : i32
    scf.for %parallel_loop3A_135 = %parallel_loop3A_104 to %parallel_loop3A_105 step %parallel_loop3A_106  : i32 {
      %parallel_loop3A_136 = arith.index_cast %parallel_loop3A_135 : i32 to index
      %parallel_loop3A_137 = tpu.vector_load %arg11[%parallel_loop3A_136] {strides = array<i32>} : memref<4000xi32, #tpu.memory_space<vmem>>, vector<16xi32>,
      %parallel_loop3A_138 = arith.index_cast %parallel_loop3A_135 : i32 to index
      %parallel_loop3A_139 = tpu.vector_load %arg9[%parallel_loop3A_138] {strides = array<i32>} : memref<4000xf32, #tpu.memory_space<vmem>>, vector<16xf32>,
      %parallel_loop3A_140 = tpu.vector_load_idx %arg7[%parallel_loop3A_137] : memref<119xf32, #tpu.memory_space<vmem>>[vector<16xi32>], vector<16xf32>,
      %parallel_loop3A_141 = tpu.vector_load_idx %arg8[%parallel_loop3A_137] : memref<119xf32, #tpu.memory_space<vmem>>[vector<16xi32>], vector<16xf32>,
      %parallel_loop3A_142 = arith.mulf %parallel_loop3A_140, %parallel_loop3A_139 : vector<16xf32>
      %parallel_loop3A_143 = arith.addf %parallel_loop3A_142, %parallel_loop3A_141 : vector<16xf32>
      %parallel_loop3A_144 = arith.index_cast %parallel_loop3A_135 : i32 to index
      %parallel_loop3A_145 = tpu.vector_load %arg13[%parallel_loop3A_144] {strides = array<i32>} : memref<4000xf32, #tpu.memory_space<vmem>>, vector<16xf32>,
      tpu.vector_store %arg13[%parallel_loop3A_144], %parallel_loop3A_143 {strides = array<i32>} : memref<4000xf32, #tpu.memory_space<vmem>>, vector<16xf32>,
    } {sc.loop_unroll_factor = 4 : i64, sc.parallel_access}
    %add3A_107 = arith.constant 64 : i32
    %add3A_108 = arith.addi %add3A, %add3A_107 : i32
    %mul3A_109 = arith.constant 4000 : i32
    %mul3A_110 = arith.muli %add3A_108, %mul3A_109 : i32
    %dma_start3A_111 = arith.constant 0 : i32
    %dma_start3A_112 = tpu.memref_slice %arg6[%dma_start3A_111, %mul3A_110] : memref<1x500000xf32, #tpu.memory_space<hbm>> -> memref<1x4000xf32, #tpu.memory_space<hbm>>
    %dma_start3A_113 = tpu.memref_squeeze %dma_start3A_112 : memref<1x4000xf32, #tpu.memory_space<hbm>> -> memref<4000xf32, #tpu.memory_space<hbm>>
    %dma_start3A_114 = tpu.memref_slice %arg6[%dma_start3A_111, %mul3A_110] : memref<1x500000xf32, #tpu.memory_space<hbm>> -> memref<1x4000xf32, #tpu.memory_space<hbm>>
    %dma_start3A_115 = tpu.memref_squeeze %dma_start3A_114 : memref<1x4000xf32, #tpu.memory_space<hbm>> -> memref<4000xf32, #tpu.memory_space<hbm>>
    tpu.enqueue_dma source(%arg13 : memref<4000xf32, #tpu.memory_space<vmem>>) target(%dma_start3A_115 : memref<4000xf32, #tpu.memory_space<hbm>>) target_semaphore(%arg17 : memref<!tpu.dma_semaphore, #tpu.memory_space<semaphore_mem>>)
    %lt3A_116 = arith.constant 29 : i32
    %lt3A_117 = arith.cmpi slt, %add3A, %lt3A_116 : i32
    %convert_element_type3A_118 = arith.extui %lt3A_117 : i1 to i32
    %cond3A_119 = arith.constant 0 : i32
    %cond3A_120 = arith.cmpi ne, %convert_element_type3A_118, %cond3A_119 : i32
    scf.if %cond3A_120 {
      %dma_wait3A_135 = arith.constant 0 : i32
      %dma_wait3A_136 = tpu.memref_slice %arg3[%dma_wait3A_135] : memref<2000000xi32, #tpu.memory_space<hbm>> -> memref<4000xi32, #tpu.memory_space<hbm>>
      %dma_wait3A_137 = arith.constant 0 : i32
      %dma_wait3A_138 = tpu.memref_slice %arg3[%dma_wait3A_137] : memref<2000000xi32, #tpu.memory_space<hbm>> -> memref<4000xi32, #tpu.memory_space<hbm>>
      tpu.wait_dma2 semaphore(%arg16 : memref<!tpu.dma_semaphore, #tpu.memory_space<semaphore_mem>>) src(%dma_wait3A_138 : memref<4000xi32, #tpu.memory_space<hbm>>) dst(%arg12 : memref<4000xi32, #tpu.memory_space<vmem>>)
      %dma_wait3A_139 = arith.constant 0 : i32
      %dma_wait3A_140 = arith.constant 0 : i32
      %dma_wait3A_141 = tpu.memref_slice %arg2[%dma_wait3A_139, %dma_wait3A_140] : memref<1x500000xf32, #tpu.memory_space<hbm>> -> memref<1x4000xf32, #tpu.memory_space<hbm>>
      %dma_wait3A_142 = tpu.memref_squeeze %dma_wait3A_141 : memref<1x4000xf32, #tpu.memory_space<hbm>> -> memref<4000xf32, #tpu.memory_space<hbm>>
      %dma_wait3A_143 = arith.constant 0 : i32
      %dma_wait3A_144 = tpu.memref_slice %arg2[%dma_wait3A_139, %dma_wait3A_143] : memref<1x500000xf32, #tpu.memory_space<hbm>> -> memref<1x4000xf32, #tpu.memory_space<hbm>>
      %dma_wait3A_145 = tpu.memref_squeeze %dma_wait3A_144 : memref<1x4000xf32, #tpu.memory_space<hbm>> -> memref<4000xf32, #tpu.memory_space<hbm>>
      tpu.wait_dma2 semaphore(%arg16 : memref<!tpu.dma_semaphore, #tpu.memory_space<semaphore_mem>>) src(%dma_wait3A_145 : memref<4000xf32, #tpu.memory_space<hbm>>) dst(%arg10 : memref<4000xf32, #tpu.memory_space<vmem>>)
      %dma_wait3A_146 = arith.constant 0 : i32
      %dma_wait3A_147 = arith.constant 0 : i32
      %dma_wait3A_148 = tpu.memref_slice %arg6[%dma_wait3A_146, %dma_wait3A_147] : memref<1x500000xf32, #tpu.memory_space<hbm>> -> memref<1x4000xf32, #tpu.memory_space<hbm>>
      %dma_wait3A_149 = tpu.memref_squeeze %dma_wait3A_148 : memref<1x4000xf32, #tpu.memory_space<hbm>> -> memref<4000xf32, #tpu.memory_space<hbm>>
      %dma_wait3A_150 = arith.constant 0 : i32
      %dma_wait3A_151 = tpu.memref_slice %arg6[%dma_wait3A_146, %dma_wait3A_150] : memref<1x500000xf32, #tpu.memory_space<hbm>> -> memref<1x4000xf32, #tpu.memory_space<hbm>>
      %dma_wait3A_152 = tpu.memref_squeeze %dma_wait3A_151 : memref<1x4000xf32, #tpu.memory_space<hbm>> -> memref<4000xf32, #tpu.memory_space<hbm>>
      tpu.wait_dma2 semaphore(%arg18 : memref<!tpu.dma_semaphore, #tpu.memory_space<semaphore_mem>>) src(%arg14 : memref<4000xf32, #tpu.memory_space<vmem>>) dst(%dma_wait3A_152 : memref<4000xf32, #tpu.memory_space<hbm>>)
      %parallel_loop3A_153 = arith.constant 0 : i32
      %parallel_loop3A_154 = arith.constant 4000 : i32
      %parallel_loop3A_155 = arith.constant 16 : i32
      scf.for %parallel_loop3A_165 = %parallel_loop3A_153 to %parallel_loop3A_154 step %parallel_loop3A_155  : i32 {
        %parallel_loop3A_166 = arith.index_cast %parallel_loop3A_165 : i32 to index
        %parallel_loop3A_167 = tpu.vector_load %arg12[%parallel_loop3A_166] {strides = array<i32>} : memref<4000xi32, #tpu.memory_space<vmem>>, vector<16xi32>,
        %parallel_loop3A_168 = arith.index_cast %parallel_loop3A_165 : i32 to index
        %parallel_loop3A_169 = tpu.vector_load %arg10[%parallel_loop3A_168] {strides = array<i32>} : memref<4000xf32, #tpu.memory_space<vmem>>, vector<16xf32>,
        %parallel_loop3A_170 = tpu.vector_load_idx %arg7[%parallel_loop3A_167] : memref<119xf32, #tpu.memory_space<vmem>>[vector<16xi32>], vector<16xf32>,
        %parallel_loop3A_171 = tpu.vector_load_idx %arg8[%parallel_loop3A_167] : memref<119xf32, #tpu.memory_space<vmem>>[vector<16xi32>], vector<16xf32>,
        %parallel_loop3A_172 = arith.mulf %parallel_loop3A_170, %parallel_loop3A_169 : vector<16xf32>
        %parallel_loop3A_173 = arith.addf %parallel_loop3A_172, %parallel_loop3A_171 : vector<16xf32>
        %parallel_loop3A_174 = arith.index_cast %parallel_loop3A_165 : i32 to index
        %parallel_loop3A_175 = tpu.vector_load %arg14[%parallel_loop3A_174] {strides = array<i32>} : memref<4000xf32, #tpu.memory_space<vmem>>, vector<16xf32>,
        tpu.vector_store %arg14[%parallel_loop3A_174], %parallel_loop3A_173 {strides = array<i32>} : memref<4000xf32, #tpu.memory_space<vmem>>, vector<16xf32>,
      } {sc.loop_unroll_factor = 4 : i64, sc.parallel_access}
      %add3A_156 = arith.constant 96 : i32
      %add3A_157 = arith.addi %add3A, %add3A_156 : i32
      %mul3A_158 = arith.constant 4000 : i32
      %mul3A_159 = arith.muli %add3A_157, %mul3A_158 : i32
      %dma_start3A_160 = arith.constant 0 : i32
      %dma_start3A_161 = tpu.memref_slice %arg6[%dma_start3A_160, %mul3A_159] : memref<1x500000xf32, #tpu.memory_space<hbm>> -> memref<1x4000xf32, #tpu.memory_space<hbm>>
      %dma_start3A_162 = tpu.memref_squeeze %dma_start3A_161 : memref<1x4000xf32, #tpu.memory_space<hbm>> -> memref<4000xf32, #tpu.memory_space<hbm>>
      %dma_start3A_163 = tpu.memref_slice %arg6[%dma_start3A_160, %mul3A_159] : memref<1x500000xf32, #tpu.memory_space<hbm>> -> memref<1x4000xf32, #tpu.memory_space<hbm>>
      %dma_start3A_164 = tpu.memref_squeeze %dma_start3A_163 : memref<1x4000xf32, #tpu.memory_space<hbm>> -> memref<4000xf32, #tpu.memory_space<hbm>>
      tpu.enqueue_dma source(%arg14 : memref<4000xf32, #tpu.memory_space<vmem>>) target(%dma_start3A_164 : memref<4000xf32, #tpu.memory_space<hbm>>) target_semaphore(%arg18 : memref<!tpu.dma_semaphore, #tpu.memory_space<semaphore_mem>>)
    } else {
    }
    %dma_wait3A_121 = arith.constant 0 : i32
    %dma_wait3A_122 = arith.constant 0 : i32
    %dma_wait3A_123 = tpu.memref_slice %arg6[%dma_wait3A_121, %dma_wait3A_122] : memref<1x500000xf32, #tpu.memory_space<hbm>> -> memref<1x4000xf32, #tpu.memory_space<hbm>>
    %dma_wait3A_124 = tpu.memref_squeeze %dma_wait3A_123 : memref<1x4000xf32, #tpu.memory_space<hbm>> -> memref<4000xf32, #tpu.memory_space<hbm>>
    %dma_wait3A_125 = arith.constant 0 : i32
    %dma_wait3A_126 = tpu.memref_slice %arg6[%dma_wait3A_121, %dma_wait3A_125] : memref<1x500000xf32, #tpu.memory_space<hbm>> -> memref<1x4000xf32, #tpu.memory_space<hbm>>
    %dma_wait3A_127 = tpu.memref_squeeze %dma_wait3A_126 : memref<1x4000xf32, #tpu.memory_space<hbm>> -> memref<4000xf32, #tpu.memory_space<hbm>>
    tpu.wait_dma2 semaphore(%arg17 : memref<!tpu.dma_semaphore, #tpu.memory_space<semaphore_mem>>) src(%arg13 : memref<4000xf32, #tpu.memory_space<vmem>>) dst(%dma_wait3A_127 : memref<4000xf32, #tpu.memory_space<hbm>>)
    %dma_wait3A_128 = arith.constant 0 : i32
    %dma_wait3A_129 = arith.constant 0 : i32
    %dma_wait3A_130 = tpu.memref_slice %arg6[%dma_wait3A_128, %dma_wait3A_129] : memref<1x500000xf32, #tpu.memory_space<hbm>> -> memref<1x4000xf32, #tpu.memory_space<hbm>>
    %dma_wait3A_131 = tpu.memref_squeeze %dma_wait3A_130 : memref<1x4000xf32, #tpu.memory_space<hbm>> -> memref<4000xf32, #tpu.memory_space<hbm>>
    %dma_wait3A_132 = arith.constant 0 : i32
    %dma_wait3A_133 = tpu.memref_slice %arg6[%dma_wait3A_128, %dma_wait3A_132] : memref<1x500000xf32, #tpu.memory_space<hbm>> -> memref<1x4000xf32, #tpu.memory_space<hbm>>
    %dma_wait3A_134 = tpu.memref_squeeze %dma_wait3A_133 : memref<1x4000xf32, #tpu.memory_space<hbm>> -> memref<4000xf32, #tpu.memory_space<hbm>>
    tpu.wait_dma2 semaphore(%arg18 : memref<!tpu.dma_semaphore, #tpu.memory_space<semaphore_mem>>) src(%arg14 : memref<4000xf32, #tpu.memory_space<vmem>>) dst(%dma_wait3A_134 : memref<4000xf32, #tpu.memory_space<hbm>>)
    return
  }
}

#map = affine_map<(d0, d1) -> (0, 0)>
#map1 = affine_map<(d0, d1) -> (0)>
module attributes {stable_mosaic.version = 14 : i64} {
  func.func @sc_kernel(%arg0: i32, %arg1: i32, %arg2: memref<1x500000xf32, #tpu.memory_space<hbm>>, %arg3: memref<2000000xi32, #tpu.memory_space<hbm>>, %arg4: memref<1x119xf32, #tpu.memory_space<hbm>>, %arg5: memref<1x119xf32, #tpu.memory_space<hbm>>, %arg6: memref<1x500000xf32, #tpu.memory_space<hbm>>, %arg7: memref<119xf32, #tpu.memory_space<vmem>>, %arg8: memref<119xf32, #tpu.memory_space<vmem>>, %arg9: memref<4000xf32, #tpu.memory_space<vmem>>, %arg10: memref<4000xf32, #tpu.memory_space<vmem>>, %arg11: memref<4000xi32, #tpu.memory_space<vmem>>, %arg12: memref<4000xi32, #tpu.memory_space<vmem>>, %arg13: memref<4000xf32, #tpu.memory_space<vmem>>, %arg14: memref<4000xf32, #tpu.memory_space<vmem>>, %arg15: memref<!tpu.dma_semaphore, #tpu.memory_space<semaphore_mem>>, %arg16: memref<!tpu.dma_semaphore, #tpu.memory_space<semaphore_mem>>, %arg17: memref<!tpu.dma_semaphore, #tpu.memory_space<semaphore_mem>>, %arg18: memref<!tpu.dma_semaphore, #tpu.memory_space<semaphore_mem>>) attributes {dimension_semantics = [#tpu.dimension_semantics<core_parallel>, #tpu.dimension_semantics<subcore_parallel>], iteration_bounds = array<i64: 2, 16>, scalar_prefetch = 0 : i64, scratch_operands = 12 : i64, tpu.core_type = #tpu.core_type<sc_vector_subcore>, window_params = [{transform_indices = #map}, {transform_indices = #map1}, {transform_indices = #map}, {transform_indices = #map}, {transform_indices = #map}]} {
    %mul3A = arith.constant 2 : i32
    %mul3A_0 = arith.muli %arg1, %mul3A : i32
    %add3A = arith.addi %mul3A_0, %arg0 : i32
    %run_scoped3A = arith.constant 0 : i32
    "tpu.region"() ({
      %run_scoped3A_135 = tpu.sem_alloc : memref<!tpu.dma_semaphore, #tpu.memory_space<semaphore_mem>>
      %dma_start3A_136 = arith.constant 0 : i32
      %dma_start3A_137 = tpu.memref_slice %arg4[%run_scoped3A, %dma_start3A_136] : memref<1x119xf32, #tpu.memory_space<hbm>> -> memref<1x119xf32, #tpu.memory_space<hbm>>
      %dma_start3A_138 = tpu.memref_squeeze %dma_start3A_137 : memref<1x119xf32, #tpu.memory_space<hbm>> -> memref<119xf32, #tpu.memory_space<hbm>>
      %dma_start3A_139 = arith.constant 0 : i32
      %dma_start3A_140 = tpu.memref_slice %arg4[%run_scoped3A, %dma_start3A_139] : memref<1x119xf32, #tpu.memory_space<hbm>> -> memref<1x119xf32, #tpu.memory_space<hbm>>
      %dma_start3A_141 = tpu.memref_squeeze %dma_start3A_140 : memref<1x119xf32, #tpu.memory_space<hbm>> -> memref<119xf32, #tpu.memory_space<hbm>>
      tpu.enqueue_dma source(%dma_start3A_141 : memref<119xf32, #tpu.memory_space<hbm>>) target(%arg7 : memref<119xf32, #tpu.memory_space<vmem>>) target_semaphore(%run_scoped3A_135 : memref<!tpu.dma_semaphore, #tpu.memory_space<semaphore_mem>>)
      %dma_wait3A_142 = arith.constant 0 : i32
      %dma_wait3A_143 = tpu.memref_slice %arg4[%run_scoped3A, %dma_wait3A_142] : memref<1x119xf32, #tpu.memory_space<hbm>> -> memref<1x119xf32, #tpu.memory_space<hbm>>
      %dma_wait3A_144 = tpu.memref_squeeze %dma_wait3A_143 : memref<1x119xf32, #tpu.memory_space<hbm>> -> memref<119xf32, #tpu.memory_space<hbm>>
      %dma_wait3A_145 = arith.constant 0 : i32
      %dma_wait3A_146 = tpu.memref_slice %arg4[%run_scoped3A, %dma_wait3A_145] : memref<1x119xf32, #tpu.memory_space<hbm>> -> memref<1x119xf32, #tpu.memory_space<hbm>>
      %dma_wait3A_147 = tpu.memref_squeeze %dma_wait3A_146 : memref<1x119xf32, #tpu.memory_space<hbm>> -> memref<119xf32, #tpu.memory_space<hbm>>
      tpu.wait_dma2 semaphore(%run_scoped3A_135 : memref<!tpu.dma_semaphore, #tpu.memory_space<semaphore_mem>>) src(%dma_wait3A_147 : memref<119xf32, #tpu.memory_space<hbm>>) dst(%arg7 : memref<119xf32, #tpu.memory_space<vmem>>)
      tpu.yield
    }) : () -> ()
    %run_scoped3A_1 = arith.constant 0 : i32
    "tpu.region"() ({
      %run_scoped3A_135 = tpu.sem_alloc : memref<!tpu.dma_semaphore, #tpu.memory_space<semaphore_mem>>
      %dma_start3A_136 = arith.constant 0 : i32
      %dma_start3A_137 = tpu.memref_slice %arg5[%run_scoped3A_1, %dma_start3A_136] : memref<1x119xf32, #tpu.memory_space<hbm>> -> memref<1x119xf32, #tpu.memory_space<hbm>>
      %dma_start3A_138 = tpu.memref_squeeze %dma_start3A_137 : memref<1x119xf32, #tpu.memory_space<hbm>> -> memref<119xf32, #tpu.memory_space<hbm>>
      %dma_start3A_139 = arith.constant 0 : i32
      %dma_start3A_140 = tpu.memref_slice %arg5[%run_scoped3A_1, %dma_start3A_139] : memref<1x119xf32, #tpu.memory_space<hbm>> -> memref<1x119xf32, #tpu.memory_space<hbm>>
      %dma_start3A_141 = tpu.memref_squeeze %dma_start3A_140 : memref<1x119xf32, #tpu.memory_space<hbm>> -> memref<119xf32, #tpu.memory_space<hbm>>
      tpu.enqueue_dma source(%dma_start3A_141 : memref<119xf32, #tpu.memory_space<hbm>>) target(%arg8 : memref<119xf32, #tpu.memory_space<vmem>>) target_semaphore(%run_scoped3A_135 : memref<!tpu.dma_semaphore, #tpu.memory_space<semaphore_mem>>)
      %dma_wait3A_142 = arith.constant 0 : i32
      %dma_wait3A_143 = tpu.memref_slice %arg5[%run_scoped3A_1, %dma_wait3A_142] : memref<1x119xf32, #tpu.memory_space<hbm>> -> memref<1x119xf32, #tpu.memory_space<hbm>>
      %dma_wait3A_144 = tpu.memref_squeeze %dma_wait3A_143 : memref<1x119xf32, #tpu.memory_space<hbm>> -> memref<119xf32, #tpu.memory_space<hbm>>
      %dma_wait3A_145 = arith.constant 0 : i32
      %dma_wait3A_146 = tpu.memref_slice %arg5[%run_scoped3A_1, %dma_wait3A_145] : memref<1x119xf32, #tpu.memory_space<hbm>> -> memref<1x119xf32, #tpu.memory_space<hbm>>
      %dma_wait3A_147 = tpu.memref_squeeze %dma_wait3A_146 : memref<1x119xf32, #tpu.memory_space<hbm>> -> memref<119xf32, #tpu.memory_space<hbm>>
      tpu.wait_dma2 semaphore(%run_scoped3A_135 : memref<!tpu.dma_semaphore, #tpu.memory_space<semaphore_mem>>) src(%dma_wait3A_147 : memref<119xf32, #tpu.memory_space<hbm>>) dst(%arg8 : memref<119xf32, #tpu.memory_space<vmem>>)
      tpu.yield
    }) : () -> ()
    %add3A_2 = arith.constant 0 : i32
    %add3A_3 = arith.addi %add3A, %add3A_2 : i32
    %mul3A_4 = arith.constant 4000 : i32
    %mul3A_5 = arith.muli %add3A_3, %mul3A_4 : i32
    %add3A_6 = arith.constant 1500000 : i32
    %add3A_7 = arith.addi %add3A_6, %mul3A_5 : i32
    %dma_start3A = tpu.memref_slice %arg3[%add3A_7] : memref<2000000xi32, #tpu.memory_space<hbm>> -> memref<4000xi32, #tpu.memory_space<hbm>>
    %dma_start3A_8 = tpu.memref_slice %arg3[%add3A_7] : memref<2000000xi32, #tpu.memory_space<hbm>> -> memref<4000xi32, #tpu.memory_space<hbm>>
    tpu.enqueue_dma source(%dma_start3A_8 : memref<4000xi32, #tpu.memory_space<hbm>>) target(%arg11 : memref<4000xi32, #tpu.memory_space<vmem>>) target_semaphore(%arg15 : memref<!tpu.dma_semaphore, #tpu.memory_space<semaphore_mem>>)
    %dma_start3A_9 = arith.constant 0 : i32
    %dma_start3A_10 = tpu.memref_slice %arg2[%dma_start3A_9, %mul3A_5] : memref<1x500000xf32, #tpu.memory_space<hbm>> -> memref<1x4000xf32, #tpu.memory_space<hbm>>
    %dma_start3A_11 = tpu.memref_squeeze %dma_start3A_10 : memref<1x4000xf32, #tpu.memory_space<hbm>> -> memref<4000xf32, #tpu.memory_space<hbm>>
    %dma_start3A_12 = tpu.memref_slice %arg2[%dma_start3A_9, %mul3A_5] : memref<1x500000xf32, #tpu.memory_space<hbm>> -> memref<1x4000xf32, #tpu.memory_space<hbm>>
    %dma_start3A_13 = tpu.memref_squeeze %dma_start3A_12 : memref<1x4000xf32, #tpu.memory_space<hbm>> -> memref<4000xf32, #tpu.memory_space<hbm>>
    tpu.enqueue_dma source(%dma_start3A_13 : memref<4000xf32, #tpu.memory_space<hbm>>) target(%arg9 : memref<4000xf32, #tpu.memory_space<vmem>>) target_semaphore(%arg15 : memref<!tpu.dma_semaphore, #tpu.memory_space<semaphore_mem>>)
    %add3A_14 = arith.constant 32 : i32
    %add3A_15 = arith.addi %add3A, %add3A_14 : i32
    %mul3A_16 = arith.constant 4000 : i32
    %mul3A_17 = arith.muli %add3A_15, %mul3A_16 : i32
    %add3A_18 = arith.constant 1500000 : i32
    %add3A_19 = arith.addi %add3A_18, %mul3A_17 : i32
    %dma_start3A_20 = tpu.memref_slice %arg3[%add3A_19] : memref<2000000xi32, #tpu.memory_space<hbm>> -> memref<4000xi32, #tpu.memory_space<hbm>>
    %dma_start3A_21 = tpu.memref_slice %arg3[%add3A_19] : memref<2000000xi32, #tpu.memory_space<hbm>> -> memref<4000xi32, #tpu.memory_space<hbm>>
    tpu.enqueue_dma source(%dma_start3A_21 : memref<4000xi32, #tpu.memory_space<hbm>>) target(%arg12 : memref<4000xi32, #tpu.memory_space<vmem>>) target_semaphore(%arg16 : memref<!tpu.dma_semaphore, #tpu.memory_space<semaphore_mem>>)
    %dma_start3A_22 = arith.constant 0 : i32
    %dma_start3A_23 = tpu.memref_slice %arg2[%dma_start3A_22, %mul3A_17] : memref<1x500000xf32, #tpu.memory_space<hbm>> -> memref<1x4000xf32, #tpu.memory_space<hbm>>
    %dma_start3A_24 = tpu.memref_squeeze %dma_start3A_23 : memref<1x4000xf32, #tpu.memory_space<hbm>> -> memref<4000xf32, #tpu.memory_space<hbm>>
    %dma_start3A_25 = tpu.memref_slice %arg2[%dma_start3A_22, %mul3A_17] : memref<1x500000xf32, #tpu.memory_space<hbm>> -> memref<1x4000xf32, #tpu.memory_space<hbm>>
    %dma_start3A_26 = tpu.memref_squeeze %dma_start3A_25 : memref<1x4000xf32, #tpu.memory_space<hbm>> -> memref<4000xf32, #tpu.memory_space<hbm>>
    tpu.enqueue_dma source(%dma_start3A_26 : memref<4000xf32, #tpu.memory_space<hbm>>) target(%arg10 : memref<4000xf32, #tpu.memory_space<vmem>>) target_semaphore(%arg16 : memref<!tpu.dma_semaphore, #tpu.memory_space<semaphore_mem>>)
    %dma_wait3A = arith.constant 0 : i32
    %dma_wait3A_27 = tpu.memref_slice %arg3[%dma_wait3A] : memref<2000000xi32, #tpu.memory_space<hbm>> -> memref<4000xi32, #tpu.memory_space<hbm>>
    %dma_wait3A_28 = arith.constant 0 : i32
    %dma_wait3A_29 = tpu.memref_slice %arg3[%dma_wait3A_28] : memref<2000000xi32, #tpu.memory_space<hbm>> -> memref<4000xi32, #tpu.memory_space<hbm>>
    tpu.wait_dma2 semaphore(%arg15 : memref<!tpu.dma_semaphore, #tpu.memory_space<semaphore_mem>>) src(%dma_wait3A_29 : memref<4000xi32, #tpu.memory_space<hbm>>) dst(%arg11 : memref<4000xi32, #tpu.memory_space<vmem>>)
    %dma_wait3A_30 = arith.constant 0 : i32
    %dma_wait3A_31 = arith.constant 0 : i32
    %dma_wait3A_32 = tpu.memref_slice %arg2[%dma_wait3A_30, %dma_wait3A_31] : memref<1x500000xf32, #tpu.memory_space<hbm>> -> memref<1x4000xf32, #tpu.memory_space<hbm>>
    %dma_wait3A_33 = tpu.memref_squeeze %dma_wait3A_32 : memref<1x4000xf32, #tpu.memory_space<hbm>> -> memref<4000xf32, #tpu.memory_space<hbm>>
    %dma_wait3A_34 = arith.constant 0 : i32
    %dma_wait3A_35 = tpu.memref_slice %arg2[%dma_wait3A_30, %dma_wait3A_34] : memref<1x500000xf32, #tpu.memory_space<hbm>> -> memref<1x4000xf32, #tpu.memory_space<hbm>>
    %dma_wait3A_36 = tpu.memref_squeeze %dma_wait3A_35 : memref<1x4000xf32, #tpu.memory_space<hbm>> -> memref<4000xf32, #tpu.memory_space<hbm>>
    tpu.wait_dma2 semaphore(%arg15 : memref<!tpu.dma_semaphore, #tpu.memory_space<semaphore_mem>>) src(%dma_wait3A_36 : memref<4000xf32, #tpu.memory_space<hbm>>) dst(%arg9 : memref<4000xf32, #tpu.memory_space<vmem>>)
    %parallel_loop3A = arith.constant 0 : i32
    %parallel_loop3A_37 = arith.constant 4000 : i32
    %parallel_loop3A_38 = arith.constant 16 : i32
    scf.for %parallel_loop3A_135 = %parallel_loop3A to %parallel_loop3A_37 step %parallel_loop3A_38  : i32 {
      %parallel_loop3A_136 = arith.index_cast %parallel_loop3A_135 : i32 to index
      %parallel_loop3A_137 = tpu.vector_load %arg11[%parallel_loop3A_136] {strides = array<i32>} : memref<4000xi32, #tpu.memory_space<vmem>>, vector<16xi32>,
      %parallel_loop3A_138 = arith.index_cast %parallel_loop3A_135 : i32 to index
      %parallel_loop3A_139 = tpu.vector_load %arg9[%parallel_loop3A_138] {strides = array<i32>} : memref<4000xf32, #tpu.memory_space<vmem>>, vector<16xf32>,
      %parallel_loop3A_140 = tpu.vector_load_idx %arg7[%parallel_loop3A_137] : memref<119xf32, #tpu.memory_space<vmem>>[vector<16xi32>], vector<16xf32>,
      %parallel_loop3A_141 = tpu.vector_load_idx %arg8[%parallel_loop3A_137] : memref<119xf32, #tpu.memory_space<vmem>>[vector<16xi32>], vector<16xf32>,
      %parallel_loop3A_142 = arith.mulf %parallel_loop3A_140, %parallel_loop3A_139 : vector<16xf32>
      %parallel_loop3A_143 = arith.addf %parallel_loop3A_142, %parallel_loop3A_141 : vector<16xf32>
      %parallel_loop3A_144 = arith.index_cast %parallel_loop3A_135 : i32 to index
      %parallel_loop3A_145 = tpu.vector_load %arg13[%parallel_loop3A_144] {strides = array<i32>} : memref<4000xf32, #tpu.memory_space<vmem>>, vector<16xf32>,
      tpu.vector_store %arg13[%parallel_loop3A_144], %parallel_loop3A_143 {strides = array<i32>} : memref<4000xf32, #tpu.memory_space<vmem>>, vector<16xf32>,
    } {sc.loop_unroll_factor = 4 : i64, sc.parallel_access}
    %add3A_39 = arith.constant 0 : i32
    %add3A_40 = arith.addi %add3A, %add3A_39 : i32
    %mul3A_41 = arith.constant 4000 : i32
    %mul3A_42 = arith.muli %add3A_40, %mul3A_41 : i32
    %dma_start3A_43 = arith.constant 0 : i32
    %dma_start3A_44 = tpu.memref_slice %arg6[%dma_start3A_43, %mul3A_42] : memref<1x500000xf32, #tpu.memory_space<hbm>> -> memref<1x4000xf32, #tpu.memory_space<hbm>>
    %dma_start3A_45 = tpu.memref_squeeze %dma_start3A_44 : memref<1x4000xf32, #tpu.memory_space<hbm>> -> memref<4000xf32, #tpu.memory_space<hbm>>
    %dma_start3A_46 = tpu.memref_slice %arg6[%dma_start3A_43, %mul3A_42] : memref<1x500000xf32, #tpu.memory_space<hbm>> -> memref<1x4000xf32, #tpu.memory_space<hbm>>
    %dma_start3A_47 = tpu.memref_squeeze %dma_start3A_46 : memref<1x4000xf32, #tpu.memory_space<hbm>> -> memref<4000xf32, #tpu.memory_space<hbm>>
    tpu.enqueue_dma source(%arg13 : memref<4000xf32, #tpu.memory_space<vmem>>) target(%dma_start3A_47 : memref<4000xf32, #tpu.memory_space<hbm>>) target_semaphore(%arg17 : memref<!tpu.dma_semaphore, #tpu.memory_space<semaphore_mem>>)
    %add3A_48 = arith.constant 64 : i32
    %add3A_49 = arith.addi %add3A, %add3A_48 : i32
    %mul3A_50 = arith.constant 4000 : i32
    %mul3A_51 = arith.muli %add3A_49, %mul3A_50 : i32
    %add3A_52 = arith.constant 1500000 : i32
    %add3A_53 = arith.addi %add3A_52, %mul3A_51 : i32
    %dma_start3A_54 = tpu.memref_slice %arg3[%add3A_53] : memref<2000000xi32, #tpu.memory_space<hbm>> -> memref<4000xi32, #tpu.memory_space<hbm>>
    %dma_start3A_55 = tpu.memref_slice %arg3[%add3A_53] : memref<2000000xi32, #tpu.memory_space<hbm>> -> memref<4000xi32, #tpu.memory_space<hbm>>
    tpu.enqueue_dma source(%dma_start3A_55 : memref<4000xi32, #tpu.memory_space<hbm>>) target(%arg11 : memref<4000xi32, #tpu.memory_space<vmem>>) target_semaphore(%arg15 : memref<!tpu.dma_semaphore, #tpu.memory_space<semaphore_mem>>)
    %dma_start3A_56 = arith.constant 0 : i32
    %dma_start3A_57 = tpu.memref_slice %arg2[%dma_start3A_56, %mul3A_51] : memref<1x500000xf32, #tpu.memory_space<hbm>> -> memref<1x4000xf32, #tpu.memory_space<hbm>>
    %dma_start3A_58 = tpu.memref_squeeze %dma_start3A_57 : memref<1x4000xf32, #tpu.memory_space<hbm>> -> memref<4000xf32, #tpu.memory_space<hbm>>
    %dma_start3A_59 = tpu.memref_slice %arg2[%dma_start3A_56, %mul3A_51] : memref<1x500000xf32, #tpu.memory_space<hbm>> -> memref<1x4000xf32, #tpu.memory_space<hbm>>
    %dma_start3A_60 = tpu.memref_squeeze %dma_start3A_59 : memref<1x4000xf32, #tpu.memory_space<hbm>> -> memref<4000xf32, #tpu.memory_space<hbm>>
    tpu.enqueue_dma source(%dma_start3A_60 : memref<4000xf32, #tpu.memory_space<hbm>>) target(%arg9 : memref<4000xf32, #tpu.memory_space<vmem>>) target_semaphore(%arg15 : memref<!tpu.dma_semaphore, #tpu.memory_space<semaphore_mem>>)
    %dma_wait3A_61 = arith.constant 0 : i32
    %dma_wait3A_62 = tpu.memref_slice %arg3[%dma_wait3A_61] : memref<2000000xi32, #tpu.memory_space<hbm>> -> memref<4000xi32, #tpu.memory_space<hbm>>
    %dma_wait3A_63 = arith.constant 0 : i32
    %dma_wait3A_64 = tpu.memref_slice %arg3[%dma_wait3A_63] : memref<2000000xi32, #tpu.memory_space<hbm>> -> memref<4000xi32, #tpu.memory_space<hbm>>
    tpu.wait_dma2 semaphore(%arg16 : memref<!tpu.dma_semaphore, #tpu.memory_space<semaphore_mem>>) src(%dma_wait3A_64 : memref<4000xi32, #tpu.memory_space<hbm>>) dst(%arg12 : memref<4000xi32, #tpu.memory_space<vmem>>)
    %dma_wait3A_65 = arith.constant 0 : i32
    %dma_wait3A_66 = arith.constant 0 : i32
    %dma_wait3A_67 = tpu.memref_slice %arg2[%dma_wait3A_65, %dma_wait3A_66] : memref<1x500000xf32, #tpu.memory_space<hbm>> -> memref<1x4000xf32, #tpu.memory_space<hbm>>
    %dma_wait3A_68 = tpu.memref_squeeze %dma_wait3A_67 : memref<1x4000xf32, #tpu.memory_space<hbm>> -> memref<4000xf32, #tpu.memory_space<hbm>>
    %dma_wait3A_69 = arith.constant 0 : i32
    %dma_wait3A_70 = tpu.memref_slice %arg2[%dma_wait3A_65, %dma_wait3A_69] : memref<1x500000xf32, #tpu.memory_space<hbm>> -> memref<1x4000xf32, #tpu.memory_space<hbm>>
    %dma_wait3A_71 = tpu.memref_squeeze %dma_wait3A_70 : memref<1x4000xf32, #tpu.memory_space<hbm>> -> memref<4000xf32, #tpu.memory_space<hbm>>
    tpu.wait_dma2 semaphore(%arg16 : memref<!tpu.dma_semaphore, #tpu.memory_space<semaphore_mem>>) src(%dma_wait3A_71 : memref<4000xf32, #tpu.memory_space<hbm>>) dst(%arg10 : memref<4000xf32, #tpu.memory_space<vmem>>)
    %parallel_loop3A_72 = arith.constant 0 : i32
    %parallel_loop3A_73 = arith.constant 4000 : i32
    %parallel_loop3A_74 = arith.constant 16 : i32
    scf.for %parallel_loop3A_135 = %parallel_loop3A_72 to %parallel_loop3A_73 step %parallel_loop3A_74  : i32 {
      %parallel_loop3A_136 = arith.index_cast %parallel_loop3A_135 : i32 to index
      %parallel_loop3A_137 = tpu.vector_load %arg12[%parallel_loop3A_136] {strides = array<i32>} : memref<4000xi32, #tpu.memory_space<vmem>>, vector<16xi32>,
      %parallel_loop3A_138 = arith.index_cast %parallel_loop3A_135 : i32 to index
      %parallel_loop3A_139 = tpu.vector_load %arg10[%parallel_loop3A_138] {strides = array<i32>} : memref<4000xf32, #tpu.memory_space<vmem>>, vector<16xf32>,
      %parallel_loop3A_140 = tpu.vector_load_idx %arg7[%parallel_loop3A_137] : memref<119xf32, #tpu.memory_space<vmem>>[vector<16xi32>], vector<16xf32>,
      %parallel_loop3A_141 = tpu.vector_load_idx %arg8[%parallel_loop3A_137] : memref<119xf32, #tpu.memory_space<vmem>>[vector<16xi32>], vector<16xf32>,
      %parallel_loop3A_142 = arith.mulf %parallel_loop3A_140, %parallel_loop3A_139 : vector<16xf32>
      %parallel_loop3A_143 = arith.addf %parallel_loop3A_142, %parallel_loop3A_141 : vector<16xf32>
      %parallel_loop3A_144 = arith.index_cast %parallel_loop3A_135 : i32 to index
      %parallel_loop3A_145 = tpu.vector_load %arg14[%parallel_loop3A_144] {strides = array<i32>} : memref<4000xf32, #tpu.memory_space<vmem>>, vector<16xf32>,
      tpu.vector_store %arg14[%parallel_loop3A_144], %parallel_loop3A_143 {strides = array<i32>} : memref<4000xf32, #tpu.memory_space<vmem>>, vector<16xf32>,
    } {sc.loop_unroll_factor = 4 : i64, sc.parallel_access}
    %add3A_75 = arith.constant 32 : i32
    %add3A_76 = arith.addi %add3A, %add3A_75 : i32
    %mul3A_77 = arith.constant 4000 : i32
    %mul3A_78 = arith.muli %add3A_76, %mul3A_77 : i32
    %dma_start3A_79 = arith.constant 0 : i32
    %dma_start3A_80 = tpu.memref_slice %arg6[%dma_start3A_79, %mul3A_78] : memref<1x500000xf32, #tpu.memory_space<hbm>> -> memref<1x4000xf32, #tpu.memory_space<hbm>>
    %dma_start3A_81 = tpu.memref_squeeze %dma_start3A_80 : memref<1x4000xf32, #tpu.memory_space<hbm>> -> memref<4000xf32, #tpu.memory_space<hbm>>
    %dma_start3A_82 = tpu.memref_slice %arg6[%dma_start3A_79, %mul3A_78] : memref<1x500000xf32, #tpu.memory_space<hbm>> -> memref<1x4000xf32, #tpu.memory_space<hbm>>
    %dma_start3A_83 = tpu.memref_squeeze %dma_start3A_82 : memref<1x4000xf32, #tpu.memory_space<hbm>> -> memref<4000xf32, #tpu.memory_space<hbm>>
    tpu.enqueue_dma source(%arg14 : memref<4000xf32, #tpu.memory_space<vmem>>) target(%dma_start3A_83 : memref<4000xf32, #tpu.memory_space<hbm>>) target_semaphore(%arg18 : memref<!tpu.dma_semaphore, #tpu.memory_space<semaphore_mem>>)
    %lt3A = arith.constant 29 : i32
    %lt3A_84 = arith.cmpi slt, %add3A, %lt3A : i32
    %convert_element_type3A = arith.extui %lt3A_84 : i1 to i32
    %cond3A = arith.constant 0 : i32
    %cond3A_85 = arith.cmpi ne, %convert_element_type3A, %cond3A : i32
    scf.if %cond3A_85 {
      %add3A_135 = arith.constant 96 : i32
      %add3A_136 = arith.addi %add3A, %add3A_135 : i32
      %mul3A_137 = arith.constant 4000 : i32
      %mul3A_138 = arith.muli %add3A_136, %mul3A_137 : i32
      %add3A_139 = arith.constant 1500000 : i32
      %add3A_140 = arith.addi %add3A_139, %mul3A_138 : i32
      %dma_start3A_141 = tpu.memref_slice %arg3[%add3A_140] : memref<2000000xi32, #tpu.memory_space<hbm>> -> memref<4000xi32, #tpu.memory_space<hbm>>
      %dma_start3A_142 = tpu.memref_slice %arg3[%add3A_140] : memref<2000000xi32, #tpu.memory_space<hbm>> -> memref<4000xi32, #tpu.memory_space<hbm>>
      tpu.enqueue_dma source(%dma_start3A_142 : memref<4000xi32, #tpu.memory_space<hbm>>) target(%arg12 : memref<4000xi32, #tpu.memory_space<vmem>>) target_semaphore(%arg16 : memref<!tpu.dma_semaphore, #tpu.memory_space<semaphore_mem>>)
      %dma_start3A_143 = arith.constant 0 : i32
      %dma_start3A_144 = tpu.memref_slice %arg2[%dma_start3A_143, %mul3A_138] : memref<1x500000xf32, #tpu.memory_space<hbm>> -> memref<1x4000xf32, #tpu.memory_space<hbm>>
      %dma_start3A_145 = tpu.memref_squeeze %dma_start3A_144 : memref<1x4000xf32, #tpu.memory_space<hbm>> -> memref<4000xf32, #tpu.memory_space<hbm>>
      %dma_start3A_146 = tpu.memref_slice %arg2[%dma_start3A_143, %mul3A_138] : memref<1x500000xf32, #tpu.memory_space<hbm>> -> memref<1x4000xf32, #tpu.memory_space<hbm>>
      %dma_start3A_147 = tpu.memref_squeeze %dma_start3A_146 : memref<1x4000xf32, #tpu.memory_space<hbm>> -> memref<4000xf32, #tpu.memory_space<hbm>>
      tpu.enqueue_dma source(%dma_start3A_147 : memref<4000xf32, #tpu.memory_space<hbm>>) target(%arg10 : memref<4000xf32, #tpu.memory_space<vmem>>) target_semaphore(%arg16 : memref<!tpu.dma_semaphore, #tpu.memory_space<semaphore_mem>>)
    } else {
    }
    %dma_wait3A_86 = arith.constant 0 : i32
    %dma_wait3A_87 = tpu.memref_slice %arg3[%dma_wait3A_86] : memref<2000000xi32, #tpu.memory_space<hbm>> -> memref<4000xi32, #tpu.memory_space<hbm>>
    %dma_wait3A_88 = arith.constant 0 : i32
    %dma_wait3A_89 = tpu.memref_slice %arg3[%dma_wait3A_88] : memref<2000000xi32, #tpu.memory_space<hbm>> -> memref<4000xi32, #tpu.memory_space<hbm>>
    tpu.wait_dma2 semaphore(%arg15 : memref<!tpu.dma_semaphore, #tpu.memory_space<semaphore_mem>>) src(%dma_wait3A_89 : memref<4000xi32, #tpu.memory_space<hbm>>) dst(%arg11 : memref<4000xi32, #tpu.memory_space<vmem>>)
    %dma_wait3A_90 = arith.constant 0 : i32
    %dma_wait3A_91 = arith.constant 0 : i32
    %dma_wait3A_92 = tpu.memref_slice %arg2[%dma_wait3A_90, %dma_wait3A_91] : memref<1x500000xf32, #tpu.memory_space<hbm>> -> memref<1x4000xf32, #tpu.memory_space<hbm>>
    %dma_wait3A_93 = tpu.memref_squeeze %dma_wait3A_92 : memref<1x4000xf32, #tpu.memory_space<hbm>> -> memref<4000xf32, #tpu.memory_space<hbm>>
    %dma_wait3A_94 = arith.constant 0 : i32
    %dma_wait3A_95 = tpu.memref_slice %arg2[%dma_wait3A_90, %dma_wait3A_94] : memref<1x500000xf32, #tpu.memory_space<hbm>> -> memref<1x4000xf32, #tpu.memory_space<hbm>>
    %dma_wait3A_96 = tpu.memref_squeeze %dma_wait3A_95 : memref<1x4000xf32, #tpu.memory_space<hbm>> -> memref<4000xf32, #tpu.memory_space<hbm>>
    tpu.wait_dma2 semaphore(%arg15 : memref<!tpu.dma_semaphore, #tpu.memory_space<semaphore_mem>>) src(%dma_wait3A_96 : memref<4000xf32, #tpu.memory_space<hbm>>) dst(%arg9 : memref<4000xf32, #tpu.memory_space<vmem>>)
    %dma_wait3A_97 = arith.constant 0 : i32
    %dma_wait3A_98 = arith.constant 0 : i32
    %dma_wait3A_99 = tpu.memref_slice %arg6[%dma_wait3A_97, %dma_wait3A_98] : memref<1x500000xf32, #tpu.memory_space<hbm>> -> memref<1x4000xf32, #tpu.memory_space<hbm>>
    %dma_wait3A_100 = tpu.memref_squeeze %dma_wait3A_99 : memref<1x4000xf32, #tpu.memory_space<hbm>> -> memref<4000xf32, #tpu.memory_space<hbm>>
    %dma_wait3A_101 = arith.constant 0 : i32
    %dma_wait3A_102 = tpu.memref_slice %arg6[%dma_wait3A_97, %dma_wait3A_101] : memref<1x500000xf32, #tpu.memory_space<hbm>> -> memref<1x4000xf32, #tpu.memory_space<hbm>>
    %dma_wait3A_103 = tpu.memref_squeeze %dma_wait3A_102 : memref<1x4000xf32, #tpu.memory_space<hbm>> -> memref<4000xf32, #tpu.memory_space<hbm>>
    tpu.wait_dma2 semaphore(%arg17 : memref<!tpu.dma_semaphore, #tpu.memory_space<semaphore_mem>>) src(%arg13 : memref<4000xf32, #tpu.memory_space<vmem>>) dst(%dma_wait3A_103 : memref<4000xf32, #tpu.memory_space<hbm>>)
    %parallel_loop3A_104 = arith.constant 0 : i32
    %parallel_loop3A_105 = arith.constant 4000 : i32
    %parallel_loop3A_106 = arith.constant 16 : i32
    scf.for %parallel_loop3A_135 = %parallel_loop3A_104 to %parallel_loop3A_105 step %parallel_loop3A_106  : i32 {
      %parallel_loop3A_136 = arith.index_cast %parallel_loop3A_135 : i32 to index
      %parallel_loop3A_137 = tpu.vector_load %arg11[%parallel_loop3A_136] {strides = array<i32>} : memref<4000xi32, #tpu.memory_space<vmem>>, vector<16xi32>,
      %parallel_loop3A_138 = arith.index_cast %parallel_loop3A_135 : i32 to index
      %parallel_loop3A_139 = tpu.vector_load %arg9[%parallel_loop3A_138] {strides = array<i32>} : memref<4000xf32, #tpu.memory_space<vmem>>, vector<16xf32>,
      %parallel_loop3A_140 = tpu.vector_load_idx %arg7[%parallel_loop3A_137] : memref<119xf32, #tpu.memory_space<vmem>>[vector<16xi32>], vector<16xf32>,
      %parallel_loop3A_141 = tpu.vector_load_idx %arg8[%parallel_loop3A_137] : memref<119xf32, #tpu.memory_space<vmem>>[vector<16xi32>], vector<16xf32>,
      %parallel_loop3A_142 = arith.mulf %parallel_loop3A_140, %parallel_loop3A_139 : vector<16xf32>
      %parallel_loop3A_143 = arith.addf %parallel_loop3A_142, %parallel_loop3A_141 : vector<16xf32>
      %parallel_loop3A_144 = arith.index_cast %parallel_loop3A_135 : i32 to index
      %parallel_loop3A_145 = tpu.vector_load %arg13[%parallel_loop3A_144] {strides = array<i32>} : memref<4000xf32, #tpu.memory_space<vmem>>, vector<16xf32>,
      tpu.vector_store %arg13[%parallel_loop3A_144], %parallel_loop3A_143 {strides = array<i32>} : memref<4000xf32, #tpu.memory_space<vmem>>, vector<16xf32>,
    } {sc.loop_unroll_factor = 4 : i64, sc.parallel_access}
    %add3A_107 = arith.constant 64 : i32
    %add3A_108 = arith.addi %add3A, %add3A_107 : i32
    %mul3A_109 = arith.constant 4000 : i32
    %mul3A_110 = arith.muli %add3A_108, %mul3A_109 : i32
    %dma_start3A_111 = arith.constant 0 : i32
    %dma_start3A_112 = tpu.memref_slice %arg6[%dma_start3A_111, %mul3A_110] : memref<1x500000xf32, #tpu.memory_space<hbm>> -> memref<1x4000xf32, #tpu.memory_space<hbm>>
    %dma_start3A_113 = tpu.memref_squeeze %dma_start3A_112 : memref<1x4000xf32, #tpu.memory_space<hbm>> -> memref<4000xf32, #tpu.memory_space<hbm>>
    %dma_start3A_114 = tpu.memref_slice %arg6[%dma_start3A_111, %mul3A_110] : memref<1x500000xf32, #tpu.memory_space<hbm>> -> memref<1x4000xf32, #tpu.memory_space<hbm>>
    %dma_start3A_115 = tpu.memref_squeeze %dma_start3A_114 : memref<1x4000xf32, #tpu.memory_space<hbm>> -> memref<4000xf32, #tpu.memory_space<hbm>>
    tpu.enqueue_dma source(%arg13 : memref<4000xf32, #tpu.memory_space<vmem>>) target(%dma_start3A_115 : memref<4000xf32, #tpu.memory_space<hbm>>) target_semaphore(%arg17 : memref<!tpu.dma_semaphore, #tpu.memory_space<semaphore_mem>>)
    %lt3A_116 = arith.constant 29 : i32
    %lt3A_117 = arith.cmpi slt, %add3A, %lt3A_116 : i32
    %convert_element_type3A_118 = arith.extui %lt3A_117 : i1 to i32
    %cond3A_119 = arith.constant 0 : i32
    %cond3A_120 = arith.cmpi ne, %convert_element_type3A_118, %cond3A_119 : i32
    scf.if %cond3A_120 {
      %dma_wait3A_135 = arith.constant 0 : i32
      %dma_wait3A_136 = tpu.memref_slice %arg3[%dma_wait3A_135] : memref<2000000xi32, #tpu.memory_space<hbm>> -> memref<4000xi32, #tpu.memory_space<hbm>>
      %dma_wait3A_137 = arith.constant 0 : i32
      %dma_wait3A_138 = tpu.memref_slice %arg3[%dma_wait3A_137] : memref<2000000xi32, #tpu.memory_space<hbm>> -> memref<4000xi32, #tpu.memory_space<hbm>>
      tpu.wait_dma2 semaphore(%arg16 : memref<!tpu.dma_semaphore, #tpu.memory_space<semaphore_mem>>) src(%dma_wait3A_138 : memref<4000xi32, #tpu.memory_space<hbm>>) dst(%arg12 : memref<4000xi32, #tpu.memory_space<vmem>>)
      %dma_wait3A_139 = arith.constant 0 : i32
      %dma_wait3A_140 = arith.constant 0 : i32
      %dma_wait3A_141 = tpu.memref_slice %arg2[%dma_wait3A_139, %dma_wait3A_140] : memref<1x500000xf32, #tpu.memory_space<hbm>> -> memref<1x4000xf32, #tpu.memory_space<hbm>>
      %dma_wait3A_142 = tpu.memref_squeeze %dma_wait3A_141 : memref<1x4000xf32, #tpu.memory_space<hbm>> -> memref<4000xf32, #tpu.memory_space<hbm>>
      %dma_wait3A_143 = arith.constant 0 : i32
      %dma_wait3A_144 = tpu.memref_slice %arg2[%dma_wait3A_139, %dma_wait3A_143] : memref<1x500000xf32, #tpu.memory_space<hbm>> -> memref<1x4000xf32, #tpu.memory_space<hbm>>
      %dma_wait3A_145 = tpu.memref_squeeze %dma_wait3A_144 : memref<1x4000xf32, #tpu.memory_space<hbm>> -> memref<4000xf32, #tpu.memory_space<hbm>>
      tpu.wait_dma2 semaphore(%arg16 : memref<!tpu.dma_semaphore, #tpu.memory_space<semaphore_mem>>) src(%dma_wait3A_145 : memref<4000xf32, #tpu.memory_space<hbm>>) dst(%arg10 : memref<4000xf32, #tpu.memory_space<vmem>>)
      %dma_wait3A_146 = arith.constant 0 : i32
      %dma_wait3A_147 = arith.constant 0 : i32
      %dma_wait3A_148 = tpu.memref_slice %arg6[%dma_wait3A_146, %dma_wait3A_147] : memref<1x500000xf32, #tpu.memory_space<hbm>> -> memref<1x4000xf32, #tpu.memory_space<hbm>>
      %dma_wait3A_149 = tpu.memref_squeeze %dma_wait3A_148 : memref<1x4000xf32, #tpu.memory_space<hbm>> -> memref<4000xf32, #tpu.memory_space<hbm>>
      %dma_wait3A_150 = arith.constant 0 : i32
      %dma_wait3A_151 = tpu.memref_slice %arg6[%dma_wait3A_146, %dma_wait3A_150] : memref<1x500000xf32, #tpu.memory_space<hbm>> -> memref<1x4000xf32, #tpu.memory_space<hbm>>
      %dma_wait3A_152 = tpu.memref_squeeze %dma_wait3A_151 : memref<1x4000xf32, #tpu.memory_space<hbm>> -> memref<4000xf32, #tpu.memory_space<hbm>>
      tpu.wait_dma2 semaphore(%arg18 : memref<!tpu.dma_semaphore, #tpu.memory_space<semaphore_mem>>) src(%arg14 : memref<4000xf32, #tpu.memory_space<vmem>>) dst(%dma_wait3A_152 : memref<4000xf32, #tpu.memory_space<hbm>>)
      %parallel_loop3A_153 = arith.constant 0 : i32
      %parallel_loop3A_154 = arith.constant 4000 : i32
      %parallel_loop3A_155 = arith.constant 16 : i32
      scf.for %parallel_loop3A_165 = %parallel_loop3A_153 to %parallel_loop3A_154 step %parallel_loop3A_155  : i32 {
        %parallel_loop3A_166 = arith.index_cast %parallel_loop3A_165 : i32 to index
        %parallel_loop3A_167 = tpu.vector_load %arg12[%parallel_loop3A_166] {strides = array<i32>} : memref<4000xi32, #tpu.memory_space<vmem>>, vector<16xi32>,
        %parallel_loop3A_168 = arith.index_cast %parallel_loop3A_165 : i32 to index
        %parallel_loop3A_169 = tpu.vector_load %arg10[%parallel_loop3A_168] {strides = array<i32>} : memref<4000xf32, #tpu.memory_space<vmem>>, vector<16xf32>,
        %parallel_loop3A_170 = tpu.vector_load_idx %arg7[%parallel_loop3A_167] : memref<119xf32, #tpu.memory_space<vmem>>[vector<16xi32>], vector<16xf32>,
        %parallel_loop3A_171 = tpu.vector_load_idx %arg8[%parallel_loop3A_167] : memref<119xf32, #tpu.memory_space<vmem>>[vector<16xi32>], vector<16xf32>,
        %parallel_loop3A_172 = arith.mulf %parallel_loop3A_170, %parallel_loop3A_169 : vector<16xf32>
        %parallel_loop3A_173 = arith.addf %parallel_loop3A_172, %parallel_loop3A_171 : vector<16xf32>
        %parallel_loop3A_174 = arith.index_cast %parallel_loop3A_165 : i32 to index
        %parallel_loop3A_175 = tpu.vector_load %arg14[%parallel_loop3A_174] {strides = array<i32>} : memref<4000xf32, #tpu.memory_space<vmem>>, vector<16xf32>,
        tpu.vector_store %arg14[%parallel_loop3A_174], %parallel_loop3A_173 {strides = array<i32>} : memref<4000xf32, #tpu.memory_space<vmem>>, vector<16xf32>,
      } {sc.loop_unroll_factor = 4 : i64, sc.parallel_access}
      %add3A_156 = arith.constant 96 : i32
      %add3A_157 = arith.addi %add3A, %add3A_156 : i32
      %mul3A_158 = arith.constant 4000 : i32
      %mul3A_159 = arith.muli %add3A_157, %mul3A_158 : i32
      %dma_start3A_160 = arith.constant 0 : i32
      %dma_start3A_161 = tpu.memref_slice %arg6[%dma_start3A_160, %mul3A_159] : memref<1x500000xf32, #tpu.memory_space<hbm>> -> memref<1x4000xf32, #tpu.memory_space<hbm>>
      %dma_start3A_162 = tpu.memref_squeeze %dma_start3A_161 : memref<1x4000xf32, #tpu.memory_space<hbm>> -> memref<4000xf32, #tpu.memory_space<hbm>>
      %dma_start3A_163 = tpu.memref_slice %arg6[%dma_start3A_160, %mul3A_159] : memref<1x500000xf32, #tpu.memory_space<hbm>> -> memref<1x4000xf32, #tpu.memory_space<hbm>>
      %dma_start3A_164 = tpu.memref_squeeze %dma_start3A_163 : memref<1x4000xf32, #tpu.memory_space<hbm>> -> memref<4000xf32, #tpu.memory_space<hbm>>
      tpu.enqueue_dma source(%arg14 : memref<4000xf32, #tpu.memory_space<vmem>>) target(%dma_start3A_164 : memref<4000xf32, #tpu.memory_space<hbm>>) target_semaphore(%arg18 : memref<!tpu.dma_semaphore, #tpu.memory_space<semaphore_mem>>)
    } else {
    }
    %dma_wait3A_121 = arith.constant 0 : i32
    %dma_wait3A_122 = arith.constant 0 : i32
    %dma_wait3A_123 = tpu.memref_slice %arg6[%dma_wait3A_121, %dma_wait3A_122] : memref<1x500000xf32, #tpu.memory_space<hbm>> -> memref<1x4000xf32, #tpu.memory_space<hbm>>
    %dma_wait3A_124 = tpu.memref_squeeze %dma_wait3A_123 : memref<1x4000xf32, #tpu.memory_space<hbm>> -> memref<4000xf32, #tpu.memory_space<hbm>>
    %dma_wait3A_125 = arith.constant 0 : i32
    %dma_wait3A_126 = tpu.memref_slice %arg6[%dma_wait3A_121, %dma_wait3A_125] : memref<1x500000xf32, #tpu.memory_space<hbm>> -> memref<1x4000xf32, #tpu.memory_space<hbm>>
    %dma_wait3A_127 = tpu.memref_squeeze %dma_wait3A_126 : memref<1x4000xf32, #tpu.memory_space<hbm>> -> memref<4000xf32, #tpu.memory_space<hbm>>
    tpu.wait_dma2 semaphore(%arg17 : memref<!tpu.dma_semaphore, #tpu.memory_space<semaphore_mem>>) src(%arg13 : memref<4000xf32, #tpu.memory_space<vmem>>) dst(%dma_wait3A_127 : memref<4000xf32, #tpu.memory_space<hbm>>)
    %dma_wait3A_128 = arith.constant 0 : i32
    %dma_wait3A_129 = arith.constant 0 : i32
    %dma_wait3A_130 = tpu.memref_slice %arg6[%dma_wait3A_128, %dma_wait3A_129] : memref<1x500000xf32, #tpu.memory_space<hbm>> -> memref<1x4000xf32, #tpu.memory_space<hbm>>
    %dma_wait3A_131 = tpu.memref_squeeze %dma_wait3A_130 : memref<1x4000xf32, #tpu.memory_space<hbm>> -> memref<4000xf32, #tpu.memory_space<hbm>>
    %dma_wait3A_132 = arith.constant 0 : i32
    %dma_wait3A_133 = tpu.memref_slice %arg6[%dma_wait3A_128, %dma_wait3A_132] : memref<1x500000xf32, #tpu.memory_space<hbm>> -> memref<1x4000xf32, #tpu.memory_space<hbm>>
    %dma_wait3A_134 = tpu.memref_squeeze %dma_wait3A_133 : memref<1x4000xf32, #tpu.memory_space<hbm>> -> memref<4000xf32, #tpu.memory_space<hbm>>
    tpu.wait_dma2 semaphore(%arg18 : memref<!tpu.dma_semaphore, #tpu.memory_space<semaphore_mem>>) src(%arg14 : memref<4000xf32, #tpu.memory_space<vmem>>) dst(%dma_wait3A_134 : memref<4000xf32, #tpu.memory_space<hbm>>)
    return
  }
}

#map = affine_map<(d0, d1) -> (0, 0)>
#map1 = affine_map<(d0, d1) -> (0)>
module attributes {stable_mosaic.version = 14 : i64} {
  func.func @sc_kernel(%arg0: i32, %arg1: i32, %arg2: memref<1x500000xf32, #tpu.memory_space<hbm>>, %arg3: memref<2000000xi32, #tpu.memory_space<hbm>>, %arg4: memref<1x119xf32, #tpu.memory_space<hbm>>, %arg5: memref<1x119xf32, #tpu.memory_space<hbm>>, %arg6: memref<1x500000xf32, #tpu.memory_space<hbm>>, %arg7: memref<119xf32, #tpu.memory_space<vmem>>, %arg8: memref<119xf32, #tpu.memory_space<vmem>>, %arg9: memref<4000xf32, #tpu.memory_space<vmem>>, %arg10: memref<4000xf32, #tpu.memory_space<vmem>>, %arg11: memref<4000xi32, #tpu.memory_space<vmem>>, %arg12: memref<4000xi32, #tpu.memory_space<vmem>>, %arg13: memref<4000xf32, #tpu.memory_space<vmem>>, %arg14: memref<4000xf32, #tpu.memory_space<vmem>>, %arg15: memref<!tpu.dma_semaphore, #tpu.memory_space<semaphore_mem>>, %arg16: memref<!tpu.dma_semaphore, #tpu.memory_space<semaphore_mem>>, %arg17: memref<!tpu.dma_semaphore, #tpu.memory_space<semaphore_mem>>, %arg18: memref<!tpu.dma_semaphore, #tpu.memory_space<semaphore_mem>>) attributes {dimension_semantics = [#tpu.dimension_semantics<core_parallel>, #tpu.dimension_semantics<subcore_parallel>], iteration_bounds = array<i64: 2, 16>, scalar_prefetch = 0 : i64, scratch_operands = 12 : i64, tpu.core_type = #tpu.core_type<sc_vector_subcore>, window_params = [{transform_indices = #map}, {transform_indices = #map1}, {transform_indices = #map}, {transform_indices = #map}, {transform_indices = #map}]} {
    %mul3A = arith.constant 2 : i32
    %mul3A_0 = arith.muli %arg1, %mul3A : i32
    %add3A = arith.addi %mul3A_0, %arg0 : i32
    %run_scoped3A = arith.constant 0 : i32
    "tpu.region"() ({
      %run_scoped3A_135 = tpu.sem_alloc : memref<!tpu.dma_semaphore, #tpu.memory_space<semaphore_mem>>
      %dma_start3A_136 = arith.constant 0 : i32
      %dma_start3A_137 = tpu.memref_slice %arg4[%run_scoped3A, %dma_start3A_136] : memref<1x119xf32, #tpu.memory_space<hbm>> -> memref<1x119xf32, #tpu.memory_space<hbm>>
      %dma_start3A_138 = tpu.memref_squeeze %dma_start3A_137 : memref<1x119xf32, #tpu.memory_space<hbm>> -> memref<119xf32, #tpu.memory_space<hbm>>
      %dma_start3A_139 = arith.constant 0 : i32
      %dma_start3A_140 = tpu.memref_slice %arg4[%run_scoped3A, %dma_start3A_139] : memref<1x119xf32, #tpu.memory_space<hbm>> -> memref<1x119xf32, #tpu.memory_space<hbm>>
      %dma_start3A_141 = tpu.memref_squeeze %dma_start3A_140 : memref<1x119xf32, #tpu.memory_space<hbm>> -> memref<119xf32, #tpu.memory_space<hbm>>
      tpu.enqueue_dma source(%dma_start3A_141 : memref<119xf32, #tpu.memory_space<hbm>>) target(%arg7 : memref<119xf32, #tpu.memory_space<vmem>>) target_semaphore(%run_scoped3A_135 : memref<!tpu.dma_semaphore, #tpu.memory_space<semaphore_mem>>)
      %dma_wait3A_142 = arith.constant 0 : i32
      %dma_wait3A_143 = tpu.memref_slice %arg4[%run_scoped3A, %dma_wait3A_142] : memref<1x119xf32, #tpu.memory_space<hbm>> -> memref<1x119xf32, #tpu.memory_space<hbm>>
      %dma_wait3A_144 = tpu.memref_squeeze %dma_wait3A_143 : memref<1x119xf32, #tpu.memory_space<hbm>> -> memref<119xf32, #tpu.memory_space<hbm>>
      %dma_wait3A_145 = arith.constant 0 : i32
      %dma_wait3A_146 = tpu.memref_slice %arg4[%run_scoped3A, %dma_wait3A_145] : memref<1x119xf32, #tpu.memory_space<hbm>> -> memref<1x119xf32, #tpu.memory_space<hbm>>
      %dma_wait3A_147 = tpu.memref_squeeze %dma_wait3A_146 : memref<1x119xf32, #tpu.memory_space<hbm>> -> memref<119xf32, #tpu.memory_space<hbm>>
      tpu.wait_dma2 semaphore(%run_scoped3A_135 : memref<!tpu.dma_semaphore, #tpu.memory_space<semaphore_mem>>) src(%dma_wait3A_147 : memref<119xf32, #tpu.memory_space<hbm>>) dst(%arg7 : memref<119xf32, #tpu.memory_space<vmem>>)
      tpu.yield
    }) : () -> ()
    %run_scoped3A_1 = arith.constant 0 : i32
    "tpu.region"() ({
      %run_scoped3A_135 = tpu.sem_alloc : memref<!tpu.dma_semaphore, #tpu.memory_space<semaphore_mem>>
      %dma_start3A_136 = arith.constant 0 : i32
      %dma_start3A_137 = tpu.memref_slice %arg5[%run_scoped3A_1, %dma_start3A_136] : memref<1x119xf32, #tpu.memory_space<hbm>> -> memref<1x119xf32, #tpu.memory_space<hbm>>
      %dma_start3A_138 = tpu.memref_squeeze %dma_start3A_137 : memref<1x119xf32, #tpu.memory_space<hbm>> -> memref<119xf32, #tpu.memory_space<hbm>>
      %dma_start3A_139 = arith.constant 0 : i32
      %dma_start3A_140 = tpu.memref_slice %arg5[%run_scoped3A_1, %dma_start3A_139] : memref<1x119xf32, #tpu.memory_space<hbm>> -> memref<1x119xf32, #tpu.memory_space<hbm>>
      %dma_start3A_141 = tpu.memref_squeeze %dma_start3A_140 : memref<1x119xf32, #tpu.memory_space<hbm>> -> memref<119xf32, #tpu.memory_space<hbm>>
      tpu.enqueue_dma source(%dma_start3A_141 : memref<119xf32, #tpu.memory_space<hbm>>) target(%arg8 : memref<119xf32, #tpu.memory_space<vmem>>) target_semaphore(%run_scoped3A_135 : memref<!tpu.dma_semaphore, #tpu.memory_space<semaphore_mem>>)
      %dma_wait3A_142 = arith.constant 0 : i32
      %dma_wait3A_143 = tpu.memref_slice %arg5[%run_scoped3A_1, %dma_wait3A_142] : memref<1x119xf32, #tpu.memory_space<hbm>> -> memref<1x119xf32, #tpu.memory_space<hbm>>
      %dma_wait3A_144 = tpu.memref_squeeze %dma_wait3A_143 : memref<1x119xf32, #tpu.memory_space<hbm>> -> memref<119xf32, #tpu.memory_space<hbm>>
      %dma_wait3A_145 = arith.constant 0 : i32
      %dma_wait3A_146 = tpu.memref_slice %arg5[%run_scoped3A_1, %dma_wait3A_145] : memref<1x119xf32, #tpu.memory_space<hbm>> -> memref<1x119xf32, #tpu.memory_space<hbm>>
      %dma_wait3A_147 = tpu.memref_squeeze %dma_wait3A_146 : memref<1x119xf32, #tpu.memory_space<hbm>> -> memref<119xf32, #tpu.memory_space<hbm>>
      tpu.wait_dma2 semaphore(%run_scoped3A_135 : memref<!tpu.dma_semaphore, #tpu.memory_space<semaphore_mem>>) src(%dma_wait3A_147 : memref<119xf32, #tpu.memory_space<hbm>>) dst(%arg8 : memref<119xf32, #tpu.memory_space<vmem>>)
      tpu.yield
    }) : () -> ()
    %add3A_2 = arith.constant 0 : i32
    %add3A_3 = arith.addi %add3A, %add3A_2 : i32
    %mul3A_4 = arith.constant 4000 : i32
    %mul3A_5 = arith.muli %add3A_3, %mul3A_4 : i32
    %add3A_6 = arith.constant 500000 : i32
    %add3A_7 = arith.addi %add3A_6, %mul3A_5 : i32
    %dma_start3A = tpu.memref_slice %arg3[%add3A_7] : memref<2000000xi32, #tpu.memory_space<hbm>> -> memref<4000xi32, #tpu.memory_space<hbm>>
    %dma_start3A_8 = tpu.memref_slice %arg3[%add3A_7] : memref<2000000xi32, #tpu.memory_space<hbm>> -> memref<4000xi32, #tpu.memory_space<hbm>>
    tpu.enqueue_dma source(%dma_start3A_8 : memref<4000xi32, #tpu.memory_space<hbm>>) target(%arg11 : memref<4000xi32, #tpu.memory_space<vmem>>) target_semaphore(%arg15 : memref<!tpu.dma_semaphore, #tpu.memory_space<semaphore_mem>>)
    %dma_start3A_9 = arith.constant 0 : i32
    %dma_start3A_10 = tpu.memref_slice %arg2[%dma_start3A_9, %mul3A_5] : memref<1x500000xf32, #tpu.memory_space<hbm>> -> memref<1x4000xf32, #tpu.memory_space<hbm>>
    %dma_start3A_11 = tpu.memref_squeeze %dma_start3A_10 : memref<1x4000xf32, #tpu.memory_space<hbm>> -> memref<4000xf32, #tpu.memory_space<hbm>>
    %dma_start3A_12 = tpu.memref_slice %arg2[%dma_start3A_9, %mul3A_5] : memref<1x500000xf32, #tpu.memory_space<hbm>> -> memref<1x4000xf32, #tpu.memory_space<hbm>>
    %dma_start3A_13 = tpu.memref_squeeze %dma_start3A_12 : memref<1x4000xf32, #tpu.memory_space<hbm>> -> memref<4000xf32, #tpu.memory_space<hbm>>
    tpu.enqueue_dma source(%dma_start3A_13 : memref<4000xf32, #tpu.memory_space<hbm>>) target(%arg9 : memref<4000xf32, #tpu.memory_space<vmem>>) target_semaphore(%arg15 : memref<!tpu.dma_semaphore, #tpu.memory_space<semaphore_mem>>)
    %add3A_14 = arith.constant 32 : i32
    %add3A_15 = arith.addi %add3A, %add3A_14 : i32
    %mul3A_16 = arith.constant 4000 : i32
    %mul3A_17 = arith.muli %add3A_15, %mul3A_16 : i32
    %add3A_18 = arith.constant 500000 : i32
    %add3A_19 = arith.addi %add3A_18, %mul3A_17 : i32
    %dma_start3A_20 = tpu.memref_slice %arg3[%add3A_19] : memref<2000000xi32, #tpu.memory_space<hbm>> -> memref<4000xi32, #tpu.memory_space<hbm>>
    %dma_start3A_21 = tpu.memref_slice %arg3[%add3A_19] : memref<2000000xi32, #tpu.memory_space<hbm>> -> memref<4000xi32, #tpu.memory_space<hbm>>
    tpu.enqueue_dma source(%dma_start3A_21 : memref<4000xi32, #tpu.memory_space<hbm>>) target(%arg12 : memref<4000xi32, #tpu.memory_space<vmem>>) target_semaphore(%arg16 : memref<!tpu.dma_semaphore, #tpu.memory_space<semaphore_mem>>)
    %dma_start3A_22 = arith.constant 0 : i32
    %dma_start3A_23 = tpu.memref_slice %arg2[%dma_start3A_22, %mul3A_17] : memref<1x500000xf32, #tpu.memory_space<hbm>> -> memref<1x4000xf32, #tpu.memory_space<hbm>>
    %dma_start3A_24 = tpu.memref_squeeze %dma_start3A_23 : memref<1x4000xf32, #tpu.memory_space<hbm>> -> memref<4000xf32, #tpu.memory_space<hbm>>
    %dma_start3A_25 = tpu.memref_slice %arg2[%dma_start3A_22, %mul3A_17] : memref<1x500000xf32, #tpu.memory_space<hbm>> -> memref<1x4000xf32, #tpu.memory_space<hbm>>
    %dma_start3A_26 = tpu.memref_squeeze %dma_start3A_25 : memref<1x4000xf32, #tpu.memory_space<hbm>> -> memref<4000xf32, #tpu.memory_space<hbm>>
    tpu.enqueue_dma source(%dma_start3A_26 : memref<4000xf32, #tpu.memory_space<hbm>>) target(%arg10 : memref<4000xf32, #tpu.memory_space<vmem>>) target_semaphore(%arg16 : memref<!tpu.dma_semaphore, #tpu.memory_space<semaphore_mem>>)
    %dma_wait3A = arith.constant 0 : i32
    %dma_wait3A_27 = tpu.memref_slice %arg3[%dma_wait3A] : memref<2000000xi32, #tpu.memory_space<hbm>> -> memref<4000xi32, #tpu.memory_space<hbm>>
    %dma_wait3A_28 = arith.constant 0 : i32
    %dma_wait3A_29 = tpu.memref_slice %arg3[%dma_wait3A_28] : memref<2000000xi32, #tpu.memory_space<hbm>> -> memref<4000xi32, #tpu.memory_space<hbm>>
    tpu.wait_dma2 semaphore(%arg15 : memref<!tpu.dma_semaphore, #tpu.memory_space<semaphore_mem>>) src(%dma_wait3A_29 : memref<4000xi32, #tpu.memory_space<hbm>>) dst(%arg11 : memref<4000xi32, #tpu.memory_space<vmem>>)
    %dma_wait3A_30 = arith.constant 0 : i32
    %dma_wait3A_31 = arith.constant 0 : i32
    %dma_wait3A_32 = tpu.memref_slice %arg2[%dma_wait3A_30, %dma_wait3A_31] : memref<1x500000xf32, #tpu.memory_space<hbm>> -> memref<1x4000xf32, #tpu.memory_space<hbm>>
    %dma_wait3A_33 = tpu.memref_squeeze %dma_wait3A_32 : memref<1x4000xf32, #tpu.memory_space<hbm>> -> memref<4000xf32, #tpu.memory_space<hbm>>
    %dma_wait3A_34 = arith.constant 0 : i32
    %dma_wait3A_35 = tpu.memref_slice %arg2[%dma_wait3A_30, %dma_wait3A_34] : memref<1x500000xf32, #tpu.memory_space<hbm>> -> memref<1x4000xf32, #tpu.memory_space<hbm>>
    %dma_wait3A_36 = tpu.memref_squeeze %dma_wait3A_35 : memref<1x4000xf32, #tpu.memory_space<hbm>> -> memref<4000xf32, #tpu.memory_space<hbm>>
    tpu.wait_dma2 semaphore(%arg15 : memref<!tpu.dma_semaphore, #tpu.memory_space<semaphore_mem>>) src(%dma_wait3A_36 : memref<4000xf32, #tpu.memory_space<hbm>>) dst(%arg9 : memref<4000xf32, #tpu.memory_space<vmem>>)
    %parallel_loop3A = arith.constant 0 : i32
    %parallel_loop3A_37 = arith.constant 4000 : i32
    %parallel_loop3A_38 = arith.constant 16 : i32
    scf.for %parallel_loop3A_135 = %parallel_loop3A to %parallel_loop3A_37 step %parallel_loop3A_38  : i32 {
      %parallel_loop3A_136 = arith.index_cast %parallel_loop3A_135 : i32 to index
      %parallel_loop3A_137 = tpu.vector_load %arg11[%parallel_loop3A_136] {strides = array<i32>} : memref<4000xi32, #tpu.memory_space<vmem>>, vector<16xi32>,
      %parallel_loop3A_138 = arith.index_cast %parallel_loop3A_135 : i32 to index
      %parallel_loop3A_139 = tpu.vector_load %arg9[%parallel_loop3A_138] {strides = array<i32>} : memref<4000xf32, #tpu.memory_space<vmem>>, vector<16xf32>,
      %parallel_loop3A_140 = tpu.vector_load_idx %arg7[%parallel_loop3A_137] : memref<119xf32, #tpu.memory_space<vmem>>[vector<16xi32>], vector<16xf32>,
      %parallel_loop3A_141 = tpu.vector_load_idx %arg8[%parallel_loop3A_137] : memref<119xf32, #tpu.memory_space<vmem>>[vector<16xi32>], vector<16xf32>,
      %parallel_loop3A_142 = arith.mulf %parallel_loop3A_140, %parallel_loop3A_139 : vector<16xf32>
      %parallel_loop3A_143 = arith.addf %parallel_loop3A_142, %parallel_loop3A_141 : vector<16xf32>
      %parallel_loop3A_144 = arith.index_cast %parallel_loop3A_135 : i32 to index
      %parallel_loop3A_145 = tpu.vector_load %arg13[%parallel_loop3A_144] {strides = array<i32>} : memref<4000xf32, #tpu.memory_space<vmem>>, vector<16xf32>,
      tpu.vector_store %arg13[%parallel_loop3A_144], %parallel_loop3A_143 {strides = array<i32>} : memref<4000xf32, #tpu.memory_space<vmem>>, vector<16xf32>,
    } {sc.loop_unroll_factor = 4 : i64, sc.parallel_access}
    %add3A_39 = arith.constant 0 : i32
    %add3A_40 = arith.addi %add3A, %add3A_39 : i32
    %mul3A_41 = arith.constant 4000 : i32
    %mul3A_42 = arith.muli %add3A_40, %mul3A_41 : i32
    %dma_start3A_43 = arith.constant 0 : i32
    %dma_start3A_44 = tpu.memref_slice %arg6[%dma_start3A_43, %mul3A_42] : memref<1x500000xf32, #tpu.memory_space<hbm>> -> memref<1x4000xf32, #tpu.memory_space<hbm>>
    %dma_start3A_45 = tpu.memref_squeeze %dma_start3A_44 : memref<1x4000xf32, #tpu.memory_space<hbm>> -> memref<4000xf32, #tpu.memory_space<hbm>>
    %dma_start3A_46 = tpu.memref_slice %arg6[%dma_start3A_43, %mul3A_42] : memref<1x500000xf32, #tpu.memory_space<hbm>> -> memref<1x4000xf32, #tpu.memory_space<hbm>>
    %dma_start3A_47 = tpu.memref_squeeze %dma_start3A_46 : memref<1x4000xf32, #tpu.memory_space<hbm>> -> memref<4000xf32, #tpu.memory_space<hbm>>
    tpu.enqueue_dma source(%arg13 : memref<4000xf32, #tpu.memory_space<vmem>>) target(%dma_start3A_47 : memref<4000xf32, #tpu.memory_space<hbm>>) target_semaphore(%arg17 : memref<!tpu.dma_semaphore, #tpu.memory_space<semaphore_mem>>)
    %add3A_48 = arith.constant 64 : i32
    %add3A_49 = arith.addi %add3A, %add3A_48 : i32
    %mul3A_50 = arith.constant 4000 : i32
    %mul3A_51 = arith.muli %add3A_49, %mul3A_50 : i32
    %add3A_52 = arith.constant 500000 : i32
    %add3A_53 = arith.addi %add3A_52, %mul3A_51 : i32
    %dma_start3A_54 = tpu.memref_slice %arg3[%add3A_53] : memref<2000000xi32, #tpu.memory_space<hbm>> -> memref<4000xi32, #tpu.memory_space<hbm>>
    %dma_start3A_55 = tpu.memref_slice %arg3[%add3A_53] : memref<2000000xi32, #tpu.memory_space<hbm>> -> memref<4000xi32, #tpu.memory_space<hbm>>
    tpu.enqueue_dma source(%dma_start3A_55 : memref<4000xi32, #tpu.memory_space<hbm>>) target(%arg11 : memref<4000xi32, #tpu.memory_space<vmem>>) target_semaphore(%arg15 : memref<!tpu.dma_semaphore, #tpu.memory_space<semaphore_mem>>)
    %dma_start3A_56 = arith.constant 0 : i32
    %dma_start3A_57 = tpu.memref_slice %arg2[%dma_start3A_56, %mul3A_51] : memref<1x500000xf32, #tpu.memory_space<hbm>> -> memref<1x4000xf32, #tpu.memory_space<hbm>>
    %dma_start3A_58 = tpu.memref_squeeze %dma_start3A_57 : memref<1x4000xf32, #tpu.memory_space<hbm>> -> memref<4000xf32, #tpu.memory_space<hbm>>
    %dma_start3A_59 = tpu.memref_slice %arg2[%dma_start3A_56, %mul3A_51] : memref<1x500000xf32, #tpu.memory_space<hbm>> -> memref<1x4000xf32, #tpu.memory_space<hbm>>
    %dma_start3A_60 = tpu.memref_squeeze %dma_start3A_59 : memref<1x4000xf32, #tpu.memory_space<hbm>> -> memref<4000xf32, #tpu.memory_space<hbm>>
    tpu.enqueue_dma source(%dma_start3A_60 : memref<4000xf32, #tpu.memory_space<hbm>>) target(%arg9 : memref<4000xf32, #tpu.memory_space<vmem>>) target_semaphore(%arg15 : memref<!tpu.dma_semaphore, #tpu.memory_space<semaphore_mem>>)
    %dma_wait3A_61 = arith.constant 0 : i32
    %dma_wait3A_62 = tpu.memref_slice %arg3[%dma_wait3A_61] : memref<2000000xi32, #tpu.memory_space<hbm>> -> memref<4000xi32, #tpu.memory_space<hbm>>
    %dma_wait3A_63 = arith.constant 0 : i32
    %dma_wait3A_64 = tpu.memref_slice %arg3[%dma_wait3A_63] : memref<2000000xi32, #tpu.memory_space<hbm>> -> memref<4000xi32, #tpu.memory_space<hbm>>
    tpu.wait_dma2 semaphore(%arg16 : memref<!tpu.dma_semaphore, #tpu.memory_space<semaphore_mem>>) src(%dma_wait3A_64 : memref<4000xi32, #tpu.memory_space<hbm>>) dst(%arg12 : memref<4000xi32, #tpu.memory_space<vmem>>)
    %dma_wait3A_65 = arith.constant 0 : i32
    %dma_wait3A_66 = arith.constant 0 : i32
    %dma_wait3A_67 = tpu.memref_slice %arg2[%dma_wait3A_65, %dma_wait3A_66] : memref<1x500000xf32, #tpu.memory_space<hbm>> -> memref<1x4000xf32, #tpu.memory_space<hbm>>
    %dma_wait3A_68 = tpu.memref_squeeze %dma_wait3A_67 : memref<1x4000xf32, #tpu.memory_space<hbm>> -> memref<4000xf32, #tpu.memory_space<hbm>>
    %dma_wait3A_69 = arith.constant 0 : i32
    %dma_wait3A_70 = tpu.memref_slice %arg2[%dma_wait3A_65, %dma_wait3A_69] : memref<1x500000xf32, #tpu.memory_space<hbm>> -> memref<1x4000xf32, #tpu.memory_space<hbm>>
    %dma_wait3A_71 = tpu.memref_squeeze %dma_wait3A_70 : memref<1x4000xf32, #tpu.memory_space<hbm>> -> memref<4000xf32, #tpu.memory_space<hbm>>
    tpu.wait_dma2 semaphore(%arg16 : memref<!tpu.dma_semaphore, #tpu.memory_space<semaphore_mem>>) src(%dma_wait3A_71 : memref<4000xf32, #tpu.memory_space<hbm>>) dst(%arg10 : memref<4000xf32, #tpu.memory_space<vmem>>)
    %parallel_loop3A_72 = arith.constant 0 : i32
    %parallel_loop3A_73 = arith.constant 4000 : i32
    %parallel_loop3A_74 = arith.constant 16 : i32
    scf.for %parallel_loop3A_135 = %parallel_loop3A_72 to %parallel_loop3A_73 step %parallel_loop3A_74  : i32 {
      %parallel_loop3A_136 = arith.index_cast %parallel_loop3A_135 : i32 to index
      %parallel_loop3A_137 = tpu.vector_load %arg12[%parallel_loop3A_136] {strides = array<i32>} : memref<4000xi32, #tpu.memory_space<vmem>>, vector<16xi32>,
      %parallel_loop3A_138 = arith.index_cast %parallel_loop3A_135 : i32 to index
      %parallel_loop3A_139 = tpu.vector_load %arg10[%parallel_loop3A_138] {strides = array<i32>} : memref<4000xf32, #tpu.memory_space<vmem>>, vector<16xf32>,
      %parallel_loop3A_140 = tpu.vector_load_idx %arg7[%parallel_loop3A_137] : memref<119xf32, #tpu.memory_space<vmem>>[vector<16xi32>], vector<16xf32>,
      %parallel_loop3A_141 = tpu.vector_load_idx %arg8[%parallel_loop3A_137] : memref<119xf32, #tpu.memory_space<vmem>>[vector<16xi32>], vector<16xf32>,
      %parallel_loop3A_142 = arith.mulf %parallel_loop3A_140, %parallel_loop3A_139 : vector<16xf32>
      %parallel_loop3A_143 = arith.addf %parallel_loop3A_142, %parallel_loop3A_141 : vector<16xf32>
      %parallel_loop3A_144 = arith.index_cast %parallel_loop3A_135 : i32 to index
      %parallel_loop3A_145 = tpu.vector_load %arg14[%parallel_loop3A_144] {strides = array<i32>} : memref<4000xf32, #tpu.memory_space<vmem>>, vector<16xf32>,
      tpu.vector_store %arg14[%parallel_loop3A_144], %parallel_loop3A_143 {strides = array<i32>} : memref<4000xf32, #tpu.memory_space<vmem>>, vector<16xf32>,
    } {sc.loop_unroll_factor = 4 : i64, sc.parallel_access}
    %add3A_75 = arith.constant 32 : i32
    %add3A_76 = arith.addi %add3A, %add3A_75 : i32
    %mul3A_77 = arith.constant 4000 : i32
    %mul3A_78 = arith.muli %add3A_76, %mul3A_77 : i32
    %dma_start3A_79 = arith.constant 0 : i32
    %dma_start3A_80 = tpu.memref_slice %arg6[%dma_start3A_79, %mul3A_78] : memref<1x500000xf32, #tpu.memory_space<hbm>> -> memref<1x4000xf32, #tpu.memory_space<hbm>>
    %dma_start3A_81 = tpu.memref_squeeze %dma_start3A_80 : memref<1x4000xf32, #tpu.memory_space<hbm>> -> memref<4000xf32, #tpu.memory_space<hbm>>
    %dma_start3A_82 = tpu.memref_slice %arg6[%dma_start3A_79, %mul3A_78] : memref<1x500000xf32, #tpu.memory_space<hbm>> -> memref<1x4000xf32, #tpu.memory_space<hbm>>
    %dma_start3A_83 = tpu.memref_squeeze %dma_start3A_82 : memref<1x4000xf32, #tpu.memory_space<hbm>> -> memref<4000xf32, #tpu.memory_space<hbm>>
    tpu.enqueue_dma source(%arg14 : memref<4000xf32, #tpu.memory_space<vmem>>) target(%dma_start3A_83 : memref<4000xf32, #tpu.memory_space<hbm>>) target_semaphore(%arg18 : memref<!tpu.dma_semaphore, #tpu.memory_space<semaphore_mem>>)
    %lt3A = arith.constant 29 : i32
    %lt3A_84 = arith.cmpi slt, %add3A, %lt3A : i32
    %convert_element_type3A = arith.extui %lt3A_84 : i1 to i32
    %cond3A = arith.constant 0 : i32
    %cond3A_85 = arith.cmpi ne, %convert_element_type3A, %cond3A : i32
    scf.if %cond3A_85 {
      %add3A_135 = arith.constant 96 : i32
      %add3A_136 = arith.addi %add3A, %add3A_135 : i32
      %mul3A_137 = arith.constant 4000 : i32
      %mul3A_138 = arith.muli %add3A_136, %mul3A_137 : i32
      %add3A_139 = arith.constant 500000 : i32
      %add3A_140 = arith.addi %add3A_139, %mul3A_138 : i32
      %dma_start3A_141 = tpu.memref_slice %arg3[%add3A_140] : memref<2000000xi32, #tpu.memory_space<hbm>> -> memref<4000xi32, #tpu.memory_space<hbm>>
      %dma_start3A_142 = tpu.memref_slice %arg3[%add3A_140] : memref<2000000xi32, #tpu.memory_space<hbm>> -> memref<4000xi32, #tpu.memory_space<hbm>>
      tpu.enqueue_dma source(%dma_start3A_142 : memref<4000xi32, #tpu.memory_space<hbm>>) target(%arg12 : memref<4000xi32, #tpu.memory_space<vmem>>) target_semaphore(%arg16 : memref<!tpu.dma_semaphore, #tpu.memory_space<semaphore_mem>>)
      %dma_start3A_143 = arith.constant 0 : i32
      %dma_start3A_144 = tpu.memref_slice %arg2[%dma_start3A_143, %mul3A_138] : memref<1x500000xf32, #tpu.memory_space<hbm>> -> memref<1x4000xf32, #tpu.memory_space<hbm>>
      %dma_start3A_145 = tpu.memref_squeeze %dma_start3A_144 : memref<1x4000xf32, #tpu.memory_space<hbm>> -> memref<4000xf32, #tpu.memory_space<hbm>>
      %dma_start3A_146 = tpu.memref_slice %arg2[%dma_start3A_143, %mul3A_138] : memref<1x500000xf32, #tpu.memory_space<hbm>> -> memref<1x4000xf32, #tpu.memory_space<hbm>>
      %dma_start3A_147 = tpu.memref_squeeze %dma_start3A_146 : memref<1x4000xf32, #tpu.memory_space<hbm>> -> memref<4000xf32, #tpu.memory_space<hbm>>
      tpu.enqueue_dma source(%dma_start3A_147 : memref<4000xf32, #tpu.memory_space<hbm>>) target(%arg10 : memref<4000xf32, #tpu.memory_space<vmem>>) target_semaphore(%arg16 : memref<!tpu.dma_semaphore, #tpu.memory_space<semaphore_mem>>)
    } else {
    }
    %dma_wait3A_86 = arith.constant 0 : i32
    %dma_wait3A_87 = tpu.memref_slice %arg3[%dma_wait3A_86] : memref<2000000xi32, #tpu.memory_space<hbm>> -> memref<4000xi32, #tpu.memory_space<hbm>>
    %dma_wait3A_88 = arith.constant 0 : i32
    %dma_wait3A_89 = tpu.memref_slice %arg3[%dma_wait3A_88] : memref<2000000xi32, #tpu.memory_space<hbm>> -> memref<4000xi32, #tpu.memory_space<hbm>>
    tpu.wait_dma2 semaphore(%arg15 : memref<!tpu.dma_semaphore, #tpu.memory_space<semaphore_mem>>) src(%dma_wait3A_89 : memref<4000xi32, #tpu.memory_space<hbm>>) dst(%arg11 : memref<4000xi32, #tpu.memory_space<vmem>>)
    %dma_wait3A_90 = arith.constant 0 : i32
    %dma_wait3A_91 = arith.constant 0 : i32
    %dma_wait3A_92 = tpu.memref_slice %arg2[%dma_wait3A_90, %dma_wait3A_91] : memref<1x500000xf32, #tpu.memory_space<hbm>> -> memref<1x4000xf32, #tpu.memory_space<hbm>>
    %dma_wait3A_93 = tpu.memref_squeeze %dma_wait3A_92 : memref<1x4000xf32, #tpu.memory_space<hbm>> -> memref<4000xf32, #tpu.memory_space<hbm>>
    %dma_wait3A_94 = arith.constant 0 : i32
    %dma_wait3A_95 = tpu.memref_slice %arg2[%dma_wait3A_90, %dma_wait3A_94] : memref<1x500000xf32, #tpu.memory_space<hbm>> -> memref<1x4000xf32, #tpu.memory_space<hbm>>
    %dma_wait3A_96 = tpu.memref_squeeze %dma_wait3A_95 : memref<1x4000xf32, #tpu.memory_space<hbm>> -> memref<4000xf32, #tpu.memory_space<hbm>>
    tpu.wait_dma2 semaphore(%arg15 : memref<!tpu.dma_semaphore, #tpu.memory_space<semaphore_mem>>) src(%dma_wait3A_96 : memref<4000xf32, #tpu.memory_space<hbm>>) dst(%arg9 : memref<4000xf32, #tpu.memory_space<vmem>>)
    %dma_wait3A_97 = arith.constant 0 : i32
    %dma_wait3A_98 = arith.constant 0 : i32
    %dma_wait3A_99 = tpu.memref_slice %arg6[%dma_wait3A_97, %dma_wait3A_98] : memref<1x500000xf32, #tpu.memory_space<hbm>> -> memref<1x4000xf32, #tpu.memory_space<hbm>>
    %dma_wait3A_100 = tpu.memref_squeeze %dma_wait3A_99 : memref<1x4000xf32, #tpu.memory_space<hbm>> -> memref<4000xf32, #tpu.memory_space<hbm>>
    %dma_wait3A_101 = arith.constant 0 : i32
    %dma_wait3A_102 = tpu.memref_slice %arg6[%dma_wait3A_97, %dma_wait3A_101] : memref<1x500000xf32, #tpu.memory_space<hbm>> -> memref<1x4000xf32, #tpu.memory_space<hbm>>
    %dma_wait3A_103 = tpu.memref_squeeze %dma_wait3A_102 : memref<1x4000xf32, #tpu.memory_space<hbm>> -> memref<4000xf32, #tpu.memory_space<hbm>>
    tpu.wait_dma2 semaphore(%arg17 : memref<!tpu.dma_semaphore, #tpu.memory_space<semaphore_mem>>) src(%arg13 : memref<4000xf32, #tpu.memory_space<vmem>>) dst(%dma_wait3A_103 : memref<4000xf32, #tpu.memory_space<hbm>>)
    %parallel_loop3A_104 = arith.constant 0 : i32
    %parallel_loop3A_105 = arith.constant 4000 : i32
    %parallel_loop3A_106 = arith.constant 16 : i32
    scf.for %parallel_loop3A_135 = %parallel_loop3A_104 to %parallel_loop3A_105 step %parallel_loop3A_106  : i32 {
      %parallel_loop3A_136 = arith.index_cast %parallel_loop3A_135 : i32 to index
      %parallel_loop3A_137 = tpu.vector_load %arg11[%parallel_loop3A_136] {strides = array<i32>} : memref<4000xi32, #tpu.memory_space<vmem>>, vector<16xi32>,
      %parallel_loop3A_138 = arith.index_cast %parallel_loop3A_135 : i32 to index
      %parallel_loop3A_139 = tpu.vector_load %arg9[%parallel_loop3A_138] {strides = array<i32>} : memref<4000xf32, #tpu.memory_space<vmem>>, vector<16xf32>,
      %parallel_loop3A_140 = tpu.vector_load_idx %arg7[%parallel_loop3A_137] : memref<119xf32, #tpu.memory_space<vmem>>[vector<16xi32>], vector<16xf32>,
      %parallel_loop3A_141 = tpu.vector_load_idx %arg8[%parallel_loop3A_137] : memref<119xf32, #tpu.memory_space<vmem>>[vector<16xi32>], vector<16xf32>,
      %parallel_loop3A_142 = arith.mulf %parallel_loop3A_140, %parallel_loop3A_139 : vector<16xf32>
      %parallel_loop3A_143 = arith.addf %parallel_loop3A_142, %parallel_loop3A_141 : vector<16xf32>
      %parallel_loop3A_144 = arith.index_cast %parallel_loop3A_135 : i32 to index
      %parallel_loop3A_145 = tpu.vector_load %arg13[%parallel_loop3A_144] {strides = array<i32>} : memref<4000xf32, #tpu.memory_space<vmem>>, vector<16xf32>,
      tpu.vector_store %arg13[%parallel_loop3A_144], %parallel_loop3A_143 {strides = array<i32>} : memref<4000xf32, #tpu.memory_space<vmem>>, vector<16xf32>,
    } {sc.loop_unroll_factor = 4 : i64, sc.parallel_access}
    %add3A_107 = arith.constant 64 : i32
    %add3A_108 = arith.addi %add3A, %add3A_107 : i32
    %mul3A_109 = arith.constant 4000 : i32
    %mul3A_110 = arith.muli %add3A_108, %mul3A_109 : i32
    %dma_start3A_111 = arith.constant 0 : i32
    %dma_start3A_112 = tpu.memref_slice %arg6[%dma_start3A_111, %mul3A_110] : memref<1x500000xf32, #tpu.memory_space<hbm>> -> memref<1x4000xf32, #tpu.memory_space<hbm>>
    %dma_start3A_113 = tpu.memref_squeeze %dma_start3A_112 : memref<1x4000xf32, #tpu.memory_space<hbm>> -> memref<4000xf32, #tpu.memory_space<hbm>>
    %dma_start3A_114 = tpu.memref_slice %arg6[%dma_start3A_111, %mul3A_110] : memref<1x500000xf32, #tpu.memory_space<hbm>> -> memref<1x4000xf32, #tpu.memory_space<hbm>>
    %dma_start3A_115 = tpu.memref_squeeze %dma_start3A_114 : memref<1x4000xf32, #tpu.memory_space<hbm>> -> memref<4000xf32, #tpu.memory_space<hbm>>
    tpu.enqueue_dma source(%arg13 : memref<4000xf32, #tpu.memory_space<vmem>>) target(%dma_start3A_115 : memref<4000xf32, #tpu.memory_space<hbm>>) target_semaphore(%arg17 : memref<!tpu.dma_semaphore, #tpu.memory_space<semaphore_mem>>)
    %lt3A_116 = arith.constant 29 : i32
    %lt3A_117 = arith.cmpi slt, %add3A, %lt3A_116 : i32
    %convert_element_type3A_118 = arith.extui %lt3A_117 : i1 to i32
    %cond3A_119 = arith.constant 0 : i32
    %cond3A_120 = arith.cmpi ne, %convert_element_type3A_118, %cond3A_119 : i32
    scf.if %cond3A_120 {
      %dma_wait3A_135 = arith.constant 0 : i32
      %dma_wait3A_136 = tpu.memref_slice %arg3[%dma_wait3A_135] : memref<2000000xi32, #tpu.memory_space<hbm>> -> memref<4000xi32, #tpu.memory_space<hbm>>
      %dma_wait3A_137 = arith.constant 0 : i32
      %dma_wait3A_138 = tpu.memref_slice %arg3[%dma_wait3A_137] : memref<2000000xi32, #tpu.memory_space<hbm>> -> memref<4000xi32, #tpu.memory_space<hbm>>
      tpu.wait_dma2 semaphore(%arg16 : memref<!tpu.dma_semaphore, #tpu.memory_space<semaphore_mem>>) src(%dma_wait3A_138 : memref<4000xi32, #tpu.memory_space<hbm>>) dst(%arg12 : memref<4000xi32, #tpu.memory_space<vmem>>)
      %dma_wait3A_139 = arith.constant 0 : i32
      %dma_wait3A_140 = arith.constant 0 : i32
      %dma_wait3A_141 = tpu.memref_slice %arg2[%dma_wait3A_139, %dma_wait3A_140] : memref<1x500000xf32, #tpu.memory_space<hbm>> -> memref<1x4000xf32, #tpu.memory_space<hbm>>
      %dma_wait3A_142 = tpu.memref_squeeze %dma_wait3A_141 : memref<1x4000xf32, #tpu.memory_space<hbm>> -> memref<4000xf32, #tpu.memory_space<hbm>>
      %dma_wait3A_143 = arith.constant 0 : i32
      %dma_wait3A_144 = tpu.memref_slice %arg2[%dma_wait3A_139, %dma_wait3A_143] : memref<1x500000xf32, #tpu.memory_space<hbm>> -> memref<1x4000xf32, #tpu.memory_space<hbm>>
      %dma_wait3A_145 = tpu.memref_squeeze %dma_wait3A_144 : memref<1x4000xf32, #tpu.memory_space<hbm>> -> memref<4000xf32, #tpu.memory_space<hbm>>
      tpu.wait_dma2 semaphore(%arg16 : memref<!tpu.dma_semaphore, #tpu.memory_space<semaphore_mem>>) src(%dma_wait3A_145 : memref<4000xf32, #tpu.memory_space<hbm>>) dst(%arg10 : memref<4000xf32, #tpu.memory_space<vmem>>)
      %dma_wait3A_146 = arith.constant 0 : i32
      %dma_wait3A_147 = arith.constant 0 : i32
      %dma_wait3A_148 = tpu.memref_slice %arg6[%dma_wait3A_146, %dma_wait3A_147] : memref<1x500000xf32, #tpu.memory_space<hbm>> -> memref<1x4000xf32, #tpu.memory_space<hbm>>
      %dma_wait3A_149 = tpu.memref_squeeze %dma_wait3A_148 : memref<1x4000xf32, #tpu.memory_space<hbm>> -> memref<4000xf32, #tpu.memory_space<hbm>>
      %dma_wait3A_150 = arith.constant 0 : i32
      %dma_wait3A_151 = tpu.memref_slice %arg6[%dma_wait3A_146, %dma_wait3A_150] : memref<1x500000xf32, #tpu.memory_space<hbm>> -> memref<1x4000xf32, #tpu.memory_space<hbm>>
      %dma_wait3A_152 = tpu.memref_squeeze %dma_wait3A_151 : memref<1x4000xf32, #tpu.memory_space<hbm>> -> memref<4000xf32, #tpu.memory_space<hbm>>
      tpu.wait_dma2 semaphore(%arg18 : memref<!tpu.dma_semaphore, #tpu.memory_space<semaphore_mem>>) src(%arg14 : memref<4000xf32, #tpu.memory_space<vmem>>) dst(%dma_wait3A_152 : memref<4000xf32, #tpu.memory_space<hbm>>)
      %parallel_loop3A_153 = arith.constant 0 : i32
      %parallel_loop3A_154 = arith.constant 4000 : i32
      %parallel_loop3A_155 = arith.constant 16 : i32
      scf.for %parallel_loop3A_165 = %parallel_loop3A_153 to %parallel_loop3A_154 step %parallel_loop3A_155  : i32 {
        %parallel_loop3A_166 = arith.index_cast %parallel_loop3A_165 : i32 to index
        %parallel_loop3A_167 = tpu.vector_load %arg12[%parallel_loop3A_166] {strides = array<i32>} : memref<4000xi32, #tpu.memory_space<vmem>>, vector<16xi32>,
        %parallel_loop3A_168 = arith.index_cast %parallel_loop3A_165 : i32 to index
        %parallel_loop3A_169 = tpu.vector_load %arg10[%parallel_loop3A_168] {strides = array<i32>} : memref<4000xf32, #tpu.memory_space<vmem>>, vector<16xf32>,
        %parallel_loop3A_170 = tpu.vector_load_idx %arg7[%parallel_loop3A_167] : memref<119xf32, #tpu.memory_space<vmem>>[vector<16xi32>], vector<16xf32>,
        %parallel_loop3A_171 = tpu.vector_load_idx %arg8[%parallel_loop3A_167] : memref<119xf32, #tpu.memory_space<vmem>>[vector<16xi32>], vector<16xf32>,
        %parallel_loop3A_172 = arith.mulf %parallel_loop3A_170, %parallel_loop3A_169 : vector<16xf32>
        %parallel_loop3A_173 = arith.addf %parallel_loop3A_172, %parallel_loop3A_171 : vector<16xf32>
        %parallel_loop3A_174 = arith.index_cast %parallel_loop3A_165 : i32 to index
        %parallel_loop3A_175 = tpu.vector_load %arg14[%parallel_loop3A_174] {strides = array<i32>} : memref<4000xf32, #tpu.memory_space<vmem>>, vector<16xf32>,
        tpu.vector_store %arg14[%parallel_loop3A_174], %parallel_loop3A_173 {strides = array<i32>} : memref<4000xf32, #tpu.memory_space<vmem>>, vector<16xf32>,
      } {sc.loop_unroll_factor = 4 : i64, sc.parallel_access}
      %add3A_156 = arith.constant 96 : i32
      %add3A_157 = arith.addi %add3A, %add3A_156 : i32
      %mul3A_158 = arith.constant 4000 : i32
      %mul3A_159 = arith.muli %add3A_157, %mul3A_158 : i32
      %dma_start3A_160 = arith.constant 0 : i32
      %dma_start3A_161 = tpu.memref_slice %arg6[%dma_start3A_160, %mul3A_159] : memref<1x500000xf32, #tpu.memory_space<hbm>> -> memref<1x4000xf32, #tpu.memory_space<hbm>>
      %dma_start3A_162 = tpu.memref_squeeze %dma_start3A_161 : memref<1x4000xf32, #tpu.memory_space<hbm>> -> memref<4000xf32, #tpu.memory_space<hbm>>
      %dma_start3A_163 = tpu.memref_slice %arg6[%dma_start3A_160, %mul3A_159] : memref<1x500000xf32, #tpu.memory_space<hbm>> -> memref<1x4000xf32, #tpu.memory_space<hbm>>
      %dma_start3A_164 = tpu.memref_squeeze %dma_start3A_163 : memref<1x4000xf32, #tpu.memory_space<hbm>> -> memref<4000xf32, #tpu.memory_space<hbm>>
      tpu.enqueue_dma source(%arg14 : memref<4000xf32, #tpu.memory_space<vmem>>) target(%dma_start3A_164 : memref<4000xf32, #tpu.memory_space<hbm>>) target_semaphore(%arg18 : memref<!tpu.dma_semaphore, #tpu.memory_space<semaphore_mem>>)
    } else {
    }
    %dma_wait3A_121 = arith.constant 0 : i32
    %dma_wait3A_122 = arith.constant 0 : i32
    %dma_wait3A_123 = tpu.memref_slice %arg6[%dma_wait3A_121, %dma_wait3A_122] : memref<1x500000xf32, #tpu.memory_space<hbm>> -> memref<1x4000xf32, #tpu.memory_space<hbm>>
    %dma_wait3A_124 = tpu.memref_squeeze %dma_wait3A_123 : memref<1x4000xf32, #tpu.memory_space<hbm>> -> memref<4000xf32, #tpu.memory_space<hbm>>
    %dma_wait3A_125 = arith.constant 0 : i32
    %dma_wait3A_126 = tpu.memref_slice %arg6[%dma_wait3A_121, %dma_wait3A_125] : memref<1x500000xf32, #tpu.memory_space<hbm>> -> memref<1x4000xf32, #tpu.memory_space<hbm>>
    %dma_wait3A_127 = tpu.memref_squeeze %dma_wait3A_126 : memref<1x4000xf32, #tpu.memory_space<hbm>> -> memref<4000xf32, #tpu.memory_space<hbm>>
    tpu.wait_dma2 semaphore(%arg17 : memref<!tpu.dma_semaphore, #tpu.memory_space<semaphore_mem>>) src(%arg13 : memref<4000xf32, #tpu.memory_space<vmem>>) dst(%dma_wait3A_127 : memref<4000xf32, #tpu.memory_space<hbm>>)
    %dma_wait3A_128 = arith.constant 0 : i32
    %dma_wait3A_129 = arith.constant 0 : i32
    %dma_wait3A_130 = tpu.memref_slice %arg6[%dma_wait3A_128, %dma_wait3A_129] : memref<1x500000xf32, #tpu.memory_space<hbm>> -> memref<1x4000xf32, #tpu.memory_space<hbm>>
    %dma_wait3A_131 = tpu.memref_squeeze %dma_wait3A_130 : memref<1x4000xf32, #tpu.memory_space<hbm>> -> memref<4000xf32, #tpu.memory_space<hbm>>
    %dma_wait3A_132 = arith.constant 0 : i32
    %dma_wait3A_133 = tpu.memref_slice %arg6[%dma_wait3A_128, %dma_wait3A_132] : memref<1x500000xf32, #tpu.memory_space<hbm>> -> memref<1x4000xf32, #tpu.memory_space<hbm>>
    %dma_wait3A_134 = tpu.memref_squeeze %dma_wait3A_133 : memref<1x4000xf32, #tpu.memory_space<hbm>> -> memref<4000xf32, #tpu.memory_space<hbm>>
    tpu.wait_dma2 semaphore(%arg18 : memref<!tpu.dma_semaphore, #tpu.memory_space<semaphore_mem>>) src(%arg14 : memref<4000xf32, #tpu.memory_space<vmem>>) dst(%dma_wait3A_134 : memref<4000xf32, #tpu.memory_space<hbm>>)
    return
  }
}

</mosaic_0001>

<sc_bundles>
// kernel: kernel.12.cloned.1.call-start
scs
__scs_entry_jumppad:
0x0: {  	(pc) =	sbr.rel $0x88, $3  }
0x1: {  	(tag) =	ssettag $0x0;
	lr =	simm.s32 $0x1  }
0x2: {  	[smem:$0x3F9D] =	sst lr;
	_ =	strace $0xD0000000  }
0x3: {  	_ = 	snop  }
0x4: {  	_ = 	snop  }
0x5: {  	_ = 	snop  }
0x6: {  	_ = 	snop  }
0x7: {  	_ = 	snop  }
__scs_overlays_trampoline_lowered:
0x8: {  	[smem:$0x3FAC] =	sst s0  }
0x9: {  	[smem:$0x3FAD] =	sst s1  }
0xa: {  	[smem:$0x3FAE] =	sst s2  }
0xb: {  	[smem:$0x3FAF] =	sst s3  }
0xc: {  	[smem:$0x3FB0] =	sst s4  }
0xd: {  	[smem:$0x3FB1] =	sst s5  }
0xe: {  	[smem:$0x3FB2] =	sst s6  }
0xf: {  	[smem:$0x3FB3] =	sst s7  }
0x10: {  	[smem:$0x3FB4] =	sst s8  }
0x11: {  	[smem:$0x3FB5] =	sst s9;
	s0 =	simm.s32 @!p0 $0x0  }
0x12: {  	s1 =	sld [smem:$0x3F9B];
	s0 =	simm.s32 @p0 $0x1  }
0x13: {  	[smem:$0x3FB6] =	sst s0;
	s0 =	simm.s32 @!p1 $0x0  }
0x14: {  	s2 =	sld [smem:$0x3F9A];
	s0 =	simm.s32 @p1 $0x1  }
0x15: {  	[smem:$0x3FB7] =	sst s0;
	s0 =	simm.s32 @!p2 $0x0  }
0x16: {  	s3 =	sld [smem:$0x3FDB];
	s0 =	simm.s32 @p2 $0x1  }
0x17: {  	s4 =	simm.s32 $0x1BF5;
	[smem:$0x3FB9] =	sst s0  }
0x18: {  	s0 =	sld [smem:$0x3F9C];
	_ =	swait.ge [sflag:s4], $0x0  }
0x19: {  	s7 =	sld [smem:$0x3F9D]  }
0x1a: {  	s8 =	sadd.s32 $0xFFFFE003, lr  }
0x1b: {  	s9 =	sadd.s32 $0xFFFFFEF7, lr;
	s5 =	simm.s32 $0xFFFFFFFF;
	p2 =	slt.u32 s8, $0xFFFFF086  }
0x1c: {  	p1 =	slt.u32 s9, $0xF7A;
	s5 =	simm.s32 @!p2 $0x0  }
0x1d: {  	s5 =	simm.s32 @p1 $0x1;
	p0 =	seq.s32 s7, s2  }
0x1e: {  	s7 =	smul.u32 @!p0 $0xF7A, s2;
	p2 =	seq.s32 @!p0 s5, $0x0  }
0x1f: {  	s9 =	smul.u32 $0xF7A, s1;
	s8 =	simm.s32 @!p0 $0x1BF5;
	p2 =	por !p2, p0  }
0x20: {  	[sflag:s8] =	ssyncset.s32 @!p0 $0xFFFFF086;
	s6 =	sadd.s32 @!p0 s3, s7;
	s7 =	simm.s32 @!p0 $0x108  }
0x21: {  	s3 =	sadd.s32 s3, s9;
	s6 =	sadd.s32 @!p0 $0x88, s6;
	s7 =	simm.s32 @p2 $0x1082  }
0x22: {  	[simem:s7], [sflag:s8] =	dma.local @!p0 [hbm:s6], $0xF7A  }
0x23: {  	s9 =	sor.u32 $0xD0000000, s2;
	s6 =	simm.s32 $0x108;
	_ =	swait.ge @!p0 [sflag:s8], $0x0  }
0x24: {  	s3 =	sadd.s32 $0x88, s3;
	s6 =	simm.s32 @!p1 $0x1082;
	[sflag:s4] =	ssyncset.s32 $0xFFFFF086  }
0x25: {  	[simem:s6], [sflag:s4] =	dma.local [hbm:s3], $0xF7A  }
0x26: {  	[smem:$0x3F9D] =	sst s1;
	(tag) =	ssettag s2;
	_ =	strace s9  }
0x27: {  	s1 =	sld [smem:$0x3FAD]  }
0x28: {  	s2 =	sld [smem:$0x3FAE]  }
0x29: {  	s4 =	sld [smem:$0x3FB0]  }
0x2a: {  	p0 =	seq.s32 s5, $0x0;
	s5 =	sld [smem:$0x3FB1]  }
0x2b: {  	s6 =	sld [smem:$0x3FB2]  }
0x2c: {  	s7 =	sld [smem:$0x3FB3]  }
0x2d: {  	s3 =	simm.s32 $0x108;
	s8 =	sld [smem:$0x3FB4]  }
0x2e: {  	s3 =	simm.s32 @!p0 $0x1082;
	s9 =	sld [smem:$0x3FB5]  }
0x2f: {  	lr =	sadd.s32 s0, s3;
	s0 =	sld [smem:$0x3FAC]  }
0x30: {  	s3 =	sld [smem:$0x3FAF]  }
0x31: {  	[smem:$0x3FB8] =	sst s10  }
0x32: {  	s10 =	sld [smem:$0x3FB6];
	_ =	sdelay $0x3  }
0x33: {  	p0 =	seq.s32 s10, $0x1;
	s10 =	sld [smem:$0x3FB8];
	_ =	sdelay $0x3  }
0x34: {  	[smem:$0x3FB8] =	sst s10  }
0x35: {  	s10 =	sld [smem:$0x3FB7];
	_ =	sdelay $0x3  }
0x36: {  	p1 =	seq.s32 s10, $0x1;
	s10 =	sld [smem:$0x3FB8];
	_ =	sdelay $0x3  }
0x37: {  	[smem:$0x3FB8] =	sst s10  }
0x38: {  	s10 =	sld [smem:$0x3FB9]  }
0x39: {  	_ = 	snop;
	(pc) =	sbr.ind lr, $3  }
0x3a: {  	_ = 	snop  }
0x3b: {  	_ = 	snop  }
0x3c: {  	p2 =	seq.s32 s10, $0x1;
	s10 =	sld [smem:$0x3FB8]  }
0x3d: {  	_ =	shalt  }
0x3e: {  	_ =	shalt  }
0x3f: {  	_ =	shalt  }
0x40: {  	_ =	shalt  }
0x41: {  	_ =	shalt  }
0x42: {  	_ =	shalt  }
0x43: {  	_ =	shalt  }
0x44: {  	_ =	shalt  }
0x45: {  	_ =	shalt  }
0x46: {  	_ =	shalt  }
0x47: {  	_ =	shalt  }
0x48: {  	_ =	shalt  }
0x49: {  	_ =	shalt  }
0x4a: {  	_ =	shalt  }
0x4b: {  	_ =	shalt  }
0x4c: {  	_ =	shalt  }
0x4d: {  	_ =	shalt  }
0x4e: {  	_ =	shalt  }
0x4f: {  	_ =	shalt  }
0x50: {  	_ =	shalt  }
0x51: {  	_ =	shalt  }
0x52: {  	_ =	shalt  }
0x53: {  	_ =	shalt  }
0x54: {  	_ =	shalt  }
0x55: {  	_ =	shalt  }
0x56: {  	_ =	shalt  }
0x57: {  	_ =	shalt  }
0x58: {  	_ =	shalt  }
0x59: {  	_ =	shalt  }
0x5a: {  	_ =	shalt  }
0x5b: {  	_ =	shalt  }
0x5c: {  	_ =	shalt  }
0x5d: {  	_ =	shalt  }
0x5e: {  	_ =	shalt  }
0x5f: {  	_ =	shalt  }
0x60: {  	_ =	shalt  }
0x61: {  	_ =	shalt  }
0x62: {  	_ =	shalt  }
0x63: {  	_ =	shalt  }
0x64: {  	_ =	shalt  }
0x65: {  	_ =	shalt  }
0x66: {  	_ =	shalt  }
0x67: {  	_ =	shalt  }
0x68: {  	_ =	shalt  }
0x69: {  	_ =	shalt  }
0x6a: {  	_ =	shalt  }
0x6b: {  	_ =	shalt  }
0x6c: {  	_ =	shalt  }
0x6d: {  	_ =	shalt  }
0x6e: {  	_ =	shalt  }
0x6f: {  	_ =	shalt  }
0x70: {  	_ =	shalt  }
0x71: {  	_ =	shalt  }
0x72: {  	_ =	shalt  }
0x73: {  	_ =	shalt  }
0x74: {  	_ =	shalt  }
0x75: {  	_ =	shalt  }
0x76: {  	_ =	shalt  }
0x77: {  	_ =	shalt  }
0x78: {  	_ =	shalt  }
0x79: {  	_ =	shalt  }
0x7a: {  	_ =	shalt  }
0x7b: {  	_ =	shalt  }
0x7c: {  	_ =	shalt  }
0x7d: {  	_ =	shalt  }
0x7e: {  	_ =	shalt  }
0x7f: {  	_ =	shalt  }
0x80: {  	_ =	shalt  }
0x81: {  	_ =	shalt  }
0x82: {  	_ =	shalt  }
0x83: {  	_ =	shalt  }
0x84: {  	_ =	shalt  }
0x85: {  	_ =	shalt  }
0x86: {  	_ =	shalt  }
0x87: {  	_ =	shalt  }
.Lfunc_end0:
.L_simem_size_0:
called_computation.2_lowered:
.L_overlay_start_0:
0x88: {  	s2 =	sld [smem:$0x3FD9]  }
0x89: {  	s3 =	sld [smem:$0x3FFE];
	_ =	sdelay $0x1  }
0x8a: {  	s1 =	srdreg.scid  }
0x8b: {  	s0 =	sand.u32 $0x1, s1  }
0x8c: {  	s17 =	sshll.u32 s0, $0xA;
	s2 =	sadd.s32 s3, s2  }
0x8d: {  	s2 =	sadd.s32 s2, s17  }
0x8e: {  	[smem:$0x3FC4] =	sst s2  }
0x8f: {  	_ = 	snop  }
0x90: {  	s2 =	sld [smem:$0x3FC8];
	(tm) =	ssettm $0x1  }
0x91: {  	s18 =	sld [smem:$0x3FFB];
	_ =	sdelay $0x3  }
0x92: {  	_ =	strace s18  }
0x93: {  	s3 =	sld [smem:$0x3FFC];
	_ =	sdelay $0x3  }
0x94: {  	_ =	strace s3  }
0x95: {  	s3 =	sld [smem:$0x3FFD];
	_ =	sdelay $0x3  }
0x96: {  	_ =	strace s3  }
0x97: {  	_ =	strace $0x8FFFFFFF  }
0x98: {  	s19 =	sld [smem:$0x3FDB];
	_ =	sdelay $0x1  }
0x99: {  	s4 =	simm.s32 $_scs_section_size  }
0x9a: {  	s5 =	simm.s32 $_size__tile_overlayer_lowered;
	s6 =	simm.s32 $_tile_overlayer_lowered  }
0x9b: {  	s22 =	simm.s32 $0x1BFF;
	s21 =	sshll.u32 s6, $0x1;
	s3 =	sadd.s32 s4, s19  }
0x9c: {  	s7 =	simm.s32 $0x0;
	s20 =	sshll.u32 s5, $0x1;
	s5 =	sadd.s32 s21, s3  }
0x9d: {  	[timem:s7], [sflag:s22] =	dma.local [hbm:s5], s20  }
0x9e: {  	_ =	swait.ge [sflag:s22], s20  }
0x9f: {  	s4 =	ssub.s32 $0x0, s20;
	[sflag:s22] =	ssyncset.done $0x0  }
0xa0: {  	[sflag:s22] =	ssyncadd.s32 s4;
	_ =	sdelay $0x1  }
0xa1: {  	s23 =	simm.s32 $0x1B8B  }
0xa2: {  	_ =	swait.ge [sflag:s23], $0x1  }
0xa3: {  	[sflag:s23] =	ssyncset.done $0x0  }
0xa4: {  	s25 =	simm.s32 $0x1B8E;
	s24 =	sld [smem:$0x3FFE];
	[sflag:s23] =	ssyncadd.s32 $0xFFFFFFFF  }
0xa5: {  	s26 =	simm.s32 $execute0_lowered;
	[smem:$0x3FD2] =	sst s25  }
0xa6: {  	s5 =	sshll.u32 s26, $0x1;
	_ =	strace $0x80000046;
	[dreg:$0x1] =	wrdreg $0xFFFFFFFF  }
0xa7: {  	s28 =	simm.s32 $_size_execute0_lowered;
	s3 =	sadd.s32 s3, s5;
	[dreg:$0x0] =	wrdreg $0x0  }
0xa8: {  	s5 =	sshll.u32 s28, $0x1;
	[dreg:$0x2] =	wrdreg s3  }
0xa9: {  	[dreg:$0x3] =	wrdreg s5  }
0xaa: {  	[dreg:$0x4] =	wrdreg $0xC0  }
0xab: {  	_ =	task [dreg:s7], $0x5FFFF  }
0xac: {  	[dreg:$0x1] =	wrdreg $0xFFFFFFFF  }
0xad: {  	[dreg:$0x0] =	wrdreg $0x60  }
0xae: {  	[dreg:$0x2] =	wrdreg s24  }
0xaf: {  	[dreg:$0x3] =	wrdreg s2  }
0xb0: {  	[dreg:$0x4] =	wrdreg $0xB  }
0xb1: {  	_ =	task.clear_ibuf [dreg:s7], $0x5FFFF;
	_ =	strace $0x90000046  }
0xb2: {  	s29 =	simm.s32 $0xB;
	_ =	strace $0x80000048  }
0xb3: {  	_ =	swait.ge [sflag:s29], $0x1  }
0xb4: {  	[sflag:s29] =	ssyncadd.s32 $0xFFFFFFFF  }
0xb5: {  	_ =	strace $0x90000048  }
0xb6: {  	_ =	sfence  }
0xb7: {  	s30 =	sld [smem:$0x0];
	_ =	sdelay $0x2  }
0xb8: {  	s31 =	sshll.u32 s1, $0xD;
	s1 =	sshrl.u32 s1, $0x2  }
0xb9: {  	s3 =	sand.u32 $0x4000, s31;
	s1 =	sadd.s32 s1, s30  }
0xba: {  	s0 =	sor.u32 s3, s0;
	s1 =	sshll.u32 s1, $0x11  }
0xbb: {  	s0 =	sor.u32 s1, s0  }
0xbc: {  	s0 =	sadd.s32 $0x8F2B, s0  }
0xbd: {  	[sflag:s0] =	ssyncadd.remote.s32 $0x1  }
0xbe: {  	_ =	sfence.sel $0xFFFF  }
0xbf: {  	[dreg:$0x0] =	wrdreg $0xFFFFFFFF;
	(pc) =	sbr.abs _section_cstart, $3  }
0xc0: {  	[dreg:$0x1] =	wrdreg $0xFFFFFFFF  }
0xc1: {  	_ =	task.clear_ibuf [dreg:s7], $0x2FFFF;
	_ =	strace $0x9FFFFFFF  }
0xc2: {  	(tm) =	ssettm $0x7FFFFFFF  }
0xc3: {  	_ =	shalt  }
tec
execute0_lowered:
.L_overlay_start_1:
0x0: {  	(tag) =	ssettag $0x1  }
0x1: {  	s2 =	rddreg [dreg:$0x0];
	s0 =	srdreg.scid  }
0x2: {  	s3 =	stileid.u32;
	s1 =	rddreg [dreg:$0x1]  }
0x3: {  	s18 =	simm.s32 $0x5;
	s19 =	simm.s32 $0x78;
	s20 =	simm.s32 $0x2030  }
0x4: {  	s21 =	simm.s32 $0xF0;
	s24 =	simm.s32 $0x1;
	s25 =	simm.s32 $0x3F70  }
0x5: {  	s28 =	simm.s32 $0x4F10;
	s29 =	simm.s32 $0x3;
	s30 =	simm.s32 $0x4  }
0x6: {  	s31 =	simm.s32 $0x0;
	s0 =	sand.u32 $0x1, s0;
	s4 =	sshll.u32 s3, $0x1  }
0x7: {  	s3 =	simm.s32 $0x0;
	s14 =	sadd.s32 $0x400, s2;
	s22 =	sor.u32 s0, s4  }
0x8: {  	s16 =	sadd.s32 $0x2E600, s2;
	[smem:$0x7FF] =	sst s3;
	s5 =	smul.u32 $0xFA0, s22  }
0x9: {  	s0 =	ssub.s32 $0x2, s0;
	s4 =	sadd.s32 $0x200, s2;
	_ =	strace $0x80000047  }
0xa: {  	s6 =	sshrl.u32 s0, $0x1;
	p0 =	sgt.u32 s22, $0x1C;
	s15 =	sshrl.u32 s5, $0x3  }
0xb: {  	s0 =	ssub.s32 s0, s6;
	s1 =	sadd.s32 s1, s15;
	s6 =	sadd.s32 s14, s15  }
0xc: {  	s12 =	sadd.s32 $0x3E80, s15;
	s17 =	sadd.s32 $0x7D00, s15;
	s9 =	sadd.s32 s16, s15  }
.Ltmp0:
0xd: {  	s26 =	sadd.s32 $0xBB80, s15;
	s5 =	sadd.s32 $0x1E848, s1;
	(pc) =	sbr.rel .LBB2_1-.Ltmp0, $4  }
0xe: {  	s7 =	sadd.s32 $0x226C8, s1;
	s8 =	sadd.s32 s14, s12;
	s10 =	sadd.s32 $0x26548, s1  }
0xf: {  	s11 =	sadd.s32 s14, s17;
	s12 =	sadd.s32 s16, s12;
	s13 =	sadd.s32 $0x2A3C8, s1  }
0x10: {  	s14 =	sadd.s32 s14, s26;
	s15 =	sadd.s32 s16, s17;
	s1 =	sadd.s32 s16, s26  }
0x11: {  	s17 =	smax.u32 s0, $0x1;
	s26 =	simm.s32 $0x2;
	[dreg:$0x3] =	wrdreg s1  }
.LBB2_19:
0x12: {  	s31 =	sadd.s32 $0x1, s31  }
0x13: {  	_ =	swait.ge [sflag:s29], $0xFA0;
	p1 =	sne.s32 s31, s17  }
.Ltmp1:
0x14: {  	[sflag:s29] =	ssyncset.done $0x0;
	(pc) =	sbr.rel @!p1 .LBB2_20-.Ltmp1, $4  }
0x15: {  	[sflag:s29] =	ssyncadd.s32 $0xFFFFF060  }
0x16: {  	_ =	swait.ge [sflag:s30], $0xFA0  }
0x17: {  	[sflag:s30] =	ssyncset.done $0x0  }
0x18: {  	[sflag:s30] =	ssyncadd.s32 $0xFFFFF060  }
.LBB2_1:
0x19: {  	[tilespmem:s3], [sflag:$0x5] =	stream.linear.gather [hbm4b:s2+s3], $0x78, $0x38;
	[tilespmem:$0x5EB0] =	vst v63  }
0x1a: {  	_ =	swait.ge [sflag:s18], $0x78  }
0x1b: {  	[sflag:s18] =	ssyncset.done $0x0  }
0x1c: {  	[sflag:s18] =	ssyncadd.s32 $0xFFFFFF88  }
0x1d: {  	[tilespmem:s19], [sflag:$0x5] =	stream.linear.gather [hbm4b:s4+s3], $0x78, $0x38;
	[tilespmem:$0x5EB0] =	vst v63  }
0x1e: {  	_ =	swait.ge [sflag:s18], $0x78  }
0x1f: {  	[sflag:s18] =	ssyncset.done $0x0  }
0x20: {  	[sflag:s18] =	ssyncadd.s32 $0xFFFFFF88  }
0x21: {  	[tilespmem:s20], [sflag:$0x1] =	stream.linear.gather [hbm4b:s5+s3], $0xFA0, $0x38;
	[tilespmem:$0x5EB0] =	vst v63  }
0x22: {  	_ = 	snop  }
0x23: {  	[tilespmem:s21], [sflag:$0x1] =	stream.linear.gather [hbm4b:s6+s3], $0xFA0, $0x38;
	[tilespmem:$0x5EB0] =	vst v63  }
0x24: {  	s0 =	simm.s32 $0x2FD0  }
0x25: {  	[tilespmem:s0], [sflag:$0x2] =	stream.linear.gather [hbm4b:s7+s3], $0xFA0, $0x38;
	[tilespmem:$0x5EB0] =	vst v63  }
0x26: {  	s16 =	simm.s32 $0x1090  }
0x27: {  	[tilespmem:s16], [sflag:$0x2] =	stream.linear.gather [hbm4b:s8+s3], $0xFA0, $0x38;
	[tilespmem:$0x5EB0] =	vst v63  }
0x28: {  	_ =	swait.ge [sflag:s24], $0xFA0  }
0x29: {  	[sflag:s24] =	ssyncset.done $0x0  }
0x2a: {  	[sflag:s24] =	ssyncadd.s32 $0xFFFFF060  }
0x2b: {  	_ =	swait.ge [sflag:s24], $0xFA0  }
0x2c: {  	[sflag:s24] =	ssyncset.done $0x0  }
0x2d: {  	s22 =	simm.s32 $0x2050;
	[sflag:s24] =	ssyncadd.s32 $0xFFFFF060  }
0x2e: {  	v0 =	vld [tilespmem:s22+$0x10]  }
0x2f: {  	v3 =	vld [tilespmem:s22+$0xFFFFFFE0]  }
0x30: {  	v4 =	vld [tilespmem:s22+$0xFFFFFFF0]  }
0x31: {  	s23 =	simm.s32 $0x110;
	v5 =	vld [tilespmem:s22+$0x0]  }
0x32: {  	v7 =	vld [tilespmem:s23+$0x10]  }
0x33: {  	v12 =	vld [tilespmem:s23+$0xFFFFFFE0]  }
0x34: {  	s1 =	simm.s32 $0x2090;
	v13 =	vld [tilespmem:s23+$0xFFFFFFF0]  }
0x35: {  	v14 =	vld [tilespmem:s1+$0x10]  }
0x36: {  	v1 =	vld [tilespmem:s1+$0x0]  }
0x37: {  	v2 =	vld [tilespmem:s1+$0xFFFFFFE0]  }
0x38: {  	v15 =	vld [tilespmem:s23+$0x0]  }
0x39: {  	v6 =	vld.idx.msk [tilespmem:v0+s3+$0x0], $0xffff  }
0x3a: {  	v8 =	vld.idx.msk [tilespmem:v0+s19+$0x0], $0xffff  }
0x3b: {  	v9 =	vld.idx.msk [tilespmem:v3+s3+$0x0], $0xffff  }
0x3c: {  	v10 =	vld.idx.msk [tilespmem:v4+s3+$0x0], $0xffff  }
0x3d: {  	v11 =	vld.idx.msk [tilespmem:v5+s3+$0x0], $0xffff  }
0x3e: {  	v0 =	vld [tilespmem:s1+$0xFFFFFFF0]  }
0x3f: {  	v3 =	vld.idx.msk [tilespmem:v3+s19+$0x0], $0xffff  }
0x40: {  	v16 =	vld.idx.msk [tilespmem:v4+s19+$0x0], $0xffff  }
0x41: {  	v17 =	vld.idx.msk [tilespmem:v5+s19+$0x0], $0xffff  }
0x42: {  	s0 =	simm.s32 $0x150;
	v18 =	vld.idx.msk [tilespmem:v14+s3+$0x0], $0xffff;
	v4 =	vmul.f32 v6, v7  }
0x43: {  	v5 =	vmul.f32 v9, v12;
	v9 =	vld [tilespmem:s0+$0x10]  }
0x44: {  	v6 =	vld.idx.msk [tilespmem:v14+s19+$0x0], $0xffff;
	v7 =	vadd.f32 v8, v4;
	v8 =	vmul.f32 v10, v13  }
0x45: {  	s1 =	simm.s32 $0x3F90;
	v10 =	vmul.f32 v11, v15;
	v11 =	vadd.f32 v3, v5;
	v4 =	vld.idx.msk [tilespmem:v2+s3+$0x0], $0xffff  }
0x46: {  	v3 =	vld.idx.msk [tilespmem:v1+s3+$0x0], $0xffff;
	[tilespmem:s1+$0x10] =	vst v7;
	v8 =	vadd.f32 v16, v8  }
0x47: {  	v5 =	vld.idx.msk [tilespmem:v0+s3+$0x0], $0xffff;
	[tilespmem:s1+$0xFFFFFFE0] =	vst v11;
	v10 =	vadd.f32 v17, v10  }
0x48: {  	v7 =	vld [tilespmem:s0+$0xFFFFFFE0];
	v9 =	vmul.f32 v18, v9;
	[tilespmem:s1+$0xFFFFFFF0] =	vst v8  }
0x49: {  	s22 =	simm.s32 $0x40;
	s23 =	simm.s32 $0x20D0;
	v8 =	vld [tilespmem:s0+$0xFFFFFFF0];
	[tilespmem:s1+$0x0] =	vst v10  }
.LBB2_2:
0x4a: {  	v10 =	vld [tilespmem:s23+$0x10];
	s22 =	sadd.s32 $0x40, s22;
	v6 =	vadd.f32 v6, v9  }
0x4b: {  	s1 =	sadd.s32 $0x40, s1;
	v9 =	vld [tilespmem:s23+$0xFFFFFFF0];
	p1 =	slt.u32 s22, $0xF40  }
0x4c: {  	v11 =	vld [tilespmem:s23+$0x0];
	[tilespmem:s1+$0x10] =	vst v6  }
0x4d: {  	v12 =	vld [tilespmem:s23+$0xFFFFFFE0];
	v7 =	vmul.f32 v4, v7  }
0x4e: {  	v8 =	vmul.f32 v5, v8;
	v4 =	vld [tilespmem:s0+$0x0]  }
0x4f: {  	v5 =	vld.idx.msk [tilespmem:v2+s19+$0x0], $0xffff  }
0x50: {  	v13 =	vld.idx.msk [tilespmem:v0+s19+$0x0], $0xffff;
	v0 =	vmov v9  }
0x51: {  	v9 =	vld.idx.msk [tilespmem:v1+s19+$0x0], $0xffff;
	v1 =	vmov v11  }
0x52: {  	s0 =	sadd.s32 $0x40, s0;
	v11 =	vld.idx.msk [tilespmem:v10+s3+$0x0], $0xffff;
	v2 =	vmov v12  }
0x53: {  	v14 =	vld [tilespmem:s0+$0x10];
	v15 =	vmul.f32 v3, v4  }
0x54: {  	v6 =	vld.idx.msk [tilespmem:v10+s19+$0x0], $0xffff  }
.Ltmp2:
0x55: {  	v7 =	vadd.f32 v5, v7;
	v4 =	vld.idx.msk [tilespmem:v12+s3+$0x0], $0xffff;
	(pc) =	sbr.rel @p1 .LBB2_2-.Ltmp2, $4  }
0x56: {  	v8 =	vadd.f32 v13, v8;
	v5 =	vld.idx.msk [tilespmem:v0+s3+$0x0], $0xffff  }
0x57: {  	v10 =	vadd.f32 v9, v15;
	v3 =	vld.idx.msk [tilespmem:v1+s3+$0x0], $0xffff;
	[tilespmem:s1+$0xFFFFFFE0] =	vst v7  }
0x58: {  	v7 =	vld [tilespmem:s0+$0xFFFFFFE0];
	v9 =	vmul.f32 v11, v14;
	[tilespmem:s1+$0xFFFFFFF0] =	vst v8  }
0x59: {  	s23 =	sadd.s32 $0x40, s23;
	v8 =	vld [tilespmem:s0+$0xFFFFFFF0];
	[tilespmem:s1+$0x0] =	vst v10  }
0x5a: {  	_ =	sdelay $0x2  }
0x5b: {  	v10 =	vld [tilespmem:s0+$0x0]  }
0x5c: {  	v2 =	vld.idx.msk [tilespmem:v2+s19+$0x0], $0xffff  }
0x5d: {  	v0 =	vld.idx.msk [tilespmem:v0+s19+$0x0], $0xffff  }
0x5e: {  	v1 =	vld.idx.msk [tilespmem:v1+s19+$0x0], $0xffff  }
0x5f: {  	v4 =	vmul.f32 v4, v7  }
0x60: {  	v6 =	vadd.f32 v6, v9;
	v5 =	vmul.f32 v5, v8  }
0x61: {  	s16 =	sadd.s32 $0x40, s1;
	v3 =	vmul.f32 v3, v10;
	v2 =	vadd.f32 v2, v4  }
0x62: {  	[tilespmem:s16+$0x10] =	vst v6;
	v0 =	vadd.f32 v0, v5  }
0x63: {  	[tilespmem:s16+$0xFFFFFFE0] =	vst v2;
	v1 =	vadd.f32 v1, v3  }
0x64: {  	s0 =	simm.s32 $0x2FB0;
	[tilespmem:s16+$0xFFFFFFF0] =	vst v0  }
0x65: {  	s1 =	simm.s32 $0xF70;
	s22 =	simm.s32 $0x4EF0;
	s23 =	simm.s32 $0x1070;
	[tilespmem:s16+$0x0] =	vst v1  }
.LBB2_4:
0x66: {  	v0 =	vld [tilespmem:s0+$0x0];
	_ =	sdelay $0x6  }
0x67: {  	v1 =	vld [tilespmem:s23+$0x0]  }
0x68: {  	v2 =	vld.idx.msk [tilespmem:v0+s3+$0x0], $0xffff;
	_ =	sdelay $0x1  }
0x69: {  	v0 =	vld.idx.msk [tilespmem:v0+s19+$0x0], $0xffff  }
0x6a: {  	s1 =	sadd.s32 $0x10, s1  }
0x6b: {  	p1 =	slt.u32 s1, $0xF90  }
.Ltmp3:
0x6c: {  	v1 =	vmul.f32 v2, v1;
	(pc) =	sbr.rel @p1 .LBB2_4-.Ltmp3, $3  }
0x6d: {  	_ = 	snop  }
0x6e: {  	v0 =	vadd.f32 v0, v1;
	_ =	sdelay $0x1  }
0x6f: {  	s23 =	sadd.s32 $0x10, s23;
	s0 =	sadd.s32 $0x10, s0;
	[tilespmem:s22+$0x0] =	vst v0;
	s22 =	sadd.s32 $0x10, s22  }
0x70: {  	[hbm4b:s9+s3] =	stream.linear.scatter [tilespmem:s25], [sflag:$0x3], $0xFA0, $0x38;
	[tilespmem:$0x5EB0] =	vst v63  }
0x71: {  	_ = 	snop  }
0x72: {  	[tilespmem:s20], [sflag:$0x1] =	stream.linear.gather [hbm4b:s10+s3], $0xFA0, $0x38;
	[tilespmem:$0x5EB0] =	vst v63  }
0x73: {  	_ = 	snop  }
0x74: {  	[tilespmem:s21], [sflag:$0x1] =	stream.linear.gather [hbm4b:s11+s3], $0xFA0, $0x38;
	[tilespmem:$0x5EB0] =	vst v63  }
0x75: {  	_ =	swait.ge [sflag:s26], $0xFA0  }
0x76: {  	[sflag:s26] =	ssyncset.done $0x0  }
0x77: {  	[sflag:s26] =	ssyncadd.s32 $0xFFFFF060  }
0x78: {  	_ =	swait.ge [sflag:s26], $0xFA0  }
0x79: {  	[sflag:s26] =	ssyncset.done $0x0  }
0x7a: {  	s0 =	simm.s32 $0x2FF0;
	[sflag:s26] =	ssyncadd.s32 $0xFFFFF060  }
0x7b: {  	v0 =	vld [tilespmem:s0+$0x10]  }
0x7c: {  	v3 =	vld [tilespmem:s0+$0xFFFFFFE0]  }
0x7d: {  	v4 =	vld [tilespmem:s0+$0xFFFFFFF0]  }
0x7e: {  	s23 =	simm.s32 $0x10B0;
	v5 =	vld [tilespmem:s0+$0x0]  }
0x7f: {  	v7 =	vld [tilespmem:s23+$0x10]  }
0x80: {  	v12 =	vld [tilespmem:s23+$0xFFFFFFE0]  }
0x81: {  	s1 =	simm.s32 $0x3030;
	v13 =	vld [tilespmem:s23+$0xFFFFFFF0]  }
0x82: {  	v14 =	vld [tilespmem:s1+$0x10]  }
0x83: {  	v1 =	vld [tilespmem:s1+$0x0]  }
0x84: {  	v2 =	vld [tilespmem:s1+$0xFFFFFFE0]  }
0x85: {  	v15 =	vld [tilespmem:s23+$0x0]  }
0x86: {  	v6 =	vld.idx.msk [tilespmem:v0+s3+$0x0], $0xffff  }
0x87: {  	v8 =	vld.idx.msk [tilespmem:v0+s19+$0x0], $0xffff  }
0x88: {  	v9 =	vld.idx.msk [tilespmem:v3+s3+$0x0], $0xffff  }
0x89: {  	v10 =	vld.idx.msk [tilespmem:v4+s3+$0x0], $0xffff  }
0x8a: {  	v11 =	vld.idx.msk [tilespmem:v5+s3+$0x0], $0xffff  }
0x8b: {  	v0 =	vld [tilespmem:s1+$0xFFFFFFF0]  }
0x8c: {  	v3 =	vld.idx.msk [tilespmem:v3+s19+$0x0], $0xffff  }
0x8d: {  	v16 =	vld.idx.msk [tilespmem:v4+s19+$0x0], $0xffff  }
0x8e: {  	v17 =	vld.idx.msk [tilespmem:v5+s19+$0x0], $0xffff  }
0x8f: {  	v18 =	vld.idx.msk [tilespmem:v14+s3+$0x0], $0xffff;
	s1 =	simm.s32 $0x10F0;
	v4 =	vmul.f32 v6, v7  }
0x90: {  	v5 =	vmul.f32 v9, v12;
	v9 =	vld [tilespmem:s1+$0x10]  }
0x91: {  	v6 =	vld.idx.msk [tilespmem:v14+s19+$0x0], $0xffff;
	v7 =	vadd.f32 v8, v4;
	v8 =	vmul.f32 v10, v13  }
0x92: {  	s0 =	simm.s32 $0x4F30;
	v10 =	vmul.f32 v11, v15;
	v11 =	vadd.f32 v3, v5;
	v4 =	vld.idx.msk [tilespmem:v2+s3+$0x0], $0xffff  }
0x93: {  	v3 =	vld.idx.msk [tilespmem:v1+s3+$0x0], $0xffff;
	[tilespmem:s0+$0x10] =	vst v7;
	v8 =	vadd.f32 v16, v8  }
0x94: {  	v5 =	vld.idx.msk [tilespmem:v0+s3+$0x0], $0xffff;
	[tilespmem:s0+$0xFFFFFFE0] =	vst v11;
	v10 =	vadd.f32 v17, v10  }
0x95: {  	v7 =	vld [tilespmem:s1+$0xFFFFFFE0];
	v9 =	vmul.f32 v18, v9;
	[tilespmem:s0+$0xFFFFFFF0] =	vst v8  }
0x96: {  	s22 =	simm.s32 $0x40;
	s23 =	simm.s32 $0x3070;
	v8 =	vld [tilespmem:s1+$0xFFFFFFF0];
	[tilespmem:s0+$0x0] =	vst v10  }
.LBB2_6:
0x97: {  	v10 =	vld [tilespmem:s23+$0x10];
	s22 =	sadd.s32 $0x40, s22;
	v6 =	vadd.f32 v6, v9  }
0x98: {  	s0 =	sadd.s32 $0x40, s0;
	v9 =	vld [tilespmem:s23+$0xFFFFFFF0];
	p1 =	slt.u32 s22, $0xF40  }
0x99: {  	v11 =	vld [tilespmem:s23+$0x0];
	[tilespmem:s0+$0x10] =	vst v6  }
0x9a: {  	v12 =	vld [tilespmem:s23+$0xFFFFFFE0];
	v7 =	vmul.f32 v4, v7  }
0x9b: {  	v8 =	vmul.f32 v5, v8;
	v4 =	vld [tilespmem:s1+$0x0]  }
0x9c: {  	v5 =	vld.idx.msk [tilespmem:v2+s19+$0x0], $0xffff  }
0x9d: {  	v13 =	vld.idx.msk [tilespmem:v0+s19+$0x0], $0xffff;
	v0 =	vmov v9  }
0x9e: {  	v9 =	vld.idx.msk [tilespmem:v1+s19+$0x0], $0xffff;
	v1 =	vmov v11  }
0x9f: {  	s1 =	sadd.s32 $0x40, s1;
	v11 =	vld.idx.msk [tilespmem:v10+s3+$0x0], $0xffff;
	v2 =	vmov v12  }
0xa0: {  	v14 =	vld [tilespmem:s1+$0x10];
	v15 =	vmul.f32 v3, v4  }
0xa1: {  	v6 =	vld.idx.msk [tilespmem:v10+s19+$0x0], $0xffff  }
.Ltmp4:
0xa2: {  	v7 =	vadd.f32 v5, v7;
	v4 =	vld.idx.msk [tilespmem:v12+s3+$0x0], $0xffff;
	(pc) =	sbr.rel @p1 .LBB2_6-.Ltmp4, $4  }
0xa3: {  	v8 =	vadd.f32 v13, v8;
	v5 =	vld.idx.msk [tilespmem:v0+s3+$0x0], $0xffff  }
0xa4: {  	v10 =	vadd.f32 v9, v15;
	v3 =	vld.idx.msk [tilespmem:v1+s3+$0x0], $0xffff;
	[tilespmem:s0+$0xFFFFFFE0] =	vst v7  }
0xa5: {  	v7 =	vld [tilespmem:s1+$0xFFFFFFE0];
	v9 =	vmul.f32 v11, v14;
	[tilespmem:s0+$0xFFFFFFF0] =	vst v8  }
0xa6: {  	s23 =	sadd.s32 $0x40, s23;
	v8 =	vld [tilespmem:s1+$0xFFFFFFF0];
	[tilespmem:s0+$0x0] =	vst v10  }
0xa7: {  	_ =	sdelay $0x2  }
0xa8: {  	v10 =	vld [tilespmem:s1+$0x0]  }
0xa9: {  	v2 =	vld.idx.msk [tilespmem:v2+s19+$0x0], $0xffff  }
0xaa: {  	v0 =	vld.idx.msk [tilespmem:v0+s19+$0x0], $0xffff  }
0xab: {  	v1 =	vld.idx.msk [tilespmem:v1+s19+$0x0], $0xffff  }
0xac: {  	v4 =	vmul.f32 v4, v7  }
0xad: {  	v6 =	vadd.f32 v6, v9;
	v5 =	vmul.f32 v5, v8  }
0xae: {  	s16 =	sadd.s32 $0x40, s0;
	v3 =	vmul.f32 v3, v10;
	v2 =	vadd.f32 v2, v4  }
0xaf: {  	[tilespmem:s16+$0x10] =	vst v6;
	v0 =	vadd.f32 v0, v5  }
0xb0: {  	[tilespmem:s16+$0xFFFFFFE0] =	vst v2;
	v1 =	vadd.f32 v1, v3  }
0xb1: {  	s0 =	simm.s32 $0x3F50;
	[tilespmem:s16+$0xFFFFFFF0] =	vst v0  }
0xb2: {  	s1 =	simm.s32 $0xF70;
	s22 =	simm.s32 $0x5E90;
	s23 =	simm.s32 $0x2010;
	[tilespmem:s16+$0x0] =	vst v1  }
.LBB2_8:
0xb3: {  	v0 =	vld [tilespmem:s0+$0x0];
	_ =	sdelay $0x6  }
0xb4: {  	v1 =	vld [tilespmem:s23+$0x0]  }
0xb5: {  	v2 =	vld.idx.msk [tilespmem:v0+s3+$0x0], $0xffff;
	_ =	sdelay $0x1  }
0xb6: {  	v0 =	vld.idx.msk [tilespmem:v0+s19+$0x0], $0xffff  }
0xb7: {  	s1 =	sadd.s32 $0x10, s1  }
0xb8: {  	p1 =	slt.u32 s1, $0xF90  }
.Ltmp5:
0xb9: {  	v1 =	vmul.f32 v2, v1;
	(pc) =	sbr.rel @p1 .LBB2_8-.Ltmp5, $3  }
0xba: {  	_ = 	snop  }
0xbb: {  	v0 =	vadd.f32 v0, v1;
	_ =	sdelay $0x1  }
0xbc: {  	s23 =	sadd.s32 $0x10, s23;
	s0 =	sadd.s32 $0x10, s0;
	[tilespmem:s22+$0x0] =	vst v0;
	s22 =	sadd.s32 $0x10, s22  }
0xbd: {  	[hbm4b:s12+s3] =	stream.linear.scatter [tilespmem:s28], [sflag:$0x4], $0xFA0, $0x38;
	[tilespmem:$0x5EB0] =	vst v63  }
0xbe: {  	s0 =	simm.s32 @!p0 $0x0;
	s1 =	simm.s32 @!p0 $0x2FD0  }
0xbf: {  	[tilespmem:s1], [sflag:$0x2] =	stream.linear.gather @!p0 [hbm4b:s13+s0], $0xFA0, $0x38;
	[tilespmem:$0x5EB0] =	vst v63  }
0xc0: {  	s1 =	simm.s32 @!p0 $0x1090  }
0xc1: {  	[tilespmem:s1], [sflag:$0x2] =	stream.linear.gather @!p0 [hbm4b:s14+s0], $0xFA0, $0x38;
	[tilespmem:$0x5EB0] =	vst v63  }
0xc2: {  	_ =	swait.ge [sflag:s24], $0xFA0  }
0xc3: {  	[sflag:s24] =	ssyncset.done $0x0  }
0xc4: {  	[sflag:s24] =	ssyncadd.s32 $0xFFFFF060  }
0xc5: {  	_ =	swait.ge [sflag:s24], $0xFA0  }
0xc6: {  	[sflag:s24] =	ssyncset.done $0x0  }
0xc7: {  	[sflag:s24] =	ssyncadd.s32 $0xFFFFF060  }
0xc8: {  	_ =	swait.ge [sflag:s29], $0xFA0  }
0xc9: {  	[sflag:s29] =	ssyncset.done $0x0  }
0xca: {  	s16 =	simm.s32 $0x2050;
	[sflag:s29] =	ssyncadd.s32 $0xFFFFF060  }
0xcb: {  	v0 =	vld [tilespmem:s16+$0x10]  }
0xcc: {  	v3 =	vld [tilespmem:s16+$0xFFFFFFE0]  }
0xcd: {  	v4 =	vld [tilespmem:s16+$0xFFFFFFF0]  }
0xce: {  	s22 =	simm.s32 $0x110;
	v5 =	vld [tilespmem:s16+$0x0]  }
0xcf: {  	v7 =	vld [tilespmem:s22+$0x10]  }
0xd0: {  	v12 =	vld [tilespmem:s22+$0xFFFFFFE0]  }
0xd1: {  	s23 =	simm.s32 $0x2090;
	v13 =	vld [tilespmem:s22+$0xFFFFFFF0]  }
0xd2: {  	v14 =	vld [tilespmem:s23+$0x10]  }
0xd3: {  	v1 =	vld [tilespmem:s23+$0x0]  }
0xd4: {  	v2 =	vld [tilespmem:s23+$0xFFFFFFE0]  }
0xd5: {  	v15 =	vld [tilespmem:s22+$0x0]  }
0xd6: {  	v6 =	vld.idx.msk [tilespmem:v0+s3+$0x0], $0xffff  }
0xd7: {  	v8 =	vld.idx.msk [tilespmem:v0+s19+$0x0], $0xffff  }
0xd8: {  	v9 =	vld.idx.msk [tilespmem:v3+s3+$0x0], $0xffff  }
0xd9: {  	v10 =	vld.idx.msk [tilespmem:v4+s3+$0x0], $0xffff  }
0xda: {  	v11 =	vld.idx.msk [tilespmem:v5+s3+$0x0], $0xffff  }
0xdb: {  	v0 =	vld [tilespmem:s23+$0xFFFFFFF0]  }
0xdc: {  	v3 =	vld.idx.msk [tilespmem:v3+s19+$0x0], $0xffff  }
0xdd: {  	v16 =	vld.idx.msk [tilespmem:v4+s19+$0x0], $0xffff  }
0xde: {  	v17 =	vld.idx.msk [tilespmem:v5+s19+$0x0], $0xffff  }
0xdf: {  	s1 =	simm.s32 $0x150;
	v18 =	vld.idx.msk [tilespmem:v14+s3+$0x0], $0xffff;
	v4 =	vmul.f32 v6, v7  }
0xe0: {  	v5 =	vmul.f32 v9, v12;
	v9 =	vld [tilespmem:s1+$0x10]  }
0xe1: {  	v6 =	vld.idx.msk [tilespmem:v14+s19+$0x0], $0xffff;
	v7 =	vadd.f32 v8, v4;
	v8 =	vmul.f32 v10, v13  }
0xe2: {  	s0 =	simm.s32 $0x3F90;
	v10 =	vmul.f32 v11, v15;
	v11 =	vadd.f32 v3, v5;
	v4 =	vld.idx.msk [tilespmem:v2+s3+$0x0], $0xffff  }
0xe3: {  	v3 =	vld.idx.msk [tilespmem:v1+s3+$0x0], $0xffff;
	[tilespmem:s0+$0x10] =	vst v7;
	v8 =	vadd.f32 v16, v8  }
0xe4: {  	v5 =	vld.idx.msk [tilespmem:v0+s3+$0x0], $0xffff;
	[tilespmem:s0+$0xFFFFFFE0] =	vst v11;
	v10 =	vadd.f32 v17, v10  }
0xe5: {  	v7 =	vld [tilespmem:s1+$0xFFFFFFE0];
	v9 =	vmul.f32 v18, v9;
	[tilespmem:s0+$0xFFFFFFF0] =	vst v8  }
0xe6: {  	s22 =	simm.s32 $0x40;
	s23 =	simm.s32 $0x20D0;
	v8 =	vld [tilespmem:s1+$0xFFFFFFF0];
	[tilespmem:s0+$0x0] =	vst v10  }
.LBB2_10:
0xe7: {  	v10 =	vld [tilespmem:s23+$0x10];
	s22 =	sadd.s32 $0x40, s22;
	v6 =	vadd.f32 v6, v9  }
0xe8: {  	s0 =	sadd.s32 $0x40, s0;
	v9 =	vld [tilespmem:s23+$0xFFFFFFF0];
	p1 =	slt.u32 s22, $0xF40  }
0xe9: {  	v11 =	vld [tilespmem:s23+$0x0];
	[tilespmem:s0+$0x10] =	vst v6  }
0xea: {  	v12 =	vld [tilespmem:s23+$0xFFFFFFE0];
	v7 =	vmul.f32 v4, v7  }
0xeb: {  	v8 =	vmul.f32 v5, v8;
	v4 =	vld [tilespmem:s1+$0x0]  }
0xec: {  	v5 =	vld.idx.msk [tilespmem:v2+s19+$0x0], $0xffff  }
0xed: {  	v13 =	vld.idx.msk [tilespmem:v0+s19+$0x0], $0xffff;
	v0 =	vmov v9  }
0xee: {  	v9 =	vld.idx.msk [tilespmem:v1+s19+$0x0], $0xffff;
	v1 =	vmov v11  }
0xef: {  	s1 =	sadd.s32 $0x40, s1;
	v11 =	vld.idx.msk [tilespmem:v10+s3+$0x0], $0xffff;
	v2 =	vmov v12  }
0xf0: {  	v14 =	vld [tilespmem:s1+$0x10];
	v15 =	vmul.f32 v3, v4  }
0xf1: {  	v6 =	vld.idx.msk [tilespmem:v10+s19+$0x0], $0xffff  }
.Ltmp6:
0xf2: {  	v7 =	vadd.f32 v5, v7;
	v4 =	vld.idx.msk [tilespmem:v12+s3+$0x0], $0xffff;
	(pc) =	sbr.rel @p1 .LBB2_10-.Ltmp6, $4  }
0xf3: {  	v8 =	vadd.f32 v13, v8;
	v5 =	vld.idx.msk [tilespmem:v0+s3+$0x0], $0xffff  }
0xf4: {  	v10 =	vadd.f32 v9, v15;
	v3 =	vld.idx.msk [tilespmem:v1+s3+$0x0], $0xffff;
	[tilespmem:s0+$0xFFFFFFE0] =	vst v7  }
0xf5: {  	v7 =	vld [tilespmem:s1+$0xFFFFFFE0];
	v9 =	vmul.f32 v11, v14;
	[tilespmem:s0+$0xFFFFFFF0] =	vst v8  }
0xf6: {  	s23 =	sadd.s32 $0x40, s23;
	v8 =	vld [tilespmem:s1+$0xFFFFFFF0];
	[tilespmem:s0+$0x0] =	vst v10  }
0xf7: {  	_ =	sdelay $0x2  }
0xf8: {  	v10 =	vld [tilespmem:s1+$0x0]  }
0xf9: {  	v2 =	vld.idx.msk [tilespmem:v2+s19+$0x0], $0xffff  }
0xfa: {  	v0 =	vld.idx.msk [tilespmem:v0+s19+$0x0], $0xffff  }
0xfb: {  	v1 =	vld.idx.msk [tilespmem:v1+s19+$0x0], $0xffff  }
0xfc: {  	v4 =	vmul.f32 v4, v7  }
0xfd: {  	v6 =	vadd.f32 v6, v9;
	v5 =	vmul.f32 v5, v8  }
0xfe: {  	s16 =	sadd.s32 $0x40, s0;
	v3 =	vmul.f32 v3, v10;
	v2 =	vadd.f32 v2, v4  }
0xff: {  	[tilespmem:s16+$0x10] =	vst v6;
	v0 =	vadd.f32 v0, v5  }
0x100: {  	[tilespmem:s16+$0xFFFFFFE0] =	vst v2;
	v1 =	vadd.f32 v1, v3  }
0x101: {  	s0 =	simm.s32 $0x2FB0;
	[tilespmem:s16+$0xFFFFFFF0] =	vst v0  }
0x102: {  	s1 =	simm.s32 $0xF70;
	s22 =	simm.s32 $0x4EF0;
	s23 =	simm.s32 $0x1070;
	[tilespmem:s16+$0x0] =	vst v1  }
.LBB2_12:
0x103: {  	v0 =	vld [tilespmem:s0+$0x0];
	_ =	sdelay $0x6  }
0x104: {  	v1 =	vld [tilespmem:s23+$0x0]  }
0x105: {  	v2 =	vld.idx.msk [tilespmem:v0+s3+$0x0], $0xffff;
	_ =	sdelay $0x1  }
0x106: {  	v0 =	vld.idx.msk [tilespmem:v0+s19+$0x0], $0xffff  }
0x107: {  	s1 =	sadd.s32 $0x10, s1  }
0x108: {  	p1 =	slt.u32 s1, $0xF90  }
.Ltmp7:
0x109: {  	v1 =	vmul.f32 v2, v1;
	(pc) =	sbr.rel @p1 .LBB2_12-.Ltmp7, $3  }
0x10a: {  	_ = 	snop  }
0x10b: {  	v0 =	vadd.f32 v0, v1;
	_ =	sdelay $0x1  }
0x10c: {  	s23 =	sadd.s32 $0x10, s23;
	s0 =	sadd.s32 $0x10, s0;
	[tilespmem:s22+$0x0] =	vst v0;
	s22 =	sadd.s32 $0x10, s22  }
.Ltmp8:
0x10d: {  	(pc) =	sbr.rel @p0 .LBB2_19-.Ltmp8, $2  }
0x10e: {  	_ =	sdelay $0x2  }
0x10f: {  	[hbm4b:s15+s3] =	stream.linear.scatter [tilespmem:s25], [sflag:$0x3], $0xFA0, $0x38;
	[tilespmem:$0x5EB0] =	vst v63  }
0x110: {  	_ =	swait.ge [sflag:s26], $0xFA0  }
0x111: {  	[sflag:s26] =	ssyncset.done $0x0  }
0x112: {  	[sflag:s26] =	ssyncadd.s32 $0xFFFFF060  }
0x113: {  	_ =	swait.ge [sflag:s26], $0xFA0  }
0x114: {  	[sflag:s26] =	ssyncset.done $0x0  }
0x115: {  	[sflag:s26] =	ssyncadd.s32 $0xFFFFF060  }
0x116: {  	_ =	swait.ge [sflag:s30], $0xFA0  }
0x117: {  	[sflag:s30] =	ssyncset.done $0x0  }
0x118: {  	s0 =	simm.s32 $0x2FF0;
	[sflag:s30] =	ssyncadd.s32 $0xFFFFF060  }
0x119: {  	v0 =	vld [tilespmem:s0+$0x10]  }
0x11a: {  	v3 =	vld [tilespmem:s0+$0xFFFFFFE0]  }
0x11b: {  	v4 =	vld [tilespmem:s0+$0xFFFFFFF0]  }
0x11c: {  	s23 =	simm.s32 $0x10B0;
	v5 =	vld [tilespmem:s0+$0x0]  }
0x11d: {  	v7 =	vld [tilespmem:s23+$0x10]  }
0x11e: {  	v12 =	vld [tilespmem:s23+$0xFFFFFFE0]  }
0x11f: {  	s1 =	simm.s32 $0x3030;
	v13 =	vld [tilespmem:s23+$0xFFFFFFF0]  }
0x120: {  	v14 =	vld [tilespmem:s1+$0x10]  }
0x121: {  	v1 =	vld [tilespmem:s1+$0x0]  }
0x122: {  	v2 =	vld [tilespmem:s1+$0xFFFFFFE0]  }
0x123: {  	v15 =	vld [tilespmem:s23+$0x0]  }
0x124: {  	v6 =	vld.idx.msk [tilespmem:v0+s3+$0x0], $0xffff  }
0x125: {  	v8 =	vld.idx.msk [tilespmem:v0+s19+$0x0], $0xffff  }
0x126: {  	v9 =	vld.idx.msk [tilespmem:v3+s3+$0x0], $0xffff  }
0x127: {  	v10 =	vld.idx.msk [tilespmem:v4+s3+$0x0], $0xffff  }
0x128: {  	v11 =	vld.idx.msk [tilespmem:v5+s3+$0x0], $0xffff  }
0x129: {  	v0 =	vld [tilespmem:s1+$0xFFFFFFF0]  }
0x12a: {  	v3 =	vld.idx.msk [tilespmem:v3+s19+$0x0], $0xffff  }
0x12b: {  	v16 =	vld.idx.msk [tilespmem:v4+s19+$0x0], $0xffff  }
0x12c: {  	v17 =	vld.idx.msk [tilespmem:v5+s19+$0x0], $0xffff  }
0x12d: {  	v18 =	vld.idx.msk [tilespmem:v14+s3+$0x0], $0xffff;
	s1 =	simm.s32 $0x10F0;
	v4 =	vmul.f32 v6, v7  }
0x12e: {  	v5 =	vmul.f32 v9, v12;
	v9 =	vld [tilespmem:s1+$0x10]  }
0x12f: {  	v6 =	vld.idx.msk [tilespmem:v14+s19+$0x0], $0xffff;
	v7 =	vadd.f32 v8, v4;
	v8 =	vmul.f32 v10, v13  }
0x130: {  	s0 =	simm.s32 $0x4F30;
	v10 =	vmul.f32 v11, v15;
	v11 =	vadd.f32 v3, v5;
	v4 =	vld.idx.msk [tilespmem:v2+s3+$0x0], $0xffff  }
0x131: {  	v3 =	vld.idx.msk [tilespmem:v1+s3+$0x0], $0xffff;
	[tilespmem:s0+$0x10] =	vst v7;
	v8 =	vadd.f32 v16, v8  }
0x132: {  	v5 =	vld.idx.msk [tilespmem:v0+s3+$0x0], $0xffff;
	[tilespmem:s0+$0xFFFFFFE0] =	vst v11;
	v10 =	vadd.f32 v17, v10  }
0x133: {  	v7 =	vld [tilespmem:s1+$0xFFFFFFE0];
	v9 =	vmul.f32 v18, v9;
	[tilespmem:s0+$0xFFFFFFF0] =	vst v8  }
0x134: {  	s22 =	simm.s32 $0x40;
	s23 =	simm.s32 $0x3070;
	v8 =	vld [tilespmem:s1+$0xFFFFFFF0];
	[tilespmem:s0+$0x0] =	vst v10  }
.LBB2_15:
0x135: {  	v10 =	vld [tilespmem:s23+$0x10];
	s22 =	sadd.s32 $0x40, s22;
	v6 =	vadd.f32 v6, v9  }
0x136: {  	s0 =	sadd.s32 $0x40, s0;
	v9 =	vld [tilespmem:s23+$0xFFFFFFF0];
	p1 =	slt.u32 s22, $0xF40  }
0x137: {  	v11 =	vld [tilespmem:s23+$0x0];
	[tilespmem:s0+$0x10] =	vst v6  }
0x138: {  	v12 =	vld [tilespmem:s23+$0xFFFFFFE0];
	v7 =	vmul.f32 v4, v7  }
0x139: {  	v8 =	vmul.f32 v5, v8;
	v4 =	vld [tilespmem:s1+$0x0]  }
0x13a: {  	v5 =	vld.idx.msk [tilespmem:v2+s19+$0x0], $0xffff  }
0x13b: {  	v13 =	vld.idx.msk [tilespmem:v0+s19+$0x0], $0xffff;
	v0 =	vmov v9  }
0x13c: {  	v9 =	vld.idx.msk [tilespmem:v1+s19+$0x0], $0xffff;
	v1 =	vmov v11  }
0x13d: {  	s1 =	sadd.s32 $0x40, s1;
	v11 =	vld.idx.msk [tilespmem:v10+s3+$0x0], $0xffff;
	v2 =	vmov v12  }
0x13e: {  	v14 =	vld [tilespmem:s1+$0x10];
	v15 =	vmul.f32 v3, v4  }
0x13f: {  	v6 =	vld.idx.msk [tilespmem:v10+s19+$0x0], $0xffff  }
.Ltmp9:
0x140: {  	v7 =	vadd.f32 v5, v7;
	v4 =	vld.idx.msk [tilespmem:v12+s3+$0x0], $0xffff;
	(pc) =	sbr.rel @p1 .LBB2_15-.Ltmp9, $4  }
0x141: {  	v8 =	vadd.f32 v13, v8;
	v5 =	vld.idx.msk [tilespmem:v0+s3+$0x0], $0xffff  }
0x142: {  	v10 =	vadd.f32 v9, v15;
	v3 =	vld.idx.msk [tilespmem:v1+s3+$0x0], $0xffff;
	[tilespmem:s0+$0xFFFFFFE0] =	vst v7  }
0x143: {  	v7 =	vld [tilespmem:s1+$0xFFFFFFE0];
	v9 =	vmul.f32 v11, v14;
	[tilespmem:s0+$0xFFFFFFF0] =	vst v8  }
0x144: {  	s23 =	sadd.s32 $0x40, s23;
	v8 =	vld [tilespmem:s1+$0xFFFFFFF0];
	[tilespmem:s0+$0x0] =	vst v10  }
0x145: {  	_ =	sdelay $0x2  }
0x146: {  	v10 =	vld [tilespmem:s1+$0x0]  }
0x147: {  	v2 =	vld.idx.msk [tilespmem:v2+s19+$0x0], $0xffff  }
0x148: {  	v0 =	vld.idx.msk [tilespmem:v0+s19+$0x0], $0xffff  }
0x149: {  	v1 =	vld.idx.msk [tilespmem:v1+s19+$0x0], $0xffff  }
0x14a: {  	v4 =	vmul.f32 v4, v7  }
0x14b: {  	v6 =	vadd.f32 v6, v9;
	v5 =	vmul.f32 v5, v8  }
0x14c: {  	s16 =	sadd.s32 $0x40, s0;
	v3 =	vmul.f32 v3, v10;
	v2 =	vadd.f32 v2, v4  }
0x14d: {  	[tilespmem:s16+$0x10] =	vst v6;
	v0 =	vadd.f32 v0, v5  }
0x14e: {  	[tilespmem:s16+$0xFFFFFFE0] =	vst v2;
	v1 =	vadd.f32 v1, v3  }
0x14f: {  	s0 =	simm.s32 $0x3F50;
	[tilespmem:s16+$0xFFFFFFF0] =	vst v0  }
0x150: {  	s1 =	simm.s32 $0xF70;
	s22 =	simm.s32 $0x5E90;
	s23 =	simm.s32 $0x2010;
	[tilespmem:s16+$0x0] =	vst v1  }
.LBB2_17:
0x151: {  	v0 =	vld [tilespmem:s0+$0x0];
	_ =	sdelay $0x6  }
0x152: {  	v1 =	vld [tilespmem:s23+$0x0]  }
0x153: {  	v2 =	vld.idx.msk [tilespmem:v0+s3+$0x0], $0xffff;
	_ =	sdelay $0x1  }
0x154: {  	v0 =	vld.idx.msk [tilespmem:v0+s19+$0x0], $0xffff  }
0x155: {  	s1 =	sadd.s32 $0x10, s1  }
0x156: {  	p1 =	slt.u32 s1, $0xF90  }
.Ltmp10:
0x157: {  	v1 =	vmul.f32 v2, v1;
	(pc) =	sbr.rel @p1 .LBB2_17-.Ltmp10, $3  }
0x158: {  	_ = 	snop  }
0x159: {  	v0 =	vadd.f32 v0, v1;
	_ =	sdelay $0x1  }
0x15a: {  	s23 =	sadd.s32 $0x10, s23;
	s0 =	sadd.s32 $0x10, s0;
	[tilespmem:s22+$0x0] =	vst v0;
	s22 =	sadd.s32 $0x10, s22  }
.Ltmp11:
0x15b: {  	(pc) =	sbr.rel .LBB2_19-.Ltmp11, $3  }
0x15c: {  	_ =	sdelay $0x1  }
0x15d: {  	s0 =	rddreg [dreg:$0x3]  }
0x15e: {  	[hbm4b:s0+s3] =	stream.linear.scatter [tilespmem:s28], [sflag:$0x4], $0xFA0, $0x38;
	[tilespmem:$0x5EB0] =	vst v63  }
.LBB2_20:
0x15f: {  	_ =	sfence.sel $0x180000  }
0x160: {  	[bflag:$0x0] =	sbarrier.arrive $0xFFFF  }
0x161: {  	_ =	strace $0x90000047  }
0x162: {  	s0 =	stileid.u32;
	[bflag:$0x2] =	sbarrier.arrive $0xFFFF  }
0x163: {  	p0 =	sne.s32 s0, $0x0;
	s0 =	rddreg [dreg:$0x2]  }
0x164: {  	s0 =	sadd.s32 @!p0 $0x100000, s0  }
0x165: {  	[sflag:s0] =	ssyncadd.tile.s32 @!p0 $0x1;
	_ =	shalt  }
.Lfunc_end2:
_tile_overlayer_lowered:
.L_overlay_start_2:
0x166: {  	(tag) =	ssettag $0x2  }
0x167: {  	s0 =	rddreg [dreg:$0x0];
	s2 =	stileid.u32  }
0x168: {  	s1 =	rddreg [dreg:$0x1];
	p0 =	sne.s32 s2, $0x0  }
0x169: {  	s3 =	rddreg [dreg:$0x2];
	[bflag:$0x3] =	sbarrier.arrive $0xFFFF;
	s2 =	simm.s32 @!p0 $0x1C05  }
0x16a: {  	[timem:s3], [sflag:s2] =	dma.local @!p0 [hbm:s0], s1  }
0x16b: {  	s0 =	simm.s32 @!p0 $0x5  }
0x16c: {  	_ =	swait.ge @!p0 [sflag:s0], s1  }
0x16d: {  	s1 =	ssub.s32 @!p0 $0x0, s1;
	[sflag:s0] =	ssyncset.done @!p0 $0x0  }
0x16e: {  	[sflag:s0] =	ssyncadd.s32 @!p0 s1  }
0x16f: {  	[bflag:$0x3] =	sbarrier.arrive $0xFFFF  }
0x170: {  	_ =	shalt  }

// kernel: kernel.15.cloned.1.call-start
scs
__scs_entry_jumppad:
0x0: {  	(pc) =	sbr.rel $0x88, $3  }
0x1: {  	(tag) =	ssettag $0x0;
	lr =	simm.s32 $0x1  }
0x2: {  	[smem:$0x3F9D] =	sst lr;
	_ =	strace $0xD0000000  }
0x3: {  	_ = 	snop  }
0x4: {  	_ = 	snop  }
0x5: {  	_ = 	snop  }
0x6: {  	_ = 	snop  }
0x7: {  	_ = 	snop  }
__scs_overlays_trampoline_lowered:
0x8: {  	[smem:$0x3FAC] =	sst s0  }
0x9: {  	[smem:$0x3FAD] =	sst s1  }
0xa: {  	[smem:$0x3FAE] =	sst s2  }
0xb: {  	[smem:$0x3FAF] =	sst s3  }
0xc: {  	[smem:$0x3FB0] =	sst s4  }
0xd: {  	[smem:$0x3FB1] =	sst s5  }
0xe: {  	[smem:$0x3FB2] =	sst s6  }
0xf: {  	[smem:$0x3FB3] =	sst s7  }
0x10: {  	[smem:$0x3FB4] =	sst s8  }
0x11: {  	[smem:$0x3FB5] =	sst s9;
	s0 =	simm.s32 @!p0 $0x0  }
0x12: {  	s1 =	sld [smem:$0x3F9B];
	s0 =	simm.s32 @p0 $0x1  }
0x13: {  	[smem:$0x3FB6] =	sst s0;
	s0 =	simm.s32 @!p1 $0x0  }
0x14: {  	s2 =	sld [smem:$0x3F9A];
	s0 =	simm.s32 @p1 $0x1  }
0x15: {  	[smem:$0x3FB7] =	sst s0;
	s0 =	simm.s32 @!p2 $0x0  }
0x16: {  	s3 =	sld [smem:$0x3FDB];
	s0 =	simm.s32 @p2 $0x1  }
0x17: {  	s4 =	simm.s32 $0x1BF5;
	[smem:$0x3FB9] =	sst s0  }
0x18: {  	s0 =	sld [smem:$0x3F9C];
	_ =	swait.ge [sflag:s4], $0x0  }
0x19: {  	s7 =	sld [smem:$0x3F9D]  }
0x1a: {  	s8 =	sadd.s32 $0xFFFFE003, lr  }
0x1b: {  	s9 =	sadd.s32 $0xFFFFFEF7, lr;
	s5 =	simm.s32 $0xFFFFFFFF;
	p2 =	slt.u32 s8, $0xFFFFF086  }
0x1c: {  	p1 =	slt.u32 s9, $0xF7A;
	s5 =	simm.s32 @!p2 $0x0  }
0x1d: {  	s5 =	simm.s32 @p1 $0x1;
	p0 =	seq.s32 s7, s2  }
0x1e: {  	s7 =	smul.u32 @!p0 $0xF7A, s2;
	p2 =	seq.s32 @!p0 s5, $0x0  }
0x1f: {  	s9 =	smul.u32 $0xF7A, s1;
	s8 =	simm.s32 @!p0 $0x1BF5;
	p2 =	por !p2, p0  }
0x20: {  	[sflag:s8] =	ssyncset.s32 @!p0 $0xFFFFF086;
	s6 =	sadd.s32 @!p0 s3, s7;
	s7 =	simm.s32 @!p0 $0x108  }
0x21: {  	s3 =	sadd.s32 s3, s9;
	s6 =	sadd.s32 @!p0 $0x88, s6;
	s7 =	simm.s32 @p2 $0x1082  }
0x22: {  	[simem:s7], [sflag:s8] =	dma.local @!p0 [hbm:s6], $0xF7A  }
0x23: {  	s9 =	sor.u32 $0xD0000000, s2;
	s6 =	simm.s32 $0x108;
	_ =	swait.ge @!p0 [sflag:s8], $0x0  }
0x24: {  	s3 =	sadd.s32 $0x88, s3;
	s6 =	simm.s32 @!p1 $0x1082;
	[sflag:s4] =	ssyncset.s32 $0xFFFFF086  }
0x25: {  	[simem:s6], [sflag:s4] =	dma.local [hbm:s3], $0xF7A  }
0x26: {  	[smem:$0x3F9D] =	sst s1;
	(tag) =	ssettag s2;
	_ =	strace s9  }
0x27: {  	s1 =	sld [smem:$0x3FAD]  }
0x28: {  	s2 =	sld [smem:$0x3FAE]  }
0x29: {  	s4 =	sld [smem:$0x3FB0]  }
0x2a: {  	p0 =	seq.s32 s5, $0x0;
	s5 =	sld [smem:$0x3FB1]  }
0x2b: {  	s6 =	sld [smem:$0x3FB2]  }
0x2c: {  	s7 =	sld [smem:$0x3FB3]  }
0x2d: {  	s3 =	simm.s32 $0x108;
	s8 =	sld [smem:$0x3FB4]  }
0x2e: {  	s3 =	simm.s32 @!p0 $0x1082;
	s9 =	sld [smem:$0x3FB5]  }
0x2f: {  	lr =	sadd.s32 s0, s3;
	s0 =	sld [smem:$0x3FAC]  }
0x30: {  	s3 =	sld [smem:$0x3FAF]  }
0x31: {  	[smem:$0x3FB8] =	sst s10  }
0x32: {  	s10 =	sld [smem:$0x3FB6];
	_ =	sdelay $0x3  }
0x33: {  	p0 =	seq.s32 s10, $0x1;
	s10 =	sld [smem:$0x3FB8];
	_ =	sdelay $0x3  }
0x34: {  	[smem:$0x3FB8] =	sst s10  }
0x35: {  	s10 =	sld [smem:$0x3FB7];
	_ =	sdelay $0x3  }
0x36: {  	p1 =	seq.s32 s10, $0x1;
	s10 =	sld [smem:$0x3FB8];
	_ =	sdelay $0x3  }
0x37: {  	[smem:$0x3FB8] =	sst s10  }
0x38: {  	s10 =	sld [smem:$0x3FB9]  }
0x39: {  	_ = 	snop;
	(pc) =	sbr.ind lr, $3  }
0x3a: {  	_ = 	snop  }
0x3b: {  	_ = 	snop  }
0x3c: {  	p2 =	seq.s32 s10, $0x1;
	s10 =	sld [smem:$0x3FB8]  }
0x3d: {  	_ =	shalt  }
0x3e: {  	_ =	shalt  }
0x3f: {  	_ =	shalt  }
0x40: {  	_ =	shalt  }
0x41: {  	_ =	shalt  }
0x42: {  	_ =	shalt  }
0x43: {  	_ =	shalt  }
0x44: {  	_ =	shalt  }
0x45: {  	_ =	shalt  }
0x46: {  	_ =	shalt  }
0x47: {  	_ =	shalt  }
0x48: {  	_ =	shalt  }
0x49: {  	_ =	shalt  }
0x4a: {  	_ =	shalt  }
0x4b: {  	_ =	shalt  }
0x4c: {  	_ =	shalt  }
0x4d: {  	_ =	shalt  }
0x4e: {  	_ =	shalt  }
0x4f: {  	_ =	shalt  }
0x50: {  	_ =	shalt  }
0x51: {  	_ =	shalt  }
0x52: {  	_ =	shalt  }
0x53: {  	_ =	shalt  }
0x54: {  	_ =	shalt  }
0x55: {  	_ =	shalt  }
0x56: {  	_ =	shalt  }
0x57: {  	_ =	shalt  }
0x58: {  	_ =	shalt  }
0x59: {  	_ =	shalt  }
0x5a: {  	_ =	shalt  }
0x5b: {  	_ =	shalt  }
0x5c: {  	_ =	shalt  }
0x5d: {  	_ =	shalt  }
0x5e: {  	_ =	shalt  }
0x5f: {  	_ =	shalt  }
0x60: {  	_ =	shalt  }
0x61: {  	_ =	shalt  }
0x62: {  	_ =	shalt  }
0x63: {  	_ =	shalt  }
0x64: {  	_ =	shalt  }
0x65: {  	_ =	shalt  }
0x66: {  	_ =	shalt  }
0x67: {  	_ =	shalt  }
0x68: {  	_ =	shalt  }
0x69: {  	_ =	shalt  }
0x6a: {  	_ =	shalt  }
0x6b: {  	_ =	shalt  }
0x6c: {  	_ =	shalt  }
0x6d: {  	_ =	shalt  }
0x6e: {  	_ =	shalt  }
0x6f: {  	_ =	shalt  }
0x70: {  	_ =	shalt  }
0x71: {  	_ =	shalt  }
0x72: {  	_ =	shalt  }
0x73: {  	_ =	shalt  }
0x74: {  	_ =	shalt  }
0x75: {  	_ =	shalt  }
0x76: {  	_ =	shalt  }
0x77: {  	_ =	shalt  }
0x78: {  	_ =	shalt  }
0x79: {  	_ =	shalt  }
0x7a: {  	_ =	shalt  }
0x7b: {  	_ =	shalt  }
0x7c: {  	_ =	shalt  }
0x7d: {  	_ =	shalt  }
0x7e: {  	_ =	shalt  }
0x7f: {  	_ =	shalt  }
0x80: {  	_ =	shalt  }
0x81: {  	_ =	shalt  }
0x82: {  	_ =	shalt  }
0x83: {  	_ =	shalt  }
0x84: {  	_ =	shalt  }
0x85: {  	_ =	shalt  }
0x86: {  	_ =	shalt  }
0x87: {  	_ =	shalt  }
.Lfunc_end0:
.L_simem_size_0:
called_computation.3_lowered:
.L_overlay_start_0:
0x88: {  	s2 =	sld [smem:$0x3FD9]  }
0x89: {  	s3 =	sld [smem:$0x3FFE];
	_ =	sdelay $0x1  }
0x8a: {  	s1 =	srdreg.scid  }
0x8b: {  	s0 =	sand.u32 $0x1, s1  }
0x8c: {  	s17 =	sshll.u32 s0, $0xA;
	s2 =	sadd.s32 s3, s2  }
0x8d: {  	s2 =	sadd.s32 s2, s17  }
0x8e: {  	[smem:$0x3FC4] =	sst s2  }
0x8f: {  	_ = 	snop  }
0x90: {  	s18 =	sld [smem:$0x3FC8]  }
0x91: {  	s4 =	sld [smem:$0x3FD0];
	(tm) =	ssettm $0x1  }
0x92: {  	s19 =	sld [smem:$0x3FFB];
	_ =	sdelay $0x3  }
0x93: {  	_ =	strace s19  }
0x94: {  	s2 =	sld [smem:$0x3FFC];
	_ =	sdelay $0x3  }
0x95: {  	_ =	strace s2  }
0x96: {  	s2 =	sld [smem:$0x3FFD];
	_ =	sdelay $0x3  }
0x97: {  	_ =	strace s2  }
0x98: {  	_ =	strace $0x8FFFFFFF  }
0x99: {  	s20 =	sld [smem:$0x3FDB];
	_ =	sdelay $0x1  }
0x9a: {  	s5 =	simm.s32 $_scs_section_size  }
0x9b: {  	s6 =	simm.s32 $_size__tile_overlayer_lowered;
	s7 =	simm.s32 $_tile_overlayer_lowered  }
0x9c: {  	s8 =	simm.s32 $0x1BFF;
	s21 =	sshll.u32 s7, $0x1;
	s5 =	sadd.s32 s5, s20  }
0x9d: {  	s22 =	simm.s32 $0x0;
	s6 =	sshll.u32 s6, $0x1;
	s7 =	sadd.s32 s21, s5  }
0x9e: {  	[timem:s22], [sflag:s8] =	dma.local [hbm:s7], s6  }
0x9f: {  	_ =	swait.ge [sflag:s8], s6  }
0xa0: {  	s6 =	ssub.s32 $0x0, s6;
	[sflag:s8] =	ssyncset.done $0x0  }
0xa1: {  	[sflag:s8] =	ssyncadd.s32 s6;
	_ =	sdelay $0x1  }
0xa2: {  	s23 =	simm.s32 $0x1B8B  }
0xa3: {  	_ =	swait.ge [sflag:s23], $0x1  }
0xa4: {  	[sflag:s23] =	ssyncset.done $0x0  }
0xa5: {  	[sflag:s23] =	ssyncadd.s32 $0xFFFFFFFF  }
0xa6: {  	s6 =	sld [smem:$0x0]  }
0xa7: {  	s7 =	sand.u32 $0xFFFFFFFE, s1  }
0xa8: {  	p0 =	sne.s32 s1, s7  }
0xa9: {  	s7 =	sshll.u32 @p0 s7, $0xE  }
0xaa: {  	s7 =	sadd.s32 @p0 $0x11B8D, s7;
	s8 =	sshll.u32 @p0 s6, $0x11  }
0xab: {  	s7 =	sor.u32 @p0 s8, s7  }
0xac: {  	[sflag:s7] =	ssyncadd.remote.s32 @p0 $0x1;
	_ =	sdelay $0x1  }
0xad: {  	s7 =	simm.s32 @p0 $0x1B8D  }
0xae: {  	_ =	swait.eq @p0 [sflag:s7], $0x1  }
0xaf: {  	[sflag:s7] =	ssyncadd.s32 @p0 $0xFFFFFFFF  }
0xb0: {  	s8 =	sshll.u32 @!p0 s1, $0xE  }
0xb1: {  	s8 =	sor.u32 @!p0 $0x4000, s8;
	s7 =	simm.s32 @!p0 $0x1B8D  }
0xb2: {  	s6 =	sshll.u32 @!p0 s6, $0x11;
	s8 =	sadd.s32 @!p0 $0x11B8D, s8;
	_ =	swait.eq @!p0 [sflag:s7], $0x1  }
0xb3: {  	s6 =	sor.u32 @!p0 s6, s8;
	[sflag:s7] =	ssyncadd.s32 @!p0 $0xFFFFFFFF  }
0xb4: {  	s25 =	simm.s32 $0x1B8E;
	s24 =	sld [smem:$0x3FFE];
	[sflag:s6] =	ssyncadd.remote.s32 @!p0 $0x1  }
0xb5: {  	s26 =	simm.s32 $execute0_lowered;
	[smem:$0x3FD2] =	sst s25  }
0xb6: {  	s7 =	sshll.u32 s26, $0x1;
	_ =	strace $0x80000049;
	[dreg:$0x1] =	wrdreg $0xFFFFFFFF  }
0xb7: {  	s28 =	simm.s32 $_size_execute0_lowered;
	s5 =	sadd.s32 s5, s7;
	[dreg:$0x0] =	wrdreg $0x0  }
0xb8: {  	s7 =	sshll.u32 s28, $0x1;
	[dreg:$0x2] =	wrdreg s5  }
0xb9: {  	[dreg:$0x3] =	wrdreg s7  }
0xba: {  	[dreg:$0x4] =	wrdreg $0xC0  }
0xbb: {  	_ =	task [dreg:s22], $0x5FFFF  }
0xbc: {  	[dreg:$0x1] =	wrdreg $0xFFFFFFFF  }
0xbd: {  	[dreg:$0x0] =	wrdreg $0x60  }
0xbe: {  	[dreg:$0x2] =	wrdreg s4  }
0xbf: {  	[dreg:$0x3] =	wrdreg s18  }
0xc0: {  	[dreg:$0x4] =	wrdreg s24  }
0xc1: {  	[dreg:$0x5] =	wrdreg $0xC  }
0xc2: {  	_ =	task.clear_ibuf [dreg:s22], $0x6FFFF;
	_ =	strace $0x90000049  }
0xc3: {  	s29 =	simm.s32 $0xC;
	_ =	strace $0x8000004B  }
0xc4: {  	_ =	swait.ge [sflag:s29], $0x1  }
0xc5: {  	[sflag:s29] =	ssyncadd.s32 $0xFFFFFFFF  }
0xc6: {  	_ =	strace $0x9000004B  }
0xc7: {  	_ =	sfence  }
0xc8: {  	s30 =	sld [smem:$0x0];
	_ =	sdelay $0x2  }
0xc9: {  	s31 =	sshll.u32 s1, $0xD;
	s1 =	sshrl.u32 s1, $0x2  }
0xca: {  	s4 =	sand.u32 $0x4000, s31;
	s1 =	sadd.s32 s1, s30  }
0xcb: {  	s0 =	sor.u32 s4, s0;
	s1 =	sshll.u32 s1, $0x11  }
0xcc: {  	s0 =	sor.u32 s1, s0  }
0xcd: {  	s0 =	sadd.s32 $0x8F2B, s0  }
0xce: {  	[sflag:s0] =	ssyncadd.remote.s32 $0x1  }
0xcf: {  	_ =	sfence.sel $0xFFFF  }
0xd0: {  	[dreg:$0x0] =	wrdreg $0xFFFFFFFF;
	(pc) =	sbr.abs _section_cstart, $3  }
0xd1: {  	[dreg:$0x1] =	wrdreg $0xFFFFFFFF  }
0xd2: {  	_ =	task.clear_ibuf [dreg:s22], $0x2FFFF;
	_ =	strace $0x9FFFFFFF  }
0xd3: {  	(tm) =	ssettm $0x7FFFFFFF  }
tec
execute0_lowered:
.L_overlay_start_1:
0x0: {  	(tag) =	ssettag $0x1  }
0x1: {  	s0 =	rddreg [dreg:$0x0]  }
0x2: {  	s1 =	rddreg [dreg:$0x1];
	s3 =	srdreg.scid  }
0x3: {  	s2 =	stileid.u32;
	s8 =	rddreg [dreg:$0x2];
	s18 =	simm.s32 $0x5  }
0x4: {  	s19 =	simm.s32 $0x78;
	s20 =	simm.s32 $0x2030;
	s21 =	simm.s32 $0xF0  }
0x5: {  	s24 =	simm.s32 $0x1;
	s25 =	simm.s32 $0x3F70;
	s28 =	simm.s32 $0x4F10  }
0x6: {  	s29 =	simm.s32 $0x3;
	s30 =	simm.s32 $0x4;
	s31 =	simm.s32 $0x0  }
0x7: {  	s4 =	sand.u32 $0x1, s3;
	s5 =	sshll.u32 s2, $0x1;
	s3 =	simm.s32 $0x0  }
0x8: {  	s16 =	sadd.s32 $0x3DC00, s8;
	s22 =	sor.u32 s4, s5;
	s6 =	ssub.s32 $0x2, s4  }
0x9: {  	[smem:$0x7FF] =	sst s3;
	s5 =	smul.u32 $0xFA0, s22;
	s7 =	sshrl.u32 s6, $0x1  }
0xa: {  	s4 =	sadd.s32 $0x200, s8;
	_ =	strace $0x8000004A;
	s17 =	ssub.s32 s6, s7  }
0xb: {  	p0 =	sgt.u32 s22, $0x1C;
	s14 =	sshrl.u32 s5, $0x3;
	s17 =	smax.u32 s17, $0x1  }
0xc: {  	s1 =	sadd.s32 s1, s14;
	s6 =	sadd.s32 s0, s14;
	s12 =	sadd.s32 $0x3E80, s14  }
.Ltmp0:
0xd: {  	s15 =	sadd.s32 $0x7D00, s14;
	s9 =	sadd.s32 s16, s14;
	(pc) =	sbr.rel .LBB2_1-.Ltmp0, $4  }
0xe: {  	s26 =	sadd.s32 $0xBB80, s14;
	s5 =	sadd.s32 $0x2DC6C, s1;
	s7 =	sadd.s32 $0x31AEC, s1  }
0xf: {  	s8 =	sadd.s32 s0, s12;
	s10 =	sadd.s32 $0x3596C, s1;
	s11 =	sadd.s32 s0, s15  }
0x10: {  	s12 =	sadd.s32 s16, s12;
	s13 =	sadd.s32 $0x397EC, s1;
	s14 =	sadd.s32 s0, s26  }
0x11: {  	s15 =	sadd.s32 s16, s15;
	s16 =	sadd.s32 s16, s26;
	s26 =	simm.s32 $0x2  }
.LBB2_19:
0x12: {  	s31 =	sadd.s32 $0x1, s31  }
0x13: {  	_ =	swait.ge [sflag:s29], $0xFA0;
	p1 =	sne.s32 s31, s17  }
.Ltmp1:
0x14: {  	[sflag:s29] =	ssyncset.done $0x0;
	(pc) =	sbr.rel @!p1 .LBB2_20-.Ltmp1, $4  }
0x15: {  	[sflag:s29] =	ssyncadd.s32 $0xFFFFF060  }
0x16: {  	_ =	swait.ge [sflag:s30], $0xFA0  }
0x17: {  	[sflag:s30] =	ssyncset.done $0x0  }
0x18: {  	[sflag:s30] =	ssyncadd.s32 $0xFFFFF060  }
.LBB2_1:
0x19: {  	s0 =	rddreg [dreg:$0x2]  }
0x1a: {  	[tilespmem:s3], [sflag:$0x5] =	stream.linear.gather [hbm4b:s0+s3], $0x78, $0x38;
	[tilespmem:$0x5EB0] =	vst v63  }
0x1b: {  	_ =	swait.ge [sflag:s18], $0x78  }
0x1c: {  	[sflag:s18] =	ssyncset.done $0x0  }
0x1d: {  	[sflag:s18] =	ssyncadd.s32 $0xFFFFFF88  }
0x1e: {  	[tilespmem:s19], [sflag:$0x5] =	stream.linear.gather [hbm4b:s4+s3], $0x78, $0x38;
	[tilespmem:$0x5EB0] =	vst v63  }
0x1f: {  	_ =	swait.ge [sflag:s18], $0x78  }
0x20: {  	[sflag:s18] =	ssyncset.done $0x0  }
0x21: {  	[sflag:s18] =	ssyncadd.s32 $0xFFFFFF88  }
0x22: {  	[tilespmem:s20], [sflag:$0x1] =	stream.linear.gather [hbm4b:s5+s3], $0xFA0, $0x38;
	[tilespmem:$0x5EB0] =	vst v63  }
0x23: {  	_ = 	snop  }
0x24: {  	[tilespmem:s21], [sflag:$0x1] =	stream.linear.gather [hbm4b:s6+s3], $0xFA0, $0x38;
	[tilespmem:$0x5EB0] =	vst v63  }
0x25: {  	s1 =	simm.s32 $0x2FD0  }
0x26: {  	[tilespmem:s1], [sflag:$0x2] =	stream.linear.gather [hbm4b:s7+s3], $0xFA0, $0x38;
	[tilespmem:$0x5EB0] =	vst v63  }
0x27: {  	s2 =	simm.s32 $0x1090  }
0x28: {  	[tilespmem:s2], [sflag:$0x2] =	stream.linear.gather [hbm4b:s8+s3], $0xFA0, $0x38;
	[tilespmem:$0x5EB0] =	vst v63  }
0x29: {  	_ =	swait.ge [sflag:s24], $0xFA0  }
0x2a: {  	[sflag:s24] =	ssyncset.done $0x0  }
0x2b: {  	[sflag:s24] =	ssyncadd.s32 $0xFFFFF060  }
0x2c: {  	_ =	swait.ge [sflag:s24], $0xFA0  }
0x2d: {  	[sflag:s24] =	ssyncset.done $0x0  }
0x2e: {  	s22 =	simm.s32 $0x2050;
	[sflag:s24] =	ssyncadd.s32 $0xFFFFF060  }
0x2f: {  	v0 =	vld [tilespmem:s22+$0x10]  }
0x30: {  	v3 =	vld [tilespmem:s22+$0xFFFFFFE0]  }
0x31: {  	v4 =	vld [tilespmem:s22+$0xFFFFFFF0]  }
0x32: {  	s23 =	simm.s32 $0x110;
	v5 =	vld [tilespmem:s22+$0x0]  }
0x33: {  	v7 =	vld [tilespmem:s23+$0x10]  }
0x34: {  	v12 =	vld [tilespmem:s23+$0xFFFFFFE0]  }
0x35: {  	s1 =	simm.s32 $0x2090;
	v13 =	vld [tilespmem:s23+$0xFFFFFFF0]  }
0x36: {  	v14 =	vld [tilespmem:s1+$0x10]  }
0x37: {  	v1 =	vld [tilespmem:s1+$0x0]  }
0x38: {  	v2 =	vld [tilespmem:s1+$0xFFFFFFE0]  }
0x39: {  	v15 =	vld [tilespmem:s23+$0x0]  }
0x3a: {  	v6 =	vld.idx.msk [tilespmem:v0+s3+$0x0], $0xffff  }
0x3b: {  	v8 =	vld.idx.msk [tilespmem:v0+s19+$0x0], $0xffff  }
0x3c: {  	v9 =	vld.idx.msk [tilespmem:v3+s3+$0x0], $0xffff  }
0x3d: {  	v10 =	vld.idx.msk [tilespmem:v4+s3+$0x0], $0xffff  }
0x3e: {  	v11 =	vld.idx.msk [tilespmem:v5+s3+$0x0], $0xffff  }
0x3f: {  	v0 =	vld [tilespmem:s1+$0xFFFFFFF0]  }
0x40: {  	v3 =	vld.idx.msk [tilespmem:v3+s19+$0x0], $0xffff  }
0x41: {  	v16 =	vld.idx.msk [tilespmem:v4+s19+$0x0], $0xffff  }
0x42: {  	v17 =	vld.idx.msk [tilespmem:v5+s19+$0x0], $0xffff  }
0x43: {  	s0 =	simm.s32 $0x150;
	v18 =	vld.idx.msk [tilespmem:v14+s3+$0x0], $0xffff;
	v4 =	vmul.f32 v6, v7  }
0x44: {  	v5 =	vmul.f32 v9, v12;
	v9 =	vld [tilespmem:s0+$0x10]  }
0x45: {  	v6 =	vld.idx.msk [tilespmem:v14+s19+$0x0], $0xffff;
	v7 =	vadd.f32 v8, v4;
	v8 =	vmul.f32 v10, v13  }
0x46: {  	s1 =	simm.s32 $0x3F90;
	v10 =	vmul.f32 v11, v15;
	v11 =	vadd.f32 v3, v5;
	v4 =	vld.idx.msk [tilespmem:v2+s3+$0x0], $0xffff  }
0x47: {  	v3 =	vld.idx.msk [tilespmem:v1+s3+$0x0], $0xffff;
	[tilespmem:s1+$0x10] =	vst v7;
	v8 =	vadd.f32 v16, v8  }
0x48: {  	v5 =	vld.idx.msk [tilespmem:v0+s3+$0x0], $0xffff;
	[tilespmem:s1+$0xFFFFFFE0] =	vst v11;
	v10 =	vadd.f32 v17, v10  }
0x49: {  	v7 =	vld [tilespmem:s0+$0xFFFFFFE0];
	v9 =	vmul.f32 v18, v9;
	[tilespmem:s1+$0xFFFFFFF0] =	vst v8  }
0x4a: {  	s22 =	simm.s32 $0x40;
	s23 =	simm.s32 $0x20D0;
	v8 =	vld [tilespmem:s0+$0xFFFFFFF0];
	[tilespmem:s1+$0x0] =	vst v10  }
.LBB2_2:
0x4b: {  	v10 =	vld [tilespmem:s23+$0x10];
	s22 =	sadd.s32 $0x40, s22;
	v6 =	vadd.f32 v6, v9  }
0x4c: {  	s1 =	sadd.s32 $0x40, s1;
	v9 =	vld [tilespmem:s23+$0xFFFFFFF0];
	p1 =	slt.u32 s22, $0xF40  }
0x4d: {  	v11 =	vld [tilespmem:s23+$0x0];
	[tilespmem:s1+$0x10] =	vst v6  }
0x4e: {  	v12 =	vld [tilespmem:s23+$0xFFFFFFE0];
	v7 =	vmul.f32 v4, v7  }
0x4f: {  	v8 =	vmul.f32 v5, v8;
	v4 =	vld [tilespmem:s0+$0x0]  }
0x50: {  	v5 =	vld.idx.msk [tilespmem:v2+s19+$0x0], $0xffff  }
0x51: {  	v13 =	vld.idx.msk [tilespmem:v0+s19+$0x0], $0xffff;
	v0 =	vmov v9  }
0x52: {  	v9 =	vld.idx.msk [tilespmem:v1+s19+$0x0], $0xffff;
	v1 =	vmov v11  }
0x53: {  	s0 =	sadd.s32 $0x40, s0;
	v11 =	vld.idx.msk [tilespmem:v10+s3+$0x0], $0xffff;
	v2 =	vmov v12  }
0x54: {  	v14 =	vld [tilespmem:s0+$0x10];
	v15 =	vmul.f32 v3, v4  }
0x55: {  	v6 =	vld.idx.msk [tilespmem:v10+s19+$0x0], $0xffff  }
.Ltmp2:
0x56: {  	v7 =	vadd.f32 v5, v7;
	v4 =	vld.idx.msk [tilespmem:v12+s3+$0x0], $0xffff;
	(pc) =	sbr.rel @p1 .LBB2_2-.Ltmp2, $4  }
0x57: {  	v8 =	vadd.f32 v13, v8;
	v5 =	vld.idx.msk [tilespmem:v0+s3+$0x0], $0xffff  }
0x58: {  	v10 =	vadd.f32 v9, v15;
	v3 =	vld.idx.msk [tilespmem:v1+s3+$0x0], $0xffff;
	[tilespmem:s1+$0xFFFFFFE0] =	vst v7  }
0x59: {  	v7 =	vld [tilespmem:s0+$0xFFFFFFE0];
	v9 =	vmul.f32 v11, v14;
	[tilespmem:s1+$0xFFFFFFF0] =	vst v8  }
0x5a: {  	s23 =	sadd.s32 $0x40, s23;
	v8 =	vld [tilespmem:s0+$0xFFFFFFF0];
	[tilespmem:s1+$0x0] =	vst v10  }
0x5b: {  	_ =	sdelay $0x2  }
0x5c: {  	v10 =	vld [tilespmem:s0+$0x0]  }
0x5d: {  	v2 =	vld.idx.msk [tilespmem:v2+s19+$0x0], $0xffff  }
0x5e: {  	v0 =	vld.idx.msk [tilespmem:v0+s19+$0x0], $0xffff  }
0x5f: {  	v1 =	vld.idx.msk [tilespmem:v1+s19+$0x0], $0xffff  }
0x60: {  	v4 =	vmul.f32 v4, v7  }
0x61: {  	v6 =	vadd.f32 v6, v9;
	v5 =	vmul.f32 v5, v8  }
0x62: {  	s2 =	sadd.s32 $0x40, s1;
	v3 =	vmul.f32 v3, v10;
	v2 =	vadd.f32 v2, v4  }
0x63: {  	[tilespmem:s2+$0x10] =	vst v6;
	v0 =	vadd.f32 v0, v5  }
0x64: {  	[tilespmem:s2+$0xFFFFFFE0] =	vst v2;
	v1 =	vadd.f32 v1, v3  }
0x65: {  	s0 =	simm.s32 $0x2FB0;
	[tilespmem:s2+$0xFFFFFFF0] =	vst v0  }
0x66: {  	s1 =	simm.s32 $0xF70;
	s22 =	simm.s32 $0x4EF0;
	s23 =	simm.s32 $0x1070;
	[tilespmem:s2+$0x0] =	vst v1  }
.LBB2_4:
0x67: {  	v0 =	vld [tilespmem:s0+$0x0];
	_ =	sdelay $0x6  }
0x68: {  	v1 =	vld [tilespmem:s23+$0x0]  }
0x69: {  	v2 =	vld.idx.msk [tilespmem:v0+s3+$0x0], $0xffff;
	_ =	sdelay $0x1  }
0x6a: {  	v0 =	vld.idx.msk [tilespmem:v0+s19+$0x0], $0xffff  }
0x6b: {  	s1 =	sadd.s32 $0x10, s1  }
0x6c: {  	p1 =	slt.u32 s1, $0xF90  }
.Ltmp3:
0x6d: {  	v1 =	vmul.f32 v2, v1;
	(pc) =	sbr.rel @p1 .LBB2_4-.Ltmp3, $3  }
0x6e: {  	_ = 	snop  }
0x6f: {  	v0 =	vadd.f32 v0, v1;
	_ =	sdelay $0x1  }
0x70: {  	s23 =	sadd.s32 $0x10, s23;
	s0 =	sadd.s32 $0x10, s0;
	[tilespmem:s22+$0x0] =	vst v0;
	s22 =	sadd.s32 $0x10, s22  }
0x71: {  	[hbm4b:s9+s3] =	stream.linear.scatter [tilespmem:s25], [sflag:$0x3], $0xFA0, $0x38;
	[tilespmem:$0x5EB0] =	vst v63  }
0x72: {  	_ = 	snop  }
0x73: {  	[tilespmem:s20], [sflag:$0x1] =	stream.linear.gather [hbm4b:s10+s3], $0xFA0, $0x38;
	[tilespmem:$0x5EB0] =	vst v63  }
0x74: {  	_ = 	snop  }
0x75: {  	[tilespmem:s21], [sflag:$0x1] =	stream.linear.gather [hbm4b:s11+s3], $0xFA0, $0x38;
	[tilespmem:$0x5EB0] =	vst v63  }
0x76: {  	_ =	swait.ge [sflag:s26], $0xFA0  }
0x77: {  	[sflag:s26] =	ssyncset.done $0x0  }
0x78: {  	[sflag:s26] =	ssyncadd.s32 $0xFFFFF060  }
0x79: {  	_ =	swait.ge [sflag:s26], $0xFA0  }
0x7a: {  	[sflag:s26] =	ssyncset.done $0x0  }
0x7b: {  	s0 =	simm.s32 $0x2FF0;
	[sflag:s26] =	ssyncadd.s32 $0xFFFFF060  }
0x7c: {  	v0 =	vld [tilespmem:s0+$0x10]  }
0x7d: {  	v3 =	vld [tilespmem:s0+$0xFFFFFFE0]  }
0x7e: {  	v4 =	vld [tilespmem:s0+$0xFFFFFFF0]  }
0x7f: {  	s23 =	simm.s32 $0x10B0;
	v5 =	vld [tilespmem:s0+$0x0]  }
0x80: {  	v7 =	vld [tilespmem:s23+$0x10]  }
0x81: {  	v12 =	vld [tilespmem:s23+$0xFFFFFFE0]  }
0x82: {  	s1 =	simm.s32 $0x3030;
	v13 =	vld [tilespmem:s23+$0xFFFFFFF0]  }
0x83: {  	v14 =	vld [tilespmem:s1+$0x10]  }
0x84: {  	v1 =	vld [tilespmem:s1+$0x0]  }
0x85: {  	v2 =	vld [tilespmem:s1+$0xFFFFFFE0]  }
0x86: {  	v15 =	vld [tilespmem:s23+$0x0]  }
0x87: {  	v6 =	vld.idx.msk [tilespmem:v0+s3+$0x0], $0xffff  }
0x88: {  	v8 =	vld.idx.msk [tilespmem:v0+s19+$0x0], $0xffff  }
0x89: {  	v9 =	vld.idx.msk [tilespmem:v3+s3+$0x0], $0xffff  }
0x8a: {  	v10 =	vld.idx.msk [tilespmem:v4+s3+$0x0], $0xffff  }
0x8b: {  	v11 =	vld.idx.msk [tilespmem:v5+s3+$0x0], $0xffff  }
0x8c: {  	v0 =	vld [tilespmem:s1+$0xFFFFFFF0]  }
0x8d: {  	v3 =	vld.idx.msk [tilespmem:v3+s19+$0x0], $0xffff  }
0x8e: {  	v16 =	vld.idx.msk [tilespmem:v4+s19+$0x0], $0xffff  }
0x8f: {  	v17 =	vld.idx.msk [tilespmem:v5+s19+$0x0], $0xffff  }
0x90: {  	v18 =	vld.idx.msk [tilespmem:v14+s3+$0x0], $0xffff;
	s1 =	simm.s32 $0x10F0;
	v4 =	vmul.f32 v6, v7  }
0x91: {  	v5 =	vmul.f32 v9, v12;
	v9 =	vld [tilespmem:s1+$0x10]  }
0x92: {  	v6 =	vld.idx.msk [tilespmem:v14+s19+$0x0], $0xffff;
	v7 =	vadd.f32 v8, v4;
	v8 =	vmul.f32 v10, v13  }
0x93: {  	s0 =	simm.s32 $0x4F30;
	v10 =	vmul.f32 v11, v15;
	v11 =	vadd.f32 v3, v5;
	v4 =	vld.idx.msk [tilespmem:v2+s3+$0x0], $0xffff  }
0x94: {  	v3 =	vld.idx.msk [tilespmem:v1+s3+$0x0], $0xffff;
	[tilespmem:s0+$0x10] =	vst v7;
	v8 =	vadd.f32 v16, v8  }
0x95: {  	v5 =	vld.idx.msk [tilespmem:v0+s3+$0x0], $0xffff;
	[tilespmem:s0+$0xFFFFFFE0] =	vst v11;
	v10 =	vadd.f32 v17, v10  }
0x96: {  	v7 =	vld [tilespmem:s1+$0xFFFFFFE0];
	v9 =	vmul.f32 v18, v9;
	[tilespmem:s0+$0xFFFFFFF0] =	vst v8  }
0x97: {  	s22 =	simm.s32 $0x40;
	s23 =	simm.s32 $0x3070;
	v8 =	vld [tilespmem:s1+$0xFFFFFFF0];
	[tilespmem:s0+$0x0] =	vst v10  }
.LBB2_6:
0x98: {  	v10 =	vld [tilespmem:s23+$0x10];
	s22 =	sadd.s32 $0x40, s22;
	v6 =	vadd.f32 v6, v9  }
0x99: {  	s0 =	sadd.s32 $0x40, s0;
	v9 =	vld [tilespmem:s23+$0xFFFFFFF0];
	p1 =	slt.u32 s22, $0xF40  }
0x9a: {  	v11 =	vld [tilespmem:s23+$0x0];
	[tilespmem:s0+$0x10] =	vst v6  }
0x9b: {  	v12 =	vld [tilespmem:s23+$0xFFFFFFE0];
	v7 =	vmul.f32 v4, v7  }
0x9c: {  	v8 =	vmul.f32 v5, v8;
	v4 =	vld [tilespmem:s1+$0x0]  }
0x9d: {  	v5 =	vld.idx.msk [tilespmem:v2+s19+$0x0], $0xffff  }
0x9e: {  	v13 =	vld.idx.msk [tilespmem:v0+s19+$0x0], $0xffff;
	v0 =	vmov v9  }
0x9f: {  	v9 =	vld.idx.msk [tilespmem:v1+s19+$0x0], $0xffff;
	v1 =	vmov v11  }
0xa0: {  	s1 =	sadd.s32 $0x40, s1;
	v11 =	vld.idx.msk [tilespmem:v10+s3+$0x0], $0xffff;
	v2 =	vmov v12  }
0xa1: {  	v14 =	vld [tilespmem:s1+$0x10];
	v15 =	vmul.f32 v3, v4  }
0xa2: {  	v6 =	vld.idx.msk [tilespmem:v10+s19+$0x0], $0xffff  }
.Ltmp4:
0xa3: {  	v7 =	vadd.f32 v5, v7;
	v4 =	vld.idx.msk [tilespmem:v12+s3+$0x0], $0xffff;
	(pc) =	sbr.rel @p1 .LBB2_6-.Ltmp4, $4  }
0xa4: {  	v8 =	vadd.f32 v13, v8;
	v5 =	vld.idx.msk [tilespmem:v0+s3+$0x0], $0xffff  }
0xa5: {  	v10 =	vadd.f32 v9, v15;
	v3 =	vld.idx.msk [tilespmem:v1+s3+$0x0], $0xffff;
	[tilespmem:s0+$0xFFFFFFE0] =	vst v7  }
0xa6: {  	v7 =	vld [tilespmem:s1+$0xFFFFFFE0];
	v9 =	vmul.f32 v11, v14;
	[tilespmem:s0+$0xFFFFFFF0] =	vst v8  }
0xa7: {  	s23 =	sadd.s32 $0x40, s23;
	v8 =	vld [tilespmem:s1+$0xFFFFFFF0];
	[tilespmem:s0+$0x0] =	vst v10  }
0xa8: {  	_ =	sdelay $0x2  }
0xa9: {  	v10 =	vld [tilespmem:s1+$0x0]  }
0xaa: {  	v2 =	vld.idx.msk [tilespmem:v2+s19+$0x0], $0xffff  }
0xab: {  	v0 =	vld.idx.msk [tilespmem:v0+s19+$0x0], $0xffff  }
0xac: {  	v1 =	vld.idx.msk [tilespmem:v1+s19+$0x0], $0xffff  }
0xad: {  	v4 =	vmul.f32 v4, v7  }
0xae: {  	v6 =	vadd.f32 v6, v9;
	v5 =	vmul.f32 v5, v8  }
0xaf: {  	s2 =	sadd.s32 $0x40, s0;
	v3 =	vmul.f32 v3, v10;
	v2 =	vadd.f32 v2, v4  }
0xb0: {  	[tilespmem:s2+$0x10] =	vst v6;
	v0 =	vadd.f32 v0, v5  }
0xb1: {  	[tilespmem:s2+$0xFFFFFFE0] =	vst v2;
	v1 =	vadd.f32 v1, v3  }
0xb2: {  	s0 =	simm.s32 $0x3F50;
	[tilespmem:s2+$0xFFFFFFF0] =	vst v0  }
0xb3: {  	s1 =	simm.s32 $0xF70;
	s22 =	simm.s32 $0x5E90;
	s23 =	simm.s32 $0x2010;
	[tilespmem:s2+$0x0] =	vst v1  }
.LBB2_8:
0xb4: {  	v0 =	vld [tilespmem:s0+$0x0];
	_ =	sdelay $0x6  }
0xb5: {  	v1 =	vld [tilespmem:s23+$0x0]  }
0xb6: {  	v2 =	vld.idx.msk [tilespmem:v0+s3+$0x0], $0xffff;
	_ =	sdelay $0x1  }
0xb7: {  	v0 =	vld.idx.msk [tilespmem:v0+s19+$0x0], $0xffff  }
0xb8: {  	s1 =	sadd.s32 $0x10, s1  }
0xb9: {  	p1 =	slt.u32 s1, $0xF90  }
.Ltmp5:
0xba: {  	v1 =	vmul.f32 v2, v1;
	(pc) =	sbr.rel @p1 .LBB2_8-.Ltmp5, $3  }
0xbb: {  	_ = 	snop  }
0xbc: {  	v0 =	vadd.f32 v0, v1;
	_ =	sdelay $0x1  }
0xbd: {  	s23 =	sadd.s32 $0x10, s23;
	s0 =	sadd.s32 $0x10, s0;
	[tilespmem:s22+$0x0] =	vst v0;
	s22 =	sadd.s32 $0x10, s22  }
0xbe: {  	[hbm4b:s12+s3] =	stream.linear.scatter [tilespmem:s28], [sflag:$0x4], $0xFA0, $0x38;
	[tilespmem:$0x5EB0] =	vst v63  }
0xbf: {  	s0 =	simm.s32 @!p0 $0x0;
	s1 =	simm.s32 @!p0 $0x2FD0  }
0xc0: {  	[tilespmem:s1], [sflag:$0x2] =	stream.linear.gather @!p0 [hbm4b:s13+s0], $0xFA0, $0x38;
	[tilespmem:$0x5EB0] =	vst v63  }
0xc1: {  	s1 =	simm.s32 @!p0 $0x1090  }
0xc2: {  	[tilespmem:s1], [sflag:$0x2] =	stream.linear.gather @!p0 [hbm4b:s14+s0], $0xFA0, $0x38;
	[tilespmem:$0x5EB0] =	vst v63  }
0xc3: {  	_ =	swait.ge [sflag:s24], $0xFA0  }
0xc4: {  	[sflag:s24] =	ssyncset.done $0x0  }
0xc5: {  	[sflag:s24] =	ssyncadd.s32 $0xFFFFF060  }
0xc6: {  	_ =	swait.ge [sflag:s24], $0xFA0  }
0xc7: {  	[sflag:s24] =	ssyncset.done $0x0  }
0xc8: {  	[sflag:s24] =	ssyncadd.s32 $0xFFFFF060  }
0xc9: {  	_ =	swait.ge [sflag:s29], $0xFA0  }
0xca: {  	[sflag:s29] =	ssyncset.done $0x0  }
0xcb: {  	s2 =	simm.s32 $0x2050;
	[sflag:s29] =	ssyncadd.s32 $0xFFFFF060  }
0xcc: {  	v0 =	vld [tilespmem:s2+$0x10]  }
0xcd: {  	v3 =	vld [tilespmem:s2+$0xFFFFFFE0]  }
0xce: {  	v4 =	vld [tilespmem:s2+$0xFFFFFFF0]  }
0xcf: {  	s22 =	simm.s32 $0x110;
	v5 =	vld [tilespmem:s2+$0x0]  }
0xd0: {  	v7 =	vld [tilespmem:s22+$0x10]  }
0xd1: {  	v12 =	vld [tilespmem:s22+$0xFFFFFFE0]  }
0xd2: {  	s23 =	simm.s32 $0x2090;
	v13 =	vld [tilespmem:s22+$0xFFFFFFF0]  }
0xd3: {  	v14 =	vld [tilespmem:s23+$0x10]  }
0xd4: {  	v1 =	vld [tilespmem:s23+$0x0]  }
0xd5: {  	v2 =	vld [tilespmem:s23+$0xFFFFFFE0]  }
0xd6: {  	v15 =	vld [tilespmem:s22+$0x0]  }
0xd7: {  	v6 =	vld.idx.msk [tilespmem:v0+s3+$0x0], $0xffff  }
0xd8: {  	v8 =	vld.idx.msk [tilespmem:v0+s19+$0x0], $0xffff  }
0xd9: {  	v9 =	vld.idx.msk [tilespmem:v3+s3+$0x0], $0xffff  }
0xda: {  	v10 =	vld.idx.msk [tilespmem:v4+s3+$0x0], $0xffff  }
0xdb: {  	v11 =	vld.idx.msk [tilespmem:v5+s3+$0x0], $0xffff  }
0xdc: {  	v0 =	vld [tilespmem:s23+$0xFFFFFFF0]  }
0xdd: {  	v3 =	vld.idx.msk [tilespmem:v3+s19+$0x0], $0xffff  }
0xde: {  	v16 =	vld.idx.msk [tilespmem:v4+s19+$0x0], $0xffff  }
0xdf: {  	v17 =	vld.idx.msk [tilespmem:v5+s19+$0x0], $0xffff  }
0xe0: {  	s1 =	simm.s32 $0x150;
	v18 =	vld.idx.msk [tilespmem:v14+s3+$0x0], $0xffff;
	v4 =	vmul.f32 v6, v7  }
0xe1: {  	v5 =	vmul.f32 v9, v12;
	v9 =	vld [tilespmem:s1+$0x10]  }
0xe2: {  	v6 =	vld.idx.msk [tilespmem:v14+s19+$0x0], $0xffff;
	v7 =	vadd.f32 v8, v4;
	v8 =	vmul.f32 v10, v13  }
0xe3: {  	s0 =	simm.s32 $0x3F90;
	v10 =	vmul.f32 v11, v15;
	v11 =	vadd.f32 v3, v5;
	v4 =	vld.idx.msk [tilespmem:v2+s3+$0x0], $0xffff  }
0xe4: {  	v3 =	vld.idx.msk [tilespmem:v1+s3+$0x0], $0xffff;
	[tilespmem:s0+$0x10] =	vst v7;
	v8 =	vadd.f32 v16, v8  }
0xe5: {  	v5 =	vld.idx.msk [tilespmem:v0+s3+$0x0], $0xffff;
	[tilespmem:s0+$0xFFFFFFE0] =	vst v11;
	v10 =	vadd.f32 v17, v10  }
0xe6: {  	v7 =	vld [tilespmem:s1+$0xFFFFFFE0];
	v9 =	vmul.f32 v18, v9;
	[tilespmem:s0+$0xFFFFFFF0] =	vst v8  }
0xe7: {  	s22 =	simm.s32 $0x40;
	s23 =	simm.s32 $0x20D0;
	v8 =	vld [tilespmem:s1+$0xFFFFFFF0];
	[tilespmem:s0+$0x0] =	vst v10  }
.LBB2_10:
0xe8: {  	v10 =	vld [tilespmem:s23+$0x10];
	s22 =	sadd.s32 $0x40, s22;
	v6 =	vadd.f32 v6, v9  }
0xe9: {  	s0 =	sadd.s32 $0x40, s0;
	v9 =	vld [tilespmem:s23+$0xFFFFFFF0];
	p1 =	slt.u32 s22, $0xF40  }
0xea: {  	v11 =	vld [tilespmem:s23+$0x0];
	[tilespmem:s0+$0x10] =	vst v6  }
0xeb: {  	v12 =	vld [tilespmem:s23+$0xFFFFFFE0];
	v7 =	vmul.f32 v4, v7  }
0xec: {  	v8 =	vmul.f32 v5, v8;
	v4 =	vld [tilespmem:s1+$0x0]  }
0xed: {  	v5 =	vld.idx.msk [tilespmem:v2+s19+$0x0], $0xffff  }
0xee: {  	v13 =	vld.idx.msk [tilespmem:v0+s19+$0x0], $0xffff;
	v0 =	vmov v9  }
0xef: {  	v9 =	vld.idx.msk [tilespmem:v1+s19+$0x0], $0xffff;
	v1 =	vmov v11  }
0xf0: {  	s1 =	sadd.s32 $0x40, s1;
	v11 =	vld.idx.msk [tilespmem:v10+s3+$0x0], $0xffff;
	v2 =	vmov v12  }
0xf1: {  	v14 =	vld [tilespmem:s1+$0x10];
	v15 =	vmul.f32 v3, v4  }
0xf2: {  	v6 =	vld.idx.msk [tilespmem:v10+s19+$0x0], $0xffff  }
.Ltmp6:
0xf3: {  	v7 =	vadd.f32 v5, v7;
	v4 =	vld.idx.msk [tilespmem:v12+s3+$0x0], $0xffff;
	(pc) =	sbr.rel @p1 .LBB2_10-.Ltmp6, $4  }
0xf4: {  	v8 =	vadd.f32 v13, v8;
	v5 =	vld.idx.msk [tilespmem:v0+s3+$0x0], $0xffff  }
0xf5: {  	v10 =	vadd.f32 v9, v15;
	v3 =	vld.idx.msk [tilespmem:v1+s3+$0x0], $0xffff;
	[tilespmem:s0+$0xFFFFFFE0] =	vst v7  }
0xf6: {  	v7 =	vld [tilespmem:s1+$0xFFFFFFE0];
	v9 =	vmul.f32 v11, v14;
	[tilespmem:s0+$0xFFFFFFF0] =	vst v8  }
0xf7: {  	s23 =	sadd.s32 $0x40, s23;
	v8 =	vld [tilespmem:s1+$0xFFFFFFF0];
	[tilespmem:s0+$0x0] =	vst v10  }
0xf8: {  	_ =	sdelay $0x2  }
0xf9: {  	v10 =	vld [tilespmem:s1+$0x0]  }
0xfa: {  	v2 =	vld.idx.msk [tilespmem:v2+s19+$0x0], $0xffff  }
0xfb: {  	v0 =	vld.idx.msk [tilespmem:v0+s19+$0x0], $0xffff  }
0xfc: {  	v1 =	vld.idx.msk [tilespmem:v1+s19+$0x0], $0xffff  }
0xfd: {  	v4 =	vmul.f32 v4, v7  }
0xfe: {  	v6 =	vadd.f32 v6, v9;
	v5 =	vmul.f32 v5, v8  }
0xff: {  	s2 =	sadd.s32 $0x40, s0;
	v3 =	vmul.f32 v3, v10;
	v2 =	vadd.f32 v2, v4  }
0x100: {  	[tilespmem:s2+$0x10] =	vst v6;
	v0 =	vadd.f32 v0, v5  }
0x101: {  	[tilespmem:s2+$0xFFFFFFE0] =	vst v2;
	v1 =	vadd.f32 v1, v3  }
0x102: {  	s0 =	simm.s32 $0x2FB0;
	[tilespmem:s2+$0xFFFFFFF0] =	vst v0  }
0x103: {  	s1 =	simm.s32 $0xF70;
	s22 =	simm.s32 $0x4EF0;
	s23 =	simm.s32 $0x1070;
	[tilespmem:s2+$0x0] =	vst v1  }
.LBB2_12:
0x104: {  	v0 =	vld [tilespmem:s0+$0x0];
	_ =	sdelay $0x6  }
0x105: {  	v1 =	vld [tilespmem:s23+$0x0]  }
0x106: {  	v2 =	vld.idx.msk [tilespmem:v0+s3+$0x0], $0xffff;
	_ =	sdelay $0x1  }
0x107: {  	v0 =	vld.idx.msk [tilespmem:v0+s19+$0x0], $0xffff  }
0x108: {  	s1 =	sadd.s32 $0x10, s1  }
0x109: {  	p1 =	slt.u32 s1, $0xF90  }
.Ltmp7:
0x10a: {  	v1 =	vmul.f32 v2, v1;
	(pc) =	sbr.rel @p1 .LBB2_12-.Ltmp7, $3  }
0x10b: {  	_ = 	snop  }
0x10c: {  	v0 =	vadd.f32 v0, v1;
	_ =	sdelay $0x1  }
0x10d: {  	s23 =	sadd.s32 $0x10, s23;
	s0 =	sadd.s32 $0x10, s0;
	[tilespmem:s22+$0x0] =	vst v0;
	s22 =	sadd.s32 $0x10, s22  }
.Ltmp8:
0x10e: {  	(pc) =	sbr.rel @p0 .LBB2_19-.Ltmp8, $2  }
0x10f: {  	_ =	sdelay $0x2  }
0x110: {  	[hbm4b:s15+s3] =	stream.linear.scatter [tilespmem:s25], [sflag:$0x3], $0xFA0, $0x38;
	[tilespmem:$0x5EB0] =	vst v63  }
0x111: {  	_ =	swait.ge [sflag:s26], $0xFA0  }
0x112: {  	[sflag:s26] =	ssyncset.done $0x0  }
0x113: {  	[sflag:s26] =	ssyncadd.s32 $0xFFFFF060  }
0x114: {  	_ =	swait.ge [sflag:s26], $0xFA0  }
0x115: {  	[sflag:s26] =	ssyncset.done $0x0  }
0x116: {  	[sflag:s26] =	ssyncadd.s32 $0xFFFFF060  }
0x117: {  	_ =	swait.ge [sflag:s30], $0xFA0  }
0x118: {  	[sflag:s30] =	ssyncset.done $0x0  }
0x119: {  	s0 =	simm.s32 $0x2FF0;
	[sflag:s30] =	ssyncadd.s32 $0xFFFFF060  }
0x11a: {  	v0 =	vld [tilespmem:s0+$0x10]  }
0x11b: {  	v3 =	vld [tilespmem:s0+$0xFFFFFFE0]  }
0x11c: {  	v4 =	vld [tilespmem:s0+$0xFFFFFFF0]  }
0x11d: {  	s23 =	simm.s32 $0x10B0;
	v5 =	vld [tilespmem:s0+$0x0]  }
0x11e: {  	v7 =	vld [tilespmem:s23+$0x10]  }
0x11f: {  	v12 =	vld [tilespmem:s23+$0xFFFFFFE0]  }
0x120: {  	s1 =	simm.s32 $0x3030;
	v13 =	vld [tilespmem:s23+$0xFFFFFFF0]  }
0x121: {  	v14 =	vld [tilespmem:s1+$0x10]  }
0x122: {  	v1 =	vld [tilespmem:s1+$0x0]  }
0x123: {  	v2 =	vld [tilespmem:s1+$0xFFFFFFE0]  }
0x124: {  	v15 =	vld [tilespmem:s23+$0x0]  }
0x125: {  	v6 =	vld.idx.msk [tilespmem:v0+s3+$0x0], $0xffff  }
0x126: {  	v8 =	vld.idx.msk [tilespmem:v0+s19+$0x0], $0xffff  }
0x127: {  	v9 =	vld.idx.msk [tilespmem:v3+s3+$0x0], $0xffff  }
0x128: {  	v10 =	vld.idx.msk [tilespmem:v4+s3+$0x0], $0xffff  }
0x129: {  	v11 =	vld.idx.msk [tilespmem:v5+s3+$0x0], $0xffff  }
0x12a: {  	v0 =	vld [tilespmem:s1+$0xFFFFFFF0]  }
0x12b: {  	v3 =	vld.idx.msk [tilespmem:v3+s19+$0x0], $0xffff  }
0x12c: {  	v16 =	vld.idx.msk [tilespmem:v4+s19+$0x0], $0xffff  }
0x12d: {  	v17 =	vld.idx.msk [tilespmem:v5+s19+$0x0], $0xffff  }
0x12e: {  	v18 =	vld.idx.msk [tilespmem:v14+s3+$0x0], $0xffff;
	s1 =	simm.s32 $0x10F0;
	v4 =	vmul.f32 v6, v7  }
0x12f: {  	v5 =	vmul.f32 v9, v12;
	v9 =	vld [tilespmem:s1+$0x10]  }
0x130: {  	v6 =	vld.idx.msk [tilespmem:v14+s19+$0x0], $0xffff;
	v7 =	vadd.f32 v8, v4;
	v8 =	vmul.f32 v10, v13  }
0x131: {  	s0 =	simm.s32 $0x4F30;
	v10 =	vmul.f32 v11, v15;
	v11 =	vadd.f32 v3, v5;
	v4 =	vld.idx.msk [tilespmem:v2+s3+$0x0], $0xffff  }
0x132: {  	v3 =	vld.idx.msk [tilespmem:v1+s3+$0x0], $0xffff;
	[tilespmem:s0+$0x10] =	vst v7;
	v8 =	vadd.f32 v16, v8  }
0x133: {  	v5 =	vld.idx.msk [tilespmem:v0+s3+$0x0], $0xffff;
	[tilespmem:s0+$0xFFFFFFE0] =	vst v11;
	v10 =	vadd.f32 v17, v10  }
0x134: {  	v7 =	vld [tilespmem:s1+$0xFFFFFFE0];
	v9 =	vmul.f32 v18, v9;
	[tilespmem:s0+$0xFFFFFFF0] =	vst v8  }
0x135: {  	s22 =	simm.s32 $0x40;
	s23 =	simm.s32 $0x3070;
	v8 =	vld [tilespmem:s1+$0xFFFFFFF0];
	[tilespmem:s0+$0x0] =	vst v10  }
.LBB2_15:
0x136: {  	v10 =	vld [tilespmem:s23+$0x10];
	s22 =	sadd.s32 $0x40, s22;
	v6 =	vadd.f32 v6, v9  }
0x137: {  	s0 =	sadd.s32 $0x40, s0;
	v9 =	vld [tilespmem:s23+$0xFFFFFFF0];
	p1 =	slt.u32 s22, $0xF40  }
0x138: {  	v11 =	vld [tilespmem:s23+$0x0];
	[tilespmem:s0+$0x10] =	vst v6  }
0x139: {  	v12 =	vld [tilespmem:s23+$0xFFFFFFE0];
	v7 =	vmul.f32 v4, v7  }
0x13a: {  	v8 =	vmul.f32 v5, v8;
	v4 =	vld [tilespmem:s1+$0x0]  }
0x13b: {  	v5 =	vld.idx.msk [tilespmem:v2+s19+$0x0], $0xffff  }
0x13c: {  	v13 =	vld.idx.msk [tilespmem:v0+s19+$0x0], $0xffff;
	v0 =	vmov v9  }
0x13d: {  	v9 =	vld.idx.msk [tilespmem:v1+s19+$0x0], $0xffff;
	v1 =	vmov v11  }
0x13e: {  	s1 =	sadd.s32 $0x40, s1;
	v11 =	vld.idx.msk [tilespmem:v10+s3+$0x0], $0xffff;
	v2 =	vmov v12  }
0x13f: {  	v14 =	vld [tilespmem:s1+$0x10];
	v15 =	vmul.f32 v3, v4  }
0x140: {  	v6 =	vld.idx.msk [tilespmem:v10+s19+$0x0], $0xffff  }
.Ltmp9:
0x141: {  	v7 =	vadd.f32 v5, v7;
	v4 =	vld.idx.msk [tilespmem:v12+s3+$0x0], $0xffff;
	(pc) =	sbr.rel @p1 .LBB2_15-.Ltmp9, $4  }
0x142: {  	v8 =	vadd.f32 v13, v8;
	v5 =	vld.idx.msk [tilespmem:v0+s3+$0x0], $0xffff  }
0x143: {  	v10 =	vadd.f32 v9, v15;
	v3 =	vld.idx.msk [tilespmem:v1+s3+$0x0], $0xffff;
	[tilespmem:s0+$0xFFFFFFE0] =	vst v7  }
0x144: {  	v7 =	vld [tilespmem:s1+$0xFFFFFFE0];
	v9 =	vmul.f32 v11, v14;
	[tilespmem:s0+$0xFFFFFFF0] =	vst v8  }
0x145: {  	s23 =	sadd.s32 $0x40, s23;
	v8 =	vld [tilespmem:s1+$0xFFFFFFF0];
	[tilespmem:s0+$0x0] =	vst v10  }
0x146: {  	_ =	sdelay $0x2  }
0x147: {  	v10 =	vld [tilespmem:s1+$0x0]  }
0x148: {  	v2 =	vld.idx.msk [tilespmem:v2+s19+$0x0], $0xffff  }
0x149: {  	v0 =	vld.idx.msk [tilespmem:v0+s19+$0x0], $0xffff  }
0x14a: {  	v1 =	vld.idx.msk [tilespmem:v1+s19+$0x0], $0xffff  }
0x14b: {  	v4 =	vmul.f32 v4, v7  }
0x14c: {  	v6 =	vadd.f32 v6, v9;
	v5 =	vmul.f32 v5, v8  }
0x14d: {  	s2 =	sadd.s32 $0x40, s0;
	v3 =	vmul.f32 v3, v10;
	v2 =	vadd.f32 v2, v4  }
0x14e: {  	[tilespmem:s2+$0x10] =	vst v6;
	v0 =	vadd.f32 v0, v5  }
0x14f: {  	[tilespmem:s2+$0xFFFFFFE0] =	vst v2;
	v1 =	vadd.f32 v1, v3  }
0x150: {  	s0 =	simm.s32 $0x3F50;
	[tilespmem:s2+$0xFFFFFFF0] =	vst v0  }
0x151: {  	s1 =	simm.s32 $0xF70;
	s22 =	simm.s32 $0x5E90;
	s23 =	simm.s32 $0x2010;
	[tilespmem:s2+$0x0] =	vst v1  }
.LBB2_17:
0x152: {  	v0 =	vld [tilespmem:s0+$0x0];
	_ =	sdelay $0x6  }
0x153: {  	v1 =	vld [tilespmem:s23+$0x0]  }
0x154: {  	v2 =	vld.idx.msk [tilespmem:v0+s3+$0x0], $0xffff;
	_ =	sdelay $0x1  }
0x155: {  	v0 =	vld.idx.msk [tilespmem:v0+s19+$0x0], $0xffff  }
0x156: {  	s1 =	sadd.s32 $0x10, s1  }
0x157: {  	p1 =	slt.u32 s1, $0xF90  }
.Ltmp10:
0x158: {  	v1 =	vmul.f32 v2, v1;
	(pc) =	sbr.rel @p1 .LBB2_17-.Ltmp10, $3  }
0x159: {  	_ = 	snop  }
0x15a: {  	v0 =	vadd.f32 v0, v1;
	_ =	sdelay $0x1  }
0x15b: {  	s23 =	sadd.s32 $0x10, s23;
	s0 =	sadd.s32 $0x10, s0;
	[tilespmem:s22+$0x0] =	vst v0;
	s22 =	sadd.s32 $0x10, s22  }
.Ltmp11:
0x15c: {  	(pc) =	sbr.rel .LBB2_19-.Ltmp11, $2  }
0x15d: {  	_ =	sdelay $0x2  }
0x15e: {  	[hbm4b:s16+s3] =	stream.linear.scatter [tilespmem:s28], [sflag:$0x4], $0xFA0, $0x38;
	[tilespmem:$0x5EB0] =	vst v63  }
.LBB2_20:
0x15f: {  	_ =	sfence.sel $0x180000  }
0x160: {  	[bflag:$0x0] =	sbarrier.arrive $0xFFFF  }
0x161: {  	_ =	strace $0x9000004A  }
0x162: {  	s0 =	stileid.u32;
	[bflag:$0x2] =	sbarrier.arrive $0xFFFF  }
0x163: {  	p0 =	sne.s32 s0, $0x0;
	s0 =	rddreg [dreg:$0x3]  }
0x164: {  	s0 =	sadd.s32 @!p0 $0x100000, s0  }
0x165: {  	[sflag:s0] =	ssyncadd.tile.s32 @!p0 $0x1;
	_ =	shalt  }
.Lfunc_end2:
_tile_overlayer_lowered:
.L_overlay_start_2:
0x166: {  	(tag) =	ssettag $0x2  }
0x167: {  	s0 =	rddreg [dreg:$0x0];
	s2 =	stileid.u32  }
0x168: {  	s1 =	rddreg [dreg:$0x1];
	p0 =	sne.s32 s2, $0x0  }
0x169: {  	s3 =	rddreg [dreg:$0x2];
	[bflag:$0x3] =	sbarrier.arrive $0xFFFF;
	s2 =	simm.s32 @!p0 $0x1C05  }
0x16a: {  	[timem:s3], [sflag:s2] =	dma.local @!p0 [hbm:s0], s1  }
0x16b: {  	s0 =	simm.s32 @!p0 $0x5  }
0x16c: {  	_ =	swait.ge @!p0 [sflag:s0], s1  }
0x16d: {  	s1 =	ssub.s32 @!p0 $0x0, s1;
	[sflag:s0] =	ssyncset.done @!p0 $0x0  }
0x16e: {  	[sflag:s0] =	ssyncadd.s32 @!p0 s1  }
0x16f: {  	[bflag:$0x3] =	sbarrier.arrive $0xFFFF  }
0x170: {  	_ =	shalt  }

// kernel: kernel.6.cloned.1.call-start
scs
__scs_entry_jumppad:
0x0: {  	(pc) =	sbr.rel $0x88, $3  }
0x1: {  	(tag) =	ssettag $0x0;
	lr =	simm.s32 $0x1  }
0x2: {  	[smem:$0x3F9D] =	sst lr;
	_ =	strace $0xD0000000  }
0x3: {  	_ = 	snop  }
0x4: {  	_ = 	snop  }
0x5: {  	_ = 	snop  }
0x6: {  	_ = 	snop  }
0x7: {  	_ = 	snop  }
__scs_overlays_trampoline_lowered:
0x8: {  	[smem:$0x3FAC] =	sst s0  }
0x9: {  	[smem:$0x3FAD] =	sst s1  }
0xa: {  	[smem:$0x3FAE] =	sst s2  }
0xb: {  	[smem:$0x3FAF] =	sst s3  }
0xc: {  	[smem:$0x3FB0] =	sst s4  }
0xd: {  	[smem:$0x3FB1] =	sst s5  }
0xe: {  	[smem:$0x3FB2] =	sst s6  }
0xf: {  	[smem:$0x3FB3] =	sst s7  }
0x10: {  	[smem:$0x3FB4] =	sst s8  }
0x11: {  	[smem:$0x3FB5] =	sst s9;
	s0 =	simm.s32 @!p0 $0x0  }
0x12: {  	s1 =	sld [smem:$0x3F9B];
	s0 =	simm.s32 @p0 $0x1  }
0x13: {  	[smem:$0x3FB6] =	sst s0;
	s0 =	simm.s32 @!p1 $0x0  }
0x14: {  	s2 =	sld [smem:$0x3F9A];
	s0 =	simm.s32 @p1 $0x1  }
0x15: {  	[smem:$0x3FB7] =	sst s0;
	s0 =	simm.s32 @!p2 $0x0  }
0x16: {  	s3 =	sld [smem:$0x3FDB];
	s0 =	simm.s32 @p2 $0x1  }
0x17: {  	s4 =	simm.s32 $0x1BF5;
	[smem:$0x3FB9] =	sst s0  }
0x18: {  	s0 =	sld [smem:$0x3F9C];
	_ =	swait.ge [sflag:s4], $0x0  }
0x19: {  	s7 =	sld [smem:$0x3F9D]  }
0x1a: {  	s8 =	sadd.s32 $0xFFFFE003, lr  }
0x1b: {  	s9 =	sadd.s32 $0xFFFFFEF7, lr;
	s5 =	simm.s32 $0xFFFFFFFF;
	p2 =	slt.u32 s8, $0xFFFFF086  }
0x1c: {  	p1 =	slt.u32 s9, $0xF7A;
	s5 =	simm.s32 @!p2 $0x0  }
0x1d: {  	s5 =	simm.s32 @p1 $0x1;
	p0 =	seq.s32 s7, s2  }
0x1e: {  	s7 =	smul.u32 @!p0 $0xF7A, s2;
	p2 =	seq.s32 @!p0 s5, $0x0  }
0x1f: {  	s9 =	smul.u32 $0xF7A, s1;
	s8 =	simm.s32 @!p0 $0x1BF5;
	p2 =	por !p2, p0  }
0x20: {  	[sflag:s8] =	ssyncset.s32 @!p0 $0xFFFFF086;
	s6 =	sadd.s32 @!p0 s3, s7;
	s7 =	simm.s32 @!p0 $0x108  }
0x21: {  	s3 =	sadd.s32 s3, s9;
	s6 =	sadd.s32 @!p0 $0x88, s6;
	s7 =	simm.s32 @p2 $0x1082  }
0x22: {  	[simem:s7], [sflag:s8] =	dma.local @!p0 [hbm:s6], $0xF7A  }
0x23: {  	s9 =	sor.u32 $0xD0000000, s2;
	s6 =	simm.s32 $0x108;
	_ =	swait.ge @!p0 [sflag:s8], $0x0  }
0x24: {  	s3 =	sadd.s32 $0x88, s3;
	s6 =	simm.s32 @!p1 $0x1082;
	[sflag:s4] =	ssyncset.s32 $0xFFFFF086  }
0x25: {  	[simem:s6], [sflag:s4] =	dma.local [hbm:s3], $0xF7A  }
0x26: {  	[smem:$0x3F9D] =	sst s1;
	(tag) =	ssettag s2;
	_ =	strace s9  }
0x27: {  	s1 =	sld [smem:$0x3FAD]  }
0x28: {  	s2 =	sld [smem:$0x3FAE]  }
0x29: {  	s4 =	sld [smem:$0x3FB0]  }
0x2a: {  	p0 =	seq.s32 s5, $0x0;
	s5 =	sld [smem:$0x3FB1]  }
0x2b: {  	s6 =	sld [smem:$0x3FB2]  }
0x2c: {  	s7 =	sld [smem:$0x3FB3]  }
0x2d: {  	s3 =	simm.s32 $0x108;
	s8 =	sld [smem:$0x3FB4]  }
0x2e: {  	s3 =	simm.s32 @!p0 $0x1082;
	s9 =	sld [smem:$0x3FB5]  }
0x2f: {  	lr =	sadd.s32 s0, s3;
	s0 =	sld [smem:$0x3FAC]  }
0x30: {  	s3 =	sld [smem:$0x3FAF]  }
0x31: {  	[smem:$0x3FB8] =	sst s10  }
0x32: {  	s10 =	sld [smem:$0x3FB6];
	_ =	sdelay $0x3  }
0x33: {  	p0 =	seq.s32 s10, $0x1;
	s10 =	sld [smem:$0x3FB8];
	_ =	sdelay $0x3  }
0x34: {  	[smem:$0x3FB8] =	sst s10  }
0x35: {  	s10 =	sld [smem:$0x3FB7];
	_ =	sdelay $0x3  }
0x36: {  	p1 =	seq.s32 s10, $0x1;
	s10 =	sld [smem:$0x3FB8];
	_ =	sdelay $0x3  }
0x37: {  	[smem:$0x3FB8] =	sst s10  }
0x38: {  	s10 =	sld [smem:$0x3FB9]  }
0x39: {  	_ = 	snop;
	(pc) =	sbr.ind lr, $3  }
0x3a: {  	_ = 	snop  }
0x3b: {  	_ = 	snop  }
0x3c: {  	p2 =	seq.s32 s10, $0x1;
	s10 =	sld [smem:$0x3FB8]  }
0x3d: {  	_ =	shalt  }
0x3e: {  	_ =	shalt  }
0x3f: {  	_ =	shalt  }
0x40: {  	_ =	shalt  }
0x41: {  	_ =	shalt  }
0x42: {  	_ =	shalt  }
0x43: {  	_ =	shalt  }
0x44: {  	_ =	shalt  }
0x45: {  	_ =	shalt  }
0x46: {  	_ =	shalt  }
0x47: {  	_ =	shalt  }
0x48: {  	_ =	shalt  }
0x49: {  	_ =	shalt  }
0x4a: {  	_ =	shalt  }
0x4b: {  	_ =	shalt  }
0x4c: {  	_ =	shalt  }
0x4d: {  	_ =	shalt  }
0x4e: {  	_ =	shalt  }
0x4f: {  	_ =	shalt  }
0x50: {  	_ =	shalt  }
0x51: {  	_ =	shalt  }
0x52: {  	_ =	shalt  }
0x53: {  	_ =	shalt  }
0x54: {  	_ =	shalt  }
0x55: {  	_ =	shalt  }
0x56: {  	_ =	shalt  }
0x57: {  	_ =	shalt  }
0x58: {  	_ =	shalt  }
0x59: {  	_ =	shalt  }
0x5a: {  	_ =	shalt  }
0x5b: {  	_ =	shalt  }
0x5c: {  	_ =	shalt  }
0x5d: {  	_ =	shalt  }
0x5e: {  	_ =	shalt  }
0x5f: {  	_ =	shalt  }
0x60: {  	_ =	shalt  }
0x61: {  	_ =	shalt  }
0x62: {  	_ =	shalt  }
0x63: {  	_ =	shalt  }
0x64: {  	_ =	shalt  }
0x65: {  	_ =	shalt  }
0x66: {  	_ =	shalt  }
0x67: {  	_ =	shalt  }
0x68: {  	_ =	shalt  }
0x69: {  	_ =	shalt  }
0x6a: {  	_ =	shalt  }
0x6b: {  	_ =	shalt  }
0x6c: {  	_ =	shalt  }
0x6d: {  	_ =	shalt  }
0x6e: {  	_ =	shalt  }
0x6f: {  	_ =	shalt  }
0x70: {  	_ =	shalt  }
0x71: {  	_ =	shalt  }
0x72: {  	_ =	shalt  }
0x73: {  	_ =	shalt  }
0x74: {  	_ =	shalt  }
0x75: {  	_ =	shalt  }
0x76: {  	_ =	shalt  }
0x77: {  	_ =	shalt  }
0x78: {  	_ =	shalt  }
0x79: {  	_ =	shalt  }
0x7a: {  	_ =	shalt  }
0x7b: {  	_ =	shalt  }
0x7c: {  	_ =	shalt  }
0x7d: {  	_ =	shalt  }
0x7e: {  	_ =	shalt  }
0x7f: {  	_ =	shalt  }
0x80: {  	_ =	shalt  }
0x81: {  	_ =	shalt  }
0x82: {  	_ =	shalt  }
0x83: {  	_ =	shalt  }
0x84: {  	_ =	shalt  }
0x85: {  	_ =	shalt  }
0x86: {  	_ =	shalt  }
0x87: {  	_ =	shalt  }
.Lfunc_end0:
.L_simem_size_0:
called_computation_lowered:
.L_overlay_start_0:
0x88: {  	s2 =	sld [smem:$0x3FD9]  }
0x89: {  	s3 =	sld [smem:$0x3FFE];
	_ =	sdelay $0x1  }
0x8a: {  	s1 =	srdreg.scid  }
0x8b: {  	s0 =	sand.u32 $0x1, s1  }
0x8c: {  	s17 =	sshll.u32 s0, $0xA;
	s2 =	sadd.s32 s3, s2  }
0x8d: {  	s2 =	sadd.s32 s2, s17  }
0x8e: {  	[smem:$0x3FC4] =	sst s2  }
0x8f: {  	_ = 	snop  }
0x90: {  	s18 =	sld [smem:$0x3FC8];
	(tm) =	ssettm $0x1  }
0x91: {  	s19 =	sld [smem:$0x3FFB];
	_ =	sdelay $0x3  }
0x92: {  	_ =	strace s19  }
0x93: {  	s2 =	sld [smem:$0x3FFC];
	_ =	sdelay $0x3  }
0x94: {  	_ =	strace s2  }
0x95: {  	s2 =	sld [smem:$0x3FFD];
	_ =	sdelay $0x3  }
0x96: {  	_ =	strace s2  }
0x97: {  	_ =	strace $0x8FFFFFFF  }
0x98: {  	s20 =	sld [smem:$0x3FDB];
	_ =	sdelay $0x1  }
0x99: {  	s4 =	simm.s32 $_scs_section_size  }
0x9a: {  	s5 =	simm.s32 $_size__tile_overlayer_lowered;
	s6 =	simm.s32 $_tile_overlayer_lowered  }
0x9b: {  	s7 =	simm.s32 $0x1BFF;
	s21 =	sshll.u32 s6, $0x1;
	s4 =	sadd.s32 s4, s20  }
0x9c: {  	s22 =	simm.s32 $0x0;
	s5 =	sshll.u32 s5, $0x1;
	s6 =	sadd.s32 s21, s4  }
0x9d: {  	[timem:s22], [sflag:s7] =	dma.local [hbm:s6], s5  }
0x9e: {  	_ =	swait.ge [sflag:s7], s5  }
0x9f: {  	s5 =	ssub.s32 $0x0, s5;
	[sflag:s7] =	ssyncset.done $0x0  }
0xa0: {  	[sflag:s7] =	ssyncadd.s32 s5;
	_ =	sdelay $0x1  }
0xa1: {  	s23 =	simm.s32 $0x1B8B  }
0xa2: {  	_ =	swait.ge [sflag:s23], $0x1  }
0xa3: {  	[sflag:s23] =	ssyncset.done $0x0  }
0xa4: {  	[sflag:s23] =	ssyncadd.s32 $0xFFFFFFFF  }
0xa5: {  	s5 =	sld [smem:$0x0]  }
0xa6: {  	s6 =	sand.u32 $0xFFFFFFFE, s1  }
0xa7: {  	p0 =	sne.s32 s1, s6  }
0xa8: {  	s6 =	sshll.u32 @p0 s6, $0xE  }
0xa9: {  	s6 =	sadd.s32 @p0 $0x11B8D, s6;
	s7 =	sshll.u32 @p0 s5, $0x11  }
0xaa: {  	s6 =	sor.u32 @p0 s7, s6  }
0xab: {  	[sflag:s6] =	ssyncadd.remote.s32 @p0 $0x1;
	_ =	sdelay $0x1  }
0xac: {  	s6 =	simm.s32 @p0 $0x1B8D  }
0xad: {  	_ =	swait.eq @p0 [sflag:s6], $0x1  }
0xae: {  	[sflag:s6] =	ssyncadd.s32 @p0 $0xFFFFFFFF  }
0xaf: {  	s7 =	sshll.u32 @!p0 s1, $0xE  }
0xb0: {  	s7 =	sor.u32 @!p0 $0x4000, s7;
	s6 =	simm.s32 @!p0 $0x1B8D  }
0xb1: {  	s5 =	sshll.u32 @!p0 s5, $0x11;
	s7 =	sadd.s32 @!p0 $0x11B8D, s7;
	_ =	swait.eq @!p0 [sflag:s6], $0x1  }
0xb2: {  	s5 =	sor.u32 @!p0 s5, s7;
	[sflag:s6] =	ssyncadd.s32 @!p0 $0xFFFFFFFF  }
0xb3: {  	s25 =	simm.s32 $0x1B8E;
	s24 =	sld [smem:$0x3FFE];
	[sflag:s5] =	ssyncadd.remote.s32 @!p0 $0x1  }
0xb4: {  	s26 =	simm.s32 $execute0_lowered;
	[smem:$0x3FD2] =	sst s25  }
0xb5: {  	s6 =	sshll.u32 s26, $0x1;
	_ =	strace $0x8000004F;
	[dreg:$0x1] =	wrdreg $0xFFFFFFFF  }
0xb6: {  	s28 =	simm.s32 $_size_execute0_lowered;
	s4 =	sadd.s32 s4, s6;
	[dreg:$0x0] =	wrdreg $0x0  }
0xb7: {  	s6 =	sshll.u32 s28, $0x1;
	[dreg:$0x2] =	wrdreg s4  }
0xb8: {  	[dreg:$0x3] =	wrdreg s6  }
0xb9: {  	[dreg:$0x4] =	wrdreg $0xC0  }
0xba: {  	_ =	task [dreg:s22], $0x5FFFF  }
0xbb: {  	[dreg:$0x1] =	wrdreg $0xFFFFFFFF  }
0xbc: {  	[dreg:$0x0] =	wrdreg $0x60  }
0xbd: {  	[dreg:$0x2] =	wrdreg s24  }
0xbe: {  	[dreg:$0x3] =	wrdreg s18  }
0xbf: {  	[dreg:$0x4] =	wrdreg $0x9  }
0xc0: {  	_ =	task.clear_ibuf [dreg:s22], $0x5FFFF;
	_ =	strace $0x9000004F  }
0xc1: {  	s29 =	simm.s32 $0x9;
	_ =	strace $0x80000051  }
0xc2: {  	_ =	swait.ge [sflag:s29], $0x1  }
0xc3: {  	[sflag:s29] =	ssyncadd.s32 $0xFFFFFFFF  }
0xc4: {  	_ =	strace $0x90000051  }
0xc5: {  	_ =	sfence  }
0xc6: {  	s30 =	sld [smem:$0x0];
	_ =	sdelay $0x2  }
0xc7: {  	s31 =	sshll.u32 s1, $0xD;
	s1 =	sshrl.u32 s1, $0x2  }
0xc8: {  	s4 =	sand.u32 $0x4000, s31;
	s1 =	sadd.s32 s1, s30  }
0xc9: {  	s0 =	sor.u32 s4, s0;
	s1 =	sshll.u32 s1, $0x11  }
0xca: {  	s0 =	sor.u32 s1, s0  }
0xcb: {  	s0 =	sadd.s32 $0x8F2B, s0  }
0xcc: {  	[sflag:s0] =	ssyncadd.remote.s32 $0x1  }
0xcd: {  	_ =	sfence.sel $0xFFFF  }
0xce: {  	[dreg:$0x0] =	wrdreg $0xFFFFFFFF;
	(pc) =	sbr.abs _section_cstart, $3  }
0xcf: {  	[dreg:$0x1] =	wrdreg $0xFFFFFFFF  }
0xd0: {  	_ =	task.clear_ibuf [dreg:s22], $0x2FFFF;
	_ =	strace $0x9FFFFFFF  }
0xd1: {  	(tm) =	ssettm $0x7FFFFFFF  }
tec
execute0_lowered:
.L_overlay_start_1:
0x0: {  	(tag) =	ssettag $0x1  }
0x1: {  	s1 =	rddreg [dreg:$0x0]  }
0x2: {  	s0 =	rddreg [dreg:$0x1];
	s3 =	simm.s32 $0x0;
	s2 =	srdreg.scid  }
0x3: {  	s4 =	stileid.u32;
	s18 =	simm.s32 $0x5;
	s19 =	simm.s32 $0x78  }
0x4: {  	s20 =	simm.s32 $0x2030;
	s21 =	simm.s32 $0xF0;
	s24 =	simm.s32 $0x1  }
0x5: {  	s25 =	simm.s32 $0x3F70;
	s28 =	simm.s32 $0x4F10;
	s29 =	simm.s32 $0x3  }
0x6: {  	s30 =	simm.s32 $0x4;
	s2 =	sand.u32 $0x1, s2;
	s4 =	sshll.u32 s4, $0x1  }
0x7: {  	s31 =	simm.s32 $0x0;
	[smem:$0x7FF] =	sst s3;
	s22 =	sor.u32 s2, s4  }
0x8: {  	s14 =	sadd.s32 $0x1F000, s1;
	s16 =	sadd.s32 $0x5C800, s1;
	s5 =	smul.u32 $0xFA0, s22  }
0x9: {  	_ =	strace $0x80000050;
	s2 =	ssub.s32 $0x2, s2;
	s9 =	smul.u32 $0x1F4, s22  }
0xa: {  	s4 =	sadd.s32 $0x200, s1;
	s6 =	sshrl.u32 s2, $0x1;
	p0 =	sgt.u32 s22, $0x1C  }
0xb: {  	s2 =	ssub.s32 s2, s6;
	s11 =	sshrl.u32 s5, $0x3;
	s5 =	sadd.s32 s0, s9  }
0xc: {  	s6 =	sadd.s32 s14, s9;
	s9 =	sadd.s32 s16, s9;
	s12 =	sadd.s32 $0x3E80, s11  }
.Ltmp0:
0xd: {  	s15 =	sadd.s32 $0x7D00, s11;
	s17 =	sadd.s32 $0xBB80, s11;
	(pc) =	sbr.rel .LBB2_1-.Ltmp0, $4  }
0xe: {  	s7 =	sadd.s32 s0, s12;
	s8 =	sadd.s32 s14, s12;
	s10 =	sadd.s32 s0, s15  }
0xf: {  	s11 =	sadd.s32 s14, s15;
	s12 =	sadd.s32 s16, s12;
	s13 =	sadd.s32 s0, s17  }
0x10: {  	s14 =	sadd.s32 s14, s17;
	s15 =	sadd.s32 s16, s15;
	s26 =	sadd.s32 s16, s17  }
0x11: {  	s17 =	smax.u32 s2, $0x1;
	[dreg:$0x3] =	wrdreg s26;
	s26 =	simm.s32 $0x2  }
.LBB2_19:
0x12: {  	s31 =	sadd.s32 $0x1, s31  }
0x13: {  	_ =	swait.ge [sflag:s29], $0xFA0;
	p1 =	sne.s32 s31, s17  }
.Ltmp1:
0x14: {  	[sflag:s29] =	ssyncset.done $0x0;
	(pc) =	sbr.rel @!p1 .LBB2_20-.Ltmp1, $4  }
0x15: {  	[sflag:s29] =	ssyncadd.s32 $0xFFFFF060  }
0x16: {  	_ =	swait.ge [sflag:s30], $0xFA0  }
0x17: {  	[sflag:s30] =	ssyncset.done $0x0  }
0x18: {  	[sflag:s30] =	ssyncadd.s32 $0xFFFFF060  }
.LBB2_1:
0x19: {  	[tilespmem:s3], [sflag:$0x5] =	stream.linear.gather [hbm4b:s1+s3], $0x78, $0x38;
	[tilespmem:$0x5EB0] =	vst v63  }
0x1a: {  	_ =	swait.ge [sflag:s18], $0x78  }
0x1b: {  	[sflag:s18] =	ssyncset.done $0x0  }
0x1c: {  	[sflag:s18] =	ssyncadd.s32 $0xFFFFFF88  }
0x1d: {  	[tilespmem:s19], [sflag:$0x5] =	stream.linear.gather [hbm4b:s4+s3], $0x78, $0x38;
	[tilespmem:$0x5EB0] =	vst v63  }
0x1e: {  	_ =	swait.ge [sflag:s18], $0x78  }
0x1f: {  	[sflag:s18] =	ssyncset.done $0x0  }
0x20: {  	[sflag:s18] =	ssyncadd.s32 $0xFFFFFF88  }
0x21: {  	[tilespmem:s20], [sflag:$0x1] =	stream.linear.gather [hbm4b:s5+s3], $0xFA0, $0x38;
	[tilespmem:$0x5EB0] =	vst v63  }
0x22: {  	_ = 	snop  }
0x23: {  	[tilespmem:s21], [sflag:$0x1] =	stream.linear.gather [hbm4b:s6+s3], $0xFA0, $0x38;
	[tilespmem:$0x5EB0] =	vst v63  }
0x24: {  	s0 =	simm.s32 $0x2FD0  }
0x25: {  	[tilespmem:s0], [sflag:$0x2] =	stream.linear.gather [hbm4b:s7+s3], $0xFA0, $0x38;
	[tilespmem:$0x5EB0] =	vst v63  }
0x26: {  	s16 =	simm.s32 $0x1090  }
0x27: {  	[tilespmem:s16], [sflag:$0x2] =	stream.linear.gather [hbm4b:s8+s3], $0xFA0, $0x38;
	[tilespmem:$0x5EB0] =	vst v63  }
0x28: {  	_ =	swait.ge [sflag:s24], $0xFA0  }
0x29: {  	[sflag:s24] =	ssyncset.done $0x0  }
0x2a: {  	[sflag:s24] =	ssyncadd.s32 $0xFFFFF060  }
0x2b: {  	_ =	swait.ge [sflag:s24], $0xFA0  }
0x2c: {  	[sflag:s24] =	ssyncset.done $0x0  }
0x2d: {  	s22 =	simm.s32 $0x2050;
	[sflag:s24] =	ssyncadd.s32 $0xFFFFF060  }
0x2e: {  	v0 =	vld [tilespmem:s22+$0x10]  }
0x2f: {  	v3 =	vld [tilespmem:s22+$0xFFFFFFE0]  }
0x30: {  	v4 =	vld [tilespmem:s22+$0xFFFFFFF0]  }
0x31: {  	s23 =	simm.s32 $0x110;
	v5 =	vld [tilespmem:s22+$0x0]  }
0x32: {  	v7 =	vld [tilespmem:s23+$0x10]  }
0x33: {  	v12 =	vld [tilespmem:s23+$0xFFFFFFE0]  }
0x34: {  	s2 =	simm.s32 $0x2090;
	v13 =	vld [tilespmem:s23+$0xFFFFFFF0]  }
0x35: {  	v14 =	vld [tilespmem:s2+$0x10]  }
0x36: {  	v1 =	vld [tilespmem:s2+$0x0]  }
0x37: {  	v2 =	vld [tilespmem:s2+$0xFFFFFFE0]  }
0x38: {  	v15 =	vld [tilespmem:s23+$0x0]  }
0x39: {  	v6 =	vld.idx.msk [tilespmem:v0+s3+$0x0], $0xffff  }
0x3a: {  	v8 =	vld.idx.msk [tilespmem:v0+s19+$0x0], $0xffff  }
0x3b: {  	v9 =	vld.idx.msk [tilespmem:v3+s3+$0x0], $0xffff  }
0x3c: {  	v10 =	vld.idx.msk [tilespmem:v4+s3+$0x0], $0xffff  }
0x3d: {  	v11 =	vld.idx.msk [tilespmem:v5+s3+$0x0], $0xffff  }
0x3e: {  	v0 =	vld [tilespmem:s2+$0xFFFFFFF0]  }
0x3f: {  	v3 =	vld.idx.msk [tilespmem:v3+s19+$0x0], $0xffff  }
0x40: {  	v16 =	vld.idx.msk [tilespmem:v4+s19+$0x0], $0xffff  }
0x41: {  	v17 =	vld.idx.msk [tilespmem:v5+s19+$0x0], $0xffff  }
0x42: {  	v18 =	vld.idx.msk [tilespmem:v14+s3+$0x0], $0xffff;
	s2 =	simm.s32 $0x150;
	v4 =	vmul.f32 v6, v7  }
0x43: {  	v5 =	vmul.f32 v9, v12;
	v9 =	vld [tilespmem:s2+$0x10]  }
0x44: {  	v6 =	vld.idx.msk [tilespmem:v14+s19+$0x0], $0xffff;
	v7 =	vadd.f32 v8, v4;
	v8 =	vmul.f32 v10, v13  }
0x45: {  	s0 =	simm.s32 $0x3F90;
	v10 =	vmul.f32 v11, v15;
	v11 =	vadd.f32 v3, v5;
	v4 =	vld.idx.msk [tilespmem:v2+s3+$0x0], $0xffff  }
0x46: {  	v3 =	vld.idx.msk [tilespmem:v1+s3+$0x0], $0xffff;
	[tilespmem:s0+$0x10] =	vst v7;
	v8 =	vadd.f32 v16, v8  }
0x47: {  	v5 =	vld.idx.msk [tilespmem:v0+s3+$0x0], $0xffff;
	[tilespmem:s0+$0xFFFFFFE0] =	vst v11;
	v10 =	vadd.f32 v17, v10  }
0x48: {  	v7 =	vld [tilespmem:s2+$0xFFFFFFE0];
	v9 =	vmul.f32 v18, v9;
	[tilespmem:s0+$0xFFFFFFF0] =	vst v8  }
0x49: {  	s22 =	simm.s32 $0x40;
	s23 =	simm.s32 $0x20D0;
	v8 =	vld [tilespmem:s2+$0xFFFFFFF0];
	[tilespmem:s0+$0x0] =	vst v10  }
.LBB2_2:
0x4a: {  	v10 =	vld [tilespmem:s23+$0x10];
	s22 =	sadd.s32 $0x40, s22;
	v6 =	vadd.f32 v6, v9  }
0x4b: {  	s0 =	sadd.s32 $0x40, s0;
	v9 =	vld [tilespmem:s23+$0xFFFFFFF0];
	p1 =	slt.u32 s22, $0xF40  }
0x4c: {  	v11 =	vld [tilespmem:s23+$0x0];
	[tilespmem:s0+$0x10] =	vst v6  }
0x4d: {  	v12 =	vld [tilespmem:s23+$0xFFFFFFE0];
	v7 =	vmul.f32 v4, v7  }
0x4e: {  	v8 =	vmul.f32 v5, v8;
	v4 =	vld [tilespmem:s2+$0x0]  }
0x4f: {  	v5 =	vld.idx.msk [tilespmem:v2+s19+$0x0], $0xffff  }
0x50: {  	v13 =	vld.idx.msk [tilespmem:v0+s19+$0x0], $0xffff;
	v0 =	vmov v9  }
0x51: {  	v9 =	vld.idx.msk [tilespmem:v1+s19+$0x0], $0xffff;
	v1 =	vmov v11  }
0x52: {  	s2 =	sadd.s32 $0x40, s2;
	v11 =	vld.idx.msk [tilespmem:v10+s3+$0x0], $0xffff;
	v2 =	vmov v12  }
0x53: {  	v14 =	vld [tilespmem:s2+$0x10];
	v15 =	vmul.f32 v3, v4  }
0x54: {  	v6 =	vld.idx.msk [tilespmem:v10+s19+$0x0], $0xffff  }
.Ltmp2:
0x55: {  	v7 =	vadd.f32 v5, v7;
	v4 =	vld.idx.msk [tilespmem:v12+s3+$0x0], $0xffff;
	(pc) =	sbr.rel @p1 .LBB2_2-.Ltmp2, $4  }
0x56: {  	v8 =	vadd.f32 v13, v8;
	v5 =	vld.idx.msk [tilespmem:v0+s3+$0x0], $0xffff  }
0x57: {  	v10 =	vadd.f32 v9, v15;
	v3 =	vld.idx.msk [tilespmem:v1+s3+$0x0], $0xffff;
	[tilespmem:s0+$0xFFFFFFE0] =	vst v7  }
0x58: {  	v7 =	vld [tilespmem:s2+$0xFFFFFFE0];
	v9 =	vmul.f32 v11, v14;
	[tilespmem:s0+$0xFFFFFFF0] =	vst v8  }
0x59: {  	s23 =	sadd.s32 $0x40, s23;
	v8 =	vld [tilespmem:s2+$0xFFFFFFF0];
	[tilespmem:s0+$0x0] =	vst v10  }
0x5a: {  	_ =	sdelay $0x2  }
0x5b: {  	v10 =	vld [tilespmem:s2+$0x0]  }
0x5c: {  	v2 =	vld.idx.msk [tilespmem:v2+s19+$0x0], $0xffff  }
0x5d: {  	v0 =	vld.idx.msk [tilespmem:v0+s19+$0x0], $0xffff  }
0x5e: {  	v1 =	vld.idx.msk [tilespmem:v1+s19+$0x0], $0xffff  }
0x5f: {  	v4 =	vmul.f32 v4, v7  }
0x60: {  	v6 =	vadd.f32 v6, v9;
	v5 =	vmul.f32 v5, v8  }
0x61: {  	s16 =	sadd.s32 $0x40, s0;
	v3 =	vmul.f32 v3, v10;
	v2 =	vadd.f32 v2, v4  }
0x62: {  	[tilespmem:s16+$0x10] =	vst v6;
	v0 =	vadd.f32 v0, v5  }
0x63: {  	[tilespmem:s16+$0xFFFFFFE0] =	vst v2;
	v1 =	vadd.f32 v1, v3  }
0x64: {  	s0 =	simm.s32 $0x2FB0;
	[tilespmem:s16+$0xFFFFFFF0] =	vst v0  }
0x65: {  	s2 =	simm.s32 $0xF70;
	s22 =	simm.s32 $0x4EF0;
	s23 =	simm.s32 $0x1070;
	[tilespmem:s16+$0x0] =	vst v1  }
.LBB2_4:
0x66: {  	v0 =	vld [tilespmem:s0+$0x0];
	_ =	sdelay $0x6  }
0x67: {  	v1 =	vld [tilespmem:s23+$0x0]  }
0x68: {  	v2 =	vld.idx.msk [tilespmem:v0+s3+$0x0], $0xffff;
	_ =	sdelay $0x1  }
0x69: {  	v0 =	vld.idx.msk [tilespmem:v0+s19+$0x0], $0xffff  }
0x6a: {  	s2 =	sadd.s32 $0x10, s2  }
0x6b: {  	p1 =	slt.u32 s2, $0xF90  }
.Ltmp3:
0x6c: {  	v1 =	vmul.f32 v2, v1;
	(pc) =	sbr.rel @p1 .LBB2_4-.Ltmp3, $3  }
0x6d: {  	_ = 	snop  }
0x6e: {  	v0 =	vadd.f32 v0, v1;
	_ =	sdelay $0x1  }
0x6f: {  	s23 =	sadd.s32 $0x10, s23;
	s0 =	sadd.s32 $0x10, s0;
	[tilespmem:s22+$0x0] =	vst v0;
	s22 =	sadd.s32 $0x10, s22  }
0x70: {  	[hbm4b:s9+s3] =	stream.linear.scatter [tilespmem:s25], [sflag:$0x3], $0xFA0, $0x38;
	[tilespmem:$0x5EB0] =	vst v63  }
0x71: {  	_ = 	snop  }
0x72: {  	[tilespmem:s20], [sflag:$0x1] =	stream.linear.gather [hbm4b:s10+s3], $0xFA0, $0x38;
	[tilespmem:$0x5EB0] =	vst v63  }
0x73: {  	_ = 	snop  }
0x74: {  	[tilespmem:s21], [sflag:$0x1] =	stream.linear.gather [hbm4b:s11+s3], $0xFA0, $0x38;
	[tilespmem:$0x5EB0] =	vst v63  }
0x75: {  	_ =	swait.ge [sflag:s26], $0xFA0  }
0x76: {  	[sflag:s26] =	ssyncset.done $0x0  }
0x77: {  	[sflag:s26] =	ssyncadd.s32 $0xFFFFF060  }
0x78: {  	_ =	swait.ge [sflag:s26], $0xFA0  }
0x79: {  	[sflag:s26] =	ssyncset.done $0x0  }
0x7a: {  	s0 =	simm.s32 $0x2FF0;
	[sflag:s26] =	ssyncadd.s32 $0xFFFFF060  }
0x7b: {  	v0 =	vld [tilespmem:s0+$0x10]  }
0x7c: {  	v3 =	vld [tilespmem:s0+$0xFFFFFFE0]  }
0x7d: {  	v4 =	vld [tilespmem:s0+$0xFFFFFFF0]  }
0x7e: {  	s23 =	simm.s32 $0x10B0;
	v5 =	vld [tilespmem:s0+$0x0]  }
0x7f: {  	v7 =	vld [tilespmem:s23+$0x10]  }
0x80: {  	v12 =	vld [tilespmem:s23+$0xFFFFFFE0]  }
0x81: {  	s2 =	simm.s32 $0x3030;
	v13 =	vld [tilespmem:s23+$0xFFFFFFF0]  }
0x82: {  	v14 =	vld [tilespmem:s2+$0x10]  }
0x83: {  	v1 =	vld [tilespmem:s2+$0x0]  }
0x84: {  	v2 =	vld [tilespmem:s2+$0xFFFFFFE0]  }
0x85: {  	v15 =	vld [tilespmem:s23+$0x0]  }
0x86: {  	v6 =	vld.idx.msk [tilespmem:v0+s3+$0x0], $0xffff  }
0x87: {  	v8 =	vld.idx.msk [tilespmem:v0+s19+$0x0], $0xffff  }
0x88: {  	v9 =	vld.idx.msk [tilespmem:v3+s3+$0x0], $0xffff  }
0x89: {  	v10 =	vld.idx.msk [tilespmem:v4+s3+$0x0], $0xffff  }
0x8a: {  	v11 =	vld.idx.msk [tilespmem:v5+s3+$0x0], $0xffff  }
0x8b: {  	v0 =	vld [tilespmem:s2+$0xFFFFFFF0]  }
0x8c: {  	v3 =	vld.idx.msk [tilespmem:v3+s19+$0x0], $0xffff  }
0x8d: {  	v16 =	vld.idx.msk [tilespmem:v4+s19+$0x0], $0xffff  }
0x8e: {  	v17 =	vld.idx.msk [tilespmem:v5+s19+$0x0], $0xffff  }
0x8f: {  	v18 =	vld.idx.msk [tilespmem:v14+s3+$0x0], $0xffff;
	s2 =	simm.s32 $0x10F0;
	v4 =	vmul.f32 v6, v7  }
0x90: {  	v5 =	vmul.f32 v9, v12;
	v9 =	vld [tilespmem:s2+$0x10]  }
0x91: {  	v6 =	vld.idx.msk [tilespmem:v14+s19+$0x0], $0xffff;
	v7 =	vadd.f32 v8, v4;
	v8 =	vmul.f32 v10, v13  }
0x92: {  	s0 =	simm.s32 $0x4F30;
	v10 =	vmul.f32 v11, v15;
	v11 =	vadd.f32 v3, v5;
	v4 =	vld.idx.msk [tilespmem:v2+s3+$0x0], $0xffff  }
0x93: {  	v3 =	vld.idx.msk [tilespmem:v1+s3+$0x0], $0xffff;
	[tilespmem:s0+$0x10] =	vst v7;
	v8 =	vadd.f32 v16, v8  }
0x94: {  	v5 =	vld.idx.msk [tilespmem:v0+s3+$0x0], $0xffff;
	[tilespmem:s0+$0xFFFFFFE0] =	vst v11;
	v10 =	vadd.f32 v17, v10  }
0x95: {  	v7 =	vld [tilespmem:s2+$0xFFFFFFE0];
	v9 =	vmul.f32 v18, v9;
	[tilespmem:s0+$0xFFFFFFF0] =	vst v8  }
0x96: {  	s22 =	simm.s32 $0x40;
	s23 =	simm.s32 $0x3070;
	v8 =	vld [tilespmem:s2+$0xFFFFFFF0];
	[tilespmem:s0+$0x0] =	vst v10  }
.LBB2_6:
0x97: {  	v10 =	vld [tilespmem:s23+$0x10];
	s22 =	sadd.s32 $0x40, s22;
	v6 =	vadd.f32 v6, v9  }
0x98: {  	s0 =	sadd.s32 $0x40, s0;
	v9 =	vld [tilespmem:s23+$0xFFFFFFF0];
	p1 =	slt.u32 s22, $0xF40  }
0x99: {  	v11 =	vld [tilespmem:s23+$0x0];
	[tilespmem:s0+$0x10] =	vst v6  }
0x9a: {  	v12 =	vld [tilespmem:s23+$0xFFFFFFE0];
	v7 =	vmul.f32 v4, v7  }
0x9b: {  	v8 =	vmul.f32 v5, v8;
	v4 =	vld [tilespmem:s2+$0x0]  }
0x9c: {  	v5 =	vld.idx.msk [tilespmem:v2+s19+$0x0], $0xffff  }
0x9d: {  	v13 =	vld.idx.msk [tilespmem:v0+s19+$0x0], $0xffff;
	v0 =	vmov v9  }
0x9e: {  	v9 =	vld.idx.msk [tilespmem:v1+s19+$0x0], $0xffff;
	v1 =	vmov v11  }
0x9f: {  	s2 =	sadd.s32 $0x40, s2;
	v11 =	vld.idx.msk [tilespmem:v10+s3+$0x0], $0xffff;
	v2 =	vmov v12  }
0xa0: {  	v14 =	vld [tilespmem:s2+$0x10];
	v15 =	vmul.f32 v3, v4  }
0xa1: {  	v6 =	vld.idx.msk [tilespmem:v10+s19+$0x0], $0xffff  }
.Ltmp4:
0xa2: {  	v7 =	vadd.f32 v5, v7;
	v4 =	vld.idx.msk [tilespmem:v12+s3+$0x0], $0xffff;
	(pc) =	sbr.rel @p1 .LBB2_6-.Ltmp4, $4  }
0xa3: {  	v8 =	vadd.f32 v13, v8;
	v5 =	vld.idx.msk [tilespmem:v0+s3+$0x0], $0xffff  }
0xa4: {  	v10 =	vadd.f32 v9, v15;
	v3 =	vld.idx.msk [tilespmem:v1+s3+$0x0], $0xffff;
	[tilespmem:s0+$0xFFFFFFE0] =	vst v7  }
0xa5: {  	v7 =	vld [tilespmem:s2+$0xFFFFFFE0];
	v9 =	vmul.f32 v11, v14;
	[tilespmem:s0+$0xFFFFFFF0] =	vst v8  }
0xa6: {  	s23 =	sadd.s32 $0x40, s23;
	v8 =	vld [tilespmem:s2+$0xFFFFFFF0];
	[tilespmem:s0+$0x0] =	vst v10  }
0xa7: {  	_ =	sdelay $0x2  }
0xa8: {  	v10 =	vld [tilespmem:s2+$0x0]  }
0xa9: {  	v2 =	vld.idx.msk [tilespmem:v2+s19+$0x0], $0xffff  }
0xaa: {  	v0 =	vld.idx.msk [tilespmem:v0+s19+$0x0], $0xffff  }
0xab: {  	v1 =	vld.idx.msk [tilespmem:v1+s19+$0x0], $0xffff  }
0xac: {  	v4 =	vmul.f32 v4, v7  }
0xad: {  	v6 =	vadd.f32 v6, v9;
	v5 =	vmul.f32 v5, v8  }
0xae: {  	s16 =	sadd.s32 $0x40, s0;
	v3 =	vmul.f32 v3, v10;
	v2 =	vadd.f32 v2, v4  }
0xaf: {  	[tilespmem:s16+$0x10] =	vst v6;
	v0 =	vadd.f32 v0, v5  }
0xb0: {  	[tilespmem:s16+$0xFFFFFFE0] =	vst v2;
	v1 =	vadd.f32 v1, v3  }
0xb1: {  	s0 =	simm.s32 $0x3F50;
	[tilespmem:s16+$0xFFFFFFF0] =	vst v0  }
0xb2: {  	s2 =	simm.s32 $0xF70;
	s22 =	simm.s32 $0x5E90;
	s23 =	simm.s32 $0x2010;
	[tilespmem:s16+$0x0] =	vst v1  }
.LBB2_8:
0xb3: {  	v0 =	vld [tilespmem:s0+$0x0];
	_ =	sdelay $0x6  }
0xb4: {  	v1 =	vld [tilespmem:s23+$0x0]  }
0xb5: {  	v2 =	vld.idx.msk [tilespmem:v0+s3+$0x0], $0xffff;
	_ =	sdelay $0x1  }
0xb6: {  	v0 =	vld.idx.msk [tilespmem:v0+s19+$0x0], $0xffff  }
0xb7: {  	s2 =	sadd.s32 $0x10, s2  }
0xb8: {  	p1 =	slt.u32 s2, $0xF90  }
.Ltmp5:
0xb9: {  	v1 =	vmul.f32 v2, v1;
	(pc) =	sbr.rel @p1 .LBB2_8-.Ltmp5, $3  }
0xba: {  	_ = 	snop  }
0xbb: {  	v0 =	vadd.f32 v0, v1;
	_ =	sdelay $0x1  }
0xbc: {  	s23 =	sadd.s32 $0x10, s23;
	s0 =	sadd.s32 $0x10, s0;
	[tilespmem:s22+$0x0] =	vst v0;
	s22 =	sadd.s32 $0x10, s22  }
0xbd: {  	[hbm4b:s12+s3] =	stream.linear.scatter [tilespmem:s28], [sflag:$0x4], $0xFA0, $0x38;
	[tilespmem:$0x5EB0] =	vst v63  }
0xbe: {  	s0 =	simm.s32 @!p0 $0x0;
	s2 =	simm.s32 @!p0 $0x2FD0  }
0xbf: {  	[tilespmem:s2], [sflag:$0x2] =	stream.linear.gather @!p0 [hbm4b:s13+s0], $0xFA0, $0x38;
	[tilespmem:$0x5EB0] =	vst v63  }
0xc0: {  	s2 =	simm.s32 @!p0 $0x1090  }
0xc1: {  	[tilespmem:s2], [sflag:$0x2] =	stream.linear.gather @!p0 [hbm4b:s14+s0], $0xFA0, $0x38;
	[tilespmem:$0x5EB0] =	vst v63  }
0xc2: {  	_ =	swait.ge [sflag:s24], $0xFA0  }
0xc3: {  	[sflag:s24] =	ssyncset.done $0x0  }
0xc4: {  	[sflag:s24] =	ssyncadd.s32 $0xFFFFF060  }
0xc5: {  	_ =	swait.ge [sflag:s24], $0xFA0  }
0xc6: {  	[sflag:s24] =	ssyncset.done $0x0  }
0xc7: {  	[sflag:s24] =	ssyncadd.s32 $0xFFFFF060  }
0xc8: {  	_ =	swait.ge [sflag:s29], $0xFA0  }
0xc9: {  	[sflag:s29] =	ssyncset.done $0x0  }
0xca: {  	s16 =	simm.s32 $0x2050;
	[sflag:s29] =	ssyncadd.s32 $0xFFFFF060  }
0xcb: {  	v0 =	vld [tilespmem:s16+$0x10]  }
0xcc: {  	v3 =	vld [tilespmem:s16+$0xFFFFFFE0]  }
0xcd: {  	v4 =	vld [tilespmem:s16+$0xFFFFFFF0]  }
0xce: {  	s22 =	simm.s32 $0x110;
	v5 =	vld [tilespmem:s16+$0x0]  }
0xcf: {  	v7 =	vld [tilespmem:s22+$0x10]  }
0xd0: {  	v12 =	vld [tilespmem:s22+$0xFFFFFFE0]  }
0xd1: {  	s23 =	simm.s32 $0x2090;
	v13 =	vld [tilespmem:s22+$0xFFFFFFF0]  }
0xd2: {  	v14 =	vld [tilespmem:s23+$0x10]  }
0xd3: {  	v1 =	vld [tilespmem:s23+$0x0]  }
0xd4: {  	v2 =	vld [tilespmem:s23+$0xFFFFFFE0]  }
0xd5: {  	v15 =	vld [tilespmem:s22+$0x0]  }
0xd6: {  	v6 =	vld.idx.msk [tilespmem:v0+s3+$0x0], $0xffff  }
0xd7: {  	v8 =	vld.idx.msk [tilespmem:v0+s19+$0x0], $0xffff  }
0xd8: {  	v9 =	vld.idx.msk [tilespmem:v3+s3+$0x0], $0xffff  }
0xd9: {  	v10 =	vld.idx.msk [tilespmem:v4+s3+$0x0], $0xffff  }
0xda: {  	v11 =	vld.idx.msk [tilespmem:v5+s3+$0x0], $0xffff  }
0xdb: {  	v0 =	vld [tilespmem:s23+$0xFFFFFFF0]  }
0xdc: {  	v3 =	vld.idx.msk [tilespmem:v3+s19+$0x0], $0xffff  }
0xdd: {  	v16 =	vld.idx.msk [tilespmem:v4+s19+$0x0], $0xffff  }
0xde: {  	v17 =	vld.idx.msk [tilespmem:v5+s19+$0x0], $0xffff  }
0xdf: {  	s2 =	simm.s32 $0x150;
	v18 =	vld.idx.msk [tilespmem:v14+s3+$0x0], $0xffff;
	v4 =	vmul.f32 v6, v7  }
0xe0: {  	v5 =	vmul.f32 v9, v12;
	v9 =	vld [tilespmem:s2+$0x10]  }
0xe1: {  	v6 =	vld.idx.msk [tilespmem:v14+s19+$0x0], $0xffff;
	v7 =	vadd.f32 v8, v4;
	v8 =	vmul.f32 v10, v13  }
0xe2: {  	s0 =	simm.s32 $0x3F90;
	v10 =	vmul.f32 v11, v15;
	v11 =	vadd.f32 v3, v5;
	v4 =	vld.idx.msk [tilespmem:v2+s3+$0x0], $0xffff  }
0xe3: {  	v3 =	vld.idx.msk [tilespmem:v1+s3+$0x0], $0xffff;
	[tilespmem:s0+$0x10] =	vst v7;
	v8 =	vadd.f32 v16, v8  }
0xe4: {  	v5 =	vld.idx.msk [tilespmem:v0+s3+$0x0], $0xffff;
	[tilespmem:s0+$0xFFFFFFE0] =	vst v11;
	v10 =	vadd.f32 v17, v10  }
0xe5: {  	v7 =	vld [tilespmem:s2+$0xFFFFFFE0];
	v9 =	vmul.f32 v18, v9;
	[tilespmem:s0+$0xFFFFFFF0] =	vst v8  }
0xe6: {  	s22 =	simm.s32 $0x40;
	s23 =	simm.s32 $0x20D0;
	v8 =	vld [tilespmem:s2+$0xFFFFFFF0];
	[tilespmem:s0+$0x0] =	vst v10  }
.LBB2_10:
0xe7: {  	v10 =	vld [tilespmem:s23+$0x10];
	s22 =	sadd.s32 $0x40, s22;
	v6 =	vadd.f32 v6, v9  }
0xe8: {  	s0 =	sadd.s32 $0x40, s0;
	v9 =	vld [tilespmem:s23+$0xFFFFFFF0];
	p1 =	slt.u32 s22, $0xF40  }
0xe9: {  	v11 =	vld [tilespmem:s23+$0x0];
	[tilespmem:s0+$0x10] =	vst v6  }
0xea: {  	v12 =	vld [tilespmem:s23+$0xFFFFFFE0];
	v7 =	vmul.f32 v4, v7  }
0xeb: {  	v8 =	vmul.f32 v5, v8;
	v4 =	vld [tilespmem:s2+$0x0]  }
0xec: {  	v5 =	vld.idx.msk [tilespmem:v2+s19+$0x0], $0xffff  }
0xed: {  	v13 =	vld.idx.msk [tilespmem:v0+s19+$0x0], $0xffff;
	v0 =	vmov v9  }
0xee: {  	v9 =	vld.idx.msk [tilespmem:v1+s19+$0x0], $0xffff;
	v1 =	vmov v11  }
0xef: {  	s2 =	sadd.s32 $0x40, s2;
	v11 =	vld.idx.msk [tilespmem:v10+s3+$0x0], $0xffff;
	v2 =	vmov v12  }
0xf0: {  	v14 =	vld [tilespmem:s2+$0x10];
	v15 =	vmul.f32 v3, v4  }
0xf1: {  	v6 =	vld.idx.msk [tilespmem:v10+s19+$0x0], $0xffff  }
.Ltmp6:
0xf2: {  	v7 =	vadd.f32 v5, v7;
	v4 =	vld.idx.msk [tilespmem:v12+s3+$0x0], $0xffff;
	(pc) =	sbr.rel @p1 .LBB2_10-.Ltmp6, $4  }
0xf3: {  	v8 =	vadd.f32 v13, v8;
	v5 =	vld.idx.msk [tilespmem:v0+s3+$0x0], $0xffff  }
0xf4: {  	v10 =	vadd.f32 v9, v15;
	v3 =	vld.idx.msk [tilespmem:v1+s3+$0x0], $0xffff;
	[tilespmem:s0+$0xFFFFFFE0] =	vst v7  }
0xf5: {  	v7 =	vld [tilespmem:s2+$0xFFFFFFE0];
	v9 =	vmul.f32 v11, v14;
	[tilespmem:s0+$0xFFFFFFF0] =	vst v8  }
0xf6: {  	s23 =	sadd.s32 $0x40, s23;
	v8 =	vld [tilespmem:s2+$0xFFFFFFF0];
	[tilespmem:s0+$0x0] =	vst v10  }
0xf7: {  	_ =	sdelay $0x2  }
0xf8: {  	v10 =	vld [tilespmem:s2+$0x0]  }
0xf9: {  	v2 =	vld.idx.msk [tilespmem:v2+s19+$0x0], $0xffff  }
0xfa: {  	v0 =	vld.idx.msk [tilespmem:v0+s19+$0x0], $0xffff  }
0xfb: {  	v1 =	vld.idx.msk [tilespmem:v1+s19+$0x0], $0xffff  }
0xfc: {  	v4 =	vmul.f32 v4, v7  }
0xfd: {  	v6 =	vadd.f32 v6, v9;
	v5 =	vmul.f32 v5, v8  }
0xfe: {  	s16 =	sadd.s32 $0x40, s0;
	v3 =	vmul.f32 v3, v10;
	v2 =	vadd.f32 v2, v4  }
0xff: {  	[tilespmem:s16+$0x10] =	vst v6;
	v0 =	vadd.f32 v0, v5  }
0x100: {  	[tilespmem:s16+$0xFFFFFFE0] =	vst v2;
	v1 =	vadd.f32 v1, v3  }
0x101: {  	s0 =	simm.s32 $0x2FB0;
	[tilespmem:s16+$0xFFFFFFF0] =	vst v0  }
0x102: {  	s2 =	simm.s32 $0xF70;
	s22 =	simm.s32 $0x4EF0;
	s23 =	simm.s32 $0x1070;
	[tilespmem:s16+$0x0] =	vst v1  }
.LBB2_12:
0x103: {  	v0 =	vld [tilespmem:s0+$0x0];
	_ =	sdelay $0x6  }
0x104: {  	v1 =	vld [tilespmem:s23+$0x0]  }
0x105: {  	v2 =	vld.idx.msk [tilespmem:v0+s3+$0x0], $0xffff;
	_ =	sdelay $0x1  }
0x106: {  	v0 =	vld.idx.msk [tilespmem:v0+s19+$0x0], $0xffff  }
0x107: {  	s2 =	sadd.s32 $0x10, s2  }
0x108: {  	p1 =	slt.u32 s2, $0xF90  }
.Ltmp7:
0x109: {  	v1 =	vmul.f32 v2, v1;
	(pc) =	sbr.rel @p1 .LBB2_12-.Ltmp7, $3  }
0x10a: {  	_ = 	snop  }
0x10b: {  	v0 =	vadd.f32 v0, v1;
	_ =	sdelay $0x1  }
0x10c: {  	s23 =	sadd.s32 $0x10, s23;
	s0 =	sadd.s32 $0x10, s0;
	[tilespmem:s22+$0x0] =	vst v0;
	s22 =	sadd.s32 $0x10, s22  }
.Ltmp8:
0x10d: {  	(pc) =	sbr.rel @p0 .LBB2_19-.Ltmp8, $2  }
0x10e: {  	_ =	sdelay $0x2  }
0x10f: {  	[hbm4b:s15+s3] =	stream.linear.scatter [tilespmem:s25], [sflag:$0x3], $0xFA0, $0x38;
	[tilespmem:$0x5EB0] =	vst v63  }
0x110: {  	_ =	swait.ge [sflag:s26], $0xFA0  }
0x111: {  	[sflag:s26] =	ssyncset.done $0x0  }
0x112: {  	[sflag:s26] =	ssyncadd.s32 $0xFFFFF060  }
0x113: {  	_ =	swait.ge [sflag:s26], $0xFA0  }
0x114: {  	[sflag:s26] =	ssyncset.done $0x0  }
0x115: {  	[sflag:s26] =	ssyncadd.s32 $0xFFFFF060  }
0x116: {  	_ =	swait.ge [sflag:s30], $0xFA0  }
0x117: {  	[sflag:s30] =	ssyncset.done $0x0  }
0x118: {  	s0 =	simm.s32 $0x2FF0;
	[sflag:s30] =	ssyncadd.s32 $0xFFFFF060  }
0x119: {  	v0 =	vld [tilespmem:s0+$0x10]  }
0x11a: {  	v3 =	vld [tilespmem:s0+$0xFFFFFFE0]  }
0x11b: {  	v4 =	vld [tilespmem:s0+$0xFFFFFFF0]  }
0x11c: {  	s23 =	simm.s32 $0x10B0;
	v5 =	vld [tilespmem:s0+$0x0]  }
0x11d: {  	v7 =	vld [tilespmem:s23+$0x10]  }
0x11e: {  	v12 =	vld [tilespmem:s23+$0xFFFFFFE0]  }
0x11f: {  	s2 =	simm.s32 $0x3030;
	v13 =	vld [tilespmem:s23+$0xFFFFFFF0]  }
0x120: {  	v14 =	vld [tilespmem:s2+$0x10]  }
0x121: {  	v1 =	vld [tilespmem:s2+$0x0]  }
0x122: {  	v2 =	vld [tilespmem:s2+$0xFFFFFFE0]  }
0x123: {  	v15 =	vld [tilespmem:s23+$0x0]  }
0x124: {  	v6 =	vld.idx.msk [tilespmem:v0+s3+$0x0], $0xffff  }
0x125: {  	v8 =	vld.idx.msk [tilespmem:v0+s19+$0x0], $0xffff  }
0x126: {  	v9 =	vld.idx.msk [tilespmem:v3+s3+$0x0], $0xffff  }
0x127: {  	v10 =	vld.idx.msk [tilespmem:v4+s3+$0x0], $0xffff  }
0x128: {  	v11 =	vld.idx.msk [tilespmem:v5+s3+$0x0], $0xffff  }
0x129: {  	v0 =	vld [tilespmem:s2+$0xFFFFFFF0]  }
0x12a: {  	v3 =	vld.idx.msk [tilespmem:v3+s19+$0x0], $0xffff  }
0x12b: {  	v16 =	vld.idx.msk [tilespmem:v4+s19+$0x0], $0xffff  }
0x12c: {  	v17 =	vld.idx.msk [tilespmem:v5+s19+$0x0], $0xffff  }
0x12d: {  	v18 =	vld.idx.msk [tilespmem:v14+s3+$0x0], $0xffff;
	s2 =	simm.s32 $0x10F0;
	v4 =	vmul.f32 v6, v7  }
0x12e: {  	v5 =	vmul.f32 v9, v12;
	v9 =	vld [tilespmem:s2+$0x10]  }
0x12f: {  	v6 =	vld.idx.msk [tilespmem:v14+s19+$0x0], $0xffff;
	v7 =	vadd.f32 v8, v4;
	v8 =	vmul.f32 v10, v13  }
0x130: {  	s0 =	simm.s32 $0x4F30;
	v10 =	vmul.f32 v11, v15;
	v11 =	vadd.f32 v3, v5;
	v4 =	vld.idx.msk [tilespmem:v2+s3+$0x0], $0xffff  }
0x131: {  	v3 =	vld.idx.msk [tilespmem:v1+s3+$0x0], $0xffff;
	[tilespmem:s0+$0x10] =	vst v7;
	v8 =	vadd.f32 v16, v8  }
0x132: {  	v5 =	vld.idx.msk [tilespmem:v0+s3+$0x0], $0xffff;
	[tilespmem:s0+$0xFFFFFFE0] =	vst v11;
	v10 =	vadd.f32 v17, v10  }
0x133: {  	v7 =	vld [tilespmem:s2+$0xFFFFFFE0];
	v9 =	vmul.f32 v18, v9;
	[tilespmem:s0+$0xFFFFFFF0] =	vst v8  }
0x134: {  	s22 =	simm.s32 $0x40;
	s23 =	simm.s32 $0x3070;
	v8 =	vld [tilespmem:s2+$0xFFFFFFF0];
	[tilespmem:s0+$0x0] =	vst v10  }
.LBB2_15:
0x135: {  	v10 =	vld [tilespmem:s23+$0x10];
	s22 =	sadd.s32 $0x40, s22;
	v6 =	vadd.f32 v6, v9  }
0x136: {  	s0 =	sadd.s32 $0x40, s0;
	v9 =	vld [tilespmem:s23+$0xFFFFFFF0];
	p1 =	slt.u32 s22, $0xF40  }
0x137: {  	v11 =	vld [tilespmem:s23+$0x0];
	[tilespmem:s0+$0x10] =	vst v6  }
0x138: {  	v12 =	vld [tilespmem:s23+$0xFFFFFFE0];
	v7 =	vmul.f32 v4, v7  }
0x139: {  	v8 =	vmul.f32 v5, v8;
	v4 =	vld [tilespmem:s2+$0x0]  }
0x13a: {  	v5 =	vld.idx.msk [tilespmem:v2+s19+$0x0], $0xffff  }
0x13b: {  	v13 =	vld.idx.msk [tilespmem:v0+s19+$0x0], $0xffff;
	v0 =	vmov v9  }
0x13c: {  	v9 =	vld.idx.msk [tilespmem:v1+s19+$0x0], $0xffff;
	v1 =	vmov v11  }
0x13d: {  	s2 =	sadd.s32 $0x40, s2;
	v11 =	vld.idx.msk [tilespmem:v10+s3+$0x0], $0xffff;
	v2 =	vmov v12  }
0x13e: {  	v14 =	vld [tilespmem:s2+$0x10];
	v15 =	vmul.f32 v3, v4  }
0x13f: {  	v6 =	vld.idx.msk [tilespmem:v10+s19+$0x0], $0xffff  }
.Ltmp9:
0x140: {  	v7 =	vadd.f32 v5, v7;
	v4 =	vld.idx.msk [tilespmem:v12+s3+$0x0], $0xffff;
	(pc) =	sbr.rel @p1 .LBB2_15-.Ltmp9, $4  }
0x141: {  	v8 =	vadd.f32 v13, v8;
	v5 =	vld.idx.msk [tilespmem:v0+s3+$0x0], $0xffff  }
0x142: {  	v10 =	vadd.f32 v9, v15;
	v3 =	vld.idx.msk [tilespmem:v1+s3+$0x0], $0xffff;
	[tilespmem:s0+$0xFFFFFFE0] =	vst v7  }
0x143: {  	v7 =	vld [tilespmem:s2+$0xFFFFFFE0];
	v9 =	vmul.f32 v11, v14;
	[tilespmem:s0+$0xFFFFFFF0] =	vst v8  }
0x144: {  	s23 =	sadd.s32 $0x40, s23;
	v8 =	vld [tilespmem:s2+$0xFFFFFFF0];
	[tilespmem:s0+$0x0] =	vst v10  }
0x145: {  	_ =	sdelay $0x2  }
0x146: {  	v10 =	vld [tilespmem:s2+$0x0]  }
0x147: {  	v2 =	vld.idx.msk [tilespmem:v2+s19+$0x0], $0xffff  }
0x148: {  	v0 =	vld.idx.msk [tilespmem:v0+s19+$0x0], $0xffff  }
0x149: {  	v1 =	vld.idx.msk [tilespmem:v1+s19+$0x0], $0xffff  }
0x14a: {  	v4 =	vmul.f32 v4, v7  }
0x14b: {  	v6 =	vadd.f32 v6, v9;
	v5 =	vmul.f32 v5, v8  }
0x14c: {  	s16 =	sadd.s32 $0x40, s0;
	v3 =	vmul.f32 v3, v10;
	v2 =	vadd.f32 v2, v4  }
0x14d: {  	[tilespmem:s16+$0x10] =	vst v6;
	v0 =	vadd.f32 v0, v5  }
0x14e: {  	[tilespmem:s16+$0xFFFFFFE0] =	vst v2;
	v1 =	vadd.f32 v1, v3  }
0x14f: {  	s0 =	simm.s32 $0x3F50;
	[tilespmem:s16+$0xFFFFFFF0] =	vst v0  }
0x150: {  	s2 =	simm.s32 $0xF70;
	s22 =	simm.s32 $0x5E90;
	s23 =	simm.s32 $0x2010;
	[tilespmem:s16+$0x0] =	vst v1  }
.LBB2_17:
0x151: {  	v0 =	vld [tilespmem:s0+$0x0];
	_ =	sdelay $0x6  }
0x152: {  	v1 =	vld [tilespmem:s23+$0x0]  }
0x153: {  	v2 =	vld.idx.msk [tilespmem:v0+s3+$0x0], $0xffff;
	_ =	sdelay $0x1  }
0x154: {  	v0 =	vld.idx.msk [tilespmem:v0+s19+$0x0], $0xffff  }
0x155: {  	s2 =	sadd.s32 $0x10, s2  }
0x156: {  	p1 =	slt.u32 s2, $0xF90  }
.Ltmp10:
0x157: {  	v1 =	vmul.f32 v2, v1;
	(pc) =	sbr.rel @p1 .LBB2_17-.Ltmp10, $3  }
0x158: {  	_ = 	snop  }
0x159: {  	v0 =	vadd.f32 v0, v1;
	_ =	sdelay $0x1  }
0x15a: {  	s23 =	sadd.s32 $0x10, s23;
	s0 =	sadd.s32 $0x10, s0;
	[tilespmem:s22+$0x0] =	vst v0;
	s22 =	sadd.s32 $0x10, s22  }
.Ltmp11:
0x15b: {  	(pc) =	sbr.rel .LBB2_19-.Ltmp11, $3  }
0x15c: {  	_ =	sdelay $0x1  }
0x15d: {  	s0 =	rddreg [dreg:$0x3]  }
0x15e: {  	[hbm4b:s0+s3] =	stream.linear.scatter [tilespmem:s28], [sflag:$0x4], $0xFA0, $0x38;
	[tilespmem:$0x5EB0] =	vst v63  }
.LBB2_20:
0x15f: {  	_ =	sfence.sel $0x180000  }
0x160: {  	[bflag:$0x0] =	sbarrier.arrive $0xFFFF  }
0x161: {  	_ =	strace $0x90000050  }
0x162: {  	s0 =	stileid.u32;
	[bflag:$0x2] =	sbarrier.arrive $0xFFFF  }
0x163: {  	p0 =	sne.s32 s0, $0x0;
	s0 =	rddreg [dreg:$0x2]  }
0x164: {  	s0 =	sadd.s32 @!p0 $0x100000, s0  }
0x165: {  	[sflag:s0] =	ssyncadd.tile.s32 @!p0 $0x1;
	_ =	shalt  }
.Lfunc_end2:
_tile_overlayer_lowered:
.L_overlay_start_2:
0x166: {  	(tag) =	ssettag $0x2  }
0x167: {  	s0 =	rddreg [dreg:$0x0];
	s2 =	stileid.u32  }
0x168: {  	s1 =	rddreg [dreg:$0x1];
	p0 =	sne.s32 s2, $0x0  }
0x169: {  	s3 =	rddreg [dreg:$0x2];
	[bflag:$0x3] =	sbarrier.arrive $0xFFFF;
	s2 =	simm.s32 @!p0 $0x1C05  }
0x16a: {  	[timem:s3], [sflag:s2] =	dma.local @!p0 [hbm:s0], s1  }
0x16b: {  	s0 =	simm.s32 @!p0 $0x5  }
0x16c: {  	_ =	swait.ge @!p0 [sflag:s0], s1  }
0x16d: {  	s1 =	ssub.s32 @!p0 $0x0, s1;
	[sflag:s0] =	ssyncset.done @!p0 $0x0  }
0x16e: {  	[sflag:s0] =	ssyncadd.s32 @!p0 s1  }
0x16f: {  	[bflag:$0x3] =	sbarrier.arrive $0xFFFF  }
0x170: {  	_ =	shalt  }

// kernel: kernel.9.cloned.1.call-start
scs
__scs_entry_jumppad:
0x0: {  	(pc) =	sbr.rel $0x88, $3  }
0x1: {  	(tag) =	ssettag $0x0;
	lr =	simm.s32 $0x1  }
0x2: {  	[smem:$0x3F9D] =	sst lr;
	_ =	strace $0xD0000000  }
0x3: {  	_ = 	snop  }
0x4: {  	_ = 	snop  }
0x5: {  	_ = 	snop  }
0x6: {  	_ = 	snop  }
0x7: {  	_ = 	snop  }
__scs_overlays_trampoline_lowered:
0x8: {  	[smem:$0x3FAC] =	sst s0  }
0x9: {  	[smem:$0x3FAD] =	sst s1  }
0xa: {  	[smem:$0x3FAE] =	sst s2  }
0xb: {  	[smem:$0x3FAF] =	sst s3  }
0xc: {  	[smem:$0x3FB0] =	sst s4  }
0xd: {  	[smem:$0x3FB1] =	sst s5  }
0xe: {  	[smem:$0x3FB2] =	sst s6  }
0xf: {  	[smem:$0x3FB3] =	sst s7  }
0x10: {  	[smem:$0x3FB4] =	sst s8  }
0x11: {  	[smem:$0x3FB5] =	sst s9;
	s0 =	simm.s32 @!p0 $0x0  }
0x12: {  	s1 =	sld [smem:$0x3F9B];
	s0 =	simm.s32 @p0 $0x1  }
0x13: {  	[smem:$0x3FB6] =	sst s0;
	s0 =	simm.s32 @!p1 $0x0  }
0x14: {  	s2 =	sld [smem:$0x3F9A];
	s0 =	simm.s32 @p1 $0x1  }
0x15: {  	[smem:$0x3FB7] =	sst s0;
	s0 =	simm.s32 @!p2 $0x0  }
0x16: {  	s3 =	sld [smem:$0x3FDB];
	s0 =	simm.s32 @p2 $0x1  }
0x17: {  	s4 =	simm.s32 $0x1BF5;
	[smem:$0x3FB9] =	sst s0  }
0x18: {  	s0 =	sld [smem:$0x3F9C];
	_ =	swait.ge [sflag:s4], $0x0  }
0x19: {  	s7 =	sld [smem:$0x3F9D]  }
0x1a: {  	s8 =	sadd.s32 $0xFFFFE003, lr  }
0x1b: {  	s9 =	sadd.s32 $0xFFFFFEF7, lr;
	s5 =	simm.s32 $0xFFFFFFFF;
	p2 =	slt.u32 s8, $0xFFFFF086  }
0x1c: {  	p1 =	slt.u32 s9, $0xF7A;
	s5 =	simm.s32 @!p2 $0x0  }
0x1d: {  	s5 =	simm.s32 @p1 $0x1;
	p0 =	seq.s32 s7, s2  }
0x1e: {  	s7 =	smul.u32 @!p0 $0xF7A, s2;
	p2 =	seq.s32 @!p0 s5, $0x0  }
0x1f: {  	s9 =	smul.u32 $0xF7A, s1;
	s8 =	simm.s32 @!p0 $0x1BF5;
	p2 =	por !p2, p0  }
0x20: {  	[sflag:s8] =	ssyncset.s32 @!p0 $0xFFFFF086;
	s6 =	sadd.s32 @!p0 s3, s7;
	s7 =	simm.s32 @!p0 $0x108  }
0x21: {  	s3 =	sadd.s32 s3, s9;
	s6 =	sadd.s32 @!p0 $0x88, s6;
	s7 =	simm.s32 @p2 $0x1082  }
0x22: {  	[simem:s7], [sflag:s8] =	dma.local @!p0 [hbm:s6], $0xF7A  }
0x23: {  	s9 =	sor.u32 $0xD0000000, s2;
	s6 =	simm.s32 $0x108;
	_ =	swait.ge @!p0 [sflag:s8], $0x0  }
0x24: {  	s3 =	sadd.s32 $0x88, s3;
	s6 =	simm.s32 @!p1 $0x1082;
	[sflag:s4] =	ssyncset.s32 $0xFFFFF086  }
0x25: {  	[simem:s6], [sflag:s4] =	dma.local [hbm:s3], $0xF7A  }
0x26: {  	[smem:$0x3F9D] =	sst s1;
	(tag) =	ssettag s2;
	_ =	strace s9  }
0x27: {  	s1 =	sld [smem:$0x3FAD]  }
0x28: {  	s2 =	sld [smem:$0x3FAE]  }
0x29: {  	s4 =	sld [smem:$0x3FB0]  }
0x2a: {  	p0 =	seq.s32 s5, $0x0;
	s5 =	sld [smem:$0x3FB1]  }
0x2b: {  	s6 =	sld [smem:$0x3FB2]  }
0x2c: {  	s7 =	sld [smem:$0x3FB3]  }
0x2d: {  	s3 =	simm.s32 $0x108;
	s8 =	sld [smem:$0x3FB4]  }
0x2e: {  	s3 =	simm.s32 @!p0 $0x1082;
	s9 =	sld [smem:$0x3FB5]  }
0x2f: {  	lr =	sadd.s32 s0, s3;
	s0 =	sld [smem:$0x3FAC]  }
0x30: {  	s3 =	sld [smem:$0x3FAF]  }
0x31: {  	[smem:$0x3FB8] =	sst s10  }
0x32: {  	s10 =	sld [smem:$0x3FB6];
	_ =	sdelay $0x3  }
0x33: {  	p0 =	seq.s32 s10, $0x1;
	s10 =	sld [smem:$0x3FB8];
	_ =	sdelay $0x3  }
0x34: {  	[smem:$0x3FB8] =	sst s10  }
0x35: {  	s10 =	sld [smem:$0x3FB7];
	_ =	sdelay $0x3  }
0x36: {  	p1 =	seq.s32 s10, $0x1;
	s10 =	sld [smem:$0x3FB8];
	_ =	sdelay $0x3  }
0x37: {  	[smem:$0x3FB8] =	sst s10  }
0x38: {  	s10 =	sld [smem:$0x3FB9]  }
0x39: {  	_ = 	snop;
	(pc) =	sbr.ind lr, $3  }
0x3a: {  	_ = 	snop  }
0x3b: {  	_ = 	snop  }
0x3c: {  	p2 =	seq.s32 s10, $0x1;
	s10 =	sld [smem:$0x3FB8]  }
0x3d: {  	_ =	shalt  }
0x3e: {  	_ =	shalt  }
0x3f: {  	_ =	shalt  }
0x40: {  	_ =	shalt  }
0x41: {  	_ =	shalt  }
0x42: {  	_ =	shalt  }
0x43: {  	_ =	shalt  }
0x44: {  	_ =	shalt  }
0x45: {  	_ =	shalt  }
0x46: {  	_ =	shalt  }
0x47: {  	_ =	shalt  }
0x48: {  	_ =	shalt  }
0x49: {  	_ =	shalt  }
0x4a: {  	_ =	shalt  }
0x4b: {  	_ =	shalt  }
0x4c: {  	_ =	shalt  }
0x4d: {  	_ =	shalt  }
0x4e: {  	_ =	shalt  }
0x4f: {  	_ =	shalt  }
0x50: {  	_ =	shalt  }
0x51: {  	_ =	shalt  }
0x52: {  	_ =	shalt  }
0x53: {  	_ =	shalt  }
0x54: {  	_ =	shalt  }
0x55: {  	_ =	shalt  }
0x56: {  	_ =	shalt  }
0x57: {  	_ =	shalt  }
0x58: {  	_ =	shalt  }
0x59: {  	_ =	shalt  }
0x5a: {  	_ =	shalt  }
0x5b: {  	_ =	shalt  }
0x5c: {  	_ =	shalt  }
0x5d: {  	_ =	shalt  }
0x5e: {  	_ =	shalt  }
0x5f: {  	_ =	shalt  }
0x60: {  	_ =	shalt  }
0x61: {  	_ =	shalt  }
0x62: {  	_ =	shalt  }
0x63: {  	_ =	shalt  }
0x64: {  	_ =	shalt  }
0x65: {  	_ =	shalt  }
0x66: {  	_ =	shalt  }
0x67: {  	_ =	shalt  }
0x68: {  	_ =	shalt  }
0x69: {  	_ =	shalt  }
0x6a: {  	_ =	shalt  }
0x6b: {  	_ =	shalt  }
0x6c: {  	_ =	shalt  }
0x6d: {  	_ =	shalt  }
0x6e: {  	_ =	shalt  }
0x6f: {  	_ =	shalt  }
0x70: {  	_ =	shalt  }
0x71: {  	_ =	shalt  }
0x72: {  	_ =	shalt  }
0x73: {  	_ =	shalt  }
0x74: {  	_ =	shalt  }
0x75: {  	_ =	shalt  }
0x76: {  	_ =	shalt  }
0x77: {  	_ =	shalt  }
0x78: {  	_ =	shalt  }
0x79: {  	_ =	shalt  }
0x7a: {  	_ =	shalt  }
0x7b: {  	_ =	shalt  }
0x7c: {  	_ =	shalt  }
0x7d: {  	_ =	shalt  }
0x7e: {  	_ =	shalt  }
0x7f: {  	_ =	shalt  }
0x80: {  	_ =	shalt  }
0x81: {  	_ =	shalt  }
0x82: {  	_ =	shalt  }
0x83: {  	_ =	shalt  }
0x84: {  	_ =	shalt  }
0x85: {  	_ =	shalt  }
0x86: {  	_ =	shalt  }
0x87: {  	_ =	shalt  }
.Lfunc_end0:
.L_simem_size_0:
called_computation.1_lowered:
.L_overlay_start_0:
0x88: {  	s2 =	sld [smem:$0x3FD9]  }
0x89: {  	s3 =	sld [smem:$0x3FFE];
	_ =	sdelay $0x1  }
0x8a: {  	s1 =	srdreg.scid  }
0x8b: {  	s0 =	sand.u32 $0x1, s1  }
0x8c: {  	s17 =	sshll.u32 s0, $0xA;
	s2 =	sadd.s32 s3, s2  }
0x8d: {  	s2 =	sadd.s32 s2, s17  }
0x8e: {  	[smem:$0x3FC4] =	sst s2  }
0x8f: {  	_ = 	snop  }
0x90: {  	s18 =	sld [smem:$0x3FC8];
	(tm) =	ssettm $0x1  }
0x91: {  	s19 =	sld [smem:$0x3FFB];
	_ =	sdelay $0x3  }
0x92: {  	_ =	strace s19  }
0x93: {  	s2 =	sld [smem:$0x3FFC];
	_ =	sdelay $0x3  }
0x94: {  	_ =	strace s2  }
0x95: {  	s2 =	sld [smem:$0x3FFD];
	_ =	sdelay $0x3  }
0x96: {  	_ =	strace s2  }
0x97: {  	_ =	strace $0x8FFFFFFF  }
0x98: {  	s20 =	sld [smem:$0x3FDB];
	_ =	sdelay $0x1  }
0x99: {  	s4 =	simm.s32 $_scs_section_size  }
0x9a: {  	s5 =	simm.s32 $_size__tile_overlayer_lowered;
	s6 =	simm.s32 $_tile_overlayer_lowered  }
0x9b: {  	s7 =	simm.s32 $0x1BFF;
	s21 =	sshll.u32 s6, $0x1;
	s4 =	sadd.s32 s4, s20  }
0x9c: {  	s22 =	simm.s32 $0x0;
	s5 =	sshll.u32 s5, $0x1;
	s6 =	sadd.s32 s21, s4  }
0x9d: {  	[timem:s22], [sflag:s7] =	dma.local [hbm:s6], s5  }
0x9e: {  	_ =	swait.ge [sflag:s7], s5  }
0x9f: {  	s5 =	ssub.s32 $0x0, s5;
	[sflag:s7] =	ssyncset.done $0x0  }
0xa0: {  	[sflag:s7] =	ssyncadd.s32 s5;
	_ =	sdelay $0x1  }
0xa1: {  	s23 =	simm.s32 $0x1B8B  }
0xa2: {  	_ =	swait.ge [sflag:s23], $0x1  }
0xa3: {  	[sflag:s23] =	ssyncset.done $0x0  }
0xa4: {  	[sflag:s23] =	ssyncadd.s32 $0xFFFFFFFF  }
0xa5: {  	s5 =	sld [smem:$0x0]  }
0xa6: {  	s6 =	sand.u32 $0xFFFFFFFE, s1  }
0xa7: {  	p0 =	sne.s32 s1, s6  }
0xa8: {  	s6 =	sshll.u32 @p0 s6, $0xE  }
0xa9: {  	s6 =	sadd.s32 @p0 $0x11B8D, s6;
	s7 =	sshll.u32 @p0 s5, $0x11  }
0xaa: {  	s6 =	sor.u32 @p0 s7, s6  }
0xab: {  	[sflag:s6] =	ssyncadd.remote.s32 @p0 $0x1;
	_ =	sdelay $0x1  }
0xac: {  	s6 =	simm.s32 @p0 $0x1B8D  }
0xad: {  	_ =	swait.eq @p0 [sflag:s6], $0x1  }
0xae: {  	[sflag:s6] =	ssyncadd.s32 @p0 $0xFFFFFFFF  }
0xaf: {  	s7 =	sshll.u32 @!p0 s1, $0xE  }
0xb0: {  	s7 =	sor.u32 @!p0 $0x4000, s7;
	s6 =	simm.s32 @!p0 $0x1B8D  }
0xb1: {  	s5 =	sshll.u32 @!p0 s5, $0x11;
	s7 =	sadd.s32 @!p0 $0x11B8D, s7;
	_ =	swait.eq @!p0 [sflag:s6], $0x1  }
0xb2: {  	s5 =	sor.u32 @!p0 s5, s7;
	[sflag:s6] =	ssyncadd.s32 @!p0 $0xFFFFFFFF  }
0xb3: {  	s25 =	simm.s32 $0x1B8E;
	s24 =	sld [smem:$0x3FFE];
	[sflag:s5] =	ssyncadd.remote.s32 @!p0 $0x1  }
0xb4: {  	s26 =	simm.s32 $execute0_lowered;
	[smem:$0x3FD2] =	sst s25  }
0xb5: {  	s6 =	sshll.u32 s26, $0x1;
	_ =	strace $0x8000004C;
	[dreg:$0x1] =	wrdreg $0xFFFFFFFF  }
0xb6: {  	s28 =	simm.s32 $_size_execute0_lowered;
	s4 =	sadd.s32 s4, s6;
	[dreg:$0x0] =	wrdreg $0x0  }
0xb7: {  	s6 =	sshll.u32 s28, $0x1;
	[dreg:$0x2] =	wrdreg s4  }
0xb8: {  	[dreg:$0x3] =	wrdreg s6  }
0xb9: {  	[dreg:$0x4] =	wrdreg $0xC0  }
0xba: {  	_ =	task [dreg:s22], $0x5FFFF  }
0xbb: {  	[dreg:$0x1] =	wrdreg $0xFFFFFFFF  }
0xbc: {  	[dreg:$0x0] =	wrdreg $0x60  }
0xbd: {  	[dreg:$0x2] =	wrdreg s24  }
0xbe: {  	[dreg:$0x3] =	wrdreg s18  }
0xbf: {  	[dreg:$0x4] =	wrdreg $0xA  }
0xc0: {  	_ =	task.clear_ibuf [dreg:s22], $0x5FFFF;
	_ =	strace $0x9000004C  }
0xc1: {  	s29 =	simm.s32 $0xA;
	_ =	strace $0x8000004E  }
0xc2: {  	_ =	swait.ge [sflag:s29], $0x1  }
0xc3: {  	[sflag:s29] =	ssyncadd.s32 $0xFFFFFFFF  }
0xc4: {  	_ =	strace $0x9000004E  }
0xc5: {  	_ =	sfence  }
0xc6: {  	s30 =	sld [smem:$0x0];
	_ =	sdelay $0x2  }
0xc7: {  	s31 =	sshll.u32 s1, $0xD;
	s1 =	sshrl.u32 s1, $0x2  }
0xc8: {  	s4 =	sand.u32 $0x4000, s31;
	s1 =	sadd.s32 s1, s30  }
0xc9: {  	s0 =	sor.u32 s4, s0;
	s1 =	sshll.u32 s1, $0x11  }
0xca: {  	s0 =	sor.u32 s1, s0  }
0xcb: {  	s0 =	sadd.s32 $0x8F2B, s0  }
0xcc: {  	[sflag:s0] =	ssyncadd.remote.s32 $0x1  }
0xcd: {  	_ =	sfence.sel $0xFFFF  }
0xce: {  	[dreg:$0x0] =	wrdreg $0xFFFFFFFF;
	(pc) =	sbr.abs _section_cstart, $3  }
0xcf: {  	[dreg:$0x1] =	wrdreg $0xFFFFFFFF  }
0xd0: {  	_ =	task.clear_ibuf [dreg:s22], $0x2FFFF;
	_ =	strace $0x9FFFFFFF  }
0xd1: {  	(tm) =	ssettm $0x7FFFFFFF  }
tec
execute0_lowered:
.L_overlay_start_1:
0x0: {  	(tag) =	ssettag $0x1  }
0x1: {  	s2 =	rddreg [dreg:$0x0];
	s0 =	srdreg.scid  }
0x2: {  	s3 =	stileid.u32;
	s1 =	rddreg [dreg:$0x1]  }
0x3: {  	s18 =	simm.s32 $0x5;
	s19 =	simm.s32 $0x78;
	s20 =	simm.s32 $0x2030  }
0x4: {  	s21 =	simm.s32 $0xF0;
	s24 =	simm.s32 $0x1;
	s25 =	simm.s32 $0x3F70  }
0x5: {  	s28 =	simm.s32 $0x4F10;
	s29 =	simm.s32 $0x3;
	s30 =	simm.s32 $0x4  }
0x6: {  	s31 =	simm.s32 $0x0;
	s0 =	sand.u32 $0x1, s0;
	s4 =	sshll.u32 s3, $0x1  }
0x7: {  	s3 =	simm.s32 $0x0;
	s14 =	sadd.s32 $0xFA00, s2;
	s22 =	sor.u32 s0, s4  }
0x8: {  	s16 =	sadd.s32 $0x4D200, s2;
	[smem:$0x7FF] =	sst s3;
	s5 =	smul.u32 $0xFA0, s22  }
0x9: {  	s0 =	ssub.s32 $0x2, s0;
	s4 =	sadd.s32 $0x200, s2;
	_ =	strace $0x8000004D  }
0xa: {  	s6 =	sshrl.u32 s0, $0x1;
	p0 =	sgt.u32 s22, $0x1C;
	s15 =	sshrl.u32 s5, $0x3  }
0xb: {  	s0 =	ssub.s32 s0, s6;
	s1 =	sadd.s32 s1, s15;
	s6 =	sadd.s32 s14, s15  }
0xc: {  	s12 =	sadd.s32 $0x3E80, s15;
	s17 =	sadd.s32 $0x7D00, s15;
	s9 =	sadd.s32 s16, s15  }
.Ltmp0:
0xd: {  	s26 =	sadd.s32 $0xBB80, s15;
	s5 =	sadd.s32 $0xF424, s1;
	(pc) =	sbr.rel .LBB2_1-.Ltmp0, $4  }
0xe: {  	s7 =	sadd.s32 $0x132A4, s1;
	s8 =	sadd.s32 s14, s12;
	s10 =	sadd.s32 $0x17124, s1  }
0xf: {  	s11 =	sadd.s32 s14, s17;
	s12 =	sadd.s32 s16, s12;
	s13 =	sadd.s32 $0x1AFA4, s1  }
0x10: {  	s14 =	sadd.s32 s14, s26;
	s15 =	sadd.s32 s16, s17;
	s1 =	sadd.s32 s16, s26  }
0x11: {  	s17 =	smax.u32 s0, $0x1;
	s26 =	simm.s32 $0x2;
	[dreg:$0x3] =	wrdreg s1  }
.LBB2_19:
0x12: {  	s31 =	sadd.s32 $0x1, s31  }
0x13: {  	_ =	swait.ge [sflag:s29], $0xFA0;
	p1 =	sne.s32 s31, s17  }
.Ltmp1:
0x14: {  	[sflag:s29] =	ssyncset.done $0x0;
	(pc) =	sbr.rel @!p1 .LBB2_20-.Ltmp1, $4  }
0x15: {  	[sflag:s29] =	ssyncadd.s32 $0xFFFFF060  }
0x16: {  	_ =	swait.ge [sflag:s30], $0xFA0  }
0x17: {  	[sflag:s30] =	ssyncset.done $0x0  }
0x18: {  	[sflag:s30] =	ssyncadd.s32 $0xFFFFF060  }
.LBB2_1:
0x19: {  	[tilespmem:s3], [sflag:$0x5] =	stream.linear.gather [hbm4b:s2+s3], $0x78, $0x38;
	[tilespmem:$0x5EB0] =	vst v63  }
0x1a: {  	_ =	swait.ge [sflag:s18], $0x78  }
0x1b: {  	[sflag:s18] =	ssyncset.done $0x0  }
0x1c: {  	[sflag:s18] =	ssyncadd.s32 $0xFFFFFF88  }
0x1d: {  	[tilespmem:s19], [sflag:$0x5] =	stream.linear.gather [hbm4b:s4+s3], $0x78, $0x38;
	[tilespmem:$0x5EB0] =	vst v63  }
0x1e: {  	_ =	swait.ge [sflag:s18], $0x78  }
0x1f: {  	[sflag:s18] =	ssyncset.done $0x0  }
0x20: {  	[sflag:s18] =	ssyncadd.s32 $0xFFFFFF88  }
0x21: {  	[tilespmem:s20], [sflag:$0x1] =	stream.linear.gather [hbm4b:s5+s3], $0xFA0, $0x38;
	[tilespmem:$0x5EB0] =	vst v63  }
0x22: {  	_ = 	snop  }
0x23: {  	[tilespmem:s21], [sflag:$0x1] =	stream.linear.gather [hbm4b:s6+s3], $0xFA0, $0x38;
	[tilespmem:$0x5EB0] =	vst v63  }
0x24: {  	s0 =	simm.s32 $0x2FD0  }
0x25: {  	[tilespmem:s0], [sflag:$0x2] =	stream.linear.gather [hbm4b:s7+s3], $0xFA0, $0x38;
	[tilespmem:$0x5EB0] =	vst v63  }
0x26: {  	s16 =	simm.s32 $0x1090  }
0x27: {  	[tilespmem:s16], [sflag:$0x2] =	stream.linear.gather [hbm4b:s8+s3], $0xFA0, $0x38;
	[tilespmem:$0x5EB0] =	vst v63  }
0x28: {  	_ =	swait.ge [sflag:s24], $0xFA0  }
0x29: {  	[sflag:s24] =	ssyncset.done $0x0  }
0x2a: {  	[sflag:s24] =	ssyncadd.s32 $0xFFFFF060  }
0x2b: {  	_ =	swait.ge [sflag:s24], $0xFA0  }
0x2c: {  	[sflag:s24] =	ssyncset.done $0x0  }
0x2d: {  	s22 =	simm.s32 $0x2050;
	[sflag:s24] =	ssyncadd.s32 $0xFFFFF060  }
0x2e: {  	v0 =	vld [tilespmem:s22+$0x10]  }
0x2f: {  	v3 =	vld [tilespmem:s22+$0xFFFFFFE0]  }
0x30: {  	v4 =	vld [tilespmem:s22+$0xFFFFFFF0]  }
0x31: {  	s23 =	simm.s32 $0x110;
	v5 =	vld [tilespmem:s22+$0x0]  }
0x32: {  	v7 =	vld [tilespmem:s23+$0x10]  }
0x33: {  	v12 =	vld [tilespmem:s23+$0xFFFFFFE0]  }
0x34: {  	s1 =	simm.s32 $0x2090;
	v13 =	vld [tilespmem:s23+$0xFFFFFFF0]  }
0x35: {  	v14 =	vld [tilespmem:s1+$0x10]  }
0x36: {  	v1 =	vld [tilespmem:s1+$0x0]  }
0x37: {  	v2 =	vld [tilespmem:s1+$0xFFFFFFE0]  }
0x38: {  	v15 =	vld [tilespmem:s23+$0x0]  }
0x39: {  	v6 =	vld.idx.msk [tilespmem:v0+s3+$0x0], $0xffff  }
0x3a: {  	v8 =	vld.idx.msk [tilespmem:v0+s19+$0x0], $0xffff  }
0x3b: {  	v9 =	vld.idx.msk [tilespmem:v3+s3+$0x0], $0xffff  }
0x3c: {  	v10 =	vld.idx.msk [tilespmem:v4+s3+$0x0], $0xffff  }
0x3d: {  	v11 =	vld.idx.msk [tilespmem:v5+s3+$0x0], $0xffff  }
0x3e: {  	v0 =	vld [tilespmem:s1+$0xFFFFFFF0]  }
0x3f: {  	v3 =	vld.idx.msk [tilespmem:v3+s19+$0x0], $0xffff  }
0x40: {  	v16 =	vld.idx.msk [tilespmem:v4+s19+$0x0], $0xffff  }
0x41: {  	v17 =	vld.idx.msk [tilespmem:v5+s19+$0x0], $0xffff  }
0x42: {  	s0 =	simm.s32 $0x150;
	v18 =	vld.idx.msk [tilespmem:v14+s3+$0x0], $0xffff;
	v4 =	vmul.f32 v6, v7  }
0x43: {  	v5 =	vmul.f32 v9, v12;
	v9 =	vld [tilespmem:s0+$0x10]  }
0x44: {  	v6 =	vld.idx.msk [tilespmem:v14+s19+$0x0], $0xffff;
	v7 =	vadd.f32 v8, v4;
	v8 =	vmul.f32 v10, v13  }
0x45: {  	s1 =	simm.s32 $0x3F90;
	v10 =	vmul.f32 v11, v15;
	v11 =	vadd.f32 v3, v5;
	v4 =	vld.idx.msk [tilespmem:v2+s3+$0x0], $0xffff  }
0x46: {  	v3 =	vld.idx.msk [tilespmem:v1+s3+$0x0], $0xffff;
	[tilespmem:s1+$0x10] =	vst v7;
	v8 =	vadd.f32 v16, v8  }
0x47: {  	v5 =	vld.idx.msk [tilespmem:v0+s3+$0x0], $0xffff;
	[tilespmem:s1+$0xFFFFFFE0] =	vst v11;
	v10 =	vadd.f32 v17, v10  }
0x48: {  	v7 =	vld [tilespmem:s0+$0xFFFFFFE0];
	v9 =	vmul.f32 v18, v9;
	[tilespmem:s1+$0xFFFFFFF0] =	vst v8  }
0x49: {  	s22 =	simm.s32 $0x40;
	s23 =	simm.s32 $0x20D0;
	v8 =	vld [tilespmem:s0+$0xFFFFFFF0];
	[tilespmem:s1+$0x0] =	vst v10  }
.LBB2_2:
0x4a: {  	v10 =	vld [tilespmem:s23+$0x10];
	s22 =	sadd.s32 $0x40, s22;
	v6 =	vadd.f32 v6, v9  }
0x4b: {  	s1 =	sadd.s32 $0x40, s1;
	v9 =	vld [tilespmem:s23+$0xFFFFFFF0];
	p1 =	slt.u32 s22, $0xF40  }
0x4c: {  	v11 =	vld [tilespmem:s23+$0x0];
	[tilespmem:s1+$0x10] =	vst v6  }
0x4d: {  	v12 =	vld [tilespmem:s23+$0xFFFFFFE0];
	v7 =	vmul.f32 v4, v7  }
0x4e: {  	v8 =	vmul.f32 v5, v8;
	v4 =	vld [tilespmem:s0+$0x0]  }
0x4f: {  	v5 =	vld.idx.msk [tilespmem:v2+s19+$0x0], $0xffff  }
0x50: {  	v13 =	vld.idx.msk [tilespmem:v0+s19+$0x0], $0xffff;
	v0 =	vmov v9  }
0x51: {  	v9 =	vld.idx.msk [tilespmem:v1+s19+$0x0], $0xffff;
	v1 =	vmov v11  }
0x52: {  	s0 =	sadd.s32 $0x40, s0;
	v11 =	vld.idx.msk [tilespmem:v10+s3+$0x0], $0xffff;
	v2 =	vmov v12  }
0x53: {  	v14 =	vld [tilespmem:s0+$0x10];
	v15 =	vmul.f32 v3, v4  }
0x54: {  	v6 =	vld.idx.msk [tilespmem:v10+s19+$0x0], $0xffff  }
.Ltmp2:
0x55: {  	v7 =	vadd.f32 v5, v7;
	v4 =	vld.idx.msk [tilespmem:v12+s3+$0x0], $0xffff;
	(pc) =	sbr.rel @p1 .LBB2_2-.Ltmp2, $4  }
0x56: {  	v8 =	vadd.f32 v13, v8;
	v5 =	vld.idx.msk [tilespmem:v0+s3+$0x0], $0xffff  }
0x57: {  	v10 =	vadd.f32 v9, v15;
	v3 =	vld.idx.msk [tilespmem:v1+s3+$0x0], $0xffff;
	[tilespmem:s1+$0xFFFFFFE0] =	vst v7  }
0x58: {  	v7 =	vld [tilespmem:s0+$0xFFFFFFE0];
	v9 =	vmul.f32 v11, v14;
	[tilespmem:s1+$0xFFFFFFF0] =	vst v8  }
0x59: {  	s23 =	sadd.s32 $0x40, s23;
	v8 =	vld [tilespmem:s0+$0xFFFFFFF0];
	[tilespmem:s1+$0x0] =	vst v10  }
0x5a: {  	_ =	sdelay $0x2  }
0x5b: {  	v10 =	vld [tilespmem:s0+$0x0]  }
0x5c: {  	v2 =	vld.idx.msk [tilespmem:v2+s19+$0x0], $0xffff  }
0x5d: {  	v0 =	vld.idx.msk [tilespmem:v0+s19+$0x0], $0xffff  }
0x5e: {  	v1 =	vld.idx.msk [tilespmem:v1+s19+$0x0], $0xffff  }
0x5f: {  	v4 =	vmul.f32 v4, v7  }
0x60: {  	v6 =	vadd.f32 v6, v9;
	v5 =	vmul.f32 v5, v8  }
0x61: {  	s16 =	sadd.s32 $0x40, s1;
	v3 =	vmul.f32 v3, v10;
	v2 =	vadd.f32 v2, v4  }
0x62: {  	[tilespmem:s16+$0x10] =	vst v6;
	v0 =	vadd.f32 v0, v5  }
0x63: {  	[tilespmem:s16+$0xFFFFFFE0] =	vst v2;
	v1 =	vadd.f32 v1, v3  }
0x64: {  	s0 =	simm.s32 $0x2FB0;
	[tilespmem:s16+$0xFFFFFFF0] =	vst v0  }
0x65: {  	s1 =	simm.s32 $0xF70;
	s22 =	simm.s32 $0x4EF0;
	s23 =	simm.s32 $0x1070;
	[tilespmem:s16+$0x0] =	vst v1  }
.LBB2_4:
0x66: {  	v0 =	vld [tilespmem:s0+$0x0];
	_ =	sdelay $0x6  }
0x67: {  	v1 =	vld [tilespmem:s23+$0x0]  }
0x68: {  	v2 =	vld.idx.msk [tilespmem:v0+s3+$0x0], $0xffff;
	_ =	sdelay $0x1  }
0x69: {  	v0 =	vld.idx.msk [tilespmem:v0+s19+$0x0], $0xffff  }
0x6a: {  	s1 =	sadd.s32 $0x10, s1  }
0x6b: {  	p1 =	slt.u32 s1, $0xF90  }
.Ltmp3:
0x6c: {  	v1 =	vmul.f32 v2, v1;
	(pc) =	sbr.rel @p1 .LBB2_4-.Ltmp3, $3  }
0x6d: {  	_ = 	snop  }
0x6e: {  	v0 =	vadd.f32 v0, v1;
	_ =	sdelay $0x1  }
0x6f: {  	s23 =	sadd.s32 $0x10, s23;
	s0 =	sadd.s32 $0x10, s0;
	[tilespmem:s22+$0x0] =	vst v0;
	s22 =	sadd.s32 $0x10, s22  }
0x70: {  	[hbm4b:s9+s3] =	stream.linear.scatter [tilespmem:s25], [sflag:$0x3], $0xFA0, $0x38;
	[tilespmem:$0x5EB0] =	vst v63  }
0x71: {  	_ = 	snop  }
0x72: {  	[tilespmem:s20], [sflag:$0x1] =	stream.linear.gather [hbm4b:s10+s3], $0xFA0, $0x38;
	[tilespmem:$0x5EB0] =	vst v63  }
0x73: {  	_ = 	snop  }
0x74: {  	[tilespmem:s21], [sflag:$0x1] =	stream.linear.gather [hbm4b:s11+s3], $0xFA0, $0x38;
	[tilespmem:$0x5EB0] =	vst v63  }
0x75: {  	_ =	swait.ge [sflag:s26], $0xFA0  }
0x76: {  	[sflag:s26] =	ssyncset.done $0x0  }
0x77: {  	[sflag:s26] =	ssyncadd.s32 $0xFFFFF060  }
0x78: {  	_ =	swait.ge [sflag:s26], $0xFA0  }
0x79: {  	[sflag:s26] =	ssyncset.done $0x0  }
0x7a: {  	s0 =	simm.s32 $0x2FF0;
	[sflag:s26] =	ssyncadd.s32 $0xFFFFF060  }
0x7b: {  	v0 =	vld [tilespmem:s0+$0x10]  }
0x7c: {  	v3 =	vld [tilespmem:s0+$0xFFFFFFE0]  }
0x7d: {  	v4 =	vld [tilespmem:s0+$0xFFFFFFF0]  }
0x7e: {  	s23 =	simm.s32 $0x10B0;
	v5 =	vld [tilespmem:s0+$0x0]  }
0x7f: {  	v7 =	vld [tilespmem:s23+$0x10]  }
0x80: {  	v12 =	vld [tilespmem:s23+$0xFFFFFFE0]  }
0x81: {  	s1 =	simm.s32 $0x3030;
	v13 =	vld [tilespmem:s23+$0xFFFFFFF0]  }
0x82: {  	v14 =	vld [tilespmem:s1+$0x10]  }
0x83: {  	v1 =	vld [tilespmem:s1+$0x0]  }
0x84: {  	v2 =	vld [tilespmem:s1+$0xFFFFFFE0]  }
0x85: {  	v15 =	vld [tilespmem:s23+$0x0]  }
0x86: {  	v6 =	vld.idx.msk [tilespmem:v0+s3+$0x0], $0xffff  }
0x87: {  	v8 =	vld.idx.msk [tilespmem:v0+s19+$0x0], $0xffff  }
0x88: {  	v9 =	vld.idx.msk [tilespmem:v3+s3+$0x0], $0xffff  }
0x89: {  	v10 =	vld.idx.msk [tilespmem:v4+s3+$0x0], $0xffff  }
0x8a: {  	v11 =	vld.idx.msk [tilespmem:v5+s3+$0x0], $0xffff  }
0x8b: {  	v0 =	vld [tilespmem:s1+$0xFFFFFFF0]  }
0x8c: {  	v3 =	vld.idx.msk [tilespmem:v3+s19+$0x0], $0xffff  }
0x8d: {  	v16 =	vld.idx.msk [tilespmem:v4+s19+$0x0], $0xffff  }
0x8e: {  	v17 =	vld.idx.msk [tilespmem:v5+s19+$0x0], $0xffff  }
0x8f: {  	v18 =	vld.idx.msk [tilespmem:v14+s3+$0x0], $0xffff;
	s1 =	simm.s32 $0x10F0;
	v4 =	vmul.f32 v6, v7  }
0x90: {  	v5 =	vmul.f32 v9, v12;
	v9 =	vld [tilespmem:s1+$0x10]  }
0x91: {  	v6 =	vld.idx.msk [tilespmem:v14+s19+$0x0], $0xffff;
	v7 =	vadd.f32 v8, v4;
	v8 =	vmul.f32 v10, v13  }
0x92: {  	s0 =	simm.s32 $0x4F30;
	v10 =	vmul.f32 v11, v15;
	v11 =	vadd.f32 v3, v5;
	v4 =	vld.idx.msk [tilespmem:v2+s3+$0x0], $0xffff  }
0x93: {  	v3 =	vld.idx.msk [tilespmem:v1+s3+$0x0], $0xffff;
	[tilespmem:s0+$0x10] =	vst v7;
	v8 =	vadd.f32 v16, v8  }
0x94: {  	v5 =	vld.idx.msk [tilespmem:v0+s3+$0x0], $0xffff;
	[tilespmem:s0+$0xFFFFFFE0] =	vst v11;
	v10 =	vadd.f32 v17, v10  }
0x95: {  	v7 =	vld [tilespmem:s1+$0xFFFFFFE0];
	v9 =	vmul.f32 v18, v9;
	[tilespmem:s0+$0xFFFFFFF0] =	vst v8  }
0x96: {  	s22 =	simm.s32 $0x40;
	s23 =	simm.s32 $0x3070;
	v8 =	vld [tilespmem:s1+$0xFFFFFFF0];
	[tilespmem:s0+$0x0] =	vst v10  }
.LBB2_6:
0x97: {  	v10 =	vld [tilespmem:s23+$0x10];
	s22 =	sadd.s32 $0x40, s22;
	v6 =	vadd.f32 v6, v9  }
0x98: {  	s0 =	sadd.s32 $0x40, s0;
	v9 =	vld [tilespmem:s23+$0xFFFFFFF0];
	p1 =	slt.u32 s22, $0xF40  }
0x99: {  	v11 =	vld [tilespmem:s23+$0x0];
	[tilespmem:s0+$0x10] =	vst v6  }
0x9a: {  	v12 =	vld [tilespmem:s23+$0xFFFFFFE0];
	v7 =	vmul.f32 v4, v7  }
0x9b: {  	v8 =	vmul.f32 v5, v8;
	v4 =	vld [tilespmem:s1+$0x0]  }
0x9c: {  	v5 =	vld.idx.msk [tilespmem:v2+s19+$0x0], $0xffff  }
0x9d: {  	v13 =	vld.idx.msk [tilespmem:v0+s19+$0x0], $0xffff;
	v0 =	vmov v9  }
0x9e: {  	v9 =	vld.idx.msk [tilespmem:v1+s19+$0x0], $0xffff;
	v1 =	vmov v11  }
0x9f: {  	s1 =	sadd.s32 $0x40, s1;
	v11 =	vld.idx.msk [tilespmem:v10+s3+$0x0], $0xffff;
	v2 =	vmov v12  }
0xa0: {  	v14 =	vld [tilespmem:s1+$0x10];
	v15 =	vmul.f32 v3, v4  }
0xa1: {  	v6 =	vld.idx.msk [tilespmem:v10+s19+$0x0], $0xffff  }
.Ltmp4:
0xa2: {  	v7 =	vadd.f32 v5, v7;
	v4 =	vld.idx.msk [tilespmem:v12+s3+$0x0], $0xffff;
	(pc) =	sbr.rel @p1 .LBB2_6-.Ltmp4, $4  }
0xa3: {  	v8 =	vadd.f32 v13, v8;
	v5 =	vld.idx.msk [tilespmem:v0+s3+$0x0], $0xffff  }
0xa4: {  	v10 =	vadd.f32 v9, v15;
	v3 =	vld.idx.msk [tilespmem:v1+s3+$0x0], $0xffff;
	[tilespmem:s0+$0xFFFFFFE0] =	vst v7  }
0xa5: {  	v7 =	vld [tilespmem:s1+$0xFFFFFFE0];
	v9 =	vmul.f32 v11, v14;
	[tilespmem:s0+$0xFFFFFFF0] =	vst v8  }
0xa6: {  	s23 =	sadd.s32 $0x40, s23;
	v8 =	vld [tilespmem:s1+$0xFFFFFFF0];
	[tilespmem:s0+$0x0] =	vst v10  }
0xa7: {  	_ =	sdelay $0x2  }
0xa8: {  	v10 =	vld [tilespmem:s1+$0x0]  }
0xa9: {  	v2 =	vld.idx.msk [tilespmem:v2+s19+$0x0], $0xffff  }
0xaa: {  	v0 =	vld.idx.msk [tilespmem:v0+s19+$0x0], $0xffff  }
0xab: {  	v1 =	vld.idx.msk [tilespmem:v1+s19+$0x0], $0xffff  }
0xac: {  	v4 =	vmul.f32 v4, v7  }
0xad: {  	v6 =	vadd.f32 v6, v9;
	v5 =	vmul.f32 v5, v8  }
0xae: {  	s16 =	sadd.s32 $0x40, s0;
	v3 =	vmul.f32 v3, v10;
	v2 =	vadd.f32 v2, v4  }
0xaf: {  	[tilespmem:s16+$0x10] =	vst v6;
	v0 =	vadd.f32 v0, v5  }
0xb0: {  	[tilespmem:s16+$0xFFFFFFE0] =	vst v2;
	v1 =	vadd.f32 v1, v3  }
0xb1: {  	s0 =	simm.s32 $0x3F50;
	[tilespmem:s16+$0xFFFFFFF0] =	vst v0  }
0xb2: {  	s1 =	simm.s32 $0xF70;
	s22 =	simm.s32 $0x5E90;
	s23 =	simm.s32 $0x2010;
	[tilespmem:s16+$0x0] =	vst v1  }
.LBB2_8:
0xb3: {  	v0 =	vld [tilespmem:s0+$0x0];
	_ =	sdelay $0x6  }
0xb4: {  	v1 =	vld [tilespmem:s23+$0x0]  }
0xb5: {  	v2 =	vld.idx.msk [tilespmem:v0+s3+$0x0], $0xffff;
	_ =	sdelay $0x1  }
0xb6: {  	v0 =	vld.idx.msk [tilespmem:v0+s19+$0x0], $0xffff  }
0xb7: {  	s1 =	sadd.s32 $0x10, s1  }
0xb8: {  	p1 =	slt.u32 s1, $0xF90  }
.Ltmp5:
0xb9: {  	v1 =	vmul.f32 v2, v1;
	(pc) =	sbr.rel @p1 .LBB2_8-.Ltmp5, $3  }
0xba: {  	_ = 	snop  }
0xbb: {  	v0 =	vadd.f32 v0, v1;
	_ =	sdelay $0x1  }
0xbc: {  	s23 =	sadd.s32 $0x10, s23;
	s0 =	sadd.s32 $0x10, s0;
	[tilespmem:s22+$0x0] =	vst v0;
	s22 =	sadd.s32 $0x10, s22  }
0xbd: {  	[hbm4b:s12+s3] =	stream.linear.scatter [tilespmem:s28], [sflag:$0x4], $0xFA0, $0x38;
	[tilespmem:$0x5EB0] =	vst v63  }
0xbe: {  	s0 =	simm.s32 @!p0 $0x0;
	s1 =	simm.s32 @!p0 $0x2FD0  }
0xbf: {  	[tilespmem:s1], [sflag:$0x2] =	stream.linear.gather @!p0 [hbm4b:s13+s0], $0xFA0, $0x38;
	[tilespmem:$0x5EB0] =	vst v63  }
0xc0: {  	s1 =	simm.s32 @!p0 $0x1090  }
0xc1: {  	[tilespmem:s1], [sflag:$0x2] =	stream.linear.gather @!p0 [hbm4b:s14+s0], $0xFA0, $0x38;
	[tilespmem:$0x5EB0] =	vst v63  }
0xc2: {  	_ =	swait.ge [sflag:s24], $0xFA0  }
0xc3: {  	[sflag:s24] =	ssyncset.done $0x0  }
0xc4: {  	[sflag:s24] =	ssyncadd.s32 $0xFFFFF060  }
0xc5: {  	_ =	swait.ge [sflag:s24], $0xFA0  }
0xc6: {  	[sflag:s24] =	ssyncset.done $0x0  }
0xc7: {  	[sflag:s24] =	ssyncadd.s32 $0xFFFFF060  }
0xc8: {  	_ =	swait.ge [sflag:s29], $0xFA0  }
0xc9: {  	[sflag:s29] =	ssyncset.done $0x0  }
0xca: {  	s16 =	simm.s32 $0x2050;
	[sflag:s29] =	ssyncadd.s32 $0xFFFFF060  }
0xcb: {  	v0 =	vld [tilespmem:s16+$0x10]  }
0xcc: {  	v3 =	vld [tilespmem:s16+$0xFFFFFFE0]  }
0xcd: {  	v4 =	vld [tilespmem:s16+$0xFFFFFFF0]  }
0xce: {  	s22 =	simm.s32 $0x110;
	v5 =	vld [tilespmem:s16+$0x0]  }
0xcf: {  	v7 =	vld [tilespmem:s22+$0x10]  }
0xd0: {  	v12 =	vld [tilespmem:s22+$0xFFFFFFE0]  }
0xd1: {  	s23 =	simm.s32 $0x2090;
	v13 =	vld [tilespmem:s22+$0xFFFFFFF0]  }
0xd2: {  	v14 =	vld [tilespmem:s23+$0x10]  }
0xd3: {  	v1 =	vld [tilespmem:s23+$0x0]  }
0xd4: {  	v2 =	vld [tilespmem:s23+$0xFFFFFFE0]  }
0xd5: {  	v15 =	vld [tilespmem:s22+$0x0]  }
0xd6: {  	v6 =	vld.idx.msk [tilespmem:v0+s3+$0x0], $0xffff  }
0xd7: {  	v8 =	vld.idx.msk [tilespmem:v0+s19+$0x0], $0xffff  }
0xd8: {  	v9 =	vld.idx.msk [tilespmem:v3+s3+$0x0], $0xffff  }
0xd9: {  	v10 =	vld.idx.msk [tilespmem:v4+s3+$0x0], $0xffff  }
0xda: {  	v11 =	vld.idx.msk [tilespmem:v5+s3+$0x0], $0xffff  }
0xdb: {  	v0 =	vld [tilespmem:s23+$0xFFFFFFF0]  }
0xdc: {  	v3 =	vld.idx.msk [tilespmem:v3+s19+$0x0], $0xffff  }
0xdd: {  	v16 =	vld.idx.msk [tilespmem:v4+s19+$0x0], $0xffff  }
0xde: {  	v17 =	vld.idx.msk [tilespmem:v5+s19+$0x0], $0xffff  }
0xdf: {  	s1 =	simm.s32 $0x150;
	v18 =	vld.idx.msk [tilespmem:v14+s3+$0x0], $0xffff;
	v4 =	vmul.f32 v6, v7  }
0xe0: {  	v5 =	vmul.f32 v9, v12;
	v9 =	vld [tilespmem:s1+$0x10]  }
0xe1: {  	v6 =	vld.idx.msk [tilespmem:v14+s19+$0x0], $0xffff;
	v7 =	vadd.f32 v8, v4;
	v8 =	vmul.f32 v10, v13  }
0xe2: {  	s0 =	simm.s32 $0x3F90;
	v10 =	vmul.f32 v11, v15;
	v11 =	vadd.f32 v3, v5;
	v4 =	vld.idx.msk [tilespmem:v2+s3+$0x0], $0xffff  }
0xe3: {  	v3 =	vld.idx.msk [tilespmem:v1+s3+$0x0], $0xffff;
	[tilespmem:s0+$0x10] =	vst v7;
	v8 =	vadd.f32 v16, v8  }
0xe4: {  	v5 =	vld.idx.msk [tilespmem:v0+s3+$0x0], $0xffff;
	[tilespmem:s0+$0xFFFFFFE0] =	vst v11;
	v10 =	vadd.f32 v17, v10  }
0xe5: {  	v7 =	vld [tilespmem:s1+$0xFFFFFFE0];
	v9 =	vmul.f32 v18, v9;
	[tilespmem:s0+$0xFFFFFFF0] =	vst v8  }
0xe6: {  	s22 =	simm.s32 $0x40;
	s23 =	simm.s32 $0x20D0;
	v8 =	vld [tilespmem:s1+$0xFFFFFFF0];
	[tilespmem:s0+$0x0] =	vst v10  }
.LBB2_10:
0xe7: {  	v10 =	vld [tilespmem:s23+$0x10];
	s22 =	sadd.s32 $0x40, s22;
	v6 =	vadd.f32 v6, v9  }
0xe8: {  	s0 =	sadd.s32 $0x40, s0;
	v9 =	vld [tilespmem:s23+$0xFFFFFFF0];
	p1 =	slt.u32 s22, $0xF40  }
0xe9: {  	v11 =	vld [tilespmem:s23+$0x0];
	[tilespmem:s0+$0x10] =	vst v6  }
0xea: {  	v12 =	vld [tilespmem:s23+$0xFFFFFFE0];
	v7 =	vmul.f32 v4, v7  }
0xeb: {  	v8 =	vmul.f32 v5, v8;
	v4 =	vld [tilespmem:s1+$0x0]  }
0xec: {  	v5 =	vld.idx.msk [tilespmem:v2+s19+$0x0], $0xffff  }
0xed: {  	v13 =	vld.idx.msk [tilespmem:v0+s19+$0x0], $0xffff;
	v0 =	vmov v9  }
0xee: {  	v9 =	vld.idx.msk [tilespmem:v1+s19+$0x0], $0xffff;
	v1 =	vmov v11  }
0xef: {  	s1 =	sadd.s32 $0x40, s1;
	v11 =	vld.idx.msk [tilespmem:v10+s3+$0x0], $0xffff;
	v2 =	vmov v12  }
0xf0: {  	v14 =	vld [tilespmem:s1+$0x10];
	v15 =	vmul.f32 v3, v4  }
0xf1: {  	v6 =	vld.idx.msk [tilespmem:v10+s19+$0x0], $0xffff  }
.Ltmp6:
0xf2: {  	v7 =	vadd.f32 v5, v7;
	v4 =	vld.idx.msk [tilespmem:v12+s3+$0x0], $0xffff;
	(pc) =	sbr.rel @p1 .LBB2_10-.Ltmp6, $4  }
0xf3: {  	v8 =	vadd.f32 v13, v8;
	v5 =	vld.idx.msk [tilespmem:v0+s3+$0x0], $0xffff  }
0xf4: {  	v10 =	vadd.f32 v9, v15;
	v3 =	vld.idx.msk [tilespmem:v1+s3+$0x0], $0xffff;
	[tilespmem:s0+$0xFFFFFFE0] =	vst v7  }
0xf5: {  	v7 =	vld [tilespmem:s1+$0xFFFFFFE0];
	v9 =	vmul.f32 v11, v14;
	[tilespmem:s0+$0xFFFFFFF0] =	vst v8  }
0xf6: {  	s23 =	sadd.s32 $0x40, s23;
	v8 =	vld [tilespmem:s1+$0xFFFFFFF0];
	[tilespmem:s0+$0x0] =	vst v10  }
0xf7: {  	_ =	sdelay $0x2  }
0xf8: {  	v10 =	vld [tilespmem:s1+$0x0]  }
0xf9: {  	v2 =	vld.idx.msk [tilespmem:v2+s19+$0x0], $0xffff  }
0xfa: {  	v0 =	vld.idx.msk [tilespmem:v0+s19+$0x0], $0xffff  }
0xfb: {  	v1 =	vld.idx.msk [tilespmem:v1+s19+$0x0], $0xffff  }
0xfc: {  	v4 =	vmul.f32 v4, v7  }
0xfd: {  	v6 =	vadd.f32 v6, v9;
	v5 =	vmul.f32 v5, v8  }
0xfe: {  	s16 =	sadd.s32 $0x40, s0;
	v3 =	vmul.f32 v3, v10;
	v2 =	vadd.f32 v2, v4  }
0xff: {  	[tilespmem:s16+$0x10] =	vst v6;
	v0 =	vadd.f32 v0, v5  }
0x100: {  	[tilespmem:s16+$0xFFFFFFE0] =	vst v2;
	v1 =	vadd.f32 v1, v3  }
0x101: {  	s0 =	simm.s32 $0x2FB0;
	[tilespmem:s16+$0xFFFFFFF0] =	vst v0  }
0x102: {  	s1 =	simm.s32 $0xF70;
	s22 =	simm.s32 $0x4EF0;
	s23 =	simm.s32 $0x1070;
	[tilespmem:s16+$0x0] =	vst v1  }
.LBB2_12:
0x103: {  	v0 =	vld [tilespmem:s0+$0x0];
	_ =	sdelay $0x6  }
0x104: {  	v1 =	vld [tilespmem:s23+$0x0]  }
0x105: {  	v2 =	vld.idx.msk [tilespmem:v0+s3+$0x0], $0xffff;
	_ =	sdelay $0x1  }
0x106: {  	v0 =	vld.idx.msk [tilespmem:v0+s19+$0x0], $0xffff  }
0x107: {  	s1 =	sadd.s32 $0x10, s1  }
0x108: {  	p1 =	slt.u32 s1, $0xF90  }
.Ltmp7:
0x109: {  	v1 =	vmul.f32 v2, v1;
	(pc) =	sbr.rel @p1 .LBB2_12-.Ltmp7, $3  }
0x10a: {  	_ = 	snop  }
0x10b: {  	v0 =	vadd.f32 v0, v1;
	_ =	sdelay $0x1  }
0x10c: {  	s23 =	sadd.s32 $0x10, s23;
	s0 =	sadd.s32 $0x10, s0;
	[tilespmem:s22+$0x0] =	vst v0;
	s22 =	sadd.s32 $0x10, s22  }
.Ltmp8:
0x10d: {  	(pc) =	sbr.rel @p0 .LBB2_19-.Ltmp8, $2  }
0x10e: {  	_ =	sdelay $0x2  }
0x10f: {  	[hbm4b:s15+s3] =	stream.linear.scatter [tilespmem:s25], [sflag:$0x3], $0xFA0, $0x38;
	[tilespmem:$0x5EB0] =	vst v63  }
0x110: {  	_ =	swait.ge [sflag:s26], $0xFA0  }
0x111: {  	[sflag:s26] =	ssyncset.done $0x0  }
0x112: {  	[sflag:s26] =	ssyncadd.s32 $0xFFFFF060  }
0x113: {  	_ =	swait.ge [sflag:s26], $0xFA0  }
0x114: {  	[sflag:s26] =	ssyncset.done $0x0  }
0x115: {  	[sflag:s26] =	ssyncadd.s32 $0xFFFFF060  }
0x116: {  	_ =	swait.ge [sflag:s30], $0xFA0  }
0x117: {  	[sflag:s30] =	ssyncset.done $0x0  }
0x118: {  	s0 =	simm.s32 $0x2FF0;
	[sflag:s30] =	ssyncadd.s32 $0xFFFFF060  }
0x119: {  	v0 =	vld [tilespmem:s0+$0x10]  }
0x11a: {  	v3 =	vld [tilespmem:s0+$0xFFFFFFE0]  }
0x11b: {  	v4 =	vld [tilespmem:s0+$0xFFFFFFF0]  }
0x11c: {  	s23 =	simm.s32 $0x10B0;
	v5 =	vld [tilespmem:s0+$0x0]  }
0x11d: {  	v7 =	vld [tilespmem:s23+$0x10]  }
0x11e: {  	v12 =	vld [tilespmem:s23+$0xFFFFFFE0]  }
0x11f: {  	s1 =	simm.s32 $0x3030;
	v13 =	vld [tilespmem:s23+$0xFFFFFFF0]  }
0x120: {  	v14 =	vld [tilespmem:s1+$0x10]  }
0x121: {  	v1 =	vld [tilespmem:s1+$0x0]  }
0x122: {  	v2 =	vld [tilespmem:s1+$0xFFFFFFE0]  }
0x123: {  	v15 =	vld [tilespmem:s23+$0x0]  }
0x124: {  	v6 =	vld.idx.msk [tilespmem:v0+s3+$0x0], $0xffff  }
0x125: {  	v8 =	vld.idx.msk [tilespmem:v0+s19+$0x0], $0xffff  }
0x126: {  	v9 =	vld.idx.msk [tilespmem:v3+s3+$0x0], $0xffff  }
0x127: {  	v10 =	vld.idx.msk [tilespmem:v4+s3+$0x0], $0xffff  }
0x128: {  	v11 =	vld.idx.msk [tilespmem:v5+s3+$0x0], $0xffff  }
0x129: {  	v0 =	vld [tilespmem:s1+$0xFFFFFFF0]  }
0x12a: {  	v3 =	vld.idx.msk [tilespmem:v3+s19+$0x0], $0xffff  }
0x12b: {  	v16 =	vld.idx.msk [tilespmem:v4+s19+$0x0], $0xffff  }
0x12c: {  	v17 =	vld.idx.msk [tilespmem:v5+s19+$0x0], $0xffff  }
0x12d: {  	v18 =	vld.idx.msk [tilespmem:v14+s3+$0x0], $0xffff;
	s1 =	simm.s32 $0x10F0;
	v4 =	vmul.f32 v6, v7  }
0x12e: {  	v5 =	vmul.f32 v9, v12;
	v9 =	vld [tilespmem:s1+$0x10]  }
0x12f: {  	v6 =	vld.idx.msk [tilespmem:v14+s19+$0x0], $0xffff;
	v7 =	vadd.f32 v8, v4;
	v8 =	vmul.f32 v10, v13  }
0x130: {  	s0 =	simm.s32 $0x4F30;
	v10 =	vmul.f32 v11, v15;
	v11 =	vadd.f32 v3, v5;
	v4 =	vld.idx.msk [tilespmem:v2+s3+$0x0], $0xffff  }
0x131: {  	v3 =	vld.idx.msk [tilespmem:v1+s3+$0x0], $0xffff;
	[tilespmem:s0+$0x10] =	vst v7;
	v8 =	vadd.f32 v16, v8  }
0x132: {  	v5 =	vld.idx.msk [tilespmem:v0+s3+$0x0], $0xffff;
	[tilespmem:s0+$0xFFFFFFE0] =	vst v11;
	v10 =	vadd.f32 v17, v10  }
0x133: {  	v7 =	vld [tilespmem:s1+$0xFFFFFFE0];
	v9 =	vmul.f32 v18, v9;
	[tilespmem:s0+$0xFFFFFFF0] =	vst v8  }
0x134: {  	s22 =	simm.s32 $0x40;
	s23 =	simm.s32 $0x3070;
	v8 =	vld [tilespmem:s1+$0xFFFFFFF0];
	[tilespmem:s0+$0x0] =	vst v10  }
.LBB2_15:
0x135: {  	v10 =	vld [tilespmem:s23+$0x10];
	s22 =	sadd.s32 $0x40, s22;
	v6 =	vadd.f32 v6, v9  }
0x136: {  	s0 =	sadd.s32 $0x40, s0;
	v9 =	vld [tilespmem:s23+$0xFFFFFFF0];
	p1 =	slt.u32 s22, $0xF40  }
0x137: {  	v11 =	vld [tilespmem:s23+$0x0];
	[tilespmem:s0+$0x10] =	vst v6  }
0x138: {  	v12 =	vld [tilespmem:s23+$0xFFFFFFE0];
	v7 =	vmul.f32 v4, v7  }
0x139: {  	v8 =	vmul.f32 v5, v8;
	v4 =	vld [tilespmem:s1+$0x0]  }
0x13a: {  	v5 =	vld.idx.msk [tilespmem:v2+s19+$0x0], $0xffff  }
0x13b: {  	v13 =	vld.idx.msk [tilespmem:v0+s19+$0x0], $0xffff;
	v0 =	vmov v9  }
0x13c: {  	v9 =	vld.idx.msk [tilespmem:v1+s19+$0x0], $0xffff;
	v1 =	vmov v11  }
0x13d: {  	s1 =	sadd.s32 $0x40, s1;
	v11 =	vld.idx.msk [tilespmem:v10+s3+$0x0], $0xffff;
	v2 =	vmov v12  }
0x13e: {  	v14 =	vld [tilespmem:s1+$0x10];
	v15 =	vmul.f32 v3, v4  }
0x13f: {  	v6 =	vld.idx.msk [tilespmem:v10+s19+$0x0], $0xffff  }
.Ltmp9:
0x140: {  	v7 =	vadd.f32 v5, v7;
	v4 =	vld.idx.msk [tilespmem:v12+s3+$0x0], $0xffff;
	(pc) =	sbr.rel @p1 .LBB2_15-.Ltmp9, $4  }
0x141: {  	v8 =	vadd.f32 v13, v8;
	v5 =	vld.idx.msk [tilespmem:v0+s3+$0x0], $0xffff  }
0x142: {  	v10 =	vadd.f32 v9, v15;
	v3 =	vld.idx.msk [tilespmem:v1+s3+$0x0], $0xffff;
	[tilespmem:s0+$0xFFFFFFE0] =	vst v7  }
0x143: {  	v7 =	vld [tilespmem:s1+$0xFFFFFFE0];
	v9 =	vmul.f32 v11, v14;
	[tilespmem:s0+$0xFFFFFFF0] =	vst v8  }
0x144: {  	s23 =	sadd.s32 $0x40, s23;
	v8 =	vld [tilespmem:s1+$0xFFFFFFF0];
	[tilespmem:s0+$0x0] =	vst v10  }
0x145: {  	_ =	sdelay $0x2  }
0x146: {  	v10 =	vld [tilespmem:s1+$0x0]  }
0x147: {  	v2 =	vld.idx.msk [tilespmem:v2+s19+$0x0], $0xffff  }
0x148: {  	v0 =	vld.idx.msk [tilespmem:v0+s19+$0x0], $0xffff  }
0x149: {  	v1 =	vld.idx.msk [tilespmem:v1+s19+$0x0], $0xffff  }
0x14a: {  	v4 =	vmul.f32 v4, v7  }
0x14b: {  	v6 =	vadd.f32 v6, v9;
	v5 =	vmul.f32 v5, v8  }
0x14c: {  	s16 =	sadd.s32 $0x40, s0;
	v3 =	vmul.f32 v3, v10;
	v2 =	vadd.f32 v2, v4  }
0x14d: {  	[tilespmem:s16+$0x10] =	vst v6;
	v0 =	vadd.f32 v0, v5  }
0x14e: {  	[tilespmem:s16+$0xFFFFFFE0] =	vst v2;
	v1 =	vadd.f32 v1, v3  }
0x14f: {  	s0 =	simm.s32 $0x3F50;
	[tilespmem:s16+$0xFFFFFFF0] =	vst v0  }
0x150: {  	s1 =	simm.s32 $0xF70;
	s22 =	simm.s32 $0x5E90;
	s23 =	simm.s32 $0x2010;
	[tilespmem:s16+$0x0] =	vst v1  }
.LBB2_17:
0x151: {  	v0 =	vld [tilespmem:s0+$0x0];
	_ =	sdelay $0x6  }
0x152: {  	v1 =	vld [tilespmem:s23+$0x0]  }
0x153: {  	v2 =	vld.idx.msk [tilespmem:v0+s3+$0x0], $0xffff;
	_ =	sdelay $0x1  }
0x154: {  	v0 =	vld.idx.msk [tilespmem:v0+s19+$0x0], $0xffff  }
0x155: {  	s1 =	sadd.s32 $0x10, s1  }
0x156: {  	p1 =	slt.u32 s1, $0xF90  }
.Ltmp10:
0x157: {  	v1 =	vmul.f32 v2, v1;
	(pc) =	sbr.rel @p1 .LBB2_17-.Ltmp10, $3  }
0x158: {  	_ = 	snop  }
0x159: {  	v0 =	vadd.f32 v0, v1;
	_ =	sdelay $0x1  }
0x15a: {  	s23 =	sadd.s32 $0x10, s23;
	s0 =	sadd.s32 $0x10, s0;
	[tilespmem:s22+$0x0] =	vst v0;
	s22 =	sadd.s32 $0x10, s22  }
.Ltmp11:
0x15b: {  	(pc) =	sbr.rel .LBB2_19-.Ltmp11, $3  }
0x15c: {  	_ =	sdelay $0x1  }
0x15d: {  	s0 =	rddreg [dreg:$0x3]  }
0x15e: {  	[hbm4b:s0+s3] =	stream.linear.scatter [tilespmem:s28], [sflag:$0x4], $0xFA0, $0x38;
	[tilespmem:$0x5EB0] =	vst v63  }
.LBB2_20:
0x15f: {  	_ =	sfence.sel $0x180000  }
0x160: {  	[bflag:$0x0] =	sbarrier.arrive $0xFFFF  }
0x161: {  	_ =	strace $0x9000004D  }
0x162: {  	s0 =	stileid.u32;
	[bflag:$0x2] =	sbarrier.arrive $0xFFFF  }
0x163: {  	p0 =	sne.s32 s0, $0x0;
	s0 =	rddreg [dreg:$0x2]  }
0x164: {  	s0 =	sadd.s32 @!p0 $0x100000, s0  }
0x165: {  	[sflag:s0] =	ssyncadd.tile.s32 @!p0 $0x1;
	_ =	shalt  }
.Lfunc_end2:
_tile_overlayer_lowered:
.L_overlay_start_2:
0x166: {  	(tag) =	ssettag $0x2  }
0x167: {  	s0 =	rddreg [dreg:$0x0];
	s2 =	stileid.u32  }
0x168: {  	s1 =	rddreg [dreg:$0x1];
	p0 =	sne.s32 s2, $0x0  }
0x169: {  	s3 =	rddreg [dreg:$0x2];
	[bflag:$0x3] =	sbarrier.arrive $0xFFFF;
	s2 =	simm.s32 @!p0 $0x1C05  }
0x16a: {  	[timem:s3], [sflag:s2] =	dma.local @!p0 [hbm:s0], s1  }
0x16b: {  	s0 =	simm.s32 @!p0 $0x5  }
0x16c: {  	_ =	swait.ge @!p0 [sflag:s0], s1  }
0x16d: {  	s1 =	ssub.s32 @!p0 $0x0, s1;
	[sflag:s0] =	ssyncset.done @!p0 $0x0  }
0x16e: {  	[sflag:s0] =	ssyncadd.s32 @!p0 s1  }
0x16f: {  	[bflag:$0x3] =	sbarrier.arrive $0xFFFF  }
0x170: {  	_ =	shalt  }

</sc_bundles>
